<compile_context>
chip_gen: v7x
topology: tpu7x:2x2x1
jax: 0.10.2.dev20260603
libtpu: 0.0.44.dev20260713+nightly
codegen_flags: <defaults>
</compile_context>

<pallas_src>
import functools

import jax
import jax.numpy as jnp
from jax import lax
from jax.experimental import pallas as pl
from jax.experimental.pallas import tpu as pltpu
from jax.experimental.pallas import tpu_sc as plsc

L = 16
NC = 2
NS = 16
NW = NC * NS


def _iota16():
    return lax.iota(jnp.int32, L)


def _make_relayout(V, D):
    n_vt = (V + 127) // 128
    rows_out = n_vt * D
    rpt = D
    t_rounds = 2 * ((n_vt + NW - 1) // NW + 1) // 2
    mesh = plsc.VectorSubcoreMesh(core_axis_name="c", subcore_axis_name="s")

    @functools.partial(
        pl.kernel,
        mesh=mesh,
        out_type=jax.ShapeDtypeStruct((rows_out, 128), jnp.float32),
        scratch_types=[
            pltpu.VMEM((D, 128), jnp.float32),
            pltpu.VMEM((D, 128), jnp.float32),
            pltpu.VMEM((D, 128), jnp.float32),
            pltpu.VMEM((D, 128), jnp.float32),
            pltpu.SemaphoreType.DMA,
            pltpu.SemaphoreType.DMA,
            pltpu.SemaphoreType.DMA,
            pltpu.SemaphoreType.DMA,
        ],
        compiler_params=pltpu.CompilerParams(
            use_tc_tiling_on_sc=True, needs_layout_passes=False
        ),
    )
    def relayout(tt_hbm, out_hbm, src0, src1, dst0, dst1,
                 isem0, isem1, osem0, osem1):
        wid = lax.axis_index("s") * NC + lax.axis_index("c")
        srcs, dsts = (src0, src1), (dst0, dst1)
        isems, osems = (isem0, isem1), (osem0, osem1)

        iot = _iota16()
        halfrow = [jnp.full((L,), 8 * b, jnp.int32) + (iot // 2)
                   for b in range(8)]
        lconst = [iot + (16 * b) for b in range(8)]
        parityd = (iot & 1) * D

        def fire_in(j, p):
            @pl.when(j < n_vt)
            def _():
                pltpu.async_copy(
                    tt_hbm.at[:, pl.ds(j * 128, 128)], srcs[p], isems[p]
                )

        def out_slice(j):
            return out_hbm.at[pl.ds(j * rpt, rpt)]

        fire_in(wid, 0)

        def round_body(u, carry):
            for p in range(2):
                t = 2 * u + p
                j = wid + t * NW

                fire_in(j + NW, 1 - p)

                @pl.when(j < n_vt)
                def _(t=t, j=j, p=p):
                    pltpu.make_async_copy(
                        tt_hbm.at[:, pl.ds(j * 128, 128)], srcs[p], isems[p]
                    ).wait()

                    @pl.when(t >= 2)
                    def _():
                        pltpu.make_async_copy(
                            dsts[p], out_slice(j - 2 * NW), osems[p]
                        ).wait()

                    src, dst = srcs[p], dsts[p]

                    def m_body(m, c2):
                        rotm = (iot + m) & 15
                        for a in range(D // L):
                            ra = rotm + (16 * a)
                            hc = parityd + ra
                            vals = [
                                plsc.load_gather(src, [ra, lconst[b]])
                                for b in range(8)
                            ]
                            for b in range(8):
                                plsc.store_scatter(
                                    dst, [halfrow[b], hc], vals[b]
                                )
                        return c2

                    lax.fori_loop(0, L, m_body, 0, unroll=4)

                    pltpu.async_copy(dst, out_slice(j), osems[p])

            return carry

        lax.fori_loop(0, t_rounds // 2, round_body, 0)

        for p in range(2):
            jlast_p = wid + (t_rounds - 2 + p) * NW

            @pl.when(jlast_p < n_vt)
            def _(p=p, jlast_p=jlast_p):
                pltpu.make_async_copy(
                    dsts[p], out_slice(jlast_p), osems[p]
                ).wait()

            @pl.when((jlast_p >= n_vt) & (jlast_p - 2 * NW < n_vt)
                     & (jlast_p >= 2 * NW))
            def _(p=p, jlast_p=jlast_p):
                pltpu.make_async_copy(
                    dsts[p], out_slice(jlast_p - 2 * NW), osems[p]
                ).wait()

    return relayout


def _make_lookup(V, D, B, H):
    n_blk = B // 128
    bpw = n_blk // NW
    n_chunk = bpw * H
    mesh = plsc.VectorSubcoreMesh(core_axis_name="c", subcore_axis_name="s")

    @functools.partial(
        pl.kernel,
        mesh=mesh,
        out_type=jax.ShapeDtypeStruct((H * 8, n_blk, 1024), jnp.float32),
        scratch_types=[
            pltpu.VMEM((H, 128 * bpw), jnp.int32),
            pltpu.VMEM((128, D), jnp.float32),
            pltpu.VMEM((128, D), jnp.float32),
            pltpu.VMEM((8, 1024), jnp.float32),
            pltpu.VMEM((8, 1024), jnp.float32),
            pltpu.SemaphoreType.DMA,
            pltpu.SemaphoreType.DMA,
            pltpu.SemaphoreType.DMA,
            pltpu.SemaphoreType.DMA,
            pltpu.SemaphoreType.DMA,
        ],
        compiler_params=pltpu.CompilerParams(
            use_tc_tiling_on_sc=False, needs_layout_passes=False
        ),
    )
    def lookup(tlin_hbm, xt_hbm, out_hbm, xball, emb0, emb1, dstv0, dstv1,
               xsem, gsem0, gsem1, osem0, osem1):
        wid = lax.axis_index("s") * NC + lax.axis_index("c")
        embs, dsts = (emb0, emb1), (dstv0, dstv1)
        gsems, osems = (gsem0, gsem1), (osem0, osem1)

        iot = _iota16()
        lconst = [iot + (16 * b) for b in range(8)]

        pltpu.async_copy(
            xt_hbm.at[:, pl.ds(wid * (128 * bpw), 128 * bpw)], xball, xsem
        ).wait()

        def fire_gather(j, bi, p):
            pltpu.async_copy(
                tlin_hbm.at[xball.at[j, pl.ds(bi * 128, 128)]],
                embs[p], gsems[p],
            )

        fire_gather(0, 0, 0)

        def chunk_body(u, carry):
            j, bi = carry
            for p in range(2):
                c = 2 * u + p
                jn = j + 1
                wrap = jn == H
                jn = jnp.where(wrap, 0, jn)
                bn = bi + wrap.astype(jnp.int32)

                @pl.when(c + 1 < n_chunk)
                def _(jn=jn, bn=bn, p=p):
                    fire_gather(jn, bn, 1 - p)

                pltpu.make_async_copy(
                    tlin_hbm.at[xball.at[0, pl.ds(0, 128)]], embs[p], gsems[p]
                ).wait()

                @pl.when(c >= 2)
                def _(p=p):
                    pltpu.make_async_copy(
                        dsts[p], out_hbm.at[pl.ds(0, 8), 0], osems[p]
                    ).wait()

                emb, dst = embs[p], dsts[p]

                def m_body(m, c3):
                    rotm = (iot + m) & 15
                    r8 = lax.shift_right_logical(rotm, 3)
                    rm7 = (rotm & 7) * 128
                    j1b = [rm7 + lconst[b] for b in range(8)]
                    for a in range(D // L):
                        da = rotm + (16 * a)
                        j0a = r8 + (2 * a)
                        vals = [
                            plsc.load_gather(emb, [lconst[b], da])
                            for b in range(8)
                        ]
                        for b in range(8):
                            plsc.store_scatter(dst, [j0a, j1b[b]], vals[b])
                    return c3

                lax.fori_loop(0, L, m_body, 0, unroll=4)

                pltpu.async_copy(
                    dst,
                    out_hbm.at[pl.ds(8 * j, 8), wid * bpw + bi],
                    osems[p],
                )
                j, bi = jn, bn
            return (j, bi)

        lax.fori_loop(0, n_chunk // 2, chunk_body,
                      (jnp.int32(0), jnp.int32(0)))

        for p in range(2):
            pltpu.make_async_copy(
                dsts[p], out_hbm.at[pl.ds(0, 8), 0], osems[p]
            ).wait()

    return lookup


def kernel(x, table):
    B, H = x.shape
    V, D = table.shape
    tt = table.T
    xt = x.astype(jnp.int32).T
    t_lin = _make_relayout(V, D)(tt)
    t64 = t_lin.reshape(t_lin.shape[0] * 2, D)
    out_lin = _make_lookup(V, D, B, H)(t64, xt)
    n_blk = B // 128
    return (out_lin.reshape(H, 8, n_blk, 8, 128)
            .transpose(2, 4, 0, 1, 3)
            .reshape(B, H, D))

# --- scband reference (transcript-rebuilt; emitter-appended) ---
"""Pipeline reference for scband-embedder-77171972375298 (READ-ONLY COPY).

The authoritative reference and input builder live on the scoring server;
editing this copy changes nothing except your own understanding.
"""

import jax, jax.numpy as jnp
import numpy as np

VOCAB = 1000000
D_MODEL = 64
BATCH = 16384
HIST = 50

def setup_inputs(seed: int = 0) -> dict:
    key = jax.random.key(seed)
    k1, k2 = jax.random.split(key)
    x = jax.random.randint(k1, (BATCH, HIST), 0, VOCAB, dtype=jnp.int64) if jax.config.jax_enable_x64 else jax.random.randint(k1, (BATCH, HIST), 0, VOCAB, dtype=jnp.int32)
    table = jax.random.normal(k2, (VOCAB, D_MODEL), dtype=jnp.float32)
    return {"x": x, "table": table}

def reference(x, table):
    # Embedder.forward with EmbedderType.TOKEN: token_embedding(x.long())
    return jnp.take(table, x, axis=0)

if __name__ == "__main__":
    import jax
    _d = setup_inputs()
    print(jax.jit(kernel)(*tuple(_d.values())))

</pallas_src>

<mosaic_0001>
#map = affine_map<(d0, d1) -> (0, 0)>
#map1 = affine_map<(d0, d1) -> (0, 0, 0)>
module attributes {stable_mosaic.version = 14 : i64} {
  func.func @lookup(%arg0: i32, %arg1: i32, %arg2: memref<1000064x64xf32, #tpu.memory_space<hbm>>, %arg3: memref<50x16384xi32, #tpu.memory_space<hbm>>, %arg4: memref<400x128x1024xf32, #tpu.memory_space<hbm>>, %arg5: memref<50x512xi32, #tpu.memory_space<vmem>>, %arg6: memref<128x64xf32, #tpu.memory_space<vmem>>, %arg7: memref<128x64xf32, #tpu.memory_space<vmem>>, %arg8: memref<8x1024xf32, #tpu.memory_space<vmem>>, %arg9: memref<8x1024xf32, #tpu.memory_space<vmem>>, %arg10: memref<!tpu.dma_semaphore, #tpu.memory_space<semaphore_mem>>, %arg11: memref<!tpu.dma_semaphore, #tpu.memory_space<semaphore_mem>>, %arg12: memref<!tpu.dma_semaphore, #tpu.memory_space<semaphore_mem>>, %arg13: memref<!tpu.dma_semaphore, #tpu.memory_space<semaphore_mem>>, %arg14: memref<!tpu.dma_semaphore, #tpu.memory_space<semaphore_mem>>) attributes {dimension_semantics = [#tpu.dimension_semantics<core_parallel>, #tpu.dimension_semantics<subcore_parallel>], iteration_bounds = array<i64: 2, 16>, scalar_prefetch = 0 : i64, scratch_operands = 10 : i64, tpu.core_type = #tpu.core_type<sc_vector_subcore>, window_params = [{transform_indices = #map}, {transform_indices = #map}, {transform_indices = #map1}]} {
    %mul3A = arith.constant 2 : i32
    %mul3A_0 = arith.muli %arg1, %mul3A : i32
    %add3A = arith.addi %mul3A_0, %arg0 : i32
    %iota3A = tpu.iota {dimensions = array<i32: 0>} : vector<16xi32>
    %add3A_1 = arith.constant 0 : i32
    %add3A_2 = vector.broadcast %add3A_1 : i32 to vector<16xi32>
    %add3A_3 = arith.addi %iota3A, %add3A_2 : vector<16xi32>
    %add3A_4 = arith.constant 16 : i32
    %add3A_5 = vector.broadcast %add3A_4 : i32 to vector<16xi32>
    %add3A_6 = arith.addi %iota3A, %add3A_5 : vector<16xi32>
    %add3A_7 = arith.constant 32 : i32
    %add3A_8 = vector.broadcast %add3A_7 : i32 to vector<16xi32>
    %add3A_9 = arith.addi %iota3A, %add3A_8 : vector<16xi32>
    %add3A_10 = arith.constant 48 : i32
    %add3A_11 = vector.broadcast %add3A_10 : i32 to vector<16xi32>
    %add3A_12 = arith.addi %iota3A, %add3A_11 : vector<16xi32>
    %add3A_13 = arith.constant 64 : i32
    %add3A_14 = vector.broadcast %add3A_13 : i32 to vector<16xi32>
    %add3A_15 = arith.addi %iota3A, %add3A_14 : vector<16xi32>
    %add3A_16 = arith.constant 80 : i32
    %add3A_17 = vector.broadcast %add3A_16 : i32 to vector<16xi32>
    %add3A_18 = arith.addi %iota3A, %add3A_17 : vector<16xi32>
    %add3A_19 = arith.constant 96 : i32
    %add3A_20 = vector.broadcast %add3A_19 : i32 to vector<16xi32>
    %add3A_21 = arith.addi %iota3A, %add3A_20 : vector<16xi32>
    %add3A_22 = arith.constant 112 : i32
    %add3A_23 = vector.broadcast %add3A_22 : i32 to vector<16xi32>
    %add3A_24 = arith.addi %iota3A, %add3A_23 : vector<16xi32>
    %mul3A_25 = arith.constant 512 : i32
    %mul3A_26 = arith.muli %add3A, %mul3A_25 : i32
    %dma_start3A = arith.constant 0 : i32
    %dma_start3A_27 = tpu.memref_slice %arg3[%dma_start3A, %mul3A_26] : memref<50x16384xi32, #tpu.memory_space<hbm>> -> memref<50x512xi32, #tpu.memory_space<hbm>>
    %dma_start3A_28 = arith.constant 0 : i32
    %dma_start3A_29 = tpu.memref_slice %arg3[%dma_start3A_28, %mul3A_26] : memref<50x16384xi32, #tpu.memory_space<hbm>> -> memref<50x512xi32, #tpu.memory_space<hbm>>
    tpu.enqueue_dma source(%dma_start3A_29 : memref<50x512xi32, #tpu.memory_space<hbm>>) target(%arg5 : memref<50x512xi32, #tpu.memory_space<vmem>>) target_semaphore(%arg10 : memref<!tpu.dma_semaphore, #tpu.memory_space<semaphore_mem>>)
    %dma_wait3A = arith.constant 0 : i32
    %dma_wait3A_30 = tpu.memref_slice %arg3[%dma_wait3A, %mul3A_26] : memref<50x16384xi32, #tpu.memory_space<hbm>> -> memref<50x512xi32, #tpu.memory_space<hbm>>
    %dma_wait3A_31 = arith.constant 0 : i32
    %dma_wait3A_32 = tpu.memref_slice %arg3[%dma_wait3A_31, %mul3A_26] : memref<50x16384xi32, #tpu.memory_space<hbm>> -> memref<50x512xi32, #tpu.memory_space<hbm>>
    tpu.wait_dma2 semaphore(%arg10 : memref<!tpu.dma_semaphore, #tpu.memory_space<semaphore_mem>>) src(%dma_wait3A_32 : memref<50x512xi32, #tpu.memory_space<hbm>>) dst(%arg5 : memref<50x512xi32, #tpu.memory_space<vmem>>)
    %dma_start3A_33 = arith.constant 0 : i32
    %dma_start3A_34 = arith.constant 0 : i32
    %dma_start3A_35 = tpu.memref_slice %arg5[%dma_start3A_33, %dma_start3A_34] : memref<50x512xi32, #tpu.memory_space<vmem>> -> memref<1x128xi32, #tpu.memory_space<vmem>>
    %dma_start3A_36 = tpu.memref_squeeze %dma_start3A_35 : memref<1x128xi32, #tpu.memory_space<vmem>> -> memref<128xi32, #tpu.memory_space<vmem>>
    %dma_start3A_37 = arith.constant 0 : i32
    %dma_start3A_38 = arith.constant 0 : i32
    %dma_start3A_39 = tpu.memref_slice %arg2[%dma_start3A_37, %dma_start3A_38] : memref<1000064x64xf32, #tpu.memory_space<hbm>> -> memref<1000064x64xf32, #tpu.memory_space<hbm>>
    tpu.enqueue_indirect_dma source(%dma_start3A_39 : memref<1000064x64xf32, #tpu.memory_space<hbm>>) target(%arg6 : memref<128x64xf32, #tpu.memory_space<vmem>>) offsets(%dma_start3A_36 : memref<128xi32, #tpu.memory_space<vmem>>) semaphore(%arg11 : memref<!tpu.dma_semaphore, #tpu.memory_space<semaphore_mem>>)
    %scan3A = arith.constant 0 : i32
    %scan3A_40 = arith.constant 0 : i32
    %scan3A_41 = arith.constant 0 : i32
    %scan3A_42 = arith.constant 100 : i32
    %scan3A_43 = arith.addi %scan3A_41, %scan3A_42 : i32
    %scan3A_44 = arith.constant 1 : i32
    %scan3A_45:2 = scf.for %scan3A_65 = %scan3A_41 to %scan3A_43 step %scan3A_44 iter_args(%scan3A_66 = %scan3A, %scan3A_67 = %scan3A_40) -> (i32, i32)  : i32 {
      %mul3A_68 = arith.constant 2 : i32
      %mul3A_69 = arith.muli %mul3A_68, %scan3A_65 : i32
      %add3A_70 = arith.constant 0 : i32
      %add3A_71 = arith.addi %mul3A_69, %add3A_70 : i32
      %add3A_72 = arith.constant 1 : i32
      %add3A_73 = arith.addi %scan3A_66, %add3A_72 : i32
      %eq3A = arith.constant 50 : i32
      %eq3A_74 = arith.cmpi eq, %add3A_73, %eq3A : i32
      %jit3A = arith.constant 0 : i32
      %select_n3A = arith.select %eq3A_74, %jit3A, %add3A_73 : i32
      %convert_element_type3A = arith.extui %eq3A_74 : i1 to i32
      %add3A_75 = arith.addi %scan3A_67, %convert_element_type3A : i32
      %add3A_76 = arith.constant 1 : i32
      %add3A_77 = arith.addi %add3A_71, %add3A_76 : i32
      %lt3A = arith.constant 200 : i32
      %lt3A_78 = arith.cmpi slt, %add3A_77, %lt3A : i32
      %convert_element_type3A_79 = arith.extui %lt3A_78 : i1 to i32
      %cond3A = arith.constant 0 : i32
      %cond3A_80 = arith.cmpi ne, %convert_element_type3A_79, %cond3A : i32
      scf.if %cond3A_80 {
        %mul3A_157 = arith.constant 128 : i32
        %mul3A_158 = arith.muli %add3A_75, %mul3A_157 : i32
        %dma_start3A_159 = tpu.memref_slice %arg5[%select_n3A, %mul3A_158] : memref<50x512xi32, #tpu.memory_space<vmem>> -> memref<1x128xi32, #tpu.memory_space<vmem>>
        %dma_start3A_160 = tpu.memref_squeeze %dma_start3A_159 : memref<1x128xi32, #tpu.memory_space<vmem>> -> memref<128xi32, #tpu.memory_space<vmem>>
        %dma_start3A_161 = arith.constant 0 : i32
        %dma_start3A_162 = arith.constant 0 : i32
        %dma_start3A_163 = tpu.memref_slice %arg2[%dma_start3A_161, %dma_start3A_162] : memref<1000064x64xf32, #tpu.memory_space<hbm>> -> memref<1000064x64xf32, #tpu.memory_space<hbm>>
        tpu.enqueue_indirect_dma source(%dma_start3A_163 : memref<1000064x64xf32, #tpu.memory_space<hbm>>) target(%arg7 : memref<128x64xf32, #tpu.memory_space<vmem>>) offsets(%dma_start3A_160 : memref<128xi32, #tpu.memory_space<vmem>>) semaphore(%arg12 : memref<!tpu.dma_semaphore, #tpu.memory_space<semaphore_mem>>)
      } else {
      }
      %dma_wait3A_81 = arith.constant 0 : i32
      %dma_wait3A_82 = arith.constant 0 : i32
      %dma_wait3A_83 = tpu.memref_slice %arg5[%dma_wait3A_81, %dma_wait3A_82] : memref<50x512xi32, #tpu.memory_space<vmem>> -> memref<1x128xi32, #tpu.memory_space<vmem>>
      %dma_wait3A_84 = tpu.memref_squeeze %dma_wait3A_83 : memref<1x128xi32, #tpu.memory_space<vmem>> -> memref<128xi32, #tpu.memory_space<vmem>>
      %dma_wait3A_85 = arith.constant 0 : i32
      %dma_wait3A_86 = arith.constant 0 : i32
      %dma_wait3A_87 = tpu.memref_slice %arg2[%dma_wait3A_85, %dma_wait3A_86] : memref<1000064x64xf32, #tpu.memory_space<hbm>> -> memref<1000064x64xf32, #tpu.memory_space<hbm>>
      tpu.wait_indirect_dma semaphore(%arg11 : memref<!tpu.dma_semaphore, #tpu.memory_space<semaphore_mem>>) src(%dma_wait3A_87 : memref<1000064x64xf32, #tpu.memory_space<hbm>>) dst(%arg6 : memref<128x64xf32, #tpu.memory_space<vmem>>)
      %ge3A = arith.constant 2 : i32
      %ge3A_88 = arith.cmpi sge, %add3A_71, %ge3A : i32
      %convert_element_type3A_89 = arith.extui %ge3A_88 : i1 to i32
      %cond3A_90 = arith.constant 0 : i32
      %cond3A_91 = arith.cmpi ne, %convert_element_type3A_89, %cond3A_90 : i32
      scf.if %cond3A_91 {
        %dma_wait3A_157 = arith.constant 0 : i32
        %dma_wait3A_158 = arith.constant 0 : i32
        %dma_wait3A_159 = arith.constant 0 : i32
        %dma_wait3A_160 = tpu.memref_slice %arg4[%dma_wait3A_158, %dma_wait3A_157, %dma_wait3A_159] : memref<400x128x1024xf32, #tpu.memory_space<hbm>> -> memref<8x1x1024xf32, #tpu.memory_space<hbm>>
        %dma_wait3A_161 = tpu.memref_squeeze %dma_wait3A_160 : memref<8x1x1024xf32, #tpu.memory_space<hbm>> -> memref<8x1024xf32, #tpu.memory_space<hbm>>
        %dma_wait3A_162 = arith.constant 0 : i32
        %dma_wait3A_163 = arith.constant 0 : i32
        %dma_wait3A_164 = tpu.memref_slice %arg4[%dma_wait3A_162, %dma_wait3A_157, %dma_wait3A_163] : memref<400x128x1024xf32, #tpu.memory_space<hbm>> -> memref<8x1x1024xf32, #tpu.memory_space<hbm>>
        %dma_wait3A_165 = tpu.memref_squeeze %dma_wait3A_164 : memref<8x1x1024xf32, #tpu.memory_space<hbm>> -> memref<8x1024xf32, #tpu.memory_space<hbm>>
        tpu.wait_dma2 semaphore(%arg13 : memref<!tpu.dma_semaphore, #tpu.memory_space<semaphore_mem>>) src(%arg8 : memref<8x1024xf32, #tpu.memory_space<vmem>>) dst(%dma_wait3A_165 : memref<8x1024xf32, #tpu.memory_space<hbm>>)
      } else {
      }
      %scan3A_92 = arith.constant 0 : i32
      %scan3A_93 = arith.constant 0 : i32
      %scan3A_94 = arith.constant 16 : i32
      %scan3A_95 = arith.addi %scan3A_93, %scan3A_94 : i32
      %scan3A_96 = arith.constant 4 : i32
      scf.for %scan3A_157 = %scan3A_93 to %scan3A_95 step %scan3A_96  : i32 {
        %add3A_158 = vector.broadcast %scan3A_157 : i32 to vector<16xi32>
        %add3A_159 = arith.addi %iota3A, %add3A_158 : vector<16xi32>
        %and3A = arith.constant 15 : i32
        %and3A_160 = vector.broadcast %and3A : i32 to vector<16xi32>
        %and3A_161 = arith.andi %add3A_159, %and3A_160 : vector<16xi32>
        %shift_right_logical3A = arith.constant 3 : i32
        %shift_right_logical3A_162 = vector.broadcast %shift_right_logical3A : i32 to vector<16xi32>
        %shift_right_logical3A_163 = arith.shrui %and3A_161, %shift_right_logical3A_162 : vector<16xi32>
        %and3A_164 = arith.constant 7 : i32
        %and3A_165 = vector.broadcast %and3A_164 : i32 to vector<16xi32>
        %and3A_166 = arith.andi %and3A_161, %and3A_165 : vector<16xi32>
        %mul3A_167 = arith.constant 128 : i32
        %mul3A_168 = vector.broadcast %mul3A_167 : i32 to vector<16xi32>
        %mul3A_169 = arith.muli %and3A_166, %mul3A_168 : vector<16xi32>
        %add3A_170 = arith.addi %mul3A_169, %add3A_3 : vector<16xi32>
        %add3A_171 = arith.addi %mul3A_169, %add3A_6 : vector<16xi32>
        %add3A_172 = arith.addi %mul3A_169, %add3A_9 : vector<16xi32>
        %add3A_173 = arith.addi %mul3A_169, %add3A_12 : vector<16xi32>
        %add3A_174 = arith.addi %mul3A_169, %add3A_15 : vector<16xi32>
        %add3A_175 = arith.addi %mul3A_169, %add3A_18 : vector<16xi32>
        %add3A_176 = arith.addi %mul3A_169, %add3A_21 : vector<16xi32>
        %add3A_177 = arith.addi %mul3A_169, %add3A_24 : vector<16xi32>
        %add3A_178 = arith.constant 0 : i32
        %add3A_179 = vector.broadcast %add3A_178 : i32 to vector<16xi32>
        %add3A_180 = arith.addi %and3A_161, %add3A_179 : vector<16xi32>
        %add3A_181 = arith.constant 0 : i32
        %add3A_182 = vector.broadcast %add3A_181 : i32 to vector<16xi32>
        %add3A_183 = arith.addi %shift_right_logical3A_163, %add3A_182 : vector<16xi32>
        %gather3A = tpu.vector_load_idx %arg6[%add3A_3, %add3A_180] : memref<128x64xf32, #tpu.memory_space<vmem>>[vector<16xi32>, vector<16xi32>], vector<16xf32>,
        %gather3A_184 = tpu.vector_load_idx %arg6[%add3A_6, %add3A_180] : memref<128x64xf32, #tpu.memory_space<vmem>>[vector<16xi32>, vector<16xi32>], vector<16xf32>,
        %gather3A_185 = tpu.vector_load_idx %arg6[%add3A_9, %add3A_180] : memref<128x64xf32, #tpu.memory_space<vmem>>[vector<16xi32>, vector<16xi32>], vector<16xf32>,
        %gather3A_186 = tpu.vector_load_idx %arg6[%add3A_12, %add3A_180] : memref<128x64xf32, #tpu.memory_space<vmem>>[vector<16xi32>, vector<16xi32>], vector<16xf32>,
        %gather3A_187 = tpu.vector_load_idx %arg6[%add3A_15, %add3A_180] : memref<128x64xf32, #tpu.memory_space<vmem>>[vector<16xi32>, vector<16xi32>], vector<16xf32>,
        %gather3A_188 = tpu.vector_load_idx %arg6[%add3A_18, %add3A_180] : memref<128x64xf32, #tpu.memory_space<vmem>>[vector<16xi32>, vector<16xi32>], vector<16xf32>,
        %gather3A_189 = tpu.vector_load_idx %arg6[%add3A_21, %add3A_180] : memref<128x64xf32, #tpu.memory_space<vmem>>[vector<16xi32>, vector<16xi32>], vector<16xf32>,
        %gather3A_190 = tpu.vector_load_idx %arg6[%add3A_24, %add3A_180] : memref<128x64xf32, #tpu.memory_space<vmem>>[vector<16xi32>, vector<16xi32>], vector<16xf32>,
        tpu.vector_store_idx %arg8[%add3A_183, %add3A_170], %gather3A : memref<8x1024xf32, #tpu.memory_space<vmem>>[vector<16xi32>, vector<16xi32>], vector<16xf32>,
        tpu.vector_store_idx %arg8[%add3A_183, %add3A_171], %gather3A_184 : memref<8x1024xf32, #tpu.memory_space<vmem>>[vector<16xi32>, vector<16xi32>], vector<16xf32>,
        tpu.vector_store_idx %arg8[%add3A_183, %add3A_172], %gather3A_185 : memref<8x1024xf32, #tpu.memory_space<vmem>>[vector<16xi32>, vector<16xi32>], vector<16xf32>,
        tpu.vector_store_idx %arg8[%add3A_183, %add3A_173], %gather3A_186 : memref<8x1024xf32, #tpu.memory_space<vmem>>[vector<16xi32>, vector<16xi32>], vector<16xf32>,
        tpu.vector_store_idx %arg8[%add3A_183, %add3A_174], %gather3A_187 : memref<8x1024xf32, #tpu.memory_space<vmem>>[vector<16xi32>, vector<16xi32>], vector<16xf32>,
        tpu.vector_store_idx %arg8[%add3A_183, %add3A_175], %gather3A_188 : memref<8x1024xf32, #tpu.memory_space<vmem>>[vector<16xi32>, vector<16xi32>], vector<16xf32>,
        tpu.vector_store_idx %arg8[%add3A_183, %add3A_176], %gather3A_189 : memref<8x1024xf32, #tpu.memory_space<vmem>>[vector<16xi32>, vector<16xi32>], vector<16xf32>,
        tpu.vector_store_idx %arg8[%add3A_183, %add3A_177], %gather3A_190 : memref<8x1024xf32, #tpu.memory_space<vmem>>[vector<16xi32>, vector<16xi32>], vector<16xf32>,
        %add3A_191 = arith.constant 16 : i32
        %add3A_192 = vector.broadcast %add3A_191 : i32 to vector<16xi32>
        %add3A_193 = arith.addi %and3A_161, %add3A_192 : vector<16xi32>
        %add3A_194 = arith.constant 2 : i32
        %add3A_195 = vector.broadcast %add3A_194 : i32 to vector<16xi32>
        %add3A_196 = arith.addi %shift_right_logical3A_163, %add3A_195 : vector<16xi32>
        %gather3A_197 = tpu.vector_load_idx %arg6[%add3A_3, %add3A_193] : memref<128x64xf32, #tpu.memory_space<vmem>>[vector<16xi32>, vector<16xi32>], vector<16xf32>,
        %gather3A_198 = tpu.vector_load_idx %arg6[%add3A_6, %add3A_193] : memref<128x64xf32, #tpu.memory_space<vmem>>[vector<16xi32>, vector<16xi32>], vector<16xf32>,
        %gather3A_199 = tpu.vector_load_idx %arg6[%add3A_9, %add3A_193] : memref<128x64xf32, #tpu.memory_space<vmem>>[vector<16xi32>, vector<16xi32>], vector<16xf32>,
        %gather3A_200 = tpu.vector_load_idx %arg6[%add3A_12, %add3A_193] : memref<128x64xf32, #tpu.memory_space<vmem>>[vector<16xi32>, vector<16xi32>], vector<16xf32>,
        %gather3A_201 = tpu.vector_load_idx %arg6[%add3A_15, %add3A_193] : memref<128x64xf32, #tpu.memory_space<vmem>>[vector<16xi32>, vector<16xi32>], vector<16xf32>,
        %gather3A_202 = tpu.vector_load_idx %arg6[%add3A_18, %add3A_193] : memref<128x64xf32, #tpu.memory_space<vmem>>[vector<16xi32>, vector<16xi32>], vector<16xf32>,
        %gather3A_203 = tpu.vector_load_idx %arg6[%add3A_21, %add3A_193] : memref<128x64xf32, #tpu.memory_space<vmem>>[vector<16xi32>, vector<16xi32>], vector<16xf32>,
        %gather3A_204 = tpu.vector_load_idx %arg6[%add3A_24, %add3A_193] : memref<128x64xf32, #tpu.memory_space<vmem>>[vector<16xi32>, vector<16xi32>], vector<16xf32>,
        tpu.vector_store_idx %arg8[%add3A_196, %add3A_170], %gather3A_197 : memref<8x1024xf32, #tpu.memory_space<vmem>>[vector<16xi32>, vector<16xi32>], vector<16xf32>,
        tpu.vector_store_idx %arg8[%add3A_196, %add3A_171], %gather3A_198 : memref<8x1024xf32, #tpu.memory_space<vmem>>[vector<16xi32>, vector<16xi32>], vector<16xf32>,
        tpu.vector_store_idx %arg8[%add3A_196, %add3A_172], %gather3A_199 : memref<8x1024xf32, #tpu.memory_space<vmem>>[vector<16xi32>, vector<16xi32>], vector<16xf32>,
        tpu.vector_store_idx %arg8[%add3A_196, %add3A_173], %gather3A_200 : memref<8x1024xf32, #tpu.memory_space<vmem>>[vector<16xi32>, vector<16xi32>], vector<16xf32>,
        tpu.vector_store_idx %arg8[%add3A_196, %add3A_174], %gather3A_201 : memref<8x1024xf32, #tpu.memory_space<vmem>>[vector<16xi32>, vector<16xi32>], vector<16xf32>,
        tpu.vector_store_idx %arg8[%add3A_196, %add3A_175], %gather3A_202 : memref<8x1024xf32, #tpu.memory_space<vmem>>[vector<16xi32>, vector<16xi32>], vector<16xf32>,
        tpu.vector_store_idx %arg8[%add3A_196, %add3A_176], %gather3A_203 : memref<8x1024xf32, #tpu.memory_space<vmem>>[vector<16xi32>, vector<16xi32>], vector<16xf32>,
        tpu.vector_store_idx %arg8[%add3A_196, %add3A_177], %gather3A_204 : memref<8x1024xf32, #tpu.memory_space<vmem>>[vector<16xi32>, vector<16xi32>], vector<16xf32>,
        %add3A_205 = arith.constant 32 : i32
        %add3A_206 = vector.broadcast %add3A_205 : i32 to vector<16xi32>
        %add3A_207 = arith.addi %and3A_161, %add3A_206 : vector<16xi32>
        %add3A_208 = arith.constant 4 : i32
        %add3A_209 = vector.broadcast %add3A_208 : i32 to vector<16xi32>
        %add3A_210 = arith.addi %shift_right_logical3A_163, %add3A_209 : vector<16xi32>
        %gather3A_211 = tpu.vector_load_idx %arg6[%add3A_3, %add3A_207] : memref<128x64xf32, #tpu.memory_space<vmem>>[vector<16xi32>, vector<16xi32>], vector<16xf32>,
        %gather3A_212 = tpu.vector_load_idx %arg6[%add3A_6, %add3A_207] : memref<128x64xf32, #tpu.memory_space<vmem>>[vector<16xi32>, vector<16xi32>], vector<16xf32>,
        %gather3A_213 = tpu.vector_load_idx %arg6[%add3A_9, %add3A_207] : memref<128x64xf32, #tpu.memory_space<vmem>>[vector<16xi32>, vector<16xi32>], vector<16xf32>,
        %gather3A_214 = tpu.vector_load_idx %arg6[%add3A_12, %add3A_207] : memref<128x64xf32, #tpu.memory_space<vmem>>[vector<16xi32>, vector<16xi32>], vector<16xf32>,
        %gather3A_215 = tpu.vector_load_idx %arg6[%add3A_15, %add3A_207] : memref<128x64xf32, #tpu.memory_space<vmem>>[vector<16xi32>, vector<16xi32>], vector<16xf32>,
        %gather3A_216 = tpu.vector_load_idx %arg6[%add3A_18, %add3A_207] : memref<128x64xf32, #tpu.memory_space<vmem>>[vector<16xi32>, vector<16xi32>], vector<16xf32>,
        %gather3A_217 = tpu.vector_load_idx %arg6[%add3A_21, %add3A_207] : memref<128x64xf32, #tpu.memory_space<vmem>>[vector<16xi32>, vector<16xi32>], vector<16xf32>,
        %gather3A_218 = tpu.vector_load_idx %arg6[%add3A_24, %add3A_207] : memref<128x64xf32, #tpu.memory_space<vmem>>[vector<16xi32>, vector<16xi32>], vector<16xf32>,
        tpu.vector_store_idx %arg8[%add3A_210, %add3A_170], %gather3A_211 : memref<8x1024xf32, #tpu.memory_space<vmem>>[vector<16xi32>, vector<16xi32>], vector<16xf32>,
        tpu.vector_store_idx %arg8[%add3A_210, %add3A_171], %gather3A_212 : memref<8x1024xf32, #tpu.memory_space<vmem>>[vector<16xi32>, vector<16xi32>], vector<16xf32>,
        tpu.vector_store_idx %arg8[%add3A_210, %add3A_172], %gather3A_213 : memref<8x1024xf32, #tpu.memory_space<vmem>>[vector<16xi32>, vector<16xi32>], vector<16xf32>,
        tpu.vector_store_idx %arg8[%add3A_210, %add3A_173], %gather3A_214 : memref<8x1024xf32, #tpu.memory_space<vmem>>[vector<16xi32>, vector<16xi32>], vector<16xf32>,
        tpu.vector_store_idx %arg8[%add3A_210, %add3A_174], %gather3A_215 : memref<8x1024xf32, #tpu.memory_space<vmem>>[vector<16xi32>, vector<16xi32>], vector<16xf32>,
        tpu.vector_store_idx %arg8[%add3A_210, %add3A_175], %gather3A_216 : memref<8x1024xf32, #tpu.memory_space<vmem>>[vector<16xi32>, vector<16xi32>], vector<16xf32>,
        tpu.vector_store_idx %arg8[%add3A_210, %add3A_176], %gather3A_217 : memref<8x1024xf32, #tpu.memory_space<vmem>>[vector<16xi32>, vector<16xi32>], vector<16xf32>,
        tpu.vector_store_idx %arg8[%add3A_210, %add3A_177], %gather3A_218 : memref<8x1024xf32, #tpu.memory_space<vmem>>[vector<16xi32>, vector<16xi32>], vector<16xf32>,
        %add3A_219 = arith.constant 48 : i32
        %add3A_220 = vector.broadcast %add3A_219 : i32 to vector<16xi32>
        %add3A_221 = arith.addi %and3A_161, %add3A_220 : vector<16xi32>
        %add3A_222 = arith.constant 6 : i32
        %add3A_223 = vector.broadcast %add3A_222 : i32 to vector<16xi32>
        %add3A_224 = arith.addi %shift_right_logical3A_163, %add3A_223 : vector<16xi32>
        %gather3A_225 = tpu.vector_load_idx %arg6[%add3A_3, %add3A_221] : memref<128x64xf32, #tpu.memory_space<vmem>>[vector<16xi32>, vector<16xi32>], vector<16xf32>,
        %gather3A_226 = tpu.vector_load_idx %arg6[%add3A_6, %add3A_221] : memref<128x64xf32, #tpu.memory_space<vmem>>[vector<16xi32>, vector<16xi32>], vector<16xf32>,
        %gather3A_227 = tpu.vector_load_idx %arg6[%add3A_9, %add3A_221] : memref<128x64xf32, #tpu.memory_space<vmem>>[vector<16xi32>, vector<16xi32>], vector<16xf32>,
        %gather3A_228 = tpu.vector_load_idx %arg6[%add3A_12, %add3A_221] : memref<128x64xf32, #tpu.memory_space<vmem>>[vector<16xi32>, vector<16xi32>], vector<16xf32>,
        %gather3A_229 = tpu.vector_load_idx %arg6[%add3A_15, %add3A_221] : memref<128x64xf32, #tpu.memory_space<vmem>>[vector<16xi32>, vector<16xi32>], vector<16xf32>,
        %gather3A_230 = tpu.vector_load_idx %arg6[%add3A_18, %add3A_221] : memref<128x64xf32, #tpu.memory_space<vmem>>[vector<16xi32>, vector<16xi32>], vector<16xf32>,
        %gather3A_231 = tpu.vector_load_idx %arg6[%add3A_21, %add3A_221] : memref<128x64xf32, #tpu.memory_space<vmem>>[vector<16xi32>, vector<16xi32>], vector<16xf32>,
        %gather3A_232 = tpu.vector_load_idx %arg6[%add3A_24, %add3A_221] : memref<128x64xf32, #tpu.memory_space<vmem>>[vector<16xi32>, vector<16xi32>], vector<16xf32>,
        tpu.vector_store_idx %arg8[%add3A_224, %add3A_170], %gather3A_225 : memref<8x1024xf32, #tpu.memory_space<vmem>>[vector<16xi32>, vector<16xi32>], vector<16xf32>,
        tpu.vector_store_idx %arg8[%add3A_224, %add3A_171], %gather3A_226 : memref<8x1024xf32, #tpu.memory_space<vmem>>[vector<16xi32>, vector<16xi32>], vector<16xf32>,
        tpu.vector_store_idx %arg8[%add3A_224, %add3A_172], %gather3A_227 : memref<8x1024xf32, #tpu.memory_space<vmem>>[vector<16xi32>, vector<16xi32>], vector<16xf32>,
        tpu.vector_store_idx %arg8[%add3A_224, %add3A_173], %gather3A_228 : memref<8x1024xf32, #tpu.memory_space<vmem>>[vector<16xi32>, vector<16xi32>], vector<16xf32>,
        tpu.vector_store_idx %arg8[%add3A_224, %add3A_174], %gather3A_229 : memref<8x1024xf32, #tpu.memory_space<vmem>>[vector<16xi32>, vector<16xi32>], vector<16xf32>,
        tpu.vector_store_idx %arg8[%add3A_224, %add3A_175], %gather3A_230 : memref<8x1024xf32, #tpu.memory_space<vmem>>[vector<16xi32>, vector<16xi32>], vector<16xf32>,
        tpu.vector_store_idx %arg8[%add3A_224, %add3A_176], %gather3A_231 : memref<8x1024xf32, #tpu.memory_space<vmem>>[vector<16xi32>, vector<16xi32>], vector<16xf32>,
        tpu.vector_store_idx %arg8[%add3A_224, %add3A_177], %gather3A_232 : memref<8x1024xf32, #tpu.memory_space<vmem>>[vector<16xi32>, vector<16xi32>], vector<16xf32>,
        %scan3A_233 = arith.constant 1 : i32
        %scan3A_234 = arith.addi %scan3A_157, %scan3A_233 : i32
        %add3A_235 = vector.broadcast %scan3A_234 : i32 to vector<16xi32>
        %add3A_236 = arith.addi %iota3A, %add3A_235 : vector<16xi32>
        %and3A_237 = arith.constant 15 : i32
        %and3A_238 = vector.broadcast %and3A_237 : i32 to vector<16xi32>
        %and3A_239 = arith.andi %add3A_236, %and3A_238 : vector<16xi32>
        %shift_right_logical3A_240 = arith.constant 3 : i32
        %shift_right_logical3A_241 = vector.broadcast %shift_right_logical3A_240 : i32 to vector<16xi32>
        %shift_right_logical3A_242 = arith.shrui %and3A_239, %shift_right_logical3A_241 : vector<16xi32>
        %and3A_243 = arith.constant 7 : i32
        %and3A_244 = vector.broadcast %and3A_243 : i32 to vector<16xi32>
        %and3A_245 = arith.andi %and3A_239, %and3A_244 : vector<16xi32>
        %mul3A_246 = arith.constant 128 : i32
        %mul3A_247 = vector.broadcast %mul3A_246 : i32 to vector<16xi32>
        %mul3A_248 = arith.muli %and3A_245, %mul3A_247 : vector<16xi32>
        %add3A_249 = arith.addi %mul3A_248, %add3A_3 : vector<16xi32>
        %add3A_250 = arith.addi %mul3A_248, %add3A_6 : vector<16xi32>
        %add3A_251 = arith.addi %mul3A_248, %add3A_9 : vector<16xi32>
        %add3A_252 = arith.addi %mul3A_248, %add3A_12 : vector<16xi32>
        %add3A_253 = arith.addi %mul3A_248, %add3A_15 : vector<16xi32>
        %add3A_254 = arith.addi %mul3A_248, %add3A_18 : vector<16xi32>
        %add3A_255 = arith.addi %mul3A_248, %add3A_21 : vector<16xi32>
        %add3A_256 = arith.addi %mul3A_248, %add3A_24 : vector<16xi32>
        %add3A_257 = arith.constant 0 : i32
        %add3A_258 = vector.broadcast %add3A_257 : i32 to vector<16xi32>
        %add3A_259 = arith.addi %and3A_239, %add3A_258 : vector<16xi32>
        %add3A_260 = arith.constant 0 : i32
        %add3A_261 = vector.broadcast %add3A_260 : i32 to vector<16xi32>
        %add3A_262 = arith.addi %shift_right_logical3A_242, %add3A_261 : vector<16xi32>
        %gather3A_263 = tpu.vector_load_idx %arg6[%add3A_3, %add3A_259] : memref<128x64xf32, #tpu.memory_space<vmem>>[vector<16xi32>, vector<16xi32>], vector<16xf32>,
        %gather3A_264 = tpu.vector_load_idx %arg6[%add3A_6, %add3A_259] : memref<128x64xf32, #tpu.memory_space<vmem>>[vector<16xi32>, vector<16xi32>], vector<16xf32>,
        %gather3A_265 = tpu.vector_load_idx %arg6[%add3A_9, %add3A_259] : memref<128x64xf32, #tpu.memory_space<vmem>>[vector<16xi32>, vector<16xi32>], vector<16xf32>,
        %gather3A_266 = tpu.vector_load_idx %arg6[%add3A_12, %add3A_259] : memref<128x64xf32, #tpu.memory_space<vmem>>[vector<16xi32>, vector<16xi32>], vector<16xf32>,
        %gather3A_267 = tpu.vector_load_idx %arg6[%add3A_15, %add3A_259] : memref<128x64xf32, #tpu.memory_space<vmem>>[vector<16xi32>, vector<16xi32>], vector<16xf32>,
        %gather3A_268 = tpu.vector_load_idx %arg6[%add3A_18, %add3A_259] : memref<128x64xf32, #tpu.memory_space<vmem>>[vector<16xi32>, vector<16xi32>], vector<16xf32>,
        %gather3A_269 = tpu.vector_load_idx %arg6[%add3A_21, %add3A_259] : memref<128x64xf32, #tpu.memory_space<vmem>>[vector<16xi32>, vector<16xi32>], vector<16xf32>,
        %gather3A_270 = tpu.vector_load_idx %arg6[%add3A_24, %add3A_259] : memref<128x64xf32, #tpu.memory_space<vmem>>[vector<16xi32>, vector<16xi32>], vector<16xf32>,
        tpu.vector_store_idx %arg8[%add3A_262, %add3A_249], %gather3A_263 : memref<8x1024xf32, #tpu.memory_space<vmem>>[vector<16xi32>, vector<16xi32>], vector<16xf32>,
        tpu.vector_store_idx %arg8[%add3A_262, %add3A_250], %gather3A_264 : memref<8x1024xf32, #tpu.memory_space<vmem>>[vector<16xi32>, vector<16xi32>], vector<16xf32>,
        tpu.vector_store_idx %arg8[%add3A_262, %add3A_251], %gather3A_265 : memref<8x1024xf32, #tpu.memory_space<vmem>>[vector<16xi32>, vector<16xi32>], vector<16xf32>,
        tpu.vector_store_idx %arg8[%add3A_262, %add3A_252], %gather3A_266 : memref<8x1024xf32, #tpu.memory_space<vmem>>[vector<16xi32>, vector<16xi32>], vector<16xf32>,
        tpu.vector_store_idx %arg8[%add3A_262, %add3A_253], %gather3A_267 : memref<8x1024xf32, #tpu.memory_space<vmem>>[vector<16xi32>, vector<16xi32>], vector<16xf32>,
        tpu.vector_store_idx %arg8[%add3A_262, %add3A_254], %gather3A_268 : memref<8x1024xf32, #tpu.memory_space<vmem>>[vector<16xi32>, vector<16xi32>], vector<16xf32>,
        tpu.vector_store_idx %arg8[%add3A_262, %add3A_255], %gather3A_269 : memref<8x1024xf32, #tpu.memory_space<vmem>>[vector<16xi32>, vector<16xi32>], vector<16xf32>,
        tpu.vector_store_idx %arg8[%add3A_262, %add3A_256], %gather3A_270 : memref<8x1024xf32, #tpu.memory_space<vmem>>[vector<16xi32>, vector<16xi32>], vector<16xf32>,
        %add3A_271 = arith.constant 16 : i32
        %add3A_272 = vector.broadcast %add3A_271 : i32 to vector<16xi32>
        %add3A_273 = arith.addi %and3A_239, %add3A_272 : vector<16xi32>
        %add3A_274 = arith.constant 2 : i32
        %add3A_275 = vector.broadcast %add3A_274 : i32 to vector<16xi32>
        %add3A_276 = arith.addi %shift_right_logical3A_242, %add3A_275 : vector<16xi32>
        %gather3A_277 = tpu.vector_load_idx %arg6[%add3A_3, %add3A_273] : memref<128x64xf32, #tpu.memory_space<vmem>>[vector<16xi32>, vector<16xi32>], vector<16xf32>,
        %gather3A_278 = tpu.vector_load_idx %arg6[%add3A_6, %add3A_273] : memref<128x64xf32, #tpu.memory_space<vmem>>[vector<16xi32>, vector<16xi32>], vector<16xf32>,
        %gather3A_279 = tpu.vector_load_idx %arg6[%add3A_9, %add3A_273] : memref<128x64xf32, #tpu.memory_space<vmem>>[vector<16xi32>, vector<16xi32>], vector<16xf32>,
        %gather3A_280 = tpu.vector_load_idx %arg6[%add3A_12, %add3A_273] : memref<128x64xf32, #tpu.memory_space<vmem>>[vector<16xi32>, vector<16xi32>], vector<16xf32>,
        %gather3A_281 = tpu.vector_load_idx %arg6[%add3A_15, %add3A_273] : memref<128x64xf32, #tpu.memory_space<vmem>>[vector<16xi32>, vector<16xi32>], vector<16xf32>,
        %gather3A_282 = tpu.vector_load_idx %arg6[%add3A_18, %add3A_273] : memref<128x64xf32, #tpu.memory_space<vmem>>[vector<16xi32>, vector<16xi32>], vector<16xf32>,
        %gather3A_283 = tpu.vector_load_idx %arg6[%add3A_21, %add3A_273] : memref<128x64xf32, #tpu.memory_space<vmem>>[vector<16xi32>, vector<16xi32>], vector<16xf32>,
        %gather3A_284 = tpu.vector_load_idx %arg6[%add3A_24, %add3A_273] : memref<128x64xf32, #tpu.memory_space<vmem>>[vector<16xi32>, vector<16xi32>], vector<16xf32>,
        tpu.vector_store_idx %arg8[%add3A_276, %add3A_249], %gather3A_277 : memref<8x1024xf32, #tpu.memory_space<vmem>>[vector<16xi32>, vector<16xi32>], vector<16xf32>,
        tpu.vector_store_idx %arg8[%add3A_276, %add3A_250], %gather3A_278 : memref<8x1024xf32, #tpu.memory_space<vmem>>[vector<16xi32>, vector<16xi32>], vector<16xf32>,
        tpu.vector_store_idx %arg8[%add3A_276, %add3A_251], %gather3A_279 : memref<8x1024xf32, #tpu.memory_space<vmem>>[vector<16xi32>, vector<16xi32>], vector<16xf32>,
        tpu.vector_store_idx %arg8[%add3A_276, %add3A_252], %gather3A_280 : memref<8x1024xf32, #tpu.memory_space<vmem>>[vector<16xi32>, vector<16xi32>], vector<16xf32>,
        tpu.vector_store_idx %arg8[%add3A_276, %add3A_253], %gather3A_281 : memref<8x1024xf32, #tpu.memory_space<vmem>>[vector<16xi32>, vector<16xi32>], vector<16xf32>,
        tpu.vector_store_idx %arg8[%add3A_276, %add3A_254], %gather3A_282 : memref<8x1024xf32, #tpu.memory_space<vmem>>[vector<16xi32>, vector<16xi32>], vector<16xf32>,
        tpu.vector_store_idx %arg8[%add3A_276, %add3A_255], %gather3A_283 : memref<8x1024xf32, #tpu.memory_space<vmem>>[vector<16xi32>, vector<16xi32>], vector<16xf32>,
        tpu.vector_store_idx %arg8[%add3A_276, %add3A_256], %gather3A_284 : memref<8x1024xf32, #tpu.memory_space<vmem>>[vector<16xi32>, vector<16xi32>], vector<16xf32>,
        %add3A_285 = arith.constant 32 : i32
        %add3A_286 = vector.broadcast %add3A_285 : i32 to vector<16xi32>
        %add3A_287 = arith.addi %and3A_239, %add3A_286 : vector<16xi32>
        %add3A_288 = arith.constant 4 : i32
        %add3A_289 = vector.broadcast %add3A_288 : i32 to vector<16xi32>
        %add3A_290 = arith.addi %shift_right_logical3A_242, %add3A_289 : vector<16xi32>
        %gather3A_291 = tpu.vector_load_idx %arg6[%add3A_3, %add3A_287] : memref<128x64xf32, #tpu.memory_space<vmem>>[vector<16xi32>, vector<16xi32>], vector<16xf32>,
        %gather3A_292 = tpu.vector_load_idx %arg6[%add3A_6, %add3A_287] : memref<128x64xf32, #tpu.memory_space<vmem>>[vector<16xi32>, vector<16xi32>], vector<16xf32>,
        %gather3A_293 = tpu.vector_load_idx %arg6[%add3A_9, %add3A_287] : memref<128x64xf32, #tpu.memory_space<vmem>>[vector<16xi32>, vector<16xi32>], vector<16xf32>,
        %gather3A_294 = tpu.vector_load_idx %arg6[%add3A_12, %add3A_287] : memref<128x64xf32, #tpu.memory_space<vmem>>[vector<16xi32>, vector<16xi32>], vector<16xf32>,
        %gather3A_295 = tpu.vector_load_idx %arg6[%add3A_15, %add3A_287] : memref<128x64xf32, #tpu.memory_space<vmem>>[vector<16xi32>, vector<16xi32>], vector<16xf32>,
        %gather3A_296 = tpu.vector_load_idx %arg6[%add3A_18, %add3A_287] : memref<128x64xf32, #tpu.memory_space<vmem>>[vector<16xi32>, vector<16xi32>], vector<16xf32>,
        %gather3A_297 = tpu.vector_load_idx %arg6[%add3A_21, %add3A_287] : memref<128x64xf32, #tpu.memory_space<vmem>>[vector<16xi32>, vector<16xi32>], vector<16xf32>,
        %gather3A_298 = tpu.vector_load_idx %arg6[%add3A_24, %add3A_287] : memref<128x64xf32, #tpu.memory_space<vmem>>[vector<16xi32>, vector<16xi32>], vector<16xf32>,
        tpu.vector_store_idx %arg8[%add3A_290, %add3A_249], %gather3A_291 : memref<8x1024xf32, #tpu.memory_space<vmem>>[vector<16xi32>, vector<16xi32>], vector<16xf32>,
        tpu.vector_store_idx %arg8[%add3A_290, %add3A_250], %gather3A_292 : memref<8x1024xf32, #tpu.memory_space<vmem>>[vector<16xi32>, vector<16xi32>], vector<16xf32>,
        tpu.vector_store_idx %arg8[%add3A_290, %add3A_251], %gather3A_293 : memref<8x1024xf32, #tpu.memory_space<vmem>>[vector<16xi32>, vector<16xi32>], vector<16xf32>,
        tpu.vector_store_idx %arg8[%add3A_290, %add3A_252], %gather3A_294 : memref<8x1024xf32, #tpu.memory_space<vmem>>[vector<16xi32>, vector<16xi32>], vector<16xf32>,
        tpu.vector_store_idx %arg8[%add3A_290, %add3A_253], %gather3A_295 : memref<8x1024xf32, #tpu.memory_space<vmem>>[vector<16xi32>, vector<16xi32>], vector<16xf32>,
        tpu.vector_store_idx %arg8[%add3A_290, %add3A_254], %gather3A_296 : memref<8x1024xf32, #tpu.memory_space<vmem>>[vector<16xi32>, vector<16xi32>], vector<16xf32>,
        tpu.vector_store_idx %arg8[%add3A_290, %add3A_255], %gather3A_297 : memref<8x1024xf32, #tpu.memory_space<vmem>>[vector<16xi32>, vector<16xi32>], vector<16xf32>,
        tpu.vector_store_idx %arg8[%add3A_290, %add3A_256], %gather3A_298 : memref<8x1024xf32, #tpu.memory_space<vmem>>[vector<16xi32>, vector<16xi32>], vector<16xf32>,
        %add3A_299 = arith.constant 48 : i32
        %add3A_300 = vector.broadcast %add3A_299 : i32 to vector<16xi32>
        %add3A_301 = arith.addi %and3A_239, %add3A_300 : vector<16xi32>
        %add3A_302 = arith.constant 6 : i32
        %add3A_303 = vector.broadcast %add3A_302 : i32 to vector<16xi32>
        %add3A_304 = arith.addi %shift_right_logical3A_242, %add3A_303 : vector<16xi32>
        %gather3A_305 = tpu.vector_load_idx %arg6[%add3A_3, %add3A_301] : memref<128x64xf32, #tpu.memory_space<vmem>>[vector<16xi32>, vector<16xi32>], vector<16xf32>,
        %gather3A_306 = tpu.vector_load_idx %arg6[%add3A_6, %add3A_301] : memref<128x64xf32, #tpu.memory_space<vmem>>[vector<16xi32>, vector<16xi32>], vector<16xf32>,
        %gather3A_307 = tpu.vector_load_idx %arg6[%add3A_9, %add3A_301] : memref<128x64xf32, #tpu.memory_space<vmem>>[vector<16xi32>, vector<16xi32>], vector<16xf32>,
        %gather3A_308 = tpu.vector_load_idx %arg6[%add3A_12, %add3A_301] : memref<128x64xf32, #tpu.memory_space<vmem>>[vector<16xi32>, vector<16xi32>], vector<16xf32>,
        %gather3A_309 = tpu.vector_load_idx %arg6[%add3A_15, %add3A_301] : memref<128x64xf32, #tpu.memory_space<vmem>>[vector<16xi32>, vector<16xi32>], vector<16xf32>,
        %gather3A_310 = tpu.vector_load_idx %arg6[%add3A_18, %add3A_301] : memref<128x64xf32, #tpu.memory_space<vmem>>[vector<16xi32>, vector<16xi32>], vector<16xf32>,
        %gather3A_311 = tpu.vector_load_idx %arg6[%add3A_21, %add3A_301] : memref<128x64xf32, #tpu.memory_space<vmem>>[vector<16xi32>, vector<16xi32>], vector<16xf32>,
        %gather3A_312 = tpu.vector_load_idx %arg6[%add3A_24, %add3A_301] : memref<128x64xf32, #tpu.memory_space<vmem>>[vector<16xi32>, vector<16xi32>], vector<16xf32>,
        tpu.vector_store_idx %arg8[%add3A_304, %add3A_249], %gather3A_305 : memref<8x1024xf32, #tpu.memory_space<vmem>>[vector<16xi32>, vector<16xi32>], vector<16xf32>,
        tpu.vector_store_idx %arg8[%add3A_304, %add3A_250], %gather3A_306 : memref<8x1024xf32, #tpu.memory_space<vmem>>[vector<16xi32>, vector<16xi32>], vector<16xf32>,
        tpu.vector_store_idx %arg8[%add3A_304, %add3A_251], %gather3A_307 : memref<8x1024xf32, #tpu.memory_space<vmem>>[vector<16xi32>, vector<16xi32>], vector<16xf32>,
        tpu.vector_store_idx %arg8[%add3A_304, %add3A_252], %gather3A_308 : memref<8x1024xf32, #tpu.memory_space<vmem>>[vector<16xi32>, vector<16xi32>], vector<16xf32>,
        tpu.vector_store_idx %arg8[%add3A_304, %add3A_253], %gather3A_309 : memref<8x1024xf32, #tpu.memory_space<vmem>>[vector<16xi32>, vector<16xi32>], vector<16xf32>,
        tpu.vector_store_idx %arg8[%add3A_304, %add3A_254], %gather3A_310 : memref<8x1024xf32, #tpu.memory_space<vmem>>[vector<16xi32>, vector<16xi32>], vector<16xf32>,
        tpu.vector_store_idx %arg8[%add3A_304, %add3A_255], %gather3A_311 : memref<8x1024xf32, #tpu.memory_space<vmem>>[vector<16xi32>, vector<16xi32>], vector<16xf32>,
        tpu.vector_store_idx %arg8[%add3A_304, %add3A_256], %gather3A_312 : memref<8x1024xf32, #tpu.memory_space<vmem>>[vector<16xi32>, vector<16xi32>], vector<16xf32>,
        %scan3A_313 = arith.constant 2 : i32
        %scan3A_314 = arith.addi %scan3A_157, %scan3A_313 : i32
        %add3A_315 = vector.broadcast %scan3A_314 : i32 to vector<16xi32>
        %add3A_316 = arith.addi %iota3A, %add3A_315 : vector<16xi32>
        %and3A_317 = arith.constant 15 : i32
        %and3A_318 = vector.broadcast %and3A_317 : i32 to vector<16xi32>
        %and3A_319 = arith.andi %add3A_316, %and3A_318 : vector<16xi32>
        %shift_right_logical3A_320 = arith.constant 3 : i32
        %shift_right_logical3A_321 = vector.broadcast %shift_right_logical3A_320 : i32 to vector<16xi32>
        %shift_right_logical3A_322 = arith.shrui %and3A_319, %shift_right_logical3A_321 : vector<16xi32>
        %and3A_323 = arith.constant 7 : i32
        %and3A_324 = vector.broadcast %and3A_323 : i32 to vector<16xi32>
        %and3A_325 = arith.andi %and3A_319, %and3A_324 : vector<16xi32>
        %mul3A_326 = arith.constant 128 : i32
        %mul3A_327 = vector.broadcast %mul3A_326 : i32 to vector<16xi32>
        %mul3A_328 = arith.muli %and3A_325, %mul3A_327 : vector<16xi32>
        %add3A_329 = arith.addi %mul3A_328, %add3A_3 : vector<16xi32>
        %add3A_330 = arith.addi %mul3A_328, %add3A_6 : vector<16xi32>
        %add3A_331 = arith.addi %mul3A_328, %add3A_9 : vector<16xi32>
        %add3A_332 = arith.addi %mul3A_328, %add3A_12 : vector<16xi32>
        %add3A_333 = arith.addi %mul3A_328, %add3A_15 : vector<16xi32>
        %add3A_334 = arith.addi %mul3A_328, %add3A_18 : vector<16xi32>
        %add3A_335 = arith.addi %mul3A_328, %add3A_21 : vector<16xi32>
        %add3A_336 = arith.addi %mul3A_328, %add3A_24 : vector<16xi32>
        %add3A_337 = arith.constant 0 : i32
        %add3A_338 = vector.broadcast %add3A_337 : i32 to vector<16xi32>
        %add3A_339 = arith.addi %and3A_319, %add3A_338 : vector<16xi32>
        %add3A_340 = arith.constant 0 : i32
        %add3A_341 = vector.broadcast %add3A_340 : i32 to vector<16xi32>
        %add3A_342 = arith.addi %shift_right_logical3A_322, %add3A_341 : vector<16xi32>
        %gather3A_343 = tpu.vector_load_idx %arg6[%add3A_3, %add3A_339] : memref<128x64xf32, #tpu.memory_space<vmem>>[vector<16xi32>, vector<16xi32>], vector<16xf32>,
        %gather3A_344 = tpu.vector_load_idx %arg6[%add3A_6, %add3A_339] : memref<128x64xf32, #tpu.memory_space<vmem>>[vector<16xi32>, vector<16xi32>], vector<16xf32>,
        %gather3A_345 = tpu.vector_load_idx %arg6[%add3A_9, %add3A_339] : memref<128x64xf32, #tpu.memory_space<vmem>>[vector<16xi32>, vector<16xi32>], vector<16xf32>,
        %gather3A_346 = tpu.vector_load_idx %arg6[%add3A_12, %add3A_339] : memref<128x64xf32, #tpu.memory_space<vmem>>[vector<16xi32>, vector<16xi32>], vector<16xf32>,
        %gather3A_347 = tpu.vector_load_idx %arg6[%add3A_15, %add3A_339] : memref<128x64xf32, #tpu.memory_space<vmem>>[vector<16xi32>, vector<16xi32>], vector<16xf32>,
        %gather3A_348 = tpu.vector_load_idx %arg6[%add3A_18, %add3A_339] : memref<128x64xf32, #tpu.memory_space<vmem>>[vector<16xi32>, vector<16xi32>], vector<16xf32>,
        %gather3A_349 = tpu.vector_load_idx %arg6[%add3A_21, %add3A_339] : memref<128x64xf32, #tpu.memory_space<vmem>>[vector<16xi32>, vector<16xi32>], vector<16xf32>,
        %gather3A_350 = tpu.vector_load_idx %arg6[%add3A_24, %add3A_339] : memref<128x64xf32, #tpu.memory_space<vmem>>[vector<16xi32>, vector<16xi32>], vector<16xf32>,
        tpu.vector_store_idx %arg8[%add3A_342, %add3A_329], %gather3A_343 : memref<8x1024xf32, #tpu.memory_space<vmem>>[vector<16xi32>, vector<16xi32>], vector<16xf32>,
        tpu.vector_store_idx %arg8[%add3A_342, %add3A_330], %gather3A_344 : memref<8x1024xf32, #tpu.memory_space<vmem>>[vector<16xi32>, vector<16xi32>], vector<16xf32>,
        tpu.vector_store_idx %arg8[%add3A_342, %add3A_331], %gather3A_345 : memref<8x1024xf32, #tpu.memory_space<vmem>>[vector<16xi32>, vector<16xi32>], vector<16xf32>,
        tpu.vector_store_idx %arg8[%add3A_342, %add3A_332], %gather3A_346 : memref<8x1024xf32, #tpu.memory_space<vmem>>[vector<16xi32>, vector<16xi32>], vector<16xf32>,
        tpu.vector_store_idx %arg8[%add3A_342, %add3A_333], %gather3A_347 : memref<8x1024xf32, #tpu.memory_space<vmem>>[vector<16xi32>, vector<16xi32>], vector<16xf32>,
        tpu.vector_store_idx %arg8[%add3A_342, %add3A_334], %gather3A_348 : memref<8x1024xf32, #tpu.memory_space<vmem>>[vector<16xi32>, vector<16xi32>], vector<16xf32>,
        tpu.vector_store_idx %arg8[%add3A_342, %add3A_335], %gather3A_349 : memref<8x1024xf32, #tpu.memory_space<vmem>>[vector<16xi32>, vector<16xi32>], vector<16xf32>,
        tpu.vector_store_idx %arg8[%add3A_342, %add3A_336], %gather3A_350 : memref<8x1024xf32, #tpu.memory_space<vmem>>[vector<16xi32>, vector<16xi32>], vector<16xf32>,
        %add3A_351 = arith.constant 16 : i32
        %add3A_352 = vector.broadcast %add3A_351 : i32 to vector<16xi32>
        %add3A_353 = arith.addi %and3A_319, %add3A_352 : vector<16xi32>
        %add3A_354 = arith.constant 2 : i32
        %add3A_355 = vector.broadcast %add3A_354 : i32 to vector<16xi32>
        %add3A_356 = arith.addi %shift_right_logical3A_322, %add3A_355 : vector<16xi32>
        %gather3A_357 = tpu.vector_load_idx %arg6[%add3A_3, %add3A_353] : memref<128x64xf32, #tpu.memory_space<vmem>>[vector<16xi32>, vector<16xi32>], vector<16xf32>,
        %gather3A_358 = tpu.vector_load_idx %arg6[%add3A_6, %add3A_353] : memref<128x64xf32, #tpu.memory_space<vmem>>[vector<16xi32>, vector<16xi32>], vector<16xf32>,
        %gather3A_359 = tpu.vector_load_idx %arg6[%add3A_9, %add3A_353] : memref<128x64xf32, #tpu.memory_space<vmem>>[vector<16xi32>, vector<16xi32>], vector<16xf32>,
        %gather3A_360 = tpu.vector_load_idx %arg6[%add3A_12, %add3A_353] : memref<128x64xf32, #tpu.memory_space<vmem>>[vector<16xi32>, vector<16xi32>], vector<16xf32>,
        %gather3A_361 = tpu.vector_load_idx %arg6[%add3A_15, %add3A_353] : memref<128x64xf32, #tpu.memory_space<vmem>>[vector<16xi32>, vector<16xi32>], vector<16xf32>,
        %gather3A_362 = tpu.vector_load_idx %arg6[%add3A_18, %add3A_353] : memref<128x64xf32, #tpu.memory_space<vmem>>[vector<16xi32>, vector<16xi32>], vector<16xf32>,
        %gather3A_363 = tpu.vector_load_idx %arg6[%add3A_21, %add3A_353] : memref<128x64xf32, #tpu.memory_space<vmem>>[vector<16xi32>, vector<16xi32>], vector<16xf32>,
        %gather3A_364 = tpu.vector_load_idx %arg6[%add3A_24, %add3A_353] : memref<128x64xf32, #tpu.memory_space<vmem>>[vector<16xi32>, vector<16xi32>], vector<16xf32>,
        tpu.vector_store_idx %arg8[%add3A_356, %add3A_329], %gather3A_357 : memref<8x1024xf32, #tpu.memory_space<vmem>>[vector<16xi32>, vector<16xi32>], vector<16xf32>,
        tpu.vector_store_idx %arg8[%add3A_356, %add3A_330], %gather3A_358 : memref<8x1024xf32, #tpu.memory_space<vmem>>[vector<16xi32>, vector<16xi32>], vector<16xf32>,
        tpu.vector_store_idx %arg8[%add3A_356, %add3A_331], %gather3A_359 : memref<8x1024xf32, #tpu.memory_space<vmem>>[vector<16xi32>, vector<16xi32>], vector<16xf32>,
        tpu.vector_store_idx %arg8[%add3A_356, %add3A_332], %gather3A_360 : memref<8x1024xf32, #tpu.memory_space<vmem>>[vector<16xi32>, vector<16xi32>], vector<16xf32>,
        tpu.vector_store_idx %arg8[%add3A_356, %add3A_333], %gather3A_361 : memref<8x1024xf32, #tpu.memory_space<vmem>>[vector<16xi32>, vector<16xi32>], vector<16xf32>,
        tpu.vector_store_idx %arg8[%add3A_356, %add3A_334], %gather3A_362 : memref<8x1024xf32, #tpu.memory_space<vmem>>[vector<16xi32>, vector<16xi32>], vector<16xf32>,
        tpu.vector_store_idx %arg8[%add3A_356, %add3A_335], %gather3A_363 : memref<8x1024xf32, #tpu.memory_space<vmem>>[vector<16xi32>, vector<16xi32>], vector<16xf32>,
        tpu.vector_store_idx %arg8[%add3A_356, %add3A_336], %gather3A_364 : memref<8x1024xf32, #tpu.memory_space<vmem>>[vector<16xi32>, vector<16xi32>], vector<16xf32>,
        %add3A_365 = arith.constant 32 : i32
        %add3A_366 = vector.broadcast %add3A_365 : i32 to vector<16xi32>
        %add3A_367 = arith.addi %and3A_319, %add3A_366 : vector<16xi32>
        %add3A_368 = arith.constant 4 : i32
        %add3A_369 = vector.broadcast %add3A_368 : i32 to vector<16xi32>
        %add3A_370 = arith.addi %shift_right_logical3A_322, %add3A_369 : vector<16xi32>
        %gather3A_371 = tpu.vector_load_idx %arg6[%add3A_3, %add3A_367] : memref<128x64xf32, #tpu.memory_space<vmem>>[vector<16xi32>, vector<16xi32>], vector<16xf32>,
        %gather3A_372 = tpu.vector_load_idx %arg6[%add3A_6, %add3A_367] : memref<128x64xf32, #tpu.memory_space<vmem>>[vector<16xi32>, vector<16xi32>], vector<16xf32>,
        %gather3A_373 = tpu.vector_load_idx %arg6[%add3A_9, %add3A_367] : memref<128x64xf32, #tpu.memory_space<vmem>>[vector<16xi32>, vector<16xi32>], vector<16xf32>,
        %gather3A_374 = tpu.vector_load_idx %arg6[%add3A_12, %add3A_367] : memref<128x64xf32, #tpu.memory_space<vmem>>[vector<16xi32>, vector<16xi32>], vector<16xf32>,
        %gather3A_375 = tpu.vector_load_idx %arg6[%add3A_15, %add3A_367] : memref<128x64xf32, #tpu.memory_space<vmem>>[vector<16xi32>, vector<16xi32>], vector<16xf32>,
        %gather3A_376 = tpu.vector_load_idx %arg6[%add3A_18, %add3A_367] : memref<128x64xf32, #tpu.memory_space<vmem>>[vector<16xi32>, vector<16xi32>], vector<16xf32>,
        %gather3A_377 = tpu.vector_load_idx %arg6[%add3A_21, %add3A_367] : memref<128x64xf32, #tpu.memory_space<vmem>>[vector<16xi32>, vector<16xi32>], vector<16xf32>,
        %gather3A_378 = tpu.vector_load_idx %arg6[%add3A_24, %add3A_367] : memref<128x64xf32, #tpu.memory_space<vmem>>[vector<16xi32>, vector<16xi32>], vector<16xf32>,
        tpu.vector_store_idx %arg8[%add3A_370, %add3A_329], %gather3A_371 : memref<8x1024xf32, #tpu.memory_space<vmem>>[vector<16xi32>, vector<16xi32>], vector<16xf32>,
        tpu.vector_store_idx %arg8[%add3A_370, %add3A_330], %gather3A_372 : memref<8x1024xf32, #tpu.memory_space<vmem>>[vector<16xi32>, vector<16xi32>], vector<16xf32>,
        tpu.vector_store_idx %arg8[%add3A_370, %add3A_331], %gather3A_373 : memref<8x1024xf32, #tpu.memory_space<vmem>>[vector<16xi32>, vector<16xi32>], vector<16xf32>,
        tpu.vector_store_idx %arg8[%add3A_370, %add3A_332], %gather3A_374 : memref<8x1024xf32, #tpu.memory_space<vmem>>[vector<16xi32>, vector<16xi32>], vector<16xf32>,
        tpu.vector_store_idx %arg8[%add3A_370, %add3A_333], %gather3A_375 : memref<8x1024xf32, #tpu.memory_space<vmem>>[vector<16xi32>, vector<16xi32>], vector<16xf32>,
        tpu.vector_store_idx %arg8[%add3A_370, %add3A_334], %gather3A_376 : memref<8x1024xf32, #tpu.memory_space<vmem>>[vector<16xi32>, vector<16xi32>], vector<16xf32>,
        tpu.vector_store_idx %arg8[%add3A_370, %add3A_335], %gather3A_377 : memref<8x1024xf32, #tpu.memory_space<vmem>>[vector<16xi32>, vector<16xi32>], vector<16xf32>,
        tpu.vector_store_idx %arg8[%add3A_370, %add3A_336], %gather3A_378 : memref<8x1024xf32, #tpu.memory_space<vmem>>[vector<16xi32>, vector<16xi32>], vector<16xf32>,
        %add3A_379 = arith.constant 48 : i32
        %add3A_380 = vector.broadcast %add3A_379 : i32 to vector<16xi32>
        %add3A_381 = arith.addi %and3A_319, %add3A_380 : vector<16xi32>
        %add3A_382 = arith.constant 6 : i32
        %add3A_383 = vector.broadcast %add3A_382 : i32 to vector<16xi32>
        %add3A_384 = arith.addi %shift_right_logical3A_322, %add3A_383 : vector<16xi32>
        %gather3A_385 = tpu.vector_load_idx %arg6[%add3A_3, %add3A_381] : memref<128x64xf32, #tpu.memory_space<vmem>>[vector<16xi32>, vector<16xi32>], vector<16xf32>,
        %gather3A_386 = tpu.vector_load_idx %arg6[%add3A_6, %add3A_381] : memref<128x64xf32, #tpu.memory_space<vmem>>[vector<16xi32>, vector<16xi32>], vector<16xf32>,
        %gather3A_387 = tpu.vector_load_idx %arg6[%add3A_9, %add3A_381] : memref<128x64xf32, #tpu.memory_space<vmem>>[vector<16xi32>, vector<16xi32>], vector<16xf32>,
        %gather3A_388 = tpu.vector_load_idx %arg6[%add3A_12, %add3A_381] : memref<128x64xf32, #tpu.memory_space<vmem>>[vector<16xi32>, vector<16xi32>], vector<16xf32>,
        %gather3A_389 = tpu.vector_load_idx %arg6[%add3A_15, %add3A_381] : memref<128x64xf32, #tpu.memory_space<vmem>>[vector<16xi32>, vector<16xi32>], vector<16xf32>,
        %gather3A_390 = tpu.vector_load_idx %arg6[%add3A_18, %add3A_381] : memref<128x64xf32, #tpu.memory_space<vmem>>[vector<16xi32>, vector<16xi32>], vector<16xf32>,
        %gather3A_391 = tpu.vector_load_idx %arg6[%add3A_21, %add3A_381] : memref<128x64xf32, #tpu.memory_space<vmem>>[vector<16xi32>, vector<16xi32>], vector<16xf32>,
        %gather3A_392 = tpu.vector_load_idx %arg6[%add3A_24, %add3A_381] : memref<128x64xf32, #tpu.memory_space<vmem>>[vector<16xi32>, vector<16xi32>], vector<16xf32>,
        tpu.vector_store_idx %arg8[%add3A_384, %add3A_329], %gather3A_385 : memref<8x1024xf32, #tpu.memory_space<vmem>>[vector<16xi32>, vector<16xi32>], vector<16xf32>,
        tpu.vector_store_idx %arg8[%add3A_384, %add3A_330], %gather3A_386 : memref<8x1024xf32, #tpu.memory_space<vmem>>[vector<16xi32>, vector<16xi32>], vector<16xf32>,
        tpu.vector_store_idx %arg8[%add3A_384, %add3A_331], %gather3A_387 : memref<8x1024xf32, #tpu.memory_space<vmem>>[vector<16xi32>, vector<16xi32>], vector<16xf32>,
        tpu.vector_store_idx %arg8[%add3A_384, %add3A_332], %gather3A_388 : memref<8x1024xf32, #tpu.memory_space<vmem>>[vector<16xi32>, vector<16xi32>], vector<16xf32>,
        tpu.vector_store_idx %arg8[%add3A_384, %add3A_333], %gather3A_389 : memref<8x1024xf32, #tpu.memory_space<vmem>>[vector<16xi32>, vector<16xi32>], vector<16xf32>,
        tpu.vector_store_idx %arg8[%add3A_384, %add3A_334], %gather3A_390 : memref<8x1024xf32, #tpu.memory_space<vmem>>[vector<16xi32>, vector<16xi32>], vector<16xf32>,
        tpu.vector_store_idx %arg8[%add3A_384, %add3A_335], %gather3A_391 : memref<8x1024xf32, #tpu.memory_space<vmem>>[vector<16xi32>, vector<16xi32>], vector<16xf32>,
        tpu.vector_store_idx %arg8[%add3A_384, %add3A_336], %gather3A_392 : memref<8x1024xf32, #tpu.memory_space<vmem>>[vector<16xi32>, vector<16xi32>], vector<16xf32>,
        %scan3A_393 = arith.constant 3 : i32
        %scan3A_394 = arith.addi %scan3A_157, %scan3A_393 : i32
        %add3A_395 = vector.broadcast %scan3A_394 : i32 to vector<16xi32>
        %add3A_396 = arith.addi %iota3A, %add3A_395 : vector<16xi32>
        %and3A_397 = arith.constant 15 : i32
        %and3A_398 = vector.broadcast %and3A_397 : i32 to vector<16xi32>
        %and3A_399 = arith.andi %add3A_396, %and3A_398 : vector<16xi32>
        %shift_right_logical3A_400 = arith.constant 3 : i32
        %shift_right_logical3A_401 = vector.broadcast %shift_right_logical3A_400 : i32 to vector<16xi32>
        %shift_right_logical3A_402 = arith.shrui %and3A_399, %shift_right_logical3A_401 : vector<16xi32>
        %and3A_403 = arith.constant 7 : i32
        %and3A_404 = vector.broadcast %and3A_403 : i32 to vector<16xi32>
        %and3A_405 = arith.andi %and3A_399, %and3A_404 : vector<16xi32>
        %mul3A_406 = arith.constant 128 : i32
        %mul3A_407 = vector.broadcast %mul3A_406 : i32 to vector<16xi32>
        %mul3A_408 = arith.muli %and3A_405, %mul3A_407 : vector<16xi32>
        %add3A_409 = arith.addi %mul3A_408, %add3A_3 : vector<16xi32>
        %add3A_410 = arith.addi %mul3A_408, %add3A_6 : vector<16xi32>
        %add3A_411 = arith.addi %mul3A_408, %add3A_9 : vector<16xi32>
        %add3A_412 = arith.addi %mul3A_408, %add3A_12 : vector<16xi32>
        %add3A_413 = arith.addi %mul3A_408, %add3A_15 : vector<16xi32>
        %add3A_414 = arith.addi %mul3A_408, %add3A_18 : vector<16xi32>
        %add3A_415 = arith.addi %mul3A_408, %add3A_21 : vector<16xi32>
        %add3A_416 = arith.addi %mul3A_408, %add3A_24 : vector<16xi32>
        %add3A_417 = arith.constant 0 : i32
        %add3A_418 = vector.broadcast %add3A_417 : i32 to vector<16xi32>
        %add3A_419 = arith.addi %and3A_399, %add3A_418 : vector<16xi32>
        %add3A_420 = arith.constant 0 : i32
        %add3A_421 = vector.broadcast %add3A_420 : i32 to vector<16xi32>
        %add3A_422 = arith.addi %shift_right_logical3A_402, %add3A_421 : vector<16xi32>
        %gather3A_423 = tpu.vector_load_idx %arg6[%add3A_3, %add3A_419] : memref<128x64xf32, #tpu.memory_space<vmem>>[vector<16xi32>, vector<16xi32>], vector<16xf32>,
        %gather3A_424 = tpu.vector_load_idx %arg6[%add3A_6, %add3A_419] : memref<128x64xf32, #tpu.memory_space<vmem>>[vector<16xi32>, vector<16xi32>], vector<16xf32>,
        %gather3A_425 = tpu.vector_load_idx %arg6[%add3A_9, %add3A_419] : memref<128x64xf32, #tpu.memory_space<vmem>>[vector<16xi32>, vector<16xi32>], vector<16xf32>,
        %gather3A_426 = tpu.vector_load_idx %arg6[%add3A_12, %add3A_419] : memref<128x64xf32, #tpu.memory_space<vmem>>[vector<16xi32>, vector<16xi32>], vector<16xf32>,
        %gather3A_427 = tpu.vector_load_idx %arg6[%add3A_15, %add3A_419] : memref<128x64xf32, #tpu.memory_space<vmem>>[vector<16xi32>, vector<16xi32>], vector<16xf32>,
        %gather3A_428 = tpu.vector_load_idx %arg6[%add3A_18, %add3A_419] : memref<128x64xf32, #tpu.memory_space<vmem>>[vector<16xi32>, vector<16xi32>], vector<16xf32>,
        %gather3A_429 = tpu.vector_load_idx %arg6[%add3A_21, %add3A_419] : memref<128x64xf32, #tpu.memory_space<vmem>>[vector<16xi32>, vector<16xi32>], vector<16xf32>,
        %gather3A_430 = tpu.vector_load_idx %arg6[%add3A_24, %add3A_419] : memref<128x64xf32, #tpu.memory_space<vmem>>[vector<16xi32>, vector<16xi32>], vector<16xf32>,
        tpu.vector_store_idx %arg8[%add3A_422, %add3A_409], %gather3A_423 : memref<8x1024xf32, #tpu.memory_space<vmem>>[vector<16xi32>, vector<16xi32>], vector<16xf32>,
        tpu.vector_store_idx %arg8[%add3A_422, %add3A_410], %gather3A_424 : memref<8x1024xf32, #tpu.memory_space<vmem>>[vector<16xi32>, vector<16xi32>], vector<16xf32>,
        tpu.vector_store_idx %arg8[%add3A_422, %add3A_411], %gather3A_425 : memref<8x1024xf32, #tpu.memory_space<vmem>>[vector<16xi32>, vector<16xi32>], vector<16xf32>,
        tpu.vector_store_idx %arg8[%add3A_422, %add3A_412], %gather3A_426 : memref<8x1024xf32, #tpu.memory_space<vmem>>[vector<16xi32>, vector<16xi32>], vector<16xf32>,
        tpu.vector_store_idx %arg8[%add3A_422, %add3A_413], %gather3A_427 : memref<8x1024xf32, #tpu.memory_space<vmem>>[vector<16xi32>, vector<16xi32>], vector<16xf32>,
        tpu.vector_store_idx %arg8[%add3A_422, %add3A_414], %gather3A_428 : memref<8x1024xf32, #tpu.memory_space<vmem>>[vector<16xi32>, vector<16xi32>], vector<16xf32>,
        tpu.vector_store_idx %arg8[%add3A_422, %add3A_415], %gather3A_429 : memref<8x1024xf32, #tpu.memory_space<vmem>>[vector<16xi32>, vector<16xi32>], vector<16xf32>,
        tpu.vector_store_idx %arg8[%add3A_422, %add3A_416], %gather3A_430 : memref<8x1024xf32, #tpu.memory_space<vmem>>[vector<16xi32>, vector<16xi32>], vector<16xf32>,
        %add3A_431 = arith.constant 16 : i32
        %add3A_432 = vector.broadcast %add3A_431 : i32 to vector<16xi32>
        %add3A_433 = arith.addi %and3A_399, %add3A_432 : vector<16xi32>
        %add3A_434 = arith.constant 2 : i32
        %add3A_435 = vector.broadcast %add3A_434 : i32 to vector<16xi32>
        %add3A_436 = arith.addi %shift_right_logical3A_402, %add3A_435 : vector<16xi32>
        %gather3A_437 = tpu.vector_load_idx %arg6[%add3A_3, %add3A_433] : memref<128x64xf32, #tpu.memory_space<vmem>>[vector<16xi32>, vector<16xi32>], vector<16xf32>,
        %gather3A_438 = tpu.vector_load_idx %arg6[%add3A_6, %add3A_433] : memref<128x64xf32, #tpu.memory_space<vmem>>[vector<16xi32>, vector<16xi32>], vector<16xf32>,
        %gather3A_439 = tpu.vector_load_idx %arg6[%add3A_9, %add3A_433] : memref<128x64xf32, #tpu.memory_space<vmem>>[vector<16xi32>, vector<16xi32>], vector<16xf32>,
        %gather3A_440 = tpu.vector_load_idx %arg6[%add3A_12, %add3A_433] : memref<128x64xf32, #tpu.memory_space<vmem>>[vector<16xi32>, vector<16xi32>], vector<16xf32>,
        %gather3A_441 = tpu.vector_load_idx %arg6[%add3A_15, %add3A_433] : memref<128x64xf32, #tpu.memory_space<vmem>>[vector<16xi32>, vector<16xi32>], vector<16xf32>,
        %gather3A_442 = tpu.vector_load_idx %arg6[%add3A_18, %add3A_433] : memref<128x64xf32, #tpu.memory_space<vmem>>[vector<16xi32>, vector<16xi32>], vector<16xf32>,
        %gather3A_443 = tpu.vector_load_idx %arg6[%add3A_21, %add3A_433] : memref<128x64xf32, #tpu.memory_space<vmem>>[vector<16xi32>, vector<16xi32>], vector<16xf32>,
        %gather3A_444 = tpu.vector_load_idx %arg6[%add3A_24, %add3A_433] : memref<128x64xf32, #tpu.memory_space<vmem>>[vector<16xi32>, vector<16xi32>], vector<16xf32>,
        tpu.vector_store_idx %arg8[%add3A_436, %add3A_409], %gather3A_437 : memref<8x1024xf32, #tpu.memory_space<vmem>>[vector<16xi32>, vector<16xi32>], vector<16xf32>,
        tpu.vector_store_idx %arg8[%add3A_436, %add3A_410], %gather3A_438 : memref<8x1024xf32, #tpu.memory_space<vmem>>[vector<16xi32>, vector<16xi32>], vector<16xf32>,
        tpu.vector_store_idx %arg8[%add3A_436, %add3A_411], %gather3A_439 : memref<8x1024xf32, #tpu.memory_space<vmem>>[vector<16xi32>, vector<16xi32>], vector<16xf32>,
        tpu.vector_store_idx %arg8[%add3A_436, %add3A_412], %gather3A_440 : memref<8x1024xf32, #tpu.memory_space<vmem>>[vector<16xi32>, vector<16xi32>], vector<16xf32>,
        tpu.vector_store_idx %arg8[%add3A_436, %add3A_413], %gather3A_441 : memref<8x1024xf32, #tpu.memory_space<vmem>>[vector<16xi32>, vector<16xi32>], vector<16xf32>,
        tpu.vector_store_idx %arg8[%add3A_436, %add3A_414], %gather3A_442 : memref<8x1024xf32, #tpu.memory_space<vmem>>[vector<16xi32>, vector<16xi32>], vector<16xf32>,
        tpu.vector_store_idx %arg8[%add3A_436, %add3A_415], %gather3A_443 : memref<8x1024xf32, #tpu.memory_space<vmem>>[vector<16xi32>, vector<16xi32>], vector<16xf32>,
        tpu.vector_store_idx %arg8[%add3A_436, %add3A_416], %gather3A_444 : memref<8x1024xf32, #tpu.memory_space<vmem>>[vector<16xi32>, vector<16xi32>], vector<16xf32>,
        %add3A_445 = arith.constant 32 : i32
        %add3A_446 = vector.broadcast %add3A_445 : i32 to vector<16xi32>
        %add3A_447 = arith.addi %and3A_399, %add3A_446 : vector<16xi32>
        %add3A_448 = arith.constant 4 : i32
        %add3A_449 = vector.broadcast %add3A_448 : i32 to vector<16xi32>
        %add3A_450 = arith.addi %shift_right_logical3A_402, %add3A_449 : vector<16xi32>
        %gather3A_451 = tpu.vector_load_idx %arg6[%add3A_3, %add3A_447] : memref<128x64xf32, #tpu.memory_space<vmem>>[vector<16xi32>, vector<16xi32>], vector<16xf32>,
        %gather3A_452 = tpu.vector_load_idx %arg6[%add3A_6, %add3A_447] : memref<128x64xf32, #tpu.memory_space<vmem>>[vector<16xi32>, vector<16xi32>], vector<16xf32>,
        %gather3A_453 = tpu.vector_load_idx %arg6[%add3A_9, %add3A_447] : memref<128x64xf32, #tpu.memory_space<vmem>>[vector<16xi32>, vector<16xi32>], vector<16xf32>,
        %gather3A_454 = tpu.vector_load_idx %arg6[%add3A_12, %add3A_447] : memref<128x64xf32, #tpu.memory_space<vmem>>[vector<16xi32>, vector<16xi32>], vector<16xf32>,
        %gather3A_455 = tpu.vector_load_idx %arg6[%add3A_15, %add3A_447] : memref<128x64xf32, #tpu.memory_space<vmem>>[vector<16xi32>, vector<16xi32>], vector<16xf32>,
        %gather3A_456 = tpu.vector_load_idx %arg6[%add3A_18, %add3A_447] : memref<128x64xf32, #tpu.memory_space<vmem>>[vector<16xi32>, vector<16xi32>], vector<16xf32>,
        %gather3A_457 = tpu.vector_load_idx %arg6[%add3A_21, %add3A_447] : memref<128x64xf32, #tpu.memory_space<vmem>>[vector<16xi32>, vector<16xi32>], vector<16xf32>,
        %gather3A_458 = tpu.vector_load_idx %arg6[%add3A_24, %add3A_447] : memref<128x64xf32, #tpu.memory_space<vmem>>[vector<16xi32>, vector<16xi32>], vector<16xf32>,
        tpu.vector_store_idx %arg8[%add3A_450, %add3A_409], %gather3A_451 : memref<8x1024xf32, #tpu.memory_space<vmem>>[vector<16xi32>, vector<16xi32>], vector<16xf32>,
        tpu.vector_store_idx %arg8[%add3A_450, %add3A_410], %gather3A_452 : memref<8x1024xf32, #tpu.memory_space<vmem>>[vector<16xi32>, vector<16xi32>], vector<16xf32>,
        tpu.vector_store_idx %arg8[%add3A_450, %add3A_411], %gather3A_453 : memref<8x1024xf32, #tpu.memory_space<vmem>>[vector<16xi32>, vector<16xi32>], vector<16xf32>,
        tpu.vector_store_idx %arg8[%add3A_450, %add3A_412], %gather3A_454 : memref<8x1024xf32, #tpu.memory_space<vmem>>[vector<16xi32>, vector<16xi32>], vector<16xf32>,
        tpu.vector_store_idx %arg8[%add3A_450, %add3A_413], %gather3A_455 : memref<8x1024xf32, #tpu.memory_space<vmem>>[vector<16xi32>, vector<16xi32>], vector<16xf32>,
        tpu.vector_store_idx %arg8[%add3A_450, %add3A_414], %gather3A_456 : memref<8x1024xf32, #tpu.memory_space<vmem>>[vector<16xi32>, vector<16xi32>], vector<16xf32>,
        tpu.vector_store_idx %arg8[%add3A_450, %add3A_415], %gather3A_457 : memref<8x1024xf32, #tpu.memory_space<vmem>>[vector<16xi32>, vector<16xi32>], vector<16xf32>,
        tpu.vector_store_idx %arg8[%add3A_450, %add3A_416], %gather3A_458 : memref<8x1024xf32, #tpu.memory_space<vmem>>[vector<16xi32>, vector<16xi32>], vector<16xf32>,
        %add3A_459 = arith.constant 48 : i32
        %add3A_460 = vector.broadcast %add3A_459 : i32 to vector<16xi32>
        %add3A_461 = arith.addi %and3A_399, %add3A_460 : vector<16xi32>
        %add3A_462 = arith.constant 6 : i32
        %add3A_463 = vector.broadcast %add3A_462 : i32 to vector<16xi32>
        %add3A_464 = arith.addi %shift_right_logical3A_402, %add3A_463 : vector<16xi32>
        %gather3A_465 = tpu.vector_load_idx %arg6[%add3A_3, %add3A_461] : memref<128x64xf32, #tpu.memory_space<vmem>>[vector<16xi32>, vector<16xi32>], vector<16xf32>,
        %gather3A_466 = tpu.vector_load_idx %arg6[%add3A_6, %add3A_461] : memref<128x64xf32, #tpu.memory_space<vmem>>[vector<16xi32>, vector<16xi32>], vector<16xf32>,
        %gather3A_467 = tpu.vector_load_idx %arg6[%add3A_9, %add3A_461] : memref<128x64xf32, #tpu.memory_space<vmem>>[vector<16xi32>, vector<16xi32>], vector<16xf32>,
        %gather3A_468 = tpu.vector_load_idx %arg6[%add3A_12, %add3A_461] : memref<128x64xf32, #tpu.memory_space<vmem>>[vector<16xi32>, vector<16xi32>], vector<16xf32>,
        %gather3A_469 = tpu.vector_load_idx %arg6[%add3A_15, %add3A_461] : memref<128x64xf32, #tpu.memory_space<vmem>>[vector<16xi32>, vector<16xi32>], vector<16xf32>,
        %gather3A_470 = tpu.vector_load_idx %arg6[%add3A_18, %add3A_461] : memref<128x64xf32, #tpu.memory_space<vmem>>[vector<16xi32>, vector<16xi32>], vector<16xf32>,
        %gather3A_471 = tpu.vector_load_idx %arg6[%add3A_21, %add3A_461] : memref<128x64xf32, #tpu.memory_space<vmem>>[vector<16xi32>, vector<16xi32>], vector<16xf32>,
        %gather3A_472 = tpu.vector_load_idx %arg6[%add3A_24, %add3A_461] : memref<128x64xf32, #tpu.memory_space<vmem>>[vector<16xi32>, vector<16xi32>], vector<16xf32>,
        tpu.vector_store_idx %arg8[%add3A_464, %add3A_409], %gather3A_465 : memref<8x1024xf32, #tpu.memory_space<vmem>>[vector<16xi32>, vector<16xi32>], vector<16xf32>,
        tpu.vector_store_idx %arg8[%add3A_464, %add3A_410], %gather3A_466 : memref<8x1024xf32, #tpu.memory_space<vmem>>[vector<16xi32>, vector<16xi32>], vector<16xf32>,
        tpu.vector_store_idx %arg8[%add3A_464, %add3A_411], %gather3A_467 : memref<8x1024xf32, #tpu.memory_space<vmem>>[vector<16xi32>, vector<16xi32>], vector<16xf32>,
        tpu.vector_store_idx %arg8[%add3A_464, %add3A_412], %gather3A_468 : memref<8x1024xf32, #tpu.memory_space<vmem>>[vector<16xi32>, vector<16xi32>], vector<16xf32>,
        tpu.vector_store_idx %arg8[%add3A_464, %add3A_413], %gather3A_469 : memref<8x1024xf32, #tpu.memory_space<vmem>>[vector<16xi32>, vector<16xi32>], vector<16xf32>,
        tpu.vector_store_idx %arg8[%add3A_464, %add3A_414], %gather3A_470 : memref<8x1024xf32, #tpu.memory_space<vmem>>[vector<16xi32>, vector<16xi32>], vector<16xf32>,
        tpu.vector_store_idx %arg8[%add3A_464, %add3A_415], %gather3A_471 : memref<8x1024xf32, #tpu.memory_space<vmem>>[vector<16xi32>, vector<16xi32>], vector<16xf32>,
        tpu.vector_store_idx %arg8[%add3A_464, %add3A_416], %gather3A_472 : memref<8x1024xf32, #tpu.memory_space<vmem>>[vector<16xi32>, vector<16xi32>], vector<16xf32>,
      }
      %scan3A_97 = arith.constant 16 : i32
      %mul3A_98 = arith.constant 8 : i32
      %mul3A_99 = arith.muli %mul3A_98, %scan3A_66 : i32
      %mul3A_100 = arith.constant 4 : i32
      %mul3A_101 = arith.muli %add3A, %mul3A_100 : i32
      %add3A_102 = arith.addi %mul3A_101, %scan3A_67 : i32
      %dma_start3A_103 = arith.constant 0 : i32
      %dma_start3A_104 = tpu.memref_slice %arg4[%mul3A_99, %add3A_102, %dma_start3A_103] : memref<400x128x1024xf32, #tpu.memory_space<hbm>> -> memref<8x1x1024xf32, #tpu.memory_space<hbm>>
      %dma_start3A_105 = tpu.memref_squeeze %dma_start3A_104 : memref<8x1x1024xf32, #tpu.memory_space<hbm>> -> memref<8x1024xf32, #tpu.memory_space<hbm>>
      %dma_start3A_106 = arith.constant 0 : i32
      %dma_start3A_107 = tpu.memref_slice %arg4[%mul3A_99, %add3A_102, %dma_start3A_106] : memref<400x128x1024xf32, #tpu.memory_space<hbm>> -> memref<8x1x1024xf32, #tpu.memory_space<hbm>>
      %dma_start3A_108 = tpu.memref_squeeze %dma_start3A_107 : memref<8x1x1024xf32, #tpu.memory_space<hbm>> -> memref<8x1024xf32, #tpu.memory_space<hbm>>
      tpu.enqueue_dma source(%arg8 : memref<8x1024xf32, #tpu.memory_space<vmem>>) target(%dma_start3A_108 : memref<8x1024xf32, #tpu.memory_space<hbm>>) target_semaphore(%arg13 : memref<!tpu.dma_semaphore, #tpu.memory_space<semaphore_mem>>)
      %mul3A_109 = arith.constant 2 : i32
      %mul3A_110 = arith.muli %mul3A_109, %scan3A_65 : i32
      %add3A_111 = arith.constant 1 : i32
      %add3A_112 = arith.addi %mul3A_110, %add3A_111 : i32
      %add3A_113 = arith.constant 1 : i32
      %add3A_114 = arith.addi %select_n3A, %add3A_113 : i32
      %eq3A_115 = arith.constant 50 : i32
      %eq3A_116 = arith.cmpi eq, %add3A_114, %eq3A_115 : i32
      %jit3A_117 = arith.constant 0 : i32
      %select_n3A_118 = arith.select %eq3A_116, %jit3A_117, %add3A_114 : i32
      %convert_element_type3A_119 = arith.extui %eq3A_116 : i1 to i32
      %add3A_120 = arith.addi %add3A_75, %convert_element_type3A_119 : i32
      %add3A_121 = arith.constant 1 : i32
      %add3A_122 = arith.addi %add3A_112, %add3A_121 : i32
      %lt3A_123 = arith.constant 200 : i32
      %lt3A_124 = arith.cmpi slt, %add3A_122, %lt3A_123 : i32
      %convert_element_type3A_125 = arith.extui %lt3A_124 : i1 to i32
      %cond3A_126 = arith.constant 0 : i32
      %cond3A_127 = arith.cmpi ne, %convert_element_type3A_125, %cond3A_126 : i32
      scf.if %cond3A_127 {
        %mul3A_157 = arith.constant 128 : i32
        %mul3A_158 = arith.muli %add3A_120, %mul3A_157 : i32
        %dma_start3A_159 = tpu.memref_slice %arg5[%select_n3A_118, %mul3A_158] : memref<50x512xi32, #tpu.memory_space<vmem>> -> memref<1x128xi32, #tpu.memory_space<vmem>>
        %dma_start3A_160 = tpu.memref_squeeze %dma_start3A_159 : memref<1x128xi32, #tpu.memory_space<vmem>> -> memref<128xi32, #tpu.memory_space<vmem>>
        %dma_start3A_161 = arith.constant 0 : i32
        %dma_start3A_162 = arith.constant 0 : i32
        %dma_start3A_163 = tpu.memref_slice %arg2[%dma_start3A_161, %dma_start3A_162] : memref<1000064x64xf32, #tpu.memory_space<hbm>> -> memref<1000064x64xf32, #tpu.memory_space<hbm>>
        tpu.enqueue_indirect_dma source(%dma_start3A_163 : memref<1000064x64xf32, #tpu.memory_space<hbm>>) target(%arg6 : memref<128x64xf32, #tpu.memory_space<vmem>>) offsets(%dma_start3A_160 : memref<128xi32, #tpu.memory_space<vmem>>) semaphore(%arg11 : memref<!tpu.dma_semaphore, #tpu.memory_space<semaphore_mem>>)
      } else {
      }
      %dma_wait3A_128 = arith.constant 0 : i32
      %dma_wait3A_129 = arith.constant 0 : i32
      %dma_wait3A_130 = tpu.memref_slice %arg5[%dma_wait3A_128, %dma_wait3A_129] : memref<50x512xi32, #tpu.memory_space<vmem>> -> memref<1x128xi32, #tpu.memory_space<vmem>>
      %dma_wait3A_131 = tpu.memref_squeeze %dma_wait3A_130 : memref<1x128xi32, #tpu.memory_space<vmem>> -> memref<128xi32, #tpu.memory_space<vmem>>
      %dma_wait3A_132 = arith.constant 0 : i32
      %dma_wait3A_133 = arith.constant 0 : i32
      %dma_wait3A_134 = tpu.memref_slice %arg2[%dma_wait3A_132, %dma_wait3A_133] : memref<1000064x64xf32, #tpu.memory_space<hbm>> -> memref<1000064x64xf32, #tpu.memory_space<hbm>>
      tpu.wait_indirect_dma semaphore(%arg12 : memref<!tpu.dma_semaphore, #tpu.memory_space<semaphore_mem>>) src(%dma_wait3A_134 : memref<1000064x64xf32, #tpu.memory_space<hbm>>) dst(%arg7 : memref<128x64xf32, #tpu.memory_space<vmem>>)
      %ge3A_135 = arith.constant 2 : i32
      %ge3A_136 = arith.cmpi sge, %add3A_112, %ge3A_135 : i32
      %convert_element_type3A_137 = arith.extui %ge3A_136 : i1 to i32
      %cond3A_138 = arith.constant 0 : i32
      %cond3A_139 = arith.cmpi ne, %convert_element_type3A_137, %cond3A_138 : i32
      scf.if %cond3A_139 {
        %dma_wait3A_157 = arith.constant 0 : i32
        %dma_wait3A_158 = arith.constant 0 : i32
        %dma_wait3A_159 = arith.constant 0 : i32
        %dma_wait3A_160 = tpu.memref_slice %arg4[%dma_wait3A_158, %dma_wait3A_157, %dma_wait3A_159] : memref<400x128x1024xf32, #tpu.memory_space<hbm>> -> memref<8x1x1024xf32, #tpu.memory_space<hbm>>
        %dma_wait3A_161 = tpu.memref_squeeze %dma_wait3A_160 : memref<8x1x1024xf32, #tpu.memory_space<hbm>> -> memref<8x1024xf32, #tpu.memory_space<hbm>>
        %dma_wait3A_162 = arith.constant 0 : i32
        %dma_wait3A_163 = arith.constant 0 : i32
        %dma_wait3A_164 = tpu.memref_slice %arg4[%dma_wait3A_162, %dma_wait3A_157, %dma_wait3A_163] : memref<400x128x1024xf32, #tpu.memory_space<hbm>> -> memref<8x1x1024xf32, #tpu.memory_space<hbm>>
        %dma_wait3A_165 = tpu.memref_squeeze %dma_wait3A_164 : memref<8x1x1024xf32, #tpu.memory_space<hbm>> -> memref<8x1024xf32, #tpu.memory_space<hbm>>
        tpu.wait_dma2 semaphore(%arg14 : memref<!tpu.dma_semaphore, #tpu.memory_space<semaphore_mem>>) src(%arg9 : memref<8x1024xf32, #tpu.memory_space<vmem>>) dst(%dma_wait3A_165 : memref<8x1024xf32, #tpu.memory_space<hbm>>)
      } else {
      }
      %scan3A_140 = arith.constant 0 : i32
      %scan3A_141 = arith.constant 0 : i32
      %scan3A_142 = arith.constant 16 : i32
      %scan3A_143 = arith.addi %scan3A_141, %scan3A_142 : i32
      %scan3A_144 = arith.constant 4 : i32
      scf.for %scan3A_157 = %scan3A_141 to %scan3A_143 step %scan3A_144  : i32 {
        %add3A_158 = vector.broadcast %scan3A_157 : i32 to vector<16xi32>
        %add3A_159 = arith.addi %iota3A, %add3A_158 : vector<16xi32>
        %and3A = arith.constant 15 : i32
        %and3A_160 = vector.broadcast %and3A : i32 to vector<16xi32>
        %and3A_161 = arith.andi %add3A_159, %and3A_160 : vector<16xi32>
        %shift_right_logical3A = arith.constant 3 : i32
        %shift_right_logical3A_162 = vector.broadcast %shift_right_logical3A : i32 to vector<16xi32>
        %shift_right_logical3A_163 = arith.shrui %and3A_161, %shift_right_logical3A_162 : vector<16xi32>
        %and3A_164 = arith.constant 7 : i32
        %and3A_165 = vector.broadcast %and3A_164 : i32 to vector<16xi32>
        %and3A_166 = arith.andi %and3A_161, %and3A_165 : vector<16xi32>
        %mul3A_167 = arith.constant 128 : i32
        %mul3A_168 = vector.broadcast %mul3A_167 : i32 to vector<16xi32>
        %mul3A_169 = arith.muli %and3A_166, %mul3A_168 : vector<16xi32>
        %add3A_170 = arith.addi %mul3A_169, %add3A_3 : vector<16xi32>
        %add3A_171 = arith.addi %mul3A_169, %add3A_6 : vector<16xi32>
        %add3A_172 = arith.addi %mul3A_169, %add3A_9 : vector<16xi32>
        %add3A_173 = arith.addi %mul3A_169, %add3A_12 : vector<16xi32>
        %add3A_174 = arith.addi %mul3A_169, %add3A_15 : vector<16xi32>
        %add3A_175 = arith.addi %mul3A_169, %add3A_18 : vector<16xi32>
        %add3A_176 = arith.addi %mul3A_169, %add3A_21 : vector<16xi32>
        %add3A_177 = arith.addi %mul3A_169, %add3A_24 : vector<16xi32>
        %add3A_178 = arith.constant 0 : i32
        %add3A_179 = vector.broadcast %add3A_178 : i32 to vector<16xi32>
        %add3A_180 = arith.addi %and3A_161, %add3A_179 : vector<16xi32>
        %add3A_181 = arith.constant 0 : i32
        %add3A_182 = vector.broadcast %add3A_181 : i32 to vector<16xi32>
        %add3A_183 = arith.addi %shift_right_logical3A_163, %add3A_182 : vector<16xi32>
        %gather3A = tpu.vector_load_idx %arg7[%add3A_3, %add3A_180] : memref<128x64xf32, #tpu.memory_space<vmem>>[vector<16xi32>, vector<16xi32>], vector<16xf32>,
        %gather3A_184 = tpu.vector_load_idx %arg7[%add3A_6, %add3A_180] : memref<128x64xf32, #tpu.memory_space<vmem>>[vector<16xi32>, vector<16xi32>], vector<16xf32>,
        %gather3A_185 = tpu.vector_load_idx %arg7[%add3A_9, %add3A_180] : memref<128x64xf32, #tpu.memory_space<vmem>>[vector<16xi32>, vector<16xi32>], vector<16xf32>,
        %gather3A_186 = tpu.vector_load_idx %arg7[%add3A_12, %add3A_180] : memref<128x64xf32, #tpu.memory_space<vmem>>[vector<16xi32>, vector<16xi32>], vector<16xf32>,
        %gather3A_187 = tpu.vector_load_idx %arg7[%add3A_15, %add3A_180] : memref<128x64xf32, #tpu.memory_space<vmem>>[vector<16xi32>, vector<16xi32>], vector<16xf32>,
        %gather3A_188 = tpu.vector_load_idx %arg7[%add3A_18, %add3A_180] : memref<128x64xf32, #tpu.memory_space<vmem>>[vector<16xi32>, vector<16xi32>], vector<16xf32>,
        %gather3A_189 = tpu.vector_load_idx %arg7[%add3A_21, %add3A_180] : memref<128x64xf32, #tpu.memory_space<vmem>>[vector<16xi32>, vector<16xi32>], vector<16xf32>,
        %gather3A_190 = tpu.vector_load_idx %arg7[%add3A_24, %add3A_180] : memref<128x64xf32, #tpu.memory_space<vmem>>[vector<16xi32>, vector<16xi32>], vector<16xf32>,
        tpu.vector_store_idx %arg9[%add3A_183, %add3A_170], %gather3A : memref<8x1024xf32, #tpu.memory_space<vmem>>[vector<16xi32>, vector<16xi32>], vector<16xf32>,
        tpu.vector_store_idx %arg9[%add3A_183, %add3A_171], %gather3A_184 : memref<8x1024xf32, #tpu.memory_space<vmem>>[vector<16xi32>, vector<16xi32>], vector<16xf32>,
        tpu.vector_store_idx %arg9[%add3A_183, %add3A_172], %gather3A_185 : memref<8x1024xf32, #tpu.memory_space<vmem>>[vector<16xi32>, vector<16xi32>], vector<16xf32>,
        tpu.vector_store_idx %arg9[%add3A_183, %add3A_173], %gather3A_186 : memref<8x1024xf32, #tpu.memory_space<vmem>>[vector<16xi32>, vector<16xi32>], vector<16xf32>,
        tpu.vector_store_idx %arg9[%add3A_183, %add3A_174], %gather3A_187 : memref<8x1024xf32, #tpu.memory_space<vmem>>[vector<16xi32>, vector<16xi32>], vector<16xf32>,
        tpu.vector_store_idx %arg9[%add3A_183, %add3A_175], %gather3A_188 : memref<8x1024xf32, #tpu.memory_space<vmem>>[vector<16xi32>, vector<16xi32>], vector<16xf32>,
        tpu.vector_store_idx %arg9[%add3A_183, %add3A_176], %gather3A_189 : memref<8x1024xf32, #tpu.memory_space<vmem>>[vector<16xi32>, vector<16xi32>], vector<16xf32>,
        tpu.vector_store_idx %arg9[%add3A_183, %add3A_177], %gather3A_190 : memref<8x1024xf32, #tpu.memory_space<vmem>>[vector<16xi32>, vector<16xi32>], vector<16xf32>,
        %add3A_191 = arith.constant 16 : i32
        %add3A_192 = vector.broadcast %add3A_191 : i32 to vector<16xi32>
        %add3A_193 = arith.addi %and3A_161, %add3A_192 : vector<16xi32>
        %add3A_194 = arith.constant 2 : i32
        %add3A_195 = vector.broadcast %add3A_194 : i32 to vector<16xi32>
        %add3A_196 = arith.addi %shift_right_logical3A_163, %add3A_195 : vector<16xi32>
        %gather3A_197 = tpu.vector_load_idx %arg7[%add3A_3, %add3A_193] : memref<128x64xf32, #tpu.memory_space<vmem>>[vector<16xi32>, vector<16xi32>], vector<16xf32>,
        %gather3A_198 = tpu.vector_load_idx %arg7[%add3A_6, %add3A_193] : memref<128x64xf32, #tpu.memory_space<vmem>>[vector<16xi32>, vector<16xi32>], vector<16xf32>,
        %gather3A_199 = tpu.vector_load_idx %arg7[%add3A_9, %add3A_193] : memref<128x64xf32, #tpu.memory_space<vmem>>[vector<16xi32>, vector<16xi32>], vector<16xf32>,
        %gather3A_200 = tpu.vector_load_idx %arg7[%add3A_12, %add3A_193] : memref<128x64xf32, #tpu.memory_space<vmem>>[vector<16xi32>, vector<16xi32>], vector<16xf32>,
        %gather3A_201 = tpu.vector_load_idx %arg7[%add3A_15, %add3A_193] : memref<128x64xf32, #tpu.memory_space<vmem>>[vector<16xi32>, vector<16xi32>], vector<16xf32>,
        %gather3A_202 = tpu.vector_load_idx %arg7[%add3A_18, %add3A_193] : memref<128x64xf32, #tpu.memory_space<vmem>>[vector<16xi32>, vector<16xi32>], vector<16xf32>,
        %gather3A_203 = tpu.vector_load_idx %arg7[%add3A_21, %add3A_193] : memref<128x64xf32, #tpu.memory_space<vmem>>[vector<16xi32>, vector<16xi32>], vector<16xf32>,
        %gather3A_204 = tpu.vector_load_idx %arg7[%add3A_24, %add3A_193] : memref<128x64xf32, #tpu.memory_space<vmem>>[vector<16xi32>, vector<16xi32>], vector<16xf32>,
        tpu.vector_store_idx %arg9[%add3A_196, %add3A_170], %gather3A_197 : memref<8x1024xf32, #tpu.memory_space<vmem>>[vector<16xi32>, vector<16xi32>], vector<16xf32>,
        tpu.vector_store_idx %arg9[%add3A_196, %add3A_171], %gather3A_198 : memref<8x1024xf32, #tpu.memory_space<vmem>>[vector<16xi32>, vector<16xi32>], vector<16xf32>,
        tpu.vector_store_idx %arg9[%add3A_196, %add3A_172], %gather3A_199 : memref<8x1024xf32, #tpu.memory_space<vmem>>[vector<16xi32>, vector<16xi32>], vector<16xf32>,
        tpu.vector_store_idx %arg9[%add3A_196, %add3A_173], %gather3A_200 : memref<8x1024xf32, #tpu.memory_space<vmem>>[vector<16xi32>, vector<16xi32>], vector<16xf32>,
        tpu.vector_store_idx %arg9[%add3A_196, %add3A_174], %gather3A_201 : memref<8x1024xf32, #tpu.memory_space<vmem>>[vector<16xi32>, vector<16xi32>], vector<16xf32>,
        tpu.vector_store_idx %arg9[%add3A_196, %add3A_175], %gather3A_202 : memref<8x1024xf32, #tpu.memory_space<vmem>>[vector<16xi32>, vector<16xi32>], vector<16xf32>,
        tpu.vector_store_idx %arg9[%add3A_196, %add3A_176], %gather3A_203 : memref<8x1024xf32, #tpu.memory_space<vmem>>[vector<16xi32>, vector<16xi32>], vector<16xf32>,
        tpu.vector_store_idx %arg9[%add3A_196, %add3A_177], %gather3A_204 : memref<8x1024xf32, #tpu.memory_space<vmem>>[vector<16xi32>, vector<16xi32>], vector<16xf32>,
        %add3A_205 = arith.constant 32 : i32
        %add3A_206 = vector.broadcast %add3A_205 : i32 to vector<16xi32>
        %add3A_207 = arith.addi %and3A_161, %add3A_206 : vector<16xi32>
        %add3A_208 = arith.constant 4 : i32
        %add3A_209 = vector.broadcast %add3A_208 : i32 to vector<16xi32>
        %add3A_210 = arith.addi %shift_right_logical3A_163, %add3A_209 : vector<16xi32>
        %gather3A_211 = tpu.vector_load_idx %arg7[%add3A_3, %add3A_207] : memref<128x64xf32, #tpu.memory_space<vmem>>[vector<16xi32>, vector<16xi32>], vector<16xf32>,
        %gather3A_212 = tpu.vector_load_idx %arg7[%add3A_6, %add3A_207] : memref<128x64xf32, #tpu.memory_space<vmem>>[vector<16xi32>, vector<16xi32>], vector<16xf32>,
        %gather3A_213 = tpu.vector_load_idx %arg7[%add3A_9, %add3A_207] : memref<128x64xf32, #tpu.memory_space<vmem>>[vector<16xi32>, vector<16xi32>], vector<16xf32>,
        %gather3A_214 = tpu.vector_load_idx %arg7[%add3A_12, %add3A_207] : memref<128x64xf32, #tpu.memory_space<vmem>>[vector<16xi32>, vector<16xi32>], vector<16xf32>,
        %gather3A_215 = tpu.vector_load_idx %arg7[%add3A_15, %add3A_207] : memref<128x64xf32, #tpu.memory_space<vmem>>[vector<16xi32>, vector<16xi32>], vector<16xf32>,
        %gather3A_216 = tpu.vector_load_idx %arg7[%add3A_18, %add3A_207] : memref<128x64xf32, #tpu.memory_space<vmem>>[vector<16xi32>, vector<16xi32>], vector<16xf32>,
        %gather3A_217 = tpu.vector_load_idx %arg7[%add3A_21, %add3A_207] : memref<128x64xf32, #tpu.memory_space<vmem>>[vector<16xi32>, vector<16xi32>], vector<16xf32>,
        %gather3A_218 = tpu.vector_load_idx %arg7[%add3A_24, %add3A_207] : memref<128x64xf32, #tpu.memory_space<vmem>>[vector<16xi32>, vector<16xi32>], vector<16xf32>,
        tpu.vector_store_idx %arg9[%add3A_210, %add3A_170], %gather3A_211 : memref<8x1024xf32, #tpu.memory_space<vmem>>[vector<16xi32>, vector<16xi32>], vector<16xf32>,
        tpu.vector_store_idx %arg9[%add3A_210, %add3A_171], %gather3A_212 : memref<8x1024xf32, #tpu.memory_space<vmem>>[vector<16xi32>, vector<16xi32>], vector<16xf32>,
        tpu.vector_store_idx %arg9[%add3A_210, %add3A_172], %gather3A_213 : memref<8x1024xf32, #tpu.memory_space<vmem>>[vector<16xi32>, vector<16xi32>], vector<16xf32>,
        tpu.vector_store_idx %arg9[%add3A_210, %add3A_173], %gather3A_214 : memref<8x1024xf32, #tpu.memory_space<vmem>>[vector<16xi32>, vector<16xi32>], vector<16xf32>,
        tpu.vector_store_idx %arg9[%add3A_210, %add3A_174], %gather3A_215 : memref<8x1024xf32, #tpu.memory_space<vmem>>[vector<16xi32>, vector<16xi32>], vector<16xf32>,
        tpu.vector_store_idx %arg9[%add3A_210, %add3A_175], %gather3A_216 : memref<8x1024xf32, #tpu.memory_space<vmem>>[vector<16xi32>, vector<16xi32>], vector<16xf32>,
        tpu.vector_store_idx %arg9[%add3A_210, %add3A_176], %gather3A_217 : memref<8x1024xf32, #tpu.memory_space<vmem>>[vector<16xi32>, vector<16xi32>], vector<16xf32>,
        tpu.vector_store_idx %arg9[%add3A_210, %add3A_177], %gather3A_218 : memref<8x1024xf32, #tpu.memory_space<vmem>>[vector<16xi32>, vector<16xi32>], vector<16xf32>,
        %add3A_219 = arith.constant 48 : i32
        %add3A_220 = vector.broadcast %add3A_219 : i32 to vector<16xi32>
        %add3A_221 = arith.addi %and3A_161, %add3A_220 : vector<16xi32>
        %add3A_222 = arith.constant 6 : i32
        %add3A_223 = vector.broadcast %add3A_222 : i32 to vector<16xi32>
        %add3A_224 = arith.addi %shift_right_logical3A_163, %add3A_223 : vector<16xi32>
        %gather3A_225 = tpu.vector_load_idx %arg7[%add3A_3, %add3A_221] : memref<128x64xf32, #tpu.memory_space<vmem>>[vector<16xi32>, vector<16xi32>], vector<16xf32>,
        %gather3A_226 = tpu.vector_load_idx %arg7[%add3A_6, %add3A_221] : memref<128x64xf32, #tpu.memory_space<vmem>>[vector<16xi32>, vector<16xi32>], vector<16xf32>,
        %gather3A_227 = tpu.vector_load_idx %arg7[%add3A_9, %add3A_221] : memref<128x64xf32, #tpu.memory_space<vmem>>[vector<16xi32>, vector<16xi32>], vector<16xf32>,
        %gather3A_228 = tpu.vector_load_idx %arg7[%add3A_12, %add3A_221] : memref<128x64xf32, #tpu.memory_space<vmem>>[vector<16xi32>, vector<16xi32>], vector<16xf32>,
        %gather3A_229 = tpu.vector_load_idx %arg7[%add3A_15, %add3A_221] : memref<128x64xf32, #tpu.memory_space<vmem>>[vector<16xi32>, vector<16xi32>], vector<16xf32>,
        %gather3A_230 = tpu.vector_load_idx %arg7[%add3A_18, %add3A_221] : memref<128x64xf32, #tpu.memory_space<vmem>>[vector<16xi32>, vector<16xi32>], vector<16xf32>,
        %gather3A_231 = tpu.vector_load_idx %arg7[%add3A_21, %add3A_221] : memref<128x64xf32, #tpu.memory_space<vmem>>[vector<16xi32>, vector<16xi32>], vector<16xf32>,
        %gather3A_232 = tpu.vector_load_idx %arg7[%add3A_24, %add3A_221] : memref<128x64xf32, #tpu.memory_space<vmem>>[vector<16xi32>, vector<16xi32>], vector<16xf32>,
        tpu.vector_store_idx %arg9[%add3A_224, %add3A_170], %gather3A_225 : memref<8x1024xf32, #tpu.memory_space<vmem>>[vector<16xi32>, vector<16xi32>], vector<16xf32>,
        tpu.vector_store_idx %arg9[%add3A_224, %add3A_171], %gather3A_226 : memref<8x1024xf32, #tpu.memory_space<vmem>>[vector<16xi32>, vector<16xi32>], vector<16xf32>,
        tpu.vector_store_idx %arg9[%add3A_224, %add3A_172], %gather3A_227 : memref<8x1024xf32, #tpu.memory_space<vmem>>[vector<16xi32>, vector<16xi32>], vector<16xf32>,
        tpu.vector_store_idx %arg9[%add3A_224, %add3A_173], %gather3A_228 : memref<8x1024xf32, #tpu.memory_space<vmem>>[vector<16xi32>, vector<16xi32>], vector<16xf32>,
        tpu.vector_store_idx %arg9[%add3A_224, %add3A_174], %gather3A_229 : memref<8x1024xf32, #tpu.memory_space<vmem>>[vector<16xi32>, vector<16xi32>], vector<16xf32>,
        tpu.vector_store_idx %arg9[%add3A_224, %add3A_175], %gather3A_230 : memref<8x1024xf32, #tpu.memory_space<vmem>>[vector<16xi32>, vector<16xi32>], vector<16xf32>,
        tpu.vector_store_idx %arg9[%add3A_224, %add3A_176], %gather3A_231 : memref<8x1024xf32, #tpu.memory_space<vmem>>[vector<16xi32>, vector<16xi32>], vector<16xf32>,
        tpu.vector_store_idx %arg9[%add3A_224, %add3A_177], %gather3A_232 : memref<8x1024xf32, #tpu.memory_space<vmem>>[vector<16xi32>, vector<16xi32>], vector<16xf32>,
        %scan3A_233 = arith.constant 1 : i32
        %scan3A_234 = arith.addi %scan3A_157, %scan3A_233 : i32
        %add3A_235 = vector.broadcast %scan3A_234 : i32 to vector<16xi32>
        %add3A_236 = arith.addi %iota3A, %add3A_235 : vector<16xi32>
        %and3A_237 = arith.constant 15 : i32
        %and3A_238 = vector.broadcast %and3A_237 : i32 to vector<16xi32>
        %and3A_239 = arith.andi %add3A_236, %and3A_238 : vector<16xi32>
        %shift_right_logical3A_240 = arith.constant 3 : i32
        %shift_right_logical3A_241 = vector.broadcast %shift_right_logical3A_240 : i32 to vector<16xi32>
        %shift_right_logical3A_242 = arith.shrui %and3A_239, %shift_right_logical3A_241 : vector<16xi32>
        %and3A_243 = arith.constant 7 : i32
        %and3A_244 = vector.broadcast %and3A_243 : i32 to vector<16xi32>
        %and3A_245 = arith.andi %and3A_239, %and3A_244 : vector<16xi32>
        %mul3A_246 = arith.constant 128 : i32
        %mul3A_247 = vector.broadcast %mul3A_246 : i32 to vector<16xi32>
        %mul3A_248 = arith.muli %and3A_245, %mul3A_247 : vector<16xi32>
        %add3A_249 = arith.addi %mul3A_248, %add3A_3 : vector<16xi32>
        %add3A_250 = arith.addi %mul3A_248, %add3A_6 : vector<16xi32>
        %add3A_251 = arith.addi %mul3A_248, %add3A_9 : vector<16xi32>
        %add3A_252 = arith.addi %mul3A_248, %add3A_12 : vector<16xi32>
        %add3A_253 = arith.addi %mul3A_248, %add3A_15 : vector<16xi32>
        %add3A_254 = arith.addi %mul3A_248, %add3A_18 : vector<16xi32>
        %add3A_255 = arith.addi %mul3A_248, %add3A_21 : vector<16xi32>
        %add3A_256 = arith.addi %mul3A_248, %add3A_24 : vector<16xi32>
        %add3A_257 = arith.constant 0 : i32
        %add3A_258 = vector.broadcast %add3A_257 : i32 to vector<16xi32>
        %add3A_259 = arith.addi %and3A_239, %add3A_258 : vector<16xi32>
        %add3A_260 = arith.constant 0 : i32
        %add3A_261 = vector.broadcast %add3A_260 : i32 to vector<16xi32>
        %add3A_262 = arith.addi %shift_right_logical3A_242, %add3A_261 : vector<16xi32>
        %gather3A_263 = tpu.vector_load_idx %arg7[%add3A_3, %add3A_259] : memref<128x64xf32, #tpu.memory_space<vmem>>[vector<16xi32>, vector<16xi32>], vector<16xf32>,
        %gather3A_264 = tpu.vector_load_idx %arg7[%add3A_6, %add3A_259] : memref<128x64xf32, #tpu.memory_space<vmem>>[vector<16xi32>, vector<16xi32>], vector<16xf32>,
        %gather3A_265 = tpu.vector_load_idx %arg7[%add3A_9, %add3A_259] : memref<128x64xf32, #tpu.memory_space<vmem>>[vector<16xi32>, vector<16xi32>], vector<16xf32>,
        %gather3A_266 = tpu.vector_load_idx %arg7[%add3A_12, %add3A_259] : memref<128x64xf32, #tpu.memory_space<vmem>>[vector<16xi32>, vector<16xi32>], vector<16xf32>,
        %gather3A_267 = tpu.vector_load_idx %arg7[%add3A_15, %add3A_259] : memref<128x64xf32, #tpu.memory_space<vmem>>[vector<16xi32>, vector<16xi32>], vector<16xf32>,
        %gather3A_268 = tpu.vector_load_idx %arg7[%add3A_18, %add3A_259] : memref<128x64xf32, #tpu.memory_space<vmem>>[vector<16xi32>, vector<16xi32>], vector<16xf32>,
        %gather3A_269 = tpu.vector_load_idx %arg7[%add3A_21, %add3A_259] : memref<128x64xf32, #tpu.memory_space<vmem>>[vector<16xi32>, vector<16xi32>], vector<16xf32>,
        %gather3A_270 = tpu.vector_load_idx %arg7[%add3A_24, %add3A_259] : memref<128x64xf32, #tpu.memory_space<vmem>>[vector<16xi32>, vector<16xi32>], vector<16xf32>,
        tpu.vector_store_idx %arg9[%add3A_262, %add3A_249], %gather3A_263 : memref<8x1024xf32, #tpu.memory_space<vmem>>[vector<16xi32>, vector<16xi32>], vector<16xf32>,
        tpu.vector_store_idx %arg9[%add3A_262, %add3A_250], %gather3A_264 : memref<8x1024xf32, #tpu.memory_space<vmem>>[vector<16xi32>, vector<16xi32>], vector<16xf32>,
        tpu.vector_store_idx %arg9[%add3A_262, %add3A_251], %gather3A_265 : memref<8x1024xf32, #tpu.memory_space<vmem>>[vector<16xi32>, vector<16xi32>], vector<16xf32>,
        tpu.vector_store_idx %arg9[%add3A_262, %add3A_252], %gather3A_266 : memref<8x1024xf32, #tpu.memory_space<vmem>>[vector<16xi32>, vector<16xi32>], vector<16xf32>,
        tpu.vector_store_idx %arg9[%add3A_262, %add3A_253], %gather3A_267 : memref<8x1024xf32, #tpu.memory_space<vmem>>[vector<16xi32>, vector<16xi32>], vector<16xf32>,
        tpu.vector_store_idx %arg9[%add3A_262, %add3A_254], %gather3A_268 : memref<8x1024xf32, #tpu.memory_space<vmem>>[vector<16xi32>, vector<16xi32>], vector<16xf32>,
        tpu.vector_store_idx %arg9[%add3A_262, %add3A_255], %gather3A_269 : memref<8x1024xf32, #tpu.memory_space<vmem>>[vector<16xi32>, vector<16xi32>], vector<16xf32>,
        tpu.vector_store_idx %arg9[%add3A_262, %add3A_256], %gather3A_270 : memref<8x1024xf32, #tpu.memory_space<vmem>>[vector<16xi32>, vector<16xi32>], vector<16xf32>,
        %add3A_271 = arith.constant 16 : i32
        %add3A_272 = vector.broadcast %add3A_271 : i32 to vector<16xi32>
        %add3A_273 = arith.addi %and3A_239, %add3A_272 : vector<16xi32>
        %add3A_274 = arith.constant 2 : i32
        %add3A_275 = vector.broadcast %add3A_274 : i32 to vector<16xi32>
        %add3A_276 = arith.addi %shift_right_logical3A_242, %add3A_275 : vector<16xi32>
        %gather3A_277 = tpu.vector_load_idx %arg7[%add3A_3, %add3A_273] : memref<128x64xf32, #tpu.memory_space<vmem>>[vector<16xi32>, vector<16xi32>], vector<16xf32>,
        %gather3A_278 = tpu.vector_load_idx %arg7[%add3A_6, %add3A_273] : memref<128x64xf32, #tpu.memory_space<vmem>>[vector<16xi32>, vector<16xi32>], vector<16xf32>,
        %gather3A_279 = tpu.vector_load_idx %arg7[%add3A_9, %add3A_273] : memref<128x64xf32, #tpu.memory_space<vmem>>[vector<16xi32>, vector<16xi32>], vector<16xf32>,
        %gather3A_280 = tpu.vector_load_idx %arg7[%add3A_12, %add3A_273] : memref<128x64xf32, #tpu.memory_space<vmem>>[vector<16xi32>, vector<16xi32>], vector<16xf32>,
        %gather3A_281 = tpu.vector_load_idx %arg7[%add3A_15, %add3A_273] : memref<128x64xf32, #tpu.memory_space<vmem>>[vector<16xi32>, vector<16xi32>], vector<16xf32>,
        %gather3A_282 = tpu.vector_load_idx %arg7[%add3A_18, %add3A_273] : memref<128x64xf32, #tpu.memory_space<vmem>>[vector<16xi32>, vector<16xi32>], vector<16xf32>,
        %gather3A_283 = tpu.vector_load_idx %arg7[%add3A_21, %add3A_273] : memref<128x64xf32, #tpu.memory_space<vmem>>[vector<16xi32>, vector<16xi32>], vector<16xf32>,
        %gather3A_284 = tpu.vector_load_idx %arg7[%add3A_24, %add3A_273] : memref<128x64xf32, #tpu.memory_space<vmem>>[vector<16xi32>, vector<16xi32>], vector<16xf32>,
        tpu.vector_store_idx %arg9[%add3A_276, %add3A_249], %gather3A_277 : memref<8x1024xf32, #tpu.memory_space<vmem>>[vector<16xi32>, vector<16xi32>], vector<16xf32>,
        tpu.vector_store_idx %arg9[%add3A_276, %add3A_250], %gather3A_278 : memref<8x1024xf32, #tpu.memory_space<vmem>>[vector<16xi32>, vector<16xi32>], vector<16xf32>,
        tpu.vector_store_idx %arg9[%add3A_276, %add3A_251], %gather3A_279 : memref<8x1024xf32, #tpu.memory_space<vmem>>[vector<16xi32>, vector<16xi32>], vector<16xf32>,
        tpu.vector_store_idx %arg9[%add3A_276, %add3A_252], %gather3A_280 : memref<8x1024xf32, #tpu.memory_space<vmem>>[vector<16xi32>, vector<16xi32>], vector<16xf32>,
        tpu.vector_store_idx %arg9[%add3A_276, %add3A_253], %gather3A_281 : memref<8x1024xf32, #tpu.memory_space<vmem>>[vector<16xi32>, vector<16xi32>], vector<16xf32>,
        tpu.vector_store_idx %arg9[%add3A_276, %add3A_254], %gather3A_282 : memref<8x1024xf32, #tpu.memory_space<vmem>>[vector<16xi32>, vector<16xi32>], vector<16xf32>,
        tpu.vector_store_idx %arg9[%add3A_276, %add3A_255], %gather3A_283 : memref<8x1024xf32, #tpu.memory_space<vmem>>[vector<16xi32>, vector<16xi32>], vector<16xf32>,
        tpu.vector_store_idx %arg9[%add3A_276, %add3A_256], %gather3A_284 : memref<8x1024xf32, #tpu.memory_space<vmem>>[vector<16xi32>, vector<16xi32>], vector<16xf32>,
        %add3A_285 = arith.constant 32 : i32
        %add3A_286 = vector.broadcast %add3A_285 : i32 to vector<16xi32>
        %add3A_287 = arith.addi %and3A_239, %add3A_286 : vector<16xi32>
        %add3A_288 = arith.constant 4 : i32
        %add3A_289 = vector.broadcast %add3A_288 : i32 to vector<16xi32>
        %add3A_290 = arith.addi %shift_right_logical3A_242, %add3A_289 : vector<16xi32>
        %gather3A_291 = tpu.vector_load_idx %arg7[%add3A_3, %add3A_287] : memref<128x64xf32, #tpu.memory_space<vmem>>[vector<16xi32>, vector<16xi32>], vector<16xf32>,
        %gather3A_292 = tpu.vector_load_idx %arg7[%add3A_6, %add3A_287] : memref<128x64xf32, #tpu.memory_space<vmem>>[vector<16xi32>, vector<16xi32>], vector<16xf32>,
        %gather3A_293 = tpu.vector_load_idx %arg7[%add3A_9, %add3A_287] : memref<128x64xf32, #tpu.memory_space<vmem>>[vector<16xi32>, vector<16xi32>], vector<16xf32>,
        %gather3A_294 = tpu.vector_load_idx %arg7[%add3A_12, %add3A_287] : memref<128x64xf32, #tpu.memory_space<vmem>>[vector<16xi32>, vector<16xi32>], vector<16xf32>,
        %gather3A_295 = tpu.vector_load_idx %arg7[%add3A_15, %add3A_287] : memref<128x64xf32, #tpu.memory_space<vmem>>[vector<16xi32>, vector<16xi32>], vector<16xf32>,
        %gather3A_296 = tpu.vector_load_idx %arg7[%add3A_18, %add3A_287] : memref<128x64xf32, #tpu.memory_space<vmem>>[vector<16xi32>, vector<16xi32>], vector<16xf32>,
        %gather3A_297 = tpu.vector_load_idx %arg7[%add3A_21, %add3A_287] : memref<128x64xf32, #tpu.memory_space<vmem>>[vector<16xi32>, vector<16xi32>], vector<16xf32>,
        %gather3A_298 = tpu.vector_load_idx %arg7[%add3A_24, %add3A_287] : memref<128x64xf32, #tpu.memory_space<vmem>>[vector<16xi32>, vector<16xi32>], vector<16xf32>,
        tpu.vector_store_idx %arg9[%add3A_290, %add3A_249], %gather3A_291 : memref<8x1024xf32, #tpu.memory_space<vmem>>[vector<16xi32>, vector<16xi32>], vector<16xf32>,
        tpu.vector_store_idx %arg9[%add3A_290, %add3A_250], %gather3A_292 : memref<8x1024xf32, #tpu.memory_space<vmem>>[vector<16xi32>, vector<16xi32>], vector<16xf32>,
        tpu.vector_store_idx %arg9[%add3A_290, %add3A_251], %gather3A_293 : memref<8x1024xf32, #tpu.memory_space<vmem>>[vector<16xi32>, vector<16xi32>], vector<16xf32>,
        tpu.vector_store_idx %arg9[%add3A_290, %add3A_252], %gather3A_294 : memref<8x1024xf32, #tpu.memory_space<vmem>>[vector<16xi32>, vector<16xi32>], vector<16xf32>,
        tpu.vector_store_idx %arg9[%add3A_290, %add3A_253], %gather3A_295 : memref<8x1024xf32, #tpu.memory_space<vmem>>[vector<16xi32>, vector<16xi32>], vector<16xf32>,
        tpu.vector_store_idx %arg9[%add3A_290, %add3A_254], %gather3A_296 : memref<8x1024xf32, #tpu.memory_space<vmem>>[vector<16xi32>, vector<16xi32>], vector<16xf32>,
        tpu.vector_store_idx %arg9[%add3A_290, %add3A_255], %gather3A_297 : memref<8x1024xf32, #tpu.memory_space<vmem>>[vector<16xi32>, vector<16xi32>], vector<16xf32>,
        tpu.vector_store_idx %arg9[%add3A_290, %add3A_256], %gather3A_298 : memref<8x1024xf32, #tpu.memory_space<vmem>>[vector<16xi32>, vector<16xi32>], vector<16xf32>,
        %add3A_299 = arith.constant 48 : i32
        %add3A_300 = vector.broadcast %add3A_299 : i32 to vector<16xi32>
        %add3A_301 = arith.addi %and3A_239, %add3A_300 : vector<16xi32>
        %add3A_302 = arith.constant 6 : i32
        %add3A_303 = vector.broadcast %add3A_302 : i32 to vector<16xi32>
        %add3A_304 = arith.addi %shift_right_logical3A_242, %add3A_303 : vector<16xi32>
        %gather3A_305 = tpu.vector_load_idx %arg7[%add3A_3, %add3A_301] : memref<128x64xf32, #tpu.memory_space<vmem>>[vector<16xi32>, vector<16xi32>], vector<16xf32>,
        %gather3A_306 = tpu.vector_load_idx %arg7[%add3A_6, %add3A_301] : memref<128x64xf32, #tpu.memory_space<vmem>>[vector<16xi32>, vector<16xi32>], vector<16xf32>,
        %gather3A_307 = tpu.vector_load_idx %arg7[%add3A_9, %add3A_301] : memref<128x64xf32, #tpu.memory_space<vmem>>[vector<16xi32>, vector<16xi32>], vector<16xf32>,
        %gather3A_308 = tpu.vector_load_idx %arg7[%add3A_12, %add3A_301] : memref<128x64xf32, #tpu.memory_space<vmem>>[vector<16xi32>, vector<16xi32>], vector<16xf32>,
        %gather3A_309 = tpu.vector_load_idx %arg7[%add3A_15, %add3A_301] : memref<128x64xf32, #tpu.memory_space<vmem>>[vector<16xi32>, vector<16xi32>], vector<16xf32>,
        %gather3A_310 = tpu.vector_load_idx %arg7[%add3A_18, %add3A_301] : memref<128x64xf32, #tpu.memory_space<vmem>>[vector<16xi32>, vector<16xi32>], vector<16xf32>,
        %gather3A_311 = tpu.vector_load_idx %arg7[%add3A_21, %add3A_301] : memref<128x64xf32, #tpu.memory_space<vmem>>[vector<16xi32>, vector<16xi32>], vector<16xf32>,
        %gather3A_312 = tpu.vector_load_idx %arg7[%add3A_24, %add3A_301] : memref<128x64xf32, #tpu.memory_space<vmem>>[vector<16xi32>, vector<16xi32>], vector<16xf32>,
        tpu.vector_store_idx %arg9[%add3A_304, %add3A_249], %gather3A_305 : memref<8x1024xf32, #tpu.memory_space<vmem>>[vector<16xi32>, vector<16xi32>], vector<16xf32>,
        tpu.vector_store_idx %arg9[%add3A_304, %add3A_250], %gather3A_306 : memref<8x1024xf32, #tpu.memory_space<vmem>>[vector<16xi32>, vector<16xi32>], vector<16xf32>,
        tpu.vector_store_idx %arg9[%add3A_304, %add3A_251], %gather3A_307 : memref<8x1024xf32, #tpu.memory_space<vmem>>[vector<16xi32>, vector<16xi32>], vector<16xf32>,
        tpu.vector_store_idx %arg9[%add3A_304, %add3A_252], %gather3A_308 : memref<8x1024xf32, #tpu.memory_space<vmem>>[vector<16xi32>, vector<16xi32>], vector<16xf32>,
        tpu.vector_store_idx %arg9[%add3A_304, %add3A_253], %gather3A_309 : memref<8x1024xf32, #tpu.memory_space<vmem>>[vector<16xi32>, vector<16xi32>], vector<16xf32>,
        tpu.vector_store_idx %arg9[%add3A_304, %add3A_254], %gather3A_310 : memref<8x1024xf32, #tpu.memory_space<vmem>>[vector<16xi32>, vector<16xi32>], vector<16xf32>,
        tpu.vector_store_idx %arg9[%add3A_304, %add3A_255], %gather3A_311 : memref<8x1024xf32, #tpu.memory_space<vmem>>[vector<16xi32>, vector<16xi32>], vector<16xf32>,
        tpu.vector_store_idx %arg9[%add3A_304, %add3A_256], %gather3A_312 : memref<8x1024xf32, #tpu.memory_space<vmem>>[vector<16xi32>, vector<16xi32>], vector<16xf32>,
        %scan3A_313 = arith.constant 2 : i32
        %scan3A_314 = arith.addi %scan3A_157, %scan3A_313 : i32
        %add3A_315 = vector.broadcast %scan3A_314 : i32 to vector<16xi32>
        %add3A_316 = arith.addi %iota3A, %add3A_315 : vector<16xi32>
        %and3A_317 = arith.constant 15 : i32
        %and3A_318 = vector.broadcast %and3A_317 : i32 to vector<16xi32>
        %and3A_319 = arith.andi %add3A_316, %and3A_318 : vector<16xi32>
        %shift_right_logical3A_320 = arith.constant 3 : i32
        %shift_right_logical3A_321 = vector.broadcast %shift_right_logical3A_320 : i32 to vector<16xi32>
        %shift_right_logical3A_322 = arith.shrui %and3A_319, %shift_right_logical3A_321 : vector<16xi32>
        %and3A_323 = arith.constant 7 : i32
        %and3A_324 = vector.broadcast %and3A_323 : i32 to vector<16xi32>
        %and3A_325 = arith.andi %and3A_319, %and3A_324 : vector<16xi32>
        %mul3A_326 = arith.constant 128 : i32
        %mul3A_327 = vector.broadcast %mul3A_326 : i32 to vector<16xi32>
        %mul3A_328 = arith.muli %and3A_325, %mul3A_327 : vector<16xi32>
        %add3A_329 = arith.addi %mul3A_328, %add3A_3 : vector<16xi32>
        %add3A_330 = arith.addi %mul3A_328, %add3A_6 : vector<16xi32>
        %add3A_331 = arith.addi %mul3A_328, %add3A_9 : vector<16xi32>
        %add3A_332 = arith.addi %mul3A_328, %add3A_12 : vector<16xi32>
        %add3A_333 = arith.addi %mul3A_328, %add3A_15 : vector<16xi32>
        %add3A_334 = arith.addi %mul3A_328, %add3A_18 : vector<16xi32>
        %add3A_335 = arith.addi %mul3A_328, %add3A_21 : vector<16xi32>
        %add3A_336 = arith.addi %mul3A_328, %add3A_24 : vector<16xi32>
        %add3A_337 = arith.constant 0 : i32
        %add3A_338 = vector.broadcast %add3A_337 : i32 to vector<16xi32>
        %add3A_339 = arith.addi %and3A_319, %add3A_338 : vector<16xi32>
        %add3A_340 = arith.constant 0 : i32
        %add3A_341 = vector.broadcast %add3A_340 : i32 to vector<16xi32>
        %add3A_342 = arith.addi %shift_right_logical3A_322, %add3A_341 : vector<16xi32>
        %gather3A_343 = tpu.vector_load_idx %arg7[%add3A_3, %add3A_339] : memref<128x64xf32, #tpu.memory_space<vmem>>[vector<16xi32>, vector<16xi32>], vector<16xf32>,
        %gather3A_344 = tpu.vector_load_idx %arg7[%add3A_6, %add3A_339] : memref<128x64xf32, #tpu.memory_space<vmem>>[vector<16xi32>, vector<16xi32>], vector<16xf32>,
        %gather3A_345 = tpu.vector_load_idx %arg7[%add3A_9, %add3A_339] : memref<128x64xf32, #tpu.memory_space<vmem>>[vector<16xi32>, vector<16xi32>], vector<16xf32>,
        %gather3A_346 = tpu.vector_load_idx %arg7[%add3A_12, %add3A_339] : memref<128x64xf32, #tpu.memory_space<vmem>>[vector<16xi32>, vector<16xi32>], vector<16xf32>,
        %gather3A_347 = tpu.vector_load_idx %arg7[%add3A_15, %add3A_339] : memref<128x64xf32, #tpu.memory_space<vmem>>[vector<16xi32>, vector<16xi32>], vector<16xf32>,
        %gather3A_348 = tpu.vector_load_idx %arg7[%add3A_18, %add3A_339] : memref<128x64xf32, #tpu.memory_space<vmem>>[vector<16xi32>, vector<16xi32>], vector<16xf32>,
        %gather3A_349 = tpu.vector_load_idx %arg7[%add3A_21, %add3A_339] : memref<128x64xf32, #tpu.memory_space<vmem>>[vector<16xi32>, vector<16xi32>], vector<16xf32>,
        %gather3A_350 = tpu.vector_load_idx %arg7[%add3A_24, %add3A_339] : memref<128x64xf32, #tpu.memory_space<vmem>>[vector<16xi32>, vector<16xi32>], vector<16xf32>,
        tpu.vector_store_idx %arg9[%add3A_342, %add3A_329], %gather3A_343 : memref<8x1024xf32, #tpu.memory_space<vmem>>[vector<16xi32>, vector<16xi32>], vector<16xf32>,
        tpu.vector_store_idx %arg9[%add3A_342, %add3A_330], %gather3A_344 : memref<8x1024xf32, #tpu.memory_space<vmem>>[vector<16xi32>, vector<16xi32>], vector<16xf32>,
        tpu.vector_store_idx %arg9[%add3A_342, %add3A_331], %gather3A_345 : memref<8x1024xf32, #tpu.memory_space<vmem>>[vector<16xi32>, vector<16xi32>], vector<16xf32>,
        tpu.vector_store_idx %arg9[%add3A_342, %add3A_332], %gather3A_346 : memref<8x1024xf32, #tpu.memory_space<vmem>>[vector<16xi32>, vector<16xi32>], vector<16xf32>,
        tpu.vector_store_idx %arg9[%add3A_342, %add3A_333], %gather3A_347 : memref<8x1024xf32, #tpu.memory_space<vmem>>[vector<16xi32>, vector<16xi32>], vector<16xf32>,
        tpu.vector_store_idx %arg9[%add3A_342, %add3A_334], %gather3A_348 : memref<8x1024xf32, #tpu.memory_space<vmem>>[vector<16xi32>, vector<16xi32>], vector<16xf32>,
        tpu.vector_store_idx %arg9[%add3A_342, %add3A_335], %gather3A_349 : memref<8x1024xf32, #tpu.memory_space<vmem>>[vector<16xi32>, vector<16xi32>], vector<16xf32>,
        tpu.vector_store_idx %arg9[%add3A_342, %add3A_336], %gather3A_350 : memref<8x1024xf32, #tpu.memory_space<vmem>>[vector<16xi32>, vector<16xi32>], vector<16xf32>,
        %add3A_351 = arith.constant 16 : i32
        %add3A_352 = vector.broadcast %add3A_351 : i32 to vector<16xi32>
        %add3A_353 = arith.addi %and3A_319, %add3A_352 : vector<16xi32>
        %add3A_354 = arith.constant 2 : i32
        %add3A_355 = vector.broadcast %add3A_354 : i32 to vector<16xi32>
        %add3A_356 = arith.addi %shift_right_logical3A_322, %add3A_355 : vector<16xi32>
        %gather3A_357 = tpu.vector_load_idx %arg7[%add3A_3, %add3A_353] : memref<128x64xf32, #tpu.memory_space<vmem>>[vector<16xi32>, vector<16xi32>], vector<16xf32>,
        %gather3A_358 = tpu.vector_load_idx %arg7[%add3A_6, %add3A_353] : memref<128x64xf32, #tpu.memory_space<vmem>>[vector<16xi32>, vector<16xi32>], vector<16xf32>,
        %gather3A_359 = tpu.vector_load_idx %arg7[%add3A_9, %add3A_353] : memref<128x64xf32, #tpu.memory_space<vmem>>[vector<16xi32>, vector<16xi32>], vector<16xf32>,
        %gather3A_360 = tpu.vector_load_idx %arg7[%add3A_12, %add3A_353] : memref<128x64xf32, #tpu.memory_space<vmem>>[vector<16xi32>, vector<16xi32>], vector<16xf32>,
        %gather3A_361 = tpu.vector_load_idx %arg7[%add3A_15, %add3A_353] : memref<128x64xf32, #tpu.memory_space<vmem>>[vector<16xi32>, vector<16xi32>], vector<16xf32>,
        %gather3A_362 = tpu.vector_load_idx %arg7[%add3A_18, %add3A_353] : memref<128x64xf32, #tpu.memory_space<vmem>>[vector<16xi32>, vector<16xi32>], vector<16xf32>,
        %gather3A_363 = tpu.vector_load_idx %arg7[%add3A_21, %add3A_353] : memref<128x64xf32, #tpu.memory_space<vmem>>[vector<16xi32>, vector<16xi32>], vector<16xf32>,
        %gather3A_364 = tpu.vector_load_idx %arg7[%add3A_24, %add3A_353] : memref<128x64xf32, #tpu.memory_space<vmem>>[vector<16xi32>, vector<16xi32>], vector<16xf32>,
        tpu.vector_store_idx %arg9[%add3A_356, %add3A_329], %gather3A_357 : memref<8x1024xf32, #tpu.memory_space<vmem>>[vector<16xi32>, vector<16xi32>], vector<16xf32>,
        tpu.vector_store_idx %arg9[%add3A_356, %add3A_330], %gather3A_358 : memref<8x1024xf32, #tpu.memory_space<vmem>>[vector<16xi32>, vector<16xi32>], vector<16xf32>,
        tpu.vector_store_idx %arg9[%add3A_356, %add3A_331], %gather3A_359 : memref<8x1024xf32, #tpu.memory_space<vmem>>[vector<16xi32>, vector<16xi32>], vector<16xf32>,
        tpu.vector_store_idx %arg9[%add3A_356, %add3A_332], %gather3A_360 : memref<8x1024xf32, #tpu.memory_space<vmem>>[vector<16xi32>, vector<16xi32>], vector<16xf32>,
        tpu.vector_store_idx %arg9[%add3A_356, %add3A_333], %gather3A_361 : memref<8x1024xf32, #tpu.memory_space<vmem>>[vector<16xi32>, vector<16xi32>], vector<16xf32>,
        tpu.vector_store_idx %arg9[%add3A_356, %add3A_334], %gather3A_362 : memref<8x1024xf32, #tpu.memory_space<vmem>>[vector<16xi32>, vector<16xi32>], vector<16xf32>,
        tpu.vector_store_idx %arg9[%add3A_356, %add3A_335], %gather3A_363 : memref<8x1024xf32, #tpu.memory_space<vmem>>[vector<16xi32>, vector<16xi32>], vector<16xf32>,
        tpu.vector_store_idx %arg9[%add3A_356, %add3A_336], %gather3A_364 : memref<8x1024xf32, #tpu.memory_space<vmem>>[vector<16xi32>, vector<16xi32>], vector<16xf32>,
        %add3A_365 = arith.constant 32 : i32
        %add3A_366 = vector.broadcast %add3A_365 : i32 to vector<16xi32>
        %add3A_367 = arith.addi %and3A_319, %add3A_366 : vector<16xi32>
        %add3A_368 = arith.constant 4 : i32
        %add3A_369 = vector.broadcast %add3A_368 : i32 to vector<16xi32>
        %add3A_370 = arith.addi %shift_right_logical3A_322, %add3A_369 : vector<16xi32>
        %gather3A_371 = tpu.vector_load_idx %arg7[%add3A_3, %add3A_367] : memref<128x64xf32, #tpu.memory_space<vmem>>[vector<16xi32>, vector<16xi32>], vector<16xf32>,
        %gather3A_372 = tpu.vector_load_idx %arg7[%add3A_6, %add3A_367] : memref<128x64xf32, #tpu.memory_space<vmem>>[vector<16xi32>, vector<16xi32>], vector<16xf32>,
        %gather3A_373 = tpu.vector_load_idx %arg7[%add3A_9, %add3A_367] : memref<128x64xf32, #tpu.memory_space<vmem>>[vector<16xi32>, vector<16xi32>], vector<16xf32>,
        %gather3A_374 = tpu.vector_load_idx %arg7[%add3A_12, %add3A_367] : memref<128x64xf32, #tpu.memory_space<vmem>>[vector<16xi32>, vector<16xi32>], vector<16xf32>,
        %gather3A_375 = tpu.vector_load_idx %arg7[%add3A_15, %add3A_367] : memref<128x64xf32, #tpu.memory_space<vmem>>[vector<16xi32>, vector<16xi32>], vector<16xf32>,
        %gather3A_376 = tpu.vector_load_idx %arg7[%add3A_18, %add3A_367] : memref<128x64xf32, #tpu.memory_space<vmem>>[vector<16xi32>, vector<16xi32>], vector<16xf32>,
        %gather3A_377 = tpu.vector_load_idx %arg7[%add3A_21, %add3A_367] : memref<128x64xf32, #tpu.memory_space<vmem>>[vector<16xi32>, vector<16xi32>], vector<16xf32>,
        %gather3A_378 = tpu.vector_load_idx %arg7[%add3A_24, %add3A_367] : memref<128x64xf32, #tpu.memory_space<vmem>>[vector<16xi32>, vector<16xi32>], vector<16xf32>,
        tpu.vector_store_idx %arg9[%add3A_370, %add3A_329], %gather3A_371 : memref<8x1024xf32, #tpu.memory_space<vmem>>[vector<16xi32>, vector<16xi32>], vector<16xf32>,
        tpu.vector_store_idx %arg9[%add3A_370, %add3A_330], %gather3A_372 : memref<8x1024xf32, #tpu.memory_space<vmem>>[vector<16xi32>, vector<16xi32>], vector<16xf32>,
        tpu.vector_store_idx %arg9[%add3A_370, %add3A_331], %gather3A_373 : memref<8x1024xf32, #tpu.memory_space<vmem>>[vector<16xi32>, vector<16xi32>], vector<16xf32>,
        tpu.vector_store_idx %arg9[%add3A_370, %add3A_332], %gather3A_374 : memref<8x1024xf32, #tpu.memory_space<vmem>>[vector<16xi32>, vector<16xi32>], vector<16xf32>,
        tpu.vector_store_idx %arg9[%add3A_370, %add3A_333], %gather3A_375 : memref<8x1024xf32, #tpu.memory_space<vmem>>[vector<16xi32>, vector<16xi32>], vector<16xf32>,
        tpu.vector_store_idx %arg9[%add3A_370, %add3A_334], %gather3A_376 : memref<8x1024xf32, #tpu.memory_space<vmem>>[vector<16xi32>, vector<16xi32>], vector<16xf32>,
        tpu.vector_store_idx %arg9[%add3A_370, %add3A_335], %gather3A_377 : memref<8x1024xf32, #tpu.memory_space<vmem>>[vector<16xi32>, vector<16xi32>], vector<16xf32>,
        tpu.vector_store_idx %arg9[%add3A_370, %add3A_336], %gather3A_378 : memref<8x1024xf32, #tpu.memory_space<vmem>>[vector<16xi32>, vector<16xi32>], vector<16xf32>,
        %add3A_379 = arith.constant 48 : i32
        %add3A_380 = vector.broadcast %add3A_379 : i32 to vector<16xi32>
        %add3A_381 = arith.addi %and3A_319, %add3A_380 : vector<16xi32>
        %add3A_382 = arith.constant 6 : i32
        %add3A_383 = vector.broadcast %add3A_382 : i32 to vector<16xi32>
        %add3A_384 = arith.addi %shift_right_logical3A_322, %add3A_383 : vector<16xi32>
        %gather3A_385 = tpu.vector_load_idx %arg7[%add3A_3, %add3A_381] : memref<128x64xf32, #tpu.memory_space<vmem>>[vector<16xi32>, vector<16xi32>], vector<16xf32>,
        %gather3A_386 = tpu.vector_load_idx %arg7[%add3A_6, %add3A_381] : memref<128x64xf32, #tpu.memory_space<vmem>>[vector<16xi32>, vector<16xi32>], vector<16xf32>,
        %gather3A_387 = tpu.vector_load_idx %arg7[%add3A_9, %add3A_381] : memref<128x64xf32, #tpu.memory_space<vmem>>[vector<16xi32>, vector<16xi32>], vector<16xf32>,
        %gather3A_388 = tpu.vector_load_idx %arg7[%add3A_12, %add3A_381] : memref<128x64xf32, #tpu.memory_space<vmem>>[vector<16xi32>, vector<16xi32>], vector<16xf32>,
        %gather3A_389 = tpu.vector_load_idx %arg7[%add3A_15, %add3A_381] : memref<128x64xf32, #tpu.memory_space<vmem>>[vector<16xi32>, vector<16xi32>], vector<16xf32>,
        %gather3A_390 = tpu.vector_load_idx %arg7[%add3A_18, %add3A_381] : memref<128x64xf32, #tpu.memory_space<vmem>>[vector<16xi32>, vector<16xi32>], vector<16xf32>,
        %gather3A_391 = tpu.vector_load_idx %arg7[%add3A_21, %add3A_381] : memref<128x64xf32, #tpu.memory_space<vmem>>[vector<16xi32>, vector<16xi32>], vector<16xf32>,
        %gather3A_392 = tpu.vector_load_idx %arg7[%add3A_24, %add3A_381] : memref<128x64xf32, #tpu.memory_space<vmem>>[vector<16xi32>, vector<16xi32>], vector<16xf32>,
        tpu.vector_store_idx %arg9[%add3A_384, %add3A_329], %gather3A_385 : memref<8x1024xf32, #tpu.memory_space<vmem>>[vector<16xi32>, vector<16xi32>], vector<16xf32>,
        tpu.vector_store_idx %arg9[%add3A_384, %add3A_330], %gather3A_386 : memref<8x1024xf32, #tpu.memory_space<vmem>>[vector<16xi32>, vector<16xi32>], vector<16xf32>,
        tpu.vector_store_idx %arg9[%add3A_384, %add3A_331], %gather3A_387 : memref<8x1024xf32, #tpu.memory_space<vmem>>[vector<16xi32>, vector<16xi32>], vector<16xf32>,
        tpu.vector_store_idx %arg9[%add3A_384, %add3A_332], %gather3A_388 : memref<8x1024xf32, #tpu.memory_space<vmem>>[vector<16xi32>, vector<16xi32>], vector<16xf32>,
        tpu.vector_store_idx %arg9[%add3A_384, %add3A_333], %gather3A_389 : memref<8x1024xf32, #tpu.memory_space<vmem>>[vector<16xi32>, vector<16xi32>], vector<16xf32>,
        tpu.vector_store_idx %arg9[%add3A_384, %add3A_334], %gather3A_390 : memref<8x1024xf32, #tpu.memory_space<vmem>>[vector<16xi32>, vector<16xi32>], vector<16xf32>,
        tpu.vector_store_idx %arg9[%add3A_384, %add3A_335], %gather3A_391 : memref<8x1024xf32, #tpu.memory_space<vmem>>[vector<16xi32>, vector<16xi32>], vector<16xf32>,
        tpu.vector_store_idx %arg9[%add3A_384, %add3A_336], %gather3A_392 : memref<8x1024xf32, #tpu.memory_space<vmem>>[vector<16xi32>, vector<16xi32>], vector<16xf32>,
        %scan3A_393 = arith.constant 3 : i32
        %scan3A_394 = arith.addi %scan3A_157, %scan3A_393 : i32
        %add3A_395 = vector.broadcast %scan3A_394 : i32 to vector<16xi32>
        %add3A_396 = arith.addi %iota3A, %add3A_395 : vector<16xi32>
        %and3A_397 = arith.constant 15 : i32
        %and3A_398 = vector.broadcast %and3A_397 : i32 to vector<16xi32>
        %and3A_399 = arith.andi %add3A_396, %and3A_398 : vector<16xi32>
        %shift_right_logical3A_400 = arith.constant 3 : i32
        %shift_right_logical3A_401 = vector.broadcast %shift_right_logical3A_400 : i32 to vector<16xi32>
        %shift_right_logical3A_402 = arith.shrui %and3A_399, %shift_right_logical3A_401 : vector<16xi32>
        %and3A_403 = arith.constant 7 : i32
        %and3A_404 = vector.broadcast %and3A_403 : i32 to vector<16xi32>
        %and3A_405 = arith.andi %and3A_399, %and3A_404 : vector<16xi32>
        %mul3A_406 = arith.constant 128 : i32
        %mul3A_407 = vector.broadcast %mul3A_406 : i32 to vector<16xi32>
        %mul3A_408 = arith.muli %and3A_405, %mul3A_407 : vector<16xi32>
        %add3A_409 = arith.addi %mul3A_408, %add3A_3 : vector<16xi32>
        %add3A_410 = arith.addi %mul3A_408, %add3A_6 : vector<16xi32>
        %add3A_411 = arith.addi %mul3A_408, %add3A_9 : vector<16xi32>
        %add3A_412 = arith.addi %mul3A_408, %add3A_12 : vector<16xi32>
        %add3A_413 = arith.addi %mul3A_408, %add3A_15 : vector<16xi32>
        %add3A_414 = arith.addi %mul3A_408, %add3A_18 : vector<16xi32>
        %add3A_415 = arith.addi %mul3A_408, %add3A_21 : vector<16xi32>
        %add3A_416 = arith.addi %mul3A_408, %add3A_24 : vector<16xi32>
        %add3A_417 = arith.constant 0 : i32
        %add3A_418 = vector.broadcast %add3A_417 : i32 to vector<16xi32>
        %add3A_419 = arith.addi %and3A_399, %add3A_418 : vector<16xi32>
        %add3A_420 = arith.constant 0 : i32
        %add3A_421 = vector.broadcast %add3A_420 : i32 to vector<16xi32>
        %add3A_422 = arith.addi %shift_right_logical3A_402, %add3A_421 : vector<16xi32>
        %gather3A_423 = tpu.vector_load_idx %arg7[%add3A_3, %add3A_419] : memref<128x64xf32, #tpu.memory_space<vmem>>[vector<16xi32>, vector<16xi32>], vector<16xf32>,
        %gather3A_424 = tpu.vector_load_idx %arg7[%add3A_6, %add3A_419] : memref<128x64xf32, #tpu.memory_space<vmem>>[vector<16xi32>, vector<16xi32>], vector<16xf32>,
        %gather3A_425 = tpu.vector_load_idx %arg7[%add3A_9, %add3A_419] : memref<128x64xf32, #tpu.memory_space<vmem>>[vector<16xi32>, vector<16xi32>], vector<16xf32>,
        %gather3A_426 = tpu.vector_load_idx %arg7[%add3A_12, %add3A_419] : memref<128x64xf32, #tpu.memory_space<vmem>>[vector<16xi32>, vector<16xi32>], vector<16xf32>,
        %gather3A_427 = tpu.vector_load_idx %arg7[%add3A_15, %add3A_419] : memref<128x64xf32, #tpu.memory_space<vmem>>[vector<16xi32>, vector<16xi32>], vector<16xf32>,
        %gather3A_428 = tpu.vector_load_idx %arg7[%add3A_18, %add3A_419] : memref<128x64xf32, #tpu.memory_space<vmem>>[vector<16xi32>, vector<16xi32>], vector<16xf32>,
        %gather3A_429 = tpu.vector_load_idx %arg7[%add3A_21, %add3A_419] : memref<128x64xf32, #tpu.memory_space<vmem>>[vector<16xi32>, vector<16xi32>], vector<16xf32>,
        %gather3A_430 = tpu.vector_load_idx %arg7[%add3A_24, %add3A_419] : memref<128x64xf32, #tpu.memory_space<vmem>>[vector<16xi32>, vector<16xi32>], vector<16xf32>,
        tpu.vector_store_idx %arg9[%add3A_422, %add3A_409], %gather3A_423 : memref<8x1024xf32, #tpu.memory_space<vmem>>[vector<16xi32>, vector<16xi32>], vector<16xf32>,
        tpu.vector_store_idx %arg9[%add3A_422, %add3A_410], %gather3A_424 : memref<8x1024xf32, #tpu.memory_space<vmem>>[vector<16xi32>, vector<16xi32>], vector<16xf32>,
        tpu.vector_store_idx %arg9[%add3A_422, %add3A_411], %gather3A_425 : memref<8x1024xf32, #tpu.memory_space<vmem>>[vector<16xi32>, vector<16xi32>], vector<16xf32>,
        tpu.vector_store_idx %arg9[%add3A_422, %add3A_412], %gather3A_426 : memref<8x1024xf32, #tpu.memory_space<vmem>>[vector<16xi32>, vector<16xi32>], vector<16xf32>,
        tpu.vector_store_idx %arg9[%add3A_422, %add3A_413], %gather3A_427 : memref<8x1024xf32, #tpu.memory_space<vmem>>[vector<16xi32>, vector<16xi32>], vector<16xf32>,
        tpu.vector_store_idx %arg9[%add3A_422, %add3A_414], %gather3A_428 : memref<8x1024xf32, #tpu.memory_space<vmem>>[vector<16xi32>, vector<16xi32>], vector<16xf32>,
        tpu.vector_store_idx %arg9[%add3A_422, %add3A_415], %gather3A_429 : memref<8x1024xf32, #tpu.memory_space<vmem>>[vector<16xi32>, vector<16xi32>], vector<16xf32>,
        tpu.vector_store_idx %arg9[%add3A_422, %add3A_416], %gather3A_430 : memref<8x1024xf32, #tpu.memory_space<vmem>>[vector<16xi32>, vector<16xi32>], vector<16xf32>,
        %add3A_431 = arith.constant 16 : i32
        %add3A_432 = vector.broadcast %add3A_431 : i32 to vector<16xi32>
        %add3A_433 = arith.addi %and3A_399, %add3A_432 : vector<16xi32>
        %add3A_434 = arith.constant 2 : i32
        %add3A_435 = vector.broadcast %add3A_434 : i32 to vector<16xi32>
        %add3A_436 = arith.addi %shift_right_logical3A_402, %add3A_435 : vector<16xi32>
        %gather3A_437 = tpu.vector_load_idx %arg7[%add3A_3, %add3A_433] : memref<128x64xf32, #tpu.memory_space<vmem>>[vector<16xi32>, vector<16xi32>], vector<16xf32>,
        %gather3A_438 = tpu.vector_load_idx %arg7[%add3A_6, %add3A_433] : memref<128x64xf32, #tpu.memory_space<vmem>>[vector<16xi32>, vector<16xi32>], vector<16xf32>,
        %gather3A_439 = tpu.vector_load_idx %arg7[%add3A_9, %add3A_433] : memref<128x64xf32, #tpu.memory_space<vmem>>[vector<16xi32>, vector<16xi32>], vector<16xf32>,
        %gather3A_440 = tpu.vector_load_idx %arg7[%add3A_12, %add3A_433] : memref<128x64xf32, #tpu.memory_space<vmem>>[vector<16xi32>, vector<16xi32>], vector<16xf32>,
        %gather3A_441 = tpu.vector_load_idx %arg7[%add3A_15, %add3A_433] : memref<128x64xf32, #tpu.memory_space<vmem>>[vector<16xi32>, vector<16xi32>], vector<16xf32>,
        %gather3A_442 = tpu.vector_load_idx %arg7[%add3A_18, %add3A_433] : memref<128x64xf32, #tpu.memory_space<vmem>>[vector<16xi32>, vector<16xi32>], vector<16xf32>,
        %gather3A_443 = tpu.vector_load_idx %arg7[%add3A_21, %add3A_433] : memref<128x64xf32, #tpu.memory_space<vmem>>[vector<16xi32>, vector<16xi32>], vector<16xf32>,
        %gather3A_444 = tpu.vector_load_idx %arg7[%add3A_24, %add3A_433] : memref<128x64xf32, #tpu.memory_space<vmem>>[vector<16xi32>, vector<16xi32>], vector<16xf32>,
        tpu.vector_store_idx %arg9[%add3A_436, %add3A_409], %gather3A_437 : memref<8x1024xf32, #tpu.memory_space<vmem>>[vector<16xi32>, vector<16xi32>], vector<16xf32>,
        tpu.vector_store_idx %arg9[%add3A_436, %add3A_410], %gather3A_438 : memref<8x1024xf32, #tpu.memory_space<vmem>>[vector<16xi32>, vector<16xi32>], vector<16xf32>,
        tpu.vector_store_idx %arg9[%add3A_436, %add3A_411], %gather3A_439 : memref<8x1024xf32, #tpu.memory_space<vmem>>[vector<16xi32>, vector<16xi32>], vector<16xf32>,
        tpu.vector_store_idx %arg9[%add3A_436, %add3A_412], %gather3A_440 : memref<8x1024xf32, #tpu.memory_space<vmem>>[vector<16xi32>, vector<16xi32>], vector<16xf32>,
        tpu.vector_store_idx %arg9[%add3A_436, %add3A_413], %gather3A_441 : memref<8x1024xf32, #tpu.memory_space<vmem>>[vector<16xi32>, vector<16xi32>], vector<16xf32>,
        tpu.vector_store_idx %arg9[%add3A_436, %add3A_414], %gather3A_442 : memref<8x1024xf32, #tpu.memory_space<vmem>>[vector<16xi32>, vector<16xi32>], vector<16xf32>,
        tpu.vector_store_idx %arg9[%add3A_436, %add3A_415], %gather3A_443 : memref<8x1024xf32, #tpu.memory_space<vmem>>[vector<16xi32>, vector<16xi32>], vector<16xf32>,
        tpu.vector_store_idx %arg9[%add3A_436, %add3A_416], %gather3A_444 : memref<8x1024xf32, #tpu.memory_space<vmem>>[vector<16xi32>, vector<16xi32>], vector<16xf32>,
        %add3A_445 = arith.constant 32 : i32
        %add3A_446 = vector.broadcast %add3A_445 : i32 to vector<16xi32>
        %add3A_447 = arith.addi %and3A_399, %add3A_446 : vector<16xi32>
        %add3A_448 = arith.constant 4 : i32
        %add3A_449 = vector.broadcast %add3A_448 : i32 to vector<16xi32>
        %add3A_450 = arith.addi %shift_right_logical3A_402, %add3A_449 : vector<16xi32>
        %gather3A_451 = tpu.vector_load_idx %arg7[%add3A_3, %add3A_447] : memref<128x64xf32, #tpu.memory_space<vmem>>[vector<16xi32>, vector<16xi32>], vector<16xf32>,
        %gather3A_452 = tpu.vector_load_idx %arg7[%add3A_6, %add3A_447] : memref<128x64xf32, #tpu.memory_space<vmem>>[vector<16xi32>, vector<16xi32>], vector<16xf32>,
        %gather3A_453 = tpu.vector_load_idx %arg7[%add3A_9, %add3A_447] : memref<128x64xf32, #tpu.memory_space<vmem>>[vector<16xi32>, vector<16xi32>], vector<16xf32>,
        %gather3A_454 = tpu.vector_load_idx %arg7[%add3A_12, %add3A_447] : memref<128x64xf32, #tpu.memory_space<vmem>>[vector<16xi32>, vector<16xi32>], vector<16xf32>,
        %gather3A_455 = tpu.vector_load_idx %arg7[%add3A_15, %add3A_447] : memref<128x64xf32, #tpu.memory_space<vmem>>[vector<16xi32>, vector<16xi32>], vector<16xf32>,
        %gather3A_456 = tpu.vector_load_idx %arg7[%add3A_18, %add3A_447] : memref<128x64xf32, #tpu.memory_space<vmem>>[vector<16xi32>, vector<16xi32>], vector<16xf32>,
        %gather3A_457 = tpu.vector_load_idx %arg7[%add3A_21, %add3A_447] : memref<128x64xf32, #tpu.memory_space<vmem>>[vector<16xi32>, vector<16xi32>], vector<16xf32>,
        %gather3A_458 = tpu.vector_load_idx %arg7[%add3A_24, %add3A_447] : memref<128x64xf32, #tpu.memory_space<vmem>>[vector<16xi32>, vector<16xi32>], vector<16xf32>,
        tpu.vector_store_idx %arg9[%add3A_450, %add3A_409], %gather3A_451 : memref<8x1024xf32, #tpu.memory_space<vmem>>[vector<16xi32>, vector<16xi32>], vector<16xf32>,
        tpu.vector_store_idx %arg9[%add3A_450, %add3A_410], %gather3A_452 : memref<8x1024xf32, #tpu.memory_space<vmem>>[vector<16xi32>, vector<16xi32>], vector<16xf32>,
        tpu.vector_store_idx %arg9[%add3A_450, %add3A_411], %gather3A_453 : memref<8x1024xf32, #tpu.memory_space<vmem>>[vector<16xi32>, vector<16xi32>], vector<16xf32>,
        tpu.vector_store_idx %arg9[%add3A_450, %add3A_412], %gather3A_454 : memref<8x1024xf32, #tpu.memory_space<vmem>>[vector<16xi32>, vector<16xi32>], vector<16xf32>,
        tpu.vector_store_idx %arg9[%add3A_450, %add3A_413], %gather3A_455 : memref<8x1024xf32, #tpu.memory_space<vmem>>[vector<16xi32>, vector<16xi32>], vector<16xf32>,
        tpu.vector_store_idx %arg9[%add3A_450, %add3A_414], %gather3A_456 : memref<8x1024xf32, #tpu.memory_space<vmem>>[vector<16xi32>, vector<16xi32>], vector<16xf32>,
        tpu.vector_store_idx %arg9[%add3A_450, %add3A_415], %gather3A_457 : memref<8x1024xf32, #tpu.memory_space<vmem>>[vector<16xi32>, vector<16xi32>], vector<16xf32>,
        tpu.vector_store_idx %arg9[%add3A_450, %add3A_416], %gather3A_458 : memref<8x1024xf32, #tpu.memory_space<vmem>>[vector<16xi32>, vector<16xi32>], vector<16xf32>,
        %add3A_459 = arith.constant 48 : i32
        %add3A_460 = vector.broadcast %add3A_459 : i32 to vector<16xi32>
        %add3A_461 = arith.addi %and3A_399, %add3A_460 : vector<16xi32>
        %add3A_462 = arith.constant 6 : i32
        %add3A_463 = vector.broadcast %add3A_462 : i32 to vector<16xi32>
        %add3A_464 = arith.addi %shift_right_logical3A_402, %add3A_463 : vector<16xi32>
        %gather3A_465 = tpu.vector_load_idx %arg7[%add3A_3, %add3A_461] : memref<128x64xf32, #tpu.memory_space<vmem>>[vector<16xi32>, vector<16xi32>], vector<16xf32>,
        %gather3A_466 = tpu.vector_load_idx %arg7[%add3A_6, %add3A_461] : memref<128x64xf32, #tpu.memory_space<vmem>>[vector<16xi32>, vector<16xi32>], vector<16xf32>,
        %gather3A_467 = tpu.vector_load_idx %arg7[%add3A_9, %add3A_461] : memref<128x64xf32, #tpu.memory_space<vmem>>[vector<16xi32>, vector<16xi32>], vector<16xf32>,
        %gather3A_468 = tpu.vector_load_idx %arg7[%add3A_12, %add3A_461] : memref<128x64xf32, #tpu.memory_space<vmem>>[vector<16xi32>, vector<16xi32>], vector<16xf32>,
        %gather3A_469 = tpu.vector_load_idx %arg7[%add3A_15, %add3A_461] : memref<128x64xf32, #tpu.memory_space<vmem>>[vector<16xi32>, vector<16xi32>], vector<16xf32>,
        %gather3A_470 = tpu.vector_load_idx %arg7[%add3A_18, %add3A_461] : memref<128x64xf32, #tpu.memory_space<vmem>>[vector<16xi32>, vector<16xi32>], vector<16xf32>,
        %gather3A_471 = tpu.vector_load_idx %arg7[%add3A_21, %add3A_461] : memref<128x64xf32, #tpu.memory_space<vmem>>[vector<16xi32>, vector<16xi32>], vector<16xf32>,
        %gather3A_472 = tpu.vector_load_idx %arg7[%add3A_24, %add3A_461] : memref<128x64xf32, #tpu.memory_space<vmem>>[vector<16xi32>, vector<16xi32>], vector<16xf32>,
        tpu.vector_store_idx %arg9[%add3A_464, %add3A_409], %gather3A_465 : memref<8x1024xf32, #tpu.memory_space<vmem>>[vector<16xi32>, vector<16xi32>], vector<16xf32>,
        tpu.vector_store_idx %arg9[%add3A_464, %add3A_410], %gather3A_466 : memref<8x1024xf32, #tpu.memory_space<vmem>>[vector<16xi32>, vector<16xi32>], vector<16xf32>,
        tpu.vector_store_idx %arg9[%add3A_464, %add3A_411], %gather3A_467 : memref<8x1024xf32, #tpu.memory_space<vmem>>[vector<16xi32>, vector<16xi32>], vector<16xf32>,
        tpu.vector_store_idx %arg9[%add3A_464, %add3A_412], %gather3A_468 : memref<8x1024xf32, #tpu.memory_space<vmem>>[vector<16xi32>, vector<16xi32>], vector<16xf32>,
        tpu.vector_store_idx %arg9[%add3A_464, %add3A_413], %gather3A_469 : memref<8x1024xf32, #tpu.memory_space<vmem>>[vector<16xi32>, vector<16xi32>], vector<16xf32>,
        tpu.vector_store_idx %arg9[%add3A_464, %add3A_414], %gather3A_470 : memref<8x1024xf32, #tpu.memory_space<vmem>>[vector<16xi32>, vector<16xi32>], vector<16xf32>,
        tpu.vector_store_idx %arg9[%add3A_464, %add3A_415], %gather3A_471 : memref<8x1024xf32, #tpu.memory_space<vmem>>[vector<16xi32>, vector<16xi32>], vector<16xf32>,
        tpu.vector_store_idx %arg9[%add3A_464, %add3A_416], %gather3A_472 : memref<8x1024xf32, #tpu.memory_space<vmem>>[vector<16xi32>, vector<16xi32>], vector<16xf32>,
      }
      %scan3A_145 = arith.constant 16 : i32
      %mul3A_146 = arith.constant 8 : i32
      %mul3A_147 = arith.muli %mul3A_146, %select_n3A : i32
      %mul3A_148 = arith.constant 4 : i32
      %mul3A_149 = arith.muli %add3A, %mul3A_148 : i32
      %add3A_150 = arith.addi %mul3A_149, %add3A_75 : i32
      %dma_start3A_151 = arith.constant 0 : i32
      %dma_start3A_152 = tpu.memref_slice %arg4[%mul3A_147, %add3A_150, %dma_start3A_151] : memref<400x128x1024xf32, #tpu.memory_space<hbm>> -> memref<8x1x1024xf32, #tpu.memory_space<hbm>>
      %dma_start3A_153 = tpu.memref_squeeze %dma_start3A_152 : memref<8x1x1024xf32, #tpu.memory_space<hbm>> -> memref<8x1024xf32, #tpu.memory_space<hbm>>
      %dma_start3A_154 = arith.constant 0 : i32
      %dma_start3A_155 = tpu.memref_slice %arg4[%mul3A_147, %add3A_150, %dma_start3A_154] : memref<400x128x1024xf32, #tpu.memory_space<hbm>> -> memref<8x1x1024xf32, #tpu.memory_space<hbm>>
      %dma_start3A_156 = tpu.memref_squeeze %dma_start3A_155 : memref<8x1x1024xf32, #tpu.memory_space<hbm>> -> memref<8x1024xf32, #tpu.memory_space<hbm>>
      tpu.enqueue_dma source(%arg9 : memref<8x1024xf32, #tpu.memory_space<vmem>>) target(%dma_start3A_156 : memref<8x1024xf32, #tpu.memory_space<hbm>>) target_semaphore(%arg14 : memref<!tpu.dma_semaphore, #tpu.memory_space<semaphore_mem>>)
      scf.yield %select_n3A_118, %add3A_120 : i32, i32
    }
    %scan3A_46 = arith.constant 100 : i32
    %dma_wait3A_47 = arith.constant 0 : i32
    %dma_wait3A_48 = arith.constant 0 : i32
    %dma_wait3A_49 = arith.constant 0 : i32
    %dma_wait3A_50 = tpu.memref_slice %arg4[%dma_wait3A_48, %dma_wait3A_47, %dma_wait3A_49] : memref<400x128x1024xf32, #tpu.memory_space<hbm>> -> memref<8x1x1024xf32, #tpu.memory_space<hbm>>
    %dma_wait3A_51 = tpu.memref_squeeze %dma_wait3A_50 : memref<8x1x1024xf32, #tpu.memory_space<hbm>> -> memref<8x1024xf32, #tpu.memory_space<hbm>>
    %dma_wait3A_52 = arith.constant 0 : i32
    %dma_wait3A_53 = arith.constant 0 : i32
    %dma_wait3A_54 = tpu.memref_slice %arg4[%dma_wait3A_52, %dma_wait3A_47, %dma_wait3A_53] : memref<400x128x1024xf32, #tpu.memory_space<hbm>> -> memref<8x1x1024xf32, #tpu.memory_space<hbm>>
    %dma_wait3A_55 = tpu.memref_squeeze %dma_wait3A_54 : memref<8x1x1024xf32, #tpu.memory_space<hbm>> -> memref<8x1024xf32, #tpu.memory_space<hbm>>
    tpu.wait_dma2 semaphore(%arg13 : memref<!tpu.dma_semaphore, #tpu.memory_space<semaphore_mem>>) src(%arg8 : memref<8x1024xf32, #tpu.memory_space<vmem>>) dst(%dma_wait3A_55 : memref<8x1024xf32, #tpu.memory_space<hbm>>)
    %dma_wait3A_56 = arith.constant 0 : i32
    %dma_wait3A_57 = arith.constant 0 : i32
    %dma_wait3A_58 = arith.constant 0 : i32
    %dma_wait3A_59 = tpu.memref_slice %arg4[%dma_wait3A_57, %dma_wait3A_56, %dma_wait3A_58] : memref<400x128x1024xf32, #tpu.memory_space<hbm>> -> memref<8x1x1024xf32, #tpu.memory_space<hbm>>
    %dma_wait3A_60 = tpu.memref_squeeze %dma_wait3A_59 : memref<8x1x1024xf32, #tpu.memory_space<hbm>> -> memref<8x1024xf32, #tpu.memory_space<hbm>>
    %dma_wait3A_61 = arith.constant 0 : i32
    %dma_wait3A_62 = arith.constant 0 : i32
    %dma_wait3A_63 = tpu.memref_slice %arg4[%dma_wait3A_61, %dma_wait3A_56, %dma_wait3A_62] : memref<400x128x1024xf32, #tpu.memory_space<hbm>> -> memref<8x1x1024xf32, #tpu.memory_space<hbm>>
    %dma_wait3A_64 = tpu.memref_squeeze %dma_wait3A_63 : memref<8x1x1024xf32, #tpu.memory_space<hbm>> -> memref<8x1024xf32, #tpu.memory_space<hbm>>
    tpu.wait_dma2 semaphore(%arg14 : memref<!tpu.dma_semaphore, #tpu.memory_space<semaphore_mem>>) src(%arg9 : memref<8x1024xf32, #tpu.memory_space<vmem>>) dst(%dma_wait3A_64 : memref<8x1024xf32, #tpu.memory_space<hbm>>)
    return
  }
}

#map = affine_map<(d0, d1) -> (0, 0)>
module attributes {stable_mosaic.version = 14 : i64} {
  func.func @relayout(%arg0: i32, %arg1: i32, %arg2: memref<64x1000000xf32, #tpu.memory_space<hbm>>, %arg3: memref<500032x128xf32, #tpu.memory_space<hbm>>, %arg4: memref<64x128xf32, #tpu.memory_space<vmem>>, %arg5: memref<64x128xf32, #tpu.memory_space<vmem>>, %arg6: memref<64x128xf32, #tpu.memory_space<vmem>>, %arg7: memref<64x128xf32, #tpu.memory_space<vmem>>, %arg8: memref<!tpu.dma_semaphore, #tpu.memory_space<semaphore_mem>>, %arg9: memref<!tpu.dma_semaphore, #tpu.memory_space<semaphore_mem>>, %arg10: memref<!tpu.dma_semaphore, #tpu.memory_space<semaphore_mem>>, %arg11: memref<!tpu.dma_semaphore, #tpu.memory_space<semaphore_mem>>) attributes {dimension_semantics = [#tpu.dimension_semantics<core_parallel>, #tpu.dimension_semantics<subcore_parallel>], iteration_bounds = array<i64: 2, 16>, scalar_prefetch = 0 : i64, scratch_operands = 8 : i64, tpu.core_type = #tpu.core_type<sc_vector_subcore>, window_params = [{transform_indices = #map}, {transform_indices = #map}]} {
    %mul3A = arith.constant 2 : i32
    %mul3A_0 = arith.muli %arg1, %mul3A : i32
    %add3A = arith.addi %mul3A_0, %arg0 : i32
    %iota3A = tpu.iota {dimensions = array<i32: 0>} : vector<16xi32>
    %broadcast_in_dim3A = arith.constant 0 : i32
    %broadcast_in_dim3A_1 = vector.broadcast %broadcast_in_dim3A : i32 to vector<16xi32>
    %jit3A = arith.constant 2 : i32
    %div3A = vector.broadcast %jit3A : i32 to vector<16xi32>
    %div3A_2 = arith.divsi %iota3A, %div3A : vector<16xi32>
    %sign3A = arith.constant 0 : i32
    %sign3A_3 = vector.broadcast %sign3A : i32 to vector<16xi32>
    %sign3A_4 = arith.cmpi sgt, %iota3A, %sign3A_3 : vector<16xi32>
    %sign3A_5 = arith.extui %sign3A_4 : vector<16xi1> to vector<16xi32>
    %sign3A_6 = arith.constant 0 : i32
    %sign3A_7 = vector.broadcast %sign3A_6 : i32 to vector<16xi32>
    %sign3A_8 = arith.cmpi slt, %iota3A, %sign3A_7 : vector<16xi32>
    %sign3A_9 = arith.extui %sign3A_8 : vector<16xi1> to vector<16xi32>
    %sign3A_10 = arith.subi %sign3A_5, %sign3A_9 : vector<16xi32>
    %sign3A_11 = arith.constant 0 : i32
    %sign3A_12 = arith.cmpi sgt, %jit3A, %sign3A_11 : i32
    %sign3A_13 = arith.extui %sign3A_12 : i1 to i32
    %sign3A_14 = arith.constant 0 : i32
    %sign3A_15 = arith.cmpi slt, %jit3A, %sign3A_14 : i32
    %sign3A_16 = arith.extui %sign3A_15 : i1 to i32
    %sign3A_17 = arith.subi %sign3A_13, %sign3A_16 : i32
    %ne3A = vector.broadcast %sign3A_17 : i32 to vector<16xi32>
    %ne3A_18 = arith.cmpi ne, %sign3A_10, %ne3A : vector<16xi32>
    %rem3A = vector.broadcast %jit3A : i32 to vector<16xi32>
    %rem3A_19 = arith.remsi %iota3A, %rem3A : vector<16xi32>
    %ne3A_20 = arith.constant 0 : i32
    %ne3A_21 = vector.broadcast %ne3A_20 : i32 to vector<16xi32>
    %ne3A_22 = arith.cmpi ne, %rem3A_19, %ne3A_21 : vector<16xi32>
    %and3A = arith.andi %ne3A_18, %ne3A_22 : vector<16xi1>
    %sub3A = arith.constant 1 : i32
    %sub3A_23 = vector.broadcast %sub3A : i32 to vector<16xi32>
    %sub3A_24 = arith.subi %div3A_2, %sub3A_23 : vector<16xi32>
    %select_n3A = arith.select %and3A, %sub3A_24, %div3A_2 : vector<16xi1>, vector<16xi32>
    %add3A_25 = arith.addi %broadcast_in_dim3A_1, %select_n3A : vector<16xi32>
    %broadcast_in_dim3A_26 = arith.constant 8 : i32
    %broadcast_in_dim3A_27 = vector.broadcast %broadcast_in_dim3A_26 : i32 to vector<16xi32>
    %jit3A_28 = arith.constant 2 : i32
    %div3A_29 = vector.broadcast %jit3A_28 : i32 to vector<16xi32>
    %div3A_30 = arith.divsi %iota3A, %div3A_29 : vector<16xi32>
    %sign3A_31 = arith.constant 0 : i32
    %sign3A_32 = vector.broadcast %sign3A_31 : i32 to vector<16xi32>
    %sign3A_33 = arith.cmpi sgt, %iota3A, %sign3A_32 : vector<16xi32>
    %sign3A_34 = arith.extui %sign3A_33 : vector<16xi1> to vector<16xi32>
    %sign3A_35 = arith.constant 0 : i32
    %sign3A_36 = vector.broadcast %sign3A_35 : i32 to vector<16xi32>
    %sign3A_37 = arith.cmpi slt, %iota3A, %sign3A_36 : vector<16xi32>
    %sign3A_38 = arith.extui %sign3A_37 : vector<16xi1> to vector<16xi32>
    %sign3A_39 = arith.subi %sign3A_34, %sign3A_38 : vector<16xi32>
    %sign3A_40 = arith.constant 0 : i32
    %sign3A_41 = arith.cmpi sgt, %jit3A_28, %sign3A_40 : i32
    %sign3A_42 = arith.extui %sign3A_41 : i1 to i32
    %sign3A_43 = arith.constant 0 : i32
    %sign3A_44 = arith.cmpi slt, %jit3A_28, %sign3A_43 : i32
    %sign3A_45 = arith.extui %sign3A_44 : i1 to i32
    %sign3A_46 = arith.subi %sign3A_42, %sign3A_45 : i32
    %ne3A_47 = vector.broadcast %sign3A_46 : i32 to vector<16xi32>
    %ne3A_48 = arith.cmpi ne, %sign3A_39, %ne3A_47 : vector<16xi32>
    %rem3A_49 = vector.broadcast %jit3A_28 : i32 to vector<16xi32>
    %rem3A_50 = arith.remsi %iota3A, %rem3A_49 : vector<16xi32>
    %ne3A_51 = arith.constant 0 : i32
    %ne3A_52 = vector.broadcast %ne3A_51 : i32 to vector<16xi32>
    %ne3A_53 = arith.cmpi ne, %rem3A_50, %ne3A_52 : vector<16xi32>
    %and3A_54 = arith.andi %ne3A_48, %ne3A_53 : vector<16xi1>
    %sub3A_55 = arith.constant 1 : i32
    %sub3A_56 = vector.broadcast %sub3A_55 : i32 to vector<16xi32>
    %sub3A_57 = arith.subi %div3A_30, %sub3A_56 : vector<16xi32>
    %select_n3A_58 = arith.select %and3A_54, %sub3A_57, %div3A_30 : vector<16xi1>, vector<16xi32>
    %add3A_59 = arith.addi %broadcast_in_dim3A_27, %select_n3A_58 : vector<16xi32>
    %broadcast_in_dim3A_60 = arith.constant 16 : i32
    %broadcast_in_dim3A_61 = vector.broadcast %broadcast_in_dim3A_60 : i32 to vector<16xi32>
    %jit3A_62 = arith.constant 2 : i32
    %div3A_63 = vector.broadcast %jit3A_62 : i32 to vector<16xi32>
    %div3A_64 = arith.divsi %iota3A, %div3A_63 : vector<16xi32>
    %sign3A_65 = arith.constant 0 : i32
    %sign3A_66 = vector.broadcast %sign3A_65 : i32 to vector<16xi32>
    %sign3A_67 = arith.cmpi sgt, %iota3A, %sign3A_66 : vector<16xi32>
    %sign3A_68 = arith.extui %sign3A_67 : vector<16xi1> to vector<16xi32>
    %sign3A_69 = arith.constant 0 : i32
    %sign3A_70 = vector.broadcast %sign3A_69 : i32 to vector<16xi32>
    %sign3A_71 = arith.cmpi slt, %iota3A, %sign3A_70 : vector<16xi32>
    %sign3A_72 = arith.extui %sign3A_71 : vector<16xi1> to vector<16xi32>
    %sign3A_73 = arith.subi %sign3A_68, %sign3A_72 : vector<16xi32>
    %sign3A_74 = arith.constant 0 : i32
    %sign3A_75 = arith.cmpi sgt, %jit3A_62, %sign3A_74 : i32
    %sign3A_76 = arith.extui %sign3A_75 : i1 to i32
    %sign3A_77 = arith.constant 0 : i32
    %sign3A_78 = arith.cmpi slt, %jit3A_62, %sign3A_77 : i32
    %sign3A_79 = arith.extui %sign3A_78 : i1 to i32
    %sign3A_80 = arith.subi %sign3A_76, %sign3A_79 : i32
    %ne3A_81 = vector.broadcast %sign3A_80 : i32 to vector<16xi32>
    %ne3A_82 = arith.cmpi ne, %sign3A_73, %ne3A_81 : vector<16xi32>
    %rem3A_83 = vector.broadcast %jit3A_62 : i32 to vector<16xi32>
    %rem3A_84 = arith.remsi %iota3A, %rem3A_83 : vector<16xi32>
    %ne3A_85 = arith.constant 0 : i32
    %ne3A_86 = vector.broadcast %ne3A_85 : i32 to vector<16xi32>
    %ne3A_87 = arith.cmpi ne, %rem3A_84, %ne3A_86 : vector<16xi32>
    %and3A_88 = arith.andi %ne3A_82, %ne3A_87 : vector<16xi1>
    %sub3A_89 = arith.constant 1 : i32
    %sub3A_90 = vector.broadcast %sub3A_89 : i32 to vector<16xi32>
    %sub3A_91 = arith.subi %div3A_64, %sub3A_90 : vector<16xi32>
    %select_n3A_92 = arith.select %and3A_88, %sub3A_91, %div3A_64 : vector<16xi1>, vector<16xi32>
    %add3A_93 = arith.addi %broadcast_in_dim3A_61, %select_n3A_92 : vector<16xi32>
    %broadcast_in_dim3A_94 = arith.constant 24 : i32
    %broadcast_in_dim3A_95 = vector.broadcast %broadcast_in_dim3A_94 : i32 to vector<16xi32>
    %jit3A_96 = arith.constant 2 : i32
    %div3A_97 = vector.broadcast %jit3A_96 : i32 to vector<16xi32>
    %div3A_98 = arith.divsi %iota3A, %div3A_97 : vector<16xi32>
    %sign3A_99 = arith.constant 0 : i32
    %sign3A_100 = vector.broadcast %sign3A_99 : i32 to vector<16xi32>
    %sign3A_101 = arith.cmpi sgt, %iota3A, %sign3A_100 : vector<16xi32>
    %sign3A_102 = arith.extui %sign3A_101 : vector<16xi1> to vector<16xi32>
    %sign3A_103 = arith.constant 0 : i32
    %sign3A_104 = vector.broadcast %sign3A_103 : i32 to vector<16xi32>
    %sign3A_105 = arith.cmpi slt, %iota3A, %sign3A_104 : vector<16xi32>
    %sign3A_106 = arith.extui %sign3A_105 : vector<16xi1> to vector<16xi32>
    %sign3A_107 = arith.subi %sign3A_102, %sign3A_106 : vector<16xi32>
    %sign3A_108 = arith.constant 0 : i32
    %sign3A_109 = arith.cmpi sgt, %jit3A_96, %sign3A_108 : i32
    %sign3A_110 = arith.extui %sign3A_109 : i1 to i32
    %sign3A_111 = arith.constant 0 : i32
    %sign3A_112 = arith.cmpi slt, %jit3A_96, %sign3A_111 : i32
    %sign3A_113 = arith.extui %sign3A_112 : i1 to i32
    %sign3A_114 = arith.subi %sign3A_110, %sign3A_113 : i32
    %ne3A_115 = vector.broadcast %sign3A_114 : i32 to vector<16xi32>
    %ne3A_116 = arith.cmpi ne, %sign3A_107, %ne3A_115 : vector<16xi32>
    %rem3A_117 = vector.broadcast %jit3A_96 : i32 to vector<16xi32>
    %rem3A_118 = arith.remsi %iota3A, %rem3A_117 : vector<16xi32>
    %ne3A_119 = arith.constant 0 : i32
    %ne3A_120 = vector.broadcast %ne3A_119 : i32 to vector<16xi32>
    %ne3A_121 = arith.cmpi ne, %rem3A_118, %ne3A_120 : vector<16xi32>
    %and3A_122 = arith.andi %ne3A_116, %ne3A_121 : vector<16xi1>
    %sub3A_123 = arith.constant 1 : i32
    %sub3A_124 = vector.broadcast %sub3A_123 : i32 to vector<16xi32>
    %sub3A_125 = arith.subi %div3A_98, %sub3A_124 : vector<16xi32>
    %select_n3A_126 = arith.select %and3A_122, %sub3A_125, %div3A_98 : vector<16xi1>, vector<16xi32>
    %add3A_127 = arith.addi %broadcast_in_dim3A_95, %select_n3A_126 : vector<16xi32>
    %broadcast_in_dim3A_128 = arith.constant 32 : i32
    %broadcast_in_dim3A_129 = vector.broadcast %broadcast_in_dim3A_128 : i32 to vector<16xi32>
    %jit3A_130 = arith.constant 2 : i32
    %div3A_131 = vector.broadcast %jit3A_130 : i32 to vector<16xi32>
    %div3A_132 = arith.divsi %iota3A, %div3A_131 : vector<16xi32>
    %sign3A_133 = arith.constant 0 : i32
    %sign3A_134 = vector.broadcast %sign3A_133 : i32 to vector<16xi32>
    %sign3A_135 = arith.cmpi sgt, %iota3A, %sign3A_134 : vector<16xi32>
    %sign3A_136 = arith.extui %sign3A_135 : vector<16xi1> to vector<16xi32>
    %sign3A_137 = arith.constant 0 : i32
    %sign3A_138 = vector.broadcast %sign3A_137 : i32 to vector<16xi32>
    %sign3A_139 = arith.cmpi slt, %iota3A, %sign3A_138 : vector<16xi32>
    %sign3A_140 = arith.extui %sign3A_139 : vector<16xi1> to vector<16xi32>
    %sign3A_141 = arith.subi %sign3A_136, %sign3A_140 : vector<16xi32>
    %sign3A_142 = arith.constant 0 : i32
    %sign3A_143 = arith.cmpi sgt, %jit3A_130, %sign3A_142 : i32
    %sign3A_144 = arith.extui %sign3A_143 : i1 to i32
    %sign3A_145 = arith.constant 0 : i32
    %sign3A_146 = arith.cmpi slt, %jit3A_130, %sign3A_145 : i32
    %sign3A_147 = arith.extui %sign3A_146 : i1 to i32
    %sign3A_148 = arith.subi %sign3A_144, %sign3A_147 : i32
    %ne3A_149 = vector.broadcast %sign3A_148 : i32 to vector<16xi32>
    %ne3A_150 = arith.cmpi ne, %sign3A_141, %ne3A_149 : vector<16xi32>
    %rem3A_151 = vector.broadcast %jit3A_130 : i32 to vector<16xi32>
    %rem3A_152 = arith.remsi %iota3A, %rem3A_151 : vector<16xi32>
    %ne3A_153 = arith.constant 0 : i32
    %ne3A_154 = vector.broadcast %ne3A_153 : i32 to vector<16xi32>
    %ne3A_155 = arith.cmpi ne, %rem3A_152, %ne3A_154 : vector<16xi32>
    %and3A_156 = arith.andi %ne3A_150, %ne3A_155 : vector<16xi1>
    %sub3A_157 = arith.constant 1 : i32
    %sub3A_158 = vector.broadcast %sub3A_157 : i32 to vector<16xi32>
    %sub3A_159 = arith.subi %div3A_132, %sub3A_158 : vector<16xi32>
    %select_n3A_160 = arith.select %and3A_156, %sub3A_159, %div3A_132 : vector<16xi1>, vector<16xi32>
    %add3A_161 = arith.addi %broadcast_in_dim3A_129, %select_n3A_160 : vector<16xi32>
    %broadcast_in_dim3A_162 = arith.constant 40 : i32
    %broadcast_in_dim3A_163 = vector.broadcast %broadcast_in_dim3A_162 : i32 to vector<16xi32>
    %jit3A_164 = arith.constant 2 : i32
    %div3A_165 = vector.broadcast %jit3A_164 : i32 to vector<16xi32>
    %div3A_166 = arith.divsi %iota3A, %div3A_165 : vector<16xi32>
    %sign3A_167 = arith.constant 0 : i32
    %sign3A_168 = vector.broadcast %sign3A_167 : i32 to vector<16xi32>
    %sign3A_169 = arith.cmpi sgt, %iota3A, %sign3A_168 : vector<16xi32>
    %sign3A_170 = arith.extui %sign3A_169 : vector<16xi1> to vector<16xi32>
    %sign3A_171 = arith.constant 0 : i32
    %sign3A_172 = vector.broadcast %sign3A_171 : i32 to vector<16xi32>
    %sign3A_173 = arith.cmpi slt, %iota3A, %sign3A_172 : vector<16xi32>
    %sign3A_174 = arith.extui %sign3A_173 : vector<16xi1> to vector<16xi32>
    %sign3A_175 = arith.subi %sign3A_170, %sign3A_174 : vector<16xi32>
    %sign3A_176 = arith.constant 0 : i32
    %sign3A_177 = arith.cmpi sgt, %jit3A_164, %sign3A_176 : i32
    %sign3A_178 = arith.extui %sign3A_177 : i1 to i32
    %sign3A_179 = arith.constant 0 : i32
    %sign3A_180 = arith.cmpi slt, %jit3A_164, %sign3A_179 : i32
    %sign3A_181 = arith.extui %sign3A_180 : i1 to i32
    %sign3A_182 = arith.subi %sign3A_178, %sign3A_181 : i32
    %ne3A_183 = vector.broadcast %sign3A_182 : i32 to vector<16xi32>
    %ne3A_184 = arith.cmpi ne, %sign3A_175, %ne3A_183 : vector<16xi32>
    %rem3A_185 = vector.broadcast %jit3A_164 : i32 to vector<16xi32>
    %rem3A_186 = arith.remsi %iota3A, %rem3A_185 : vector<16xi32>
    %ne3A_187 = arith.constant 0 : i32
    %ne3A_188 = vector.broadcast %ne3A_187 : i32 to vector<16xi32>
    %ne3A_189 = arith.cmpi ne, %rem3A_186, %ne3A_188 : vector<16xi32>
    %and3A_190 = arith.andi %ne3A_184, %ne3A_189 : vector<16xi1>
    %sub3A_191 = arith.constant 1 : i32
    %sub3A_192 = vector.broadcast %sub3A_191 : i32 to vector<16xi32>
    %sub3A_193 = arith.subi %div3A_166, %sub3A_192 : vector<16xi32>
    %select_n3A_194 = arith.select %and3A_190, %sub3A_193, %div3A_166 : vector<16xi1>, vector<16xi32>
    %add3A_195 = arith.addi %broadcast_in_dim3A_163, %select_n3A_194 : vector<16xi32>
    %broadcast_in_dim3A_196 = arith.constant 48 : i32
    %broadcast_in_dim3A_197 = vector.broadcast %broadcast_in_dim3A_196 : i32 to vector<16xi32>
    %jit3A_198 = arith.constant 2 : i32
    %div3A_199 = vector.broadcast %jit3A_198 : i32 to vector<16xi32>
    %div3A_200 = arith.divsi %iota3A, %div3A_199 : vector<16xi32>
    %sign3A_201 = arith.constant 0 : i32
    %sign3A_202 = vector.broadcast %sign3A_201 : i32 to vector<16xi32>
    %sign3A_203 = arith.cmpi sgt, %iota3A, %sign3A_202 : vector<16xi32>
    %sign3A_204 = arith.extui %sign3A_203 : vector<16xi1> to vector<16xi32>
    %sign3A_205 = arith.constant 0 : i32
    %sign3A_206 = vector.broadcast %sign3A_205 : i32 to vector<16xi32>
    %sign3A_207 = arith.cmpi slt, %iota3A, %sign3A_206 : vector<16xi32>
    %sign3A_208 = arith.extui %sign3A_207 : vector<16xi1> to vector<16xi32>
    %sign3A_209 = arith.subi %sign3A_204, %sign3A_208 : vector<16xi32>
    %sign3A_210 = arith.constant 0 : i32
    %sign3A_211 = arith.cmpi sgt, %jit3A_198, %sign3A_210 : i32
    %sign3A_212 = arith.extui %sign3A_211 : i1 to i32
    %sign3A_213 = arith.constant 0 : i32
    %sign3A_214 = arith.cmpi slt, %jit3A_198, %sign3A_213 : i32
    %sign3A_215 = arith.extui %sign3A_214 : i1 to i32
    %sign3A_216 = arith.subi %sign3A_212, %sign3A_215 : i32
    %ne3A_217 = vector.broadcast %sign3A_216 : i32 to vector<16xi32>
    %ne3A_218 = arith.cmpi ne, %sign3A_209, %ne3A_217 : vector<16xi32>
    %rem3A_219 = vector.broadcast %jit3A_198 : i32 to vector<16xi32>
    %rem3A_220 = arith.remsi %iota3A, %rem3A_219 : vector<16xi32>
    %ne3A_221 = arith.constant 0 : i32
    %ne3A_222 = vector.broadcast %ne3A_221 : i32 to vector<16xi32>
    %ne3A_223 = arith.cmpi ne, %rem3A_220, %ne3A_222 : vector<16xi32>
    %and3A_224 = arith.andi %ne3A_218, %ne3A_223 : vector<16xi1>
    %sub3A_225 = arith.constant 1 : i32
    %sub3A_226 = vector.broadcast %sub3A_225 : i32 to vector<16xi32>
    %sub3A_227 = arith.subi %div3A_200, %sub3A_226 : vector<16xi32>
    %select_n3A_228 = arith.select %and3A_224, %sub3A_227, %div3A_200 : vector<16xi1>, vector<16xi32>
    %add3A_229 = arith.addi %broadcast_in_dim3A_197, %select_n3A_228 : vector<16xi32>
    %broadcast_in_dim3A_230 = arith.constant 56 : i32
    %broadcast_in_dim3A_231 = vector.broadcast %broadcast_in_dim3A_230 : i32 to vector<16xi32>
    %jit3A_232 = arith.constant 2 : i32
    %div3A_233 = vector.broadcast %jit3A_232 : i32 to vector<16xi32>
    %div3A_234 = arith.divsi %iota3A, %div3A_233 : vector<16xi32>
    %sign3A_235 = arith.constant 0 : i32
    %sign3A_236 = vector.broadcast %sign3A_235 : i32 to vector<16xi32>
    %sign3A_237 = arith.cmpi sgt, %iota3A, %sign3A_236 : vector<16xi32>
    %sign3A_238 = arith.extui %sign3A_237 : vector<16xi1> to vector<16xi32>
    %sign3A_239 = arith.constant 0 : i32
    %sign3A_240 = vector.broadcast %sign3A_239 : i32 to vector<16xi32>
    %sign3A_241 = arith.cmpi slt, %iota3A, %sign3A_240 : vector<16xi32>
    %sign3A_242 = arith.extui %sign3A_241 : vector<16xi1> to vector<16xi32>
    %sign3A_243 = arith.subi %sign3A_238, %sign3A_242 : vector<16xi32>
    %sign3A_244 = arith.constant 0 : i32
    %sign3A_245 = arith.cmpi sgt, %jit3A_232, %sign3A_244 : i32
    %sign3A_246 = arith.extui %sign3A_245 : i1 to i32
    %sign3A_247 = arith.constant 0 : i32
    %sign3A_248 = arith.cmpi slt, %jit3A_232, %sign3A_247 : i32
    %sign3A_249 = arith.extui %sign3A_248 : i1 to i32
    %sign3A_250 = arith.subi %sign3A_246, %sign3A_249 : i32
    %ne3A_251 = vector.broadcast %sign3A_250 : i32 to vector<16xi32>
    %ne3A_252 = arith.cmpi ne, %sign3A_243, %ne3A_251 : vector<16xi32>
    %rem3A_253 = vector.broadcast %jit3A_232 : i32 to vector<16xi32>
    %rem3A_254 = arith.remsi %iota3A, %rem3A_253 : vector<16xi32>
    %ne3A_255 = arith.constant 0 : i32
    %ne3A_256 = vector.broadcast %ne3A_255 : i32 to vector<16xi32>
    %ne3A_257 = arith.cmpi ne, %rem3A_254, %ne3A_256 : vector<16xi32>
    %and3A_258 = arith.andi %ne3A_252, %ne3A_257 : vector<16xi1>
    %sub3A_259 = arith.constant 1 : i32
    %sub3A_260 = vector.broadcast %sub3A_259 : i32 to vector<16xi32>
    %sub3A_261 = arith.subi %div3A_234, %sub3A_260 : vector<16xi32>
    %select_n3A_262 = arith.select %and3A_258, %sub3A_261, %div3A_234 : vector<16xi1>, vector<16xi32>
    %add3A_263 = arith.addi %broadcast_in_dim3A_231, %select_n3A_262 : vector<16xi32>
    %add3A_264 = arith.constant 0 : i32
    %add3A_265 = vector.broadcast %add3A_264 : i32 to vector<16xi32>
    %add3A_266 = arith.addi %iota3A, %add3A_265 : vector<16xi32>
    %add3A_267 = arith.constant 16 : i32
    %add3A_268 = vector.broadcast %add3A_267 : i32 to vector<16xi32>
    %add3A_269 = arith.addi %iota3A, %add3A_268 : vector<16xi32>
    %add3A_270 = arith.constant 32 : i32
    %add3A_271 = vector.broadcast %add3A_270 : i32 to vector<16xi32>
    %add3A_272 = arith.addi %iota3A, %add3A_271 : vector<16xi32>
    %add3A_273 = arith.constant 48 : i32
    %add3A_274 = vector.broadcast %add3A_273 : i32 to vector<16xi32>
    %add3A_275 = arith.addi %iota3A, %add3A_274 : vector<16xi32>
    %add3A_276 = arith.constant 64 : i32
    %add3A_277 = vector.broadcast %add3A_276 : i32 to vector<16xi32>
    %add3A_278 = arith.addi %iota3A, %add3A_277 : vector<16xi32>
    %add3A_279 = arith.constant 80 : i32
    %add3A_280 = vector.broadcast %add3A_279 : i32 to vector<16xi32>
    %add3A_281 = arith.addi %iota3A, %add3A_280 : vector<16xi32>
    %add3A_282 = arith.constant 96 : i32
    %add3A_283 = vector.broadcast %add3A_282 : i32 to vector<16xi32>
    %add3A_284 = arith.addi %iota3A, %add3A_283 : vector<16xi32>
    %add3A_285 = arith.constant 112 : i32
    %add3A_286 = vector.broadcast %add3A_285 : i32 to vector<16xi32>
    %add3A_287 = arith.addi %iota3A, %add3A_286 : vector<16xi32>
    %and3A_288 = arith.constant 1 : i32
    %and3A_289 = vector.broadcast %and3A_288 : i32 to vector<16xi32>
    %and3A_290 = arith.andi %iota3A, %and3A_289 : vector<16xi32>
    %mul3A_291 = arith.constant 64 : i32
    %mul3A_292 = vector.broadcast %mul3A_291 : i32 to vector<16xi32>
    %mul3A_293 = arith.muli %and3A_290, %mul3A_292 : vector<16xi32>
    %lt3A = arith.constant 7813 : i32
    %lt3A_294 = arith.cmpi slt, %add3A, %lt3A : i32
    %convert_element_type3A = arith.extui %lt3A_294 : i1 to i32
    %cond3A = arith.constant 0 : i32
    %cond3A_295 = arith.cmpi ne, %convert_element_type3A, %cond3A : i32
    scf.if %cond3A_295 {
      %mul3A_340 = arith.constant 128 : i32
      %mul3A_341 = arith.muli %add3A, %mul3A_340 : i32
      %dma_start3A = arith.constant 0 : i32
      %dma_start3A_342 = tpu.memref_slice %arg2[%dma_start3A, %mul3A_341] : memref<64x1000000xf32, #tpu.memory_space<hbm>> -> memref<64x128xf32, #tpu.memory_space<hbm>>
      %dma_start3A_343 = arith.constant 0 : i32
      %dma_start3A_344 = tpu.memref_slice %arg2[%dma_start3A_343, %mul3A_341] : memref<64x1000000xf32, #tpu.memory_space<hbm>> -> memref<64x128xf32, #tpu.memory_space<hbm>>
      tpu.enqueue_dma source(%dma_start3A_344 : memref<64x128xf32, #tpu.memory_space<hbm>>) target(%arg4 : memref<64x128xf32, #tpu.memory_space<vmem>>) target_semaphore(%arg8 : memref<!tpu.dma_semaphore, #tpu.memory_space<semaphore_mem>>)
    } else {
    }
    %scan3A = arith.constant 0 : i32
    %scan3A_296 = arith.constant 0 : i32
    %scan3A_297 = arith.constant 123 : i32
    %scan3A_298 = arith.addi %scan3A_296, %scan3A_297 : i32
    %scan3A_299 = arith.constant 1 : i32
    scf.for %scan3A_340 = %scan3A_296 to %scan3A_298 step %scan3A_299  : i32 {
      %mul3A_341 = arith.constant 2 : i32
      %mul3A_342 = arith.muli %mul3A_341, %scan3A_340 : i32
      %add3A_343 = arith.constant 0 : i32
      %add3A_344 = arith.addi %mul3A_342, %add3A_343 : i32
      %mul3A_345 = arith.constant 32 : i32
      %mul3A_346 = arith.muli %add3A_344, %mul3A_345 : i32
      %add3A_347 = arith.addi %add3A, %mul3A_346 : i32
      %add3A_348 = arith.constant 32 : i32
      %add3A_349 = arith.addi %add3A_347, %add3A_348 : i32
      %lt3A_350 = arith.constant 7813 : i32
      %lt3A_351 = arith.cmpi slt, %add3A_349, %lt3A_350 : i32
      %convert_element_type3A_352 = arith.extui %lt3A_351 : i1 to i32
      %cond3A_353 = arith.constant 0 : i32
      %cond3A_354 = arith.cmpi ne, %convert_element_type3A_352, %cond3A_353 : i32
      scf.if %cond3A_354 {
        %mul3A_379 = arith.constant 128 : i32
        %mul3A_380 = arith.muli %add3A_349, %mul3A_379 : i32
        %dma_start3A = arith.constant 0 : i32
        %dma_start3A_381 = tpu.memref_slice %arg2[%dma_start3A, %mul3A_380] : memref<64x1000000xf32, #tpu.memory_space<hbm>> -> memref<64x128xf32, #tpu.memory_space<hbm>>
        %dma_start3A_382 = arith.constant 0 : i32
        %dma_start3A_383 = tpu.memref_slice %arg2[%dma_start3A_382, %mul3A_380] : memref<64x1000000xf32, #tpu.memory_space<hbm>> -> memref<64x128xf32, #tpu.memory_space<hbm>>
        tpu.enqueue_dma source(%dma_start3A_383 : memref<64x128xf32, #tpu.memory_space<hbm>>) target(%arg5 : memref<64x128xf32, #tpu.memory_space<vmem>>) target_semaphore(%arg9 : memref<!tpu.dma_semaphore, #tpu.memory_space<semaphore_mem>>)
      } else {
      }
      %lt3A_355 = arith.constant 7813 : i32
      %lt3A_356 = arith.cmpi slt, %add3A_347, %lt3A_355 : i32
      %convert_element_type3A_357 = arith.extui %lt3A_356 : i1 to i32
      %cond3A_358 = arith.constant 0 : i32
      %cond3A_359 = arith.cmpi ne, %convert_element_type3A_357, %cond3A_358 : i32
      scf.if %cond3A_359 {
        %mul3A_379 = arith.constant 128 : i32
        %mul3A_380 = arith.muli %add3A_347, %mul3A_379 : i32
        %dma_wait3A = arith.constant 0 : i32
        %dma_wait3A_381 = tpu.memref_slice %arg2[%dma_wait3A, %mul3A_380] : memref<64x1000000xf32, #tpu.memory_space<hbm>> -> memref<64x128xf32, #tpu.memory_space<hbm>>
        %dma_wait3A_382 = arith.constant 0 : i32
        %dma_wait3A_383 = tpu.memref_slice %arg2[%dma_wait3A_382, %mul3A_380] : memref<64x1000000xf32, #tpu.memory_space<hbm>> -> memref<64x128xf32, #tpu.memory_space<hbm>>
        tpu.wait_dma2 semaphore(%arg8 : memref<!tpu.dma_semaphore, #tpu.memory_space<semaphore_mem>>) src(%dma_wait3A_383 : memref<64x128xf32, #tpu.memory_space<hbm>>) dst(%arg4 : memref<64x128xf32, #tpu.memory_space<vmem>>)
        %ge3A_384 = arith.constant 2 : i32
        %ge3A_385 = arith.cmpi sge, %add3A_344, %ge3A_384 : i32
        %convert_element_type3A_386 = arith.extui %ge3A_385 : i1 to i32
        %cond3A_387 = arith.constant 0 : i32
        %cond3A_388 = arith.cmpi ne, %convert_element_type3A_386, %cond3A_387 : i32
        scf.if %cond3A_388 {
          %sub3A_400 = arith.constant 64 : i32
          %sub3A_401 = arith.subi %add3A_347, %sub3A_400 : i32
          %mul3A_402 = arith.constant 64 : i32
          %mul3A_403 = arith.muli %sub3A_401, %mul3A_402 : i32
          %dma_wait3A_404 = arith.constant 0 : i32
          %dma_wait3A_405 = tpu.memref_slice %arg3[%mul3A_403, %dma_wait3A_404] : memref<500032x128xf32, #tpu.memory_space<hbm>> -> memref<64x128xf32, #tpu.memory_space<hbm>>
          %dma_wait3A_406 = arith.constant 0 : i32
          %dma_wait3A_407 = tpu.memref_slice %arg3[%mul3A_403, %dma_wait3A_406] : memref<500032x128xf32, #tpu.memory_space<hbm>> -> memref<64x128xf32, #tpu.memory_space<hbm>>
          tpu.wait_dma2 semaphore(%arg10 : memref<!tpu.dma_semaphore, #tpu.memory_space<semaphore_mem>>) src(%arg6 : memref<64x128xf32, #tpu.memory_space<vmem>>) dst(%dma_wait3A_407 : memref<64x128xf32, #tpu.memory_space<hbm>>)
        } else {
        }
        %scan3A_389 = arith.constant 0 : i32
        %scan3A_390 = arith.constant 0 : i32
        %scan3A_391 = arith.constant 16 : i32
        %scan3A_392 = arith.addi %scan3A_390, %scan3A_391 : i32
        %scan3A_393 = arith.constant 4 : i32
        scf.for %scan3A_400 = %scan3A_390 to %scan3A_392 step %scan3A_393  : i32 {
          %add3A_401 = vector.broadcast %scan3A_400 : i32 to vector<16xi32>
          %add3A_402 = arith.addi %iota3A, %add3A_401 : vector<16xi32>
          %and3A_403 = arith.constant 15 : i32
          %and3A_404 = vector.broadcast %and3A_403 : i32 to vector<16xi32>
          %and3A_405 = arith.andi %add3A_402, %and3A_404 : vector<16xi32>
          %add3A_406 = arith.constant 0 : i32
          %add3A_407 = vector.broadcast %add3A_406 : i32 to vector<16xi32>
          %add3A_408 = arith.addi %and3A_405, %add3A_407 : vector<16xi32>
          %add3A_409 = arith.addi %mul3A_293, %add3A_408 : vector<16xi32>
          %gather3A = tpu.vector_load_idx %arg4[%add3A_408, %add3A_266] : memref<64x128xf32, #tpu.memory_space<vmem>>[vector<16xi32>, vector<16xi32>], vector<16xf32>,
          %gather3A_410 = tpu.vector_load_idx %arg4[%add3A_408, %add3A_269] : memref<64x128xf32, #tpu.memory_space<vmem>>[vector<16xi32>, vector<16xi32>], vector<16xf32>,
          %gather3A_411 = tpu.vector_load_idx %arg4[%add3A_408, %add3A_272] : memref<64x128xf32, #tpu.memory_space<vmem>>[vector<16xi32>, vector<16xi32>], vector<16xf32>,
          %gather3A_412 = tpu.vector_load_idx %arg4[%add3A_408, %add3A_275] : memref<64x128xf32, #tpu.memory_space<vmem>>[vector<16xi32>, vector<16xi32>], vector<16xf32>,
          %gather3A_413 = tpu.vector_load_idx %arg4[%add3A_408, %add3A_278] : memref<64x128xf32, #tpu.memory_space<vmem>>[vector<16xi32>, vector<16xi32>], vector<16xf32>,
          %gather3A_414 = tpu.vector_load_idx %arg4[%add3A_408, %add3A_281] : memref<64x128xf32, #tpu.memory_space<vmem>>[vector<16xi32>, vector<16xi32>], vector<16xf32>,
          %gather3A_415 = tpu.vector_load_idx %arg4[%add3A_408, %add3A_284] : memref<64x128xf32, #tpu.memory_space<vmem>>[vector<16xi32>, vector<16xi32>], vector<16xf32>,
          %gather3A_416 = tpu.vector_load_idx %arg4[%add3A_408, %add3A_287] : memref<64x128xf32, #tpu.memory_space<vmem>>[vector<16xi32>, vector<16xi32>], vector<16xf32>,
          tpu.vector_store_idx %arg6[%add3A_25, %add3A_409], %gather3A : memref<64x128xf32, #tpu.memory_space<vmem>>[vector<16xi32>, vector<16xi32>], vector<16xf32>,
          tpu.vector_store_idx %arg6[%add3A_59, %add3A_409], %gather3A_410 : memref<64x128xf32, #tpu.memory_space<vmem>>[vector<16xi32>, vector<16xi32>], vector<16xf32>,
          tpu.vector_store_idx %arg6[%add3A_93, %add3A_409], %gather3A_411 : memref<64x128xf32, #tpu.memory_space<vmem>>[vector<16xi32>, vector<16xi32>], vector<16xf32>,
          tpu.vector_store_idx %arg6[%add3A_127, %add3A_409], %gather3A_412 : memref<64x128xf32, #tpu.memory_space<vmem>>[vector<16xi32>, vector<16xi32>], vector<16xf32>,
          tpu.vector_store_idx %arg6[%add3A_161, %add3A_409], %gather3A_413 : memref<64x128xf32, #tpu.memory_space<vmem>>[vector<16xi32>, vector<16xi32>], vector<16xf32>,
          tpu.vector_store_idx %arg6[%add3A_195, %add3A_409], %gather3A_414 : memref<64x128xf32, #tpu.memory_space<vmem>>[vector<16xi32>, vector<16xi32>], vector<16xf32>,
          tpu.vector_store_idx %arg6[%add3A_229, %add3A_409], %gather3A_415 : memref<64x128xf32, #tpu.memory_space<vmem>>[vector<16xi32>, vector<16xi32>], vector<16xf32>,
          tpu.vector_store_idx %arg6[%add3A_263, %add3A_409], %gather3A_416 : memref<64x128xf32, #tpu.memory_space<vmem>>[vector<16xi32>, vector<16xi32>], vector<16xf32>,
          %add3A_417 = arith.constant 16 : i32
          %add3A_418 = vector.broadcast %add3A_417 : i32 to vector<16xi32>
          %add3A_419 = arith.addi %and3A_405, %add3A_418 : vector<16xi32>
          %add3A_420 = arith.addi %mul3A_293, %add3A_419 : vector<16xi32>
          %gather3A_421 = tpu.vector_load_idx %arg4[%add3A_419, %add3A_266] : memref<64x128xf32, #tpu.memory_space<vmem>>[vector<16xi32>, vector<16xi32>], vector<16xf32>,
          %gather3A_422 = tpu.vector_load_idx %arg4[%add3A_419, %add3A_269] : memref<64x128xf32, #tpu.memory_space<vmem>>[vector<16xi32>, vector<16xi32>], vector<16xf32>,
          %gather3A_423 = tpu.vector_load_idx %arg4[%add3A_419, %add3A_272] : memref<64x128xf32, #tpu.memory_space<vmem>>[vector<16xi32>, vector<16xi32>], vector<16xf32>,
          %gather3A_424 = tpu.vector_load_idx %arg4[%add3A_419, %add3A_275] : memref<64x128xf32, #tpu.memory_space<vmem>>[vector<16xi32>, vector<16xi32>], vector<16xf32>,
          %gather3A_425 = tpu.vector_load_idx %arg4[%add3A_419, %add3A_278] : memref<64x128xf32, #tpu.memory_space<vmem>>[vector<16xi32>, vector<16xi32>], vector<16xf32>,
          %gather3A_426 = tpu.vector_load_idx %arg4[%add3A_419, %add3A_281] : memref<64x128xf32, #tpu.memory_space<vmem>>[vector<16xi32>, vector<16xi32>], vector<16xf32>,
          %gather3A_427 = tpu.vector_load_idx %arg4[%add3A_419, %add3A_284] : memref<64x128xf32, #tpu.memory_space<vmem>>[vector<16xi32>, vector<16xi32>], vector<16xf32>,
          %gather3A_428 = tpu.vector_load_idx %arg4[%add3A_419, %add3A_287] : memref<64x128xf32, #tpu.memory_space<vmem>>[vector<16xi32>, vector<16xi32>], vector<16xf32>,
          tpu.vector_store_idx %arg6[%add3A_25, %add3A_420], %gather3A_421 : memref<64x128xf32, #tpu.memory_space<vmem>>[vector<16xi32>, vector<16xi32>], vector<16xf32>,
          tpu.vector_store_idx %arg6[%add3A_59, %add3A_420], %gather3A_422 : memref<64x128xf32, #tpu.memory_space<vmem>>[vector<16xi32>, vector<16xi32>], vector<16xf32>,
          tpu.vector_store_idx %arg6[%add3A_93, %add3A_420], %gather3A_423 : memref<64x128xf32, #tpu.memory_space<vmem>>[vector<16xi32>, vector<16xi32>], vector<16xf32>,
          tpu.vector_store_idx %arg6[%add3A_127, %add3A_420], %gather3A_424 : memref<64x128xf32, #tpu.memory_space<vmem>>[vector<16xi32>, vector<16xi32>], vector<16xf32>,
          tpu.vector_store_idx %arg6[%add3A_161, %add3A_420], %gather3A_425 : memref<64x128xf32, #tpu.memory_space<vmem>>[vector<16xi32>, vector<16xi32>], vector<16xf32>,
          tpu.vector_store_idx %arg6[%add3A_195, %add3A_420], %gather3A_426 : memref<64x128xf32, #tpu.memory_space<vmem>>[vector<16xi32>, vector<16xi32>], vector<16xf32>,
          tpu.vector_store_idx %arg6[%add3A_229, %add3A_420], %gather3A_427 : memref<64x128xf32, #tpu.memory_space<vmem>>[vector<16xi32>, vector<16xi32>], vector<16xf32>,
          tpu.vector_store_idx %arg6[%add3A_263, %add3A_420], %gather3A_428 : memref<64x128xf32, #tpu.memory_space<vmem>>[vector<16xi32>, vector<16xi32>], vector<16xf32>,
          %add3A_429 = arith.constant 32 : i32
          %add3A_430 = vector.broadcast %add3A_429 : i32 to vector<16xi32>
          %add3A_431 = arith.addi %and3A_405, %add3A_430 : vector<16xi32>
          %add3A_432 = arith.addi %mul3A_293, %add3A_431 : vector<16xi32>
          %gather3A_433 = tpu.vector_load_idx %arg4[%add3A_431, %add3A_266] : memref<64x128xf32, #tpu.memory_space<vmem>>[vector<16xi32>, vector<16xi32>], vector<16xf32>,
          %gather3A_434 = tpu.vector_load_idx %arg4[%add3A_431, %add3A_269] : memref<64x128xf32, #tpu.memory_space<vmem>>[vector<16xi32>, vector<16xi32>], vector<16xf32>,
          %gather3A_435 = tpu.vector_load_idx %arg4[%add3A_431, %add3A_272] : memref<64x128xf32, #tpu.memory_space<vmem>>[vector<16xi32>, vector<16xi32>], vector<16xf32>,
          %gather3A_436 = tpu.vector_load_idx %arg4[%add3A_431, %add3A_275] : memref<64x128xf32, #tpu.memory_space<vmem>>[vector<16xi32>, vector<16xi32>], vector<16xf32>,
          %gather3A_437 = tpu.vector_load_idx %arg4[%add3A_431, %add3A_278] : memref<64x128xf32, #tpu.memory_space<vmem>>[vector<16xi32>, vector<16xi32>], vector<16xf32>,
          %gather3A_438 = tpu.vector_load_idx %arg4[%add3A_431, %add3A_281] : memref<64x128xf32, #tpu.memory_space<vmem>>[vector<16xi32>, vector<16xi32>], vector<16xf32>,
          %gather3A_439 = tpu.vector_load_idx %arg4[%add3A_431, %add3A_284] : memref<64x128xf32, #tpu.memory_space<vmem>>[vector<16xi32>, vector<16xi32>], vector<16xf32>,
          %gather3A_440 = tpu.vector_load_idx %arg4[%add3A_431, %add3A_287] : memref<64x128xf32, #tpu.memory_space<vmem>>[vector<16xi32>, vector<16xi32>], vector<16xf32>,
          tpu.vector_store_idx %arg6[%add3A_25, %add3A_432], %gather3A_433 : memref<64x128xf32, #tpu.memory_space<vmem>>[vector<16xi32>, vector<16xi32>], vector<16xf32>,
          tpu.vector_store_idx %arg6[%add3A_59, %add3A_432], %gather3A_434 : memref<64x128xf32, #tpu.memory_space<vmem>>[vector<16xi32>, vector<16xi32>], vector<16xf32>,
          tpu.vector_store_idx %arg6[%add3A_93, %add3A_432], %gather3A_435 : memref<64x128xf32, #tpu.memory_space<vmem>>[vector<16xi32>, vector<16xi32>], vector<16xf32>,
          tpu.vector_store_idx %arg6[%add3A_127, %add3A_432], %gather3A_436 : memref<64x128xf32, #tpu.memory_space<vmem>>[vector<16xi32>, vector<16xi32>], vector<16xf32>,
          tpu.vector_store_idx %arg6[%add3A_161, %add3A_432], %gather3A_437 : memref<64x128xf32, #tpu.memory_space<vmem>>[vector<16xi32>, vector<16xi32>], vector<16xf32>,
          tpu.vector_store_idx %arg6[%add3A_195, %add3A_432], %gather3A_438 : memref<64x128xf32, #tpu.memory_space<vmem>>[vector<16xi32>, vector<16xi32>], vector<16xf32>,
          tpu.vector_store_idx %arg6[%add3A_229, %add3A_432], %gather3A_439 : memref<64x128xf32, #tpu.memory_space<vmem>>[vector<16xi32>, vector<16xi32>], vector<16xf32>,
          tpu.vector_store_idx %arg6[%add3A_263, %add3A_432], %gather3A_440 : memref<64x128xf32, #tpu.memory_space<vmem>>[vector<16xi32>, vector<16xi32>], vector<16xf32>,
          %add3A_441 = arith.constant 48 : i32
          %add3A_442 = vector.broadcast %add3A_441 : i32 to vector<16xi32>
          %add3A_443 = arith.addi %and3A_405, %add3A_442 : vector<16xi32>
          %add3A_444 = arith.addi %mul3A_293, %add3A_443 : vector<16xi32>
          %gather3A_445 = tpu.vector_load_idx %arg4[%add3A_443, %add3A_266] : memref<64x128xf32, #tpu.memory_space<vmem>>[vector<16xi32>, vector<16xi32>], vector<16xf32>,
          %gather3A_446 = tpu.vector_load_idx %arg4[%add3A_443, %add3A_269] : memref<64x128xf32, #tpu.memory_space<vmem>>[vector<16xi32>, vector<16xi32>], vector<16xf32>,
          %gather3A_447 = tpu.vector_load_idx %arg4[%add3A_443, %add3A_272] : memref<64x128xf32, #tpu.memory_space<vmem>>[vector<16xi32>, vector<16xi32>], vector<16xf32>,
          %gather3A_448 = tpu.vector_load_idx %arg4[%add3A_443, %add3A_275] : memref<64x128xf32, #tpu.memory_space<vmem>>[vector<16xi32>, vector<16xi32>], vector<16xf32>,
          %gather3A_449 = tpu.vector_load_idx %arg4[%add3A_443, %add3A_278] : memref<64x128xf32, #tpu.memory_space<vmem>>[vector<16xi32>, vector<16xi32>], vector<16xf32>,
          %gather3A_450 = tpu.vector_load_idx %arg4[%add3A_443, %add3A_281] : memref<64x128xf32, #tpu.memory_space<vmem>>[vector<16xi32>, vector<16xi32>], vector<16xf32>,
          %gather3A_451 = tpu.vector_load_idx %arg4[%add3A_443, %add3A_284] : memref<64x128xf32, #tpu.memory_space<vmem>>[vector<16xi32>, vector<16xi32>], vector<16xf32>,
          %gather3A_452 = tpu.vector_load_idx %arg4[%add3A_443, %add3A_287] : memref<64x128xf32, #tpu.memory_space<vmem>>[vector<16xi32>, vector<16xi32>], vector<16xf32>,
          tpu.vector_store_idx %arg6[%add3A_25, %add3A_444], %gather3A_445 : memref<64x128xf32, #tpu.memory_space<vmem>>[vector<16xi32>, vector<16xi32>], vector<16xf32>,
          tpu.vector_store_idx %arg6[%add3A_59, %add3A_444], %gather3A_446 : memref<64x128xf32, #tpu.memory_space<vmem>>[vector<16xi32>, vector<16xi32>], vector<16xf32>,
          tpu.vector_store_idx %arg6[%add3A_93, %add3A_444], %gather3A_447 : memref<64x128xf32, #tpu.memory_space<vmem>>[vector<16xi32>, vector<16xi32>], vector<16xf32>,
          tpu.vector_store_idx %arg6[%add3A_127, %add3A_444], %gather3A_448 : memref<64x128xf32, #tpu.memory_space<vmem>>[vector<16xi32>, vector<16xi32>], vector<16xf32>,
          tpu.vector_store_idx %arg6[%add3A_161, %add3A_444], %gather3A_449 : memref<64x128xf32, #tpu.memory_space<vmem>>[vector<16xi32>, vector<16xi32>], vector<16xf32>,
          tpu.vector_store_idx %arg6[%add3A_195, %add3A_444], %gather3A_450 : memref<64x128xf32, #tpu.memory_space<vmem>>[vector<16xi32>, vector<16xi32>], vector<16xf32>,
          tpu.vector_store_idx %arg6[%add3A_229, %add3A_444], %gather3A_451 : memref<64x128xf32, #tpu.memory_space<vmem>>[vector<16xi32>, vector<16xi32>], vector<16xf32>,
          tpu.vector_store_idx %arg6[%add3A_263, %add3A_444], %gather3A_452 : memref<64x128xf32, #tpu.memory_space<vmem>>[vector<16xi32>, vector<16xi32>], vector<16xf32>,
          %scan3A_453 = arith.constant 1 : i32
          %scan3A_454 = arith.addi %scan3A_400, %scan3A_453 : i32
          %add3A_455 = vector.broadcast %scan3A_454 : i32 to vector<16xi32>
          %add3A_456 = arith.addi %iota3A, %add3A_455 : vector<16xi32>
          %and3A_457 = arith.constant 15 : i32
          %and3A_458 = vector.broadcast %and3A_457 : i32 to vector<16xi32>
          %and3A_459 = arith.andi %add3A_456, %and3A_458 : vector<16xi32>
          %add3A_460 = arith.constant 0 : i32
          %add3A_461 = vector.broadcast %add3A_460 : i32 to vector<16xi32>
          %add3A_462 = arith.addi %and3A_459, %add3A_461 : vector<16xi32>
          %add3A_463 = arith.addi %mul3A_293, %add3A_462 : vector<16xi32>
          %gather3A_464 = tpu.vector_load_idx %arg4[%add3A_462, %add3A_266] : memref<64x128xf32, #tpu.memory_space<vmem>>[vector<16xi32>, vector<16xi32>], vector<16xf32>,
          %gather3A_465 = tpu.vector_load_idx %arg4[%add3A_462, %add3A_269] : memref<64x128xf32, #tpu.memory_space<vmem>>[vector<16xi32>, vector<16xi32>], vector<16xf32>,
          %gather3A_466 = tpu.vector_load_idx %arg4[%add3A_462, %add3A_272] : memref<64x128xf32, #tpu.memory_space<vmem>>[vector<16xi32>, vector<16xi32>], vector<16xf32>,
          %gather3A_467 = tpu.vector_load_idx %arg4[%add3A_462, %add3A_275] : memref<64x128xf32, #tpu.memory_space<vmem>>[vector<16xi32>, vector<16xi32>], vector<16xf32>,
          %gather3A_468 = tpu.vector_load_idx %arg4[%add3A_462, %add3A_278] : memref<64x128xf32, #tpu.memory_space<vmem>>[vector<16xi32>, vector<16xi32>], vector<16xf32>,
          %gather3A_469 = tpu.vector_load_idx %arg4[%add3A_462, %add3A_281] : memref<64x128xf32, #tpu.memory_space<vmem>>[vector<16xi32>, vector<16xi32>], vector<16xf32>,
          %gather3A_470 = tpu.vector_load_idx %arg4[%add3A_462, %add3A_284] : memref<64x128xf32, #tpu.memory_space<vmem>>[vector<16xi32>, vector<16xi32>], vector<16xf32>,
          %gather3A_471 = tpu.vector_load_idx %arg4[%add3A_462, %add3A_287] : memref<64x128xf32, #tpu.memory_space<vmem>>[vector<16xi32>, vector<16xi32>], vector<16xf32>,
          tpu.vector_store_idx %arg6[%add3A_25, %add3A_463], %gather3A_464 : memref<64x128xf32, #tpu.memory_space<vmem>>[vector<16xi32>, vector<16xi32>], vector<16xf32>,
          tpu.vector_store_idx %arg6[%add3A_59, %add3A_463], %gather3A_465 : memref<64x128xf32, #tpu.memory_space<vmem>>[vector<16xi32>, vector<16xi32>], vector<16xf32>,
          tpu.vector_store_idx %arg6[%add3A_93, %add3A_463], %gather3A_466 : memref<64x128xf32, #tpu.memory_space<vmem>>[vector<16xi32>, vector<16xi32>], vector<16xf32>,
          tpu.vector_store_idx %arg6[%add3A_127, %add3A_463], %gather3A_467 : memref<64x128xf32, #tpu.memory_space<vmem>>[vector<16xi32>, vector<16xi32>], vector<16xf32>,
          tpu.vector_store_idx %arg6[%add3A_161, %add3A_463], %gather3A_468 : memref<64x128xf32, #tpu.memory_space<vmem>>[vector<16xi32>, vector<16xi32>], vector<16xf32>,
          tpu.vector_store_idx %arg6[%add3A_195, %add3A_463], %gather3A_469 : memref<64x128xf32, #tpu.memory_space<vmem>>[vector<16xi32>, vector<16xi32>], vector<16xf32>,
          tpu.vector_store_idx %arg6[%add3A_229, %add3A_463], %gather3A_470 : memref<64x128xf32, #tpu.memory_space<vmem>>[vector<16xi32>, vector<16xi32>], vector<16xf32>,
          tpu.vector_store_idx %arg6[%add3A_263, %add3A_463], %gather3A_471 : memref<64x128xf32, #tpu.memory_space<vmem>>[vector<16xi32>, vector<16xi32>], vector<16xf32>,
          %add3A_472 = arith.constant 16 : i32
          %add3A_473 = vector.broadcast %add3A_472 : i32 to vector<16xi32>
          %add3A_474 = arith.addi %and3A_459, %add3A_473 : vector<16xi32>
          %add3A_475 = arith.addi %mul3A_293, %add3A_474 : vector<16xi32>
          %gather3A_476 = tpu.vector_load_idx %arg4[%add3A_474, %add3A_266] : memref<64x128xf32, #tpu.memory_space<vmem>>[vector<16xi32>, vector<16xi32>], vector<16xf32>,
          %gather3A_477 = tpu.vector_load_idx %arg4[%add3A_474, %add3A_269] : memref<64x128xf32, #tpu.memory_space<vmem>>[vector<16xi32>, vector<16xi32>], vector<16xf32>,
          %gather3A_478 = tpu.vector_load_idx %arg4[%add3A_474, %add3A_272] : memref<64x128xf32, #tpu.memory_space<vmem>>[vector<16xi32>, vector<16xi32>], vector<16xf32>,
          %gather3A_479 = tpu.vector_load_idx %arg4[%add3A_474, %add3A_275] : memref<64x128xf32, #tpu.memory_space<vmem>>[vector<16xi32>, vector<16xi32>], vector<16xf32>,
          %gather3A_480 = tpu.vector_load_idx %arg4[%add3A_474, %add3A_278] : memref<64x128xf32, #tpu.memory_space<vmem>>[vector<16xi32>, vector<16xi32>], vector<16xf32>,
          %gather3A_481 = tpu.vector_load_idx %arg4[%add3A_474, %add3A_281] : memref<64x128xf32, #tpu.memory_space<vmem>>[vector<16xi32>, vector<16xi32>], vector<16xf32>,
          %gather3A_482 = tpu.vector_load_idx %arg4[%add3A_474, %add3A_284] : memref<64x128xf32, #tpu.memory_space<vmem>>[vector<16xi32>, vector<16xi32>], vector<16xf32>,
          %gather3A_483 = tpu.vector_load_idx %arg4[%add3A_474, %add3A_287] : memref<64x128xf32, #tpu.memory_space<vmem>>[vector<16xi32>, vector<16xi32>], vector<16xf32>,
          tpu.vector_store_idx %arg6[%add3A_25, %add3A_475], %gather3A_476 : memref<64x128xf32, #tpu.memory_space<vmem>>[vector<16xi32>, vector<16xi32>], vector<16xf32>,
          tpu.vector_store_idx %arg6[%add3A_59, %add3A_475], %gather3A_477 : memref<64x128xf32, #tpu.memory_space<vmem>>[vector<16xi32>, vector<16xi32>], vector<16xf32>,
          tpu.vector_store_idx %arg6[%add3A_93, %add3A_475], %gather3A_478 : memref<64x128xf32, #tpu.memory_space<vmem>>[vector<16xi32>, vector<16xi32>], vector<16xf32>,
          tpu.vector_store_idx %arg6[%add3A_127, %add3A_475], %gather3A_479 : memref<64x128xf32, #tpu.memory_space<vmem>>[vector<16xi32>, vector<16xi32>], vector<16xf32>,
          tpu.vector_store_idx %arg6[%add3A_161, %add3A_475], %gather3A_480 : memref<64x128xf32, #tpu.memory_space<vmem>>[vector<16xi32>, vector<16xi32>], vector<16xf32>,
          tpu.vector_store_idx %arg6[%add3A_195, %add3A_475], %gather3A_481 : memref<64x128xf32, #tpu.memory_space<vmem>>[vector<16xi32>, vector<16xi32>], vector<16xf32>,
          tpu.vector_store_idx %arg6[%add3A_229, %add3A_475], %gather3A_482 : memref<64x128xf32, #tpu.memory_space<vmem>>[vector<16xi32>, vector<16xi32>], vector<16xf32>,
          tpu.vector_store_idx %arg6[%add3A_263, %add3A_475], %gather3A_483 : memref<64x128xf32, #tpu.memory_space<vmem>>[vector<16xi32>, vector<16xi32>], vector<16xf32>,
          %add3A_484 = arith.constant 32 : i32
          %add3A_485 = vector.broadcast %add3A_484 : i32 to vector<16xi32>
          %add3A_486 = arith.addi %and3A_459, %add3A_485 : vector<16xi32>
          %add3A_487 = arith.addi %mul3A_293, %add3A_486 : vector<16xi32>
          %gather3A_488 = tpu.vector_load_idx %arg4[%add3A_486, %add3A_266] : memref<64x128xf32, #tpu.memory_space<vmem>>[vector<16xi32>, vector<16xi32>], vector<16xf32>,
          %gather3A_489 = tpu.vector_load_idx %arg4[%add3A_486, %add3A_269] : memref<64x128xf32, #tpu.memory_space<vmem>>[vector<16xi32>, vector<16xi32>], vector<16xf32>,
          %gather3A_490 = tpu.vector_load_idx %arg4[%add3A_486, %add3A_272] : memref<64x128xf32, #tpu.memory_space<vmem>>[vector<16xi32>, vector<16xi32>], vector<16xf32>,
          %gather3A_491 = tpu.vector_load_idx %arg4[%add3A_486, %add3A_275] : memref<64x128xf32, #tpu.memory_space<vmem>>[vector<16xi32>, vector<16xi32>], vector<16xf32>,
          %gather3A_492 = tpu.vector_load_idx %arg4[%add3A_486, %add3A_278] : memref<64x128xf32, #tpu.memory_space<vmem>>[vector<16xi32>, vector<16xi32>], vector<16xf32>,
          %gather3A_493 = tpu.vector_load_idx %arg4[%add3A_486, %add3A_281] : memref<64x128xf32, #tpu.memory_space<vmem>>[vector<16xi32>, vector<16xi32>], vector<16xf32>,
          %gather3A_494 = tpu.vector_load_idx %arg4[%add3A_486, %add3A_284] : memref<64x128xf32, #tpu.memory_space<vmem>>[vector<16xi32>, vector<16xi32>], vector<16xf32>,
          %gather3A_495 = tpu.vector_load_idx %arg4[%add3A_486, %add3A_287] : memref<64x128xf32, #tpu.memory_space<vmem>>[vector<16xi32>, vector<16xi32>], vector<16xf32>,
          tpu.vector_store_idx %arg6[%add3A_25, %add3A_487], %gather3A_488 : memref<64x128xf32, #tpu.memory_space<vmem>>[vector<16xi32>, vector<16xi32>], vector<16xf32>,
          tpu.vector_store_idx %arg6[%add3A_59, %add3A_487], %gather3A_489 : memref<64x128xf32, #tpu.memory_space<vmem>>[vector<16xi32>, vector<16xi32>], vector<16xf32>,
          tpu.vector_store_idx %arg6[%add3A_93, %add3A_487], %gather3A_490 : memref<64x128xf32, #tpu.memory_space<vmem>>[vector<16xi32>, vector<16xi32>], vector<16xf32>,
          tpu.vector_store_idx %arg6[%add3A_127, %add3A_487], %gather3A_491 : memref<64x128xf32, #tpu.memory_space<vmem>>[vector<16xi32>, vector<16xi32>], vector<16xf32>,
          tpu.vector_store_idx %arg6[%add3A_161, %add3A_487], %gather3A_492 : memref<64x128xf32, #tpu.memory_space<vmem>>[vector<16xi32>, vector<16xi32>], vector<16xf32>,
          tpu.vector_store_idx %arg6[%add3A_195, %add3A_487], %gather3A_493 : memref<64x128xf32, #tpu.memory_space<vmem>>[vector<16xi32>, vector<16xi32>], vector<16xf32>,
          tpu.vector_store_idx %arg6[%add3A_229, %add3A_487], %gather3A_494 : memref<64x128xf32, #tpu.memory_space<vmem>>[vector<16xi32>, vector<16xi32>], vector<16xf32>,
          tpu.vector_store_idx %arg6[%add3A_263, %add3A_487], %gather3A_495 : memref<64x128xf32, #tpu.memory_space<vmem>>[vector<16xi32>, vector<16xi32>], vector<16xf32>,
          %add3A_496 = arith.constant 48 : i32
          %add3A_497 = vector.broadcast %add3A_496 : i32 to vector<16xi32>
          %add3A_498 = arith.addi %and3A_459, %add3A_497 : vector<16xi32>
          %add3A_499 = arith.addi %mul3A_293, %add3A_498 : vector<16xi32>
          %gather3A_500 = tpu.vector_load_idx %arg4[%add3A_498, %add3A_266] : memref<64x128xf32, #tpu.memory_space<vmem>>[vector<16xi32>, vector<16xi32>], vector<16xf32>,
          %gather3A_501 = tpu.vector_load_idx %arg4[%add3A_498, %add3A_269] : memref<64x128xf32, #tpu.memory_space<vmem>>[vector<16xi32>, vector<16xi32>], vector<16xf32>,
          %gather3A_502 = tpu.vector_load_idx %arg4[%add3A_498, %add3A_272] : memref<64x128xf32, #tpu.memory_space<vmem>>[vector<16xi32>, vector<16xi32>], vector<16xf32>,
          %gather3A_503 = tpu.vector_load_idx %arg4[%add3A_498, %add3A_275] : memref<64x128xf32, #tpu.memory_space<vmem>>[vector<16xi32>, vector<16xi32>], vector<16xf32>,
          %gather3A_504 = tpu.vector_load_idx %arg4[%add3A_498, %add3A_278] : memref<64x128xf32, #tpu.memory_space<vmem>>[vector<16xi32>, vector<16xi32>], vector<16xf32>,
          %gather3A_505 = tpu.vector_load_idx %arg4[%add3A_498, %add3A_281] : memref<64x128xf32, #tpu.memory_space<vmem>>[vector<16xi32>, vector<16xi32>], vector<16xf32>,
          %gather3A_506 = tpu.vector_load_idx %arg4[%add3A_498, %add3A_284] : memref<64x128xf32, #tpu.memory_space<vmem>>[vector<16xi32>, vector<16xi32>], vector<16xf32>,
          %gather3A_507 = tpu.vector_load_idx %arg4[%add3A_498, %add3A_287] : memref<64x128xf32, #tpu.memory_space<vmem>>[vector<16xi32>, vector<16xi32>], vector<16xf32>,
          tpu.vector_store_idx %arg6[%add3A_25, %add3A_499], %gather3A_500 : memref<64x128xf32, #tpu.memory_space<vmem>>[vector<16xi32>, vector<16xi32>], vector<16xf32>,
          tpu.vector_store_idx %arg6[%add3A_59, %add3A_499], %gather3A_501 : memref<64x128xf32, #tpu.memory_space<vmem>>[vector<16xi32>, vector<16xi32>], vector<16xf32>,
          tpu.vector_store_idx %arg6[%add3A_93, %add3A_499], %gather3A_502 : memref<64x128xf32, #tpu.memory_space<vmem>>[vector<16xi32>, vector<16xi32>], vector<16xf32>,
          tpu.vector_store_idx %arg6[%add3A_127, %add3A_499], %gather3A_503 : memref<64x128xf32, #tpu.memory_space<vmem>>[vector<16xi32>, vector<16xi32>], vector<16xf32>,
          tpu.vector_store_idx %arg6[%add3A_161, %add3A_499], %gather3A_504 : memref<64x128xf32, #tpu.memory_space<vmem>>[vector<16xi32>, vector<16xi32>], vector<16xf32>,
          tpu.vector_store_idx %arg6[%add3A_195, %add3A_499], %gather3A_505 : memref<64x128xf32, #tpu.memory_space<vmem>>[vector<16xi32>, vector<16xi32>], vector<16xf32>,
          tpu.vector_store_idx %arg6[%add3A_229, %add3A_499], %gather3A_506 : memref<64x128xf32, #tpu.memory_space<vmem>>[vector<16xi32>, vector<16xi32>], vector<16xf32>,
          tpu.vector_store_idx %arg6[%add3A_263, %add3A_499], %gather3A_507 : memref<64x128xf32, #tpu.memory_space<vmem>>[vector<16xi32>, vector<16xi32>], vector<16xf32>,
          %scan3A_508 = arith.constant 2 : i32
          %scan3A_509 = arith.addi %scan3A_400, %scan3A_508 : i32
          %add3A_510 = vector.broadcast %scan3A_509 : i32 to vector<16xi32>
          %add3A_511 = arith.addi %iota3A, %add3A_510 : vector<16xi32>
          %and3A_512 = arith.constant 15 : i32
          %and3A_513 = vector.broadcast %and3A_512 : i32 to vector<16xi32>
          %and3A_514 = arith.andi %add3A_511, %and3A_513 : vector<16xi32>
          %add3A_515 = arith.constant 0 : i32
          %add3A_516 = vector.broadcast %add3A_515 : i32 to vector<16xi32>
          %add3A_517 = arith.addi %and3A_514, %add3A_516 : vector<16xi32>
          %add3A_518 = arith.addi %mul3A_293, %add3A_517 : vector<16xi32>
          %gather3A_519 = tpu.vector_load_idx %arg4[%add3A_517, %add3A_266] : memref<64x128xf32, #tpu.memory_space<vmem>>[vector<16xi32>, vector<16xi32>], vector<16xf32>,
          %gather3A_520 = tpu.vector_load_idx %arg4[%add3A_517, %add3A_269] : memref<64x128xf32, #tpu.memory_space<vmem>>[vector<16xi32>, vector<16xi32>], vector<16xf32>,
          %gather3A_521 = tpu.vector_load_idx %arg4[%add3A_517, %add3A_272] : memref<64x128xf32, #tpu.memory_space<vmem>>[vector<16xi32>, vector<16xi32>], vector<16xf32>,
          %gather3A_522 = tpu.vector_load_idx %arg4[%add3A_517, %add3A_275] : memref<64x128xf32, #tpu.memory_space<vmem>>[vector<16xi32>, vector<16xi32>], vector<16xf32>,
          %gather3A_523 = tpu.vector_load_idx %arg4[%add3A_517, %add3A_278] : memref<64x128xf32, #tpu.memory_space<vmem>>[vector<16xi32>, vector<16xi32>], vector<16xf32>,
          %gather3A_524 = tpu.vector_load_idx %arg4[%add3A_517, %add3A_281] : memref<64x128xf32, #tpu.memory_space<vmem>>[vector<16xi32>, vector<16xi32>], vector<16xf32>,
          %gather3A_525 = tpu.vector_load_idx %arg4[%add3A_517, %add3A_284] : memref<64x128xf32, #tpu.memory_space<vmem>>[vector<16xi32>, vector<16xi32>], vector<16xf32>,
          %gather3A_526 = tpu.vector_load_idx %arg4[%add3A_517, %add3A_287] : memref<64x128xf32, #tpu.memory_space<vmem>>[vector<16xi32>, vector<16xi32>], vector<16xf32>,
          tpu.vector_store_idx %arg6[%add3A_25, %add3A_518], %gather3A_519 : memref<64x128xf32, #tpu.memory_space<vmem>>[vector<16xi32>, vector<16xi32>], vector<16xf32>,
          tpu.vector_store_idx %arg6[%add3A_59, %add3A_518], %gather3A_520 : memref<64x128xf32, #tpu.memory_space<vmem>>[vector<16xi32>, vector<16xi32>], vector<16xf32>,
          tpu.vector_store_idx %arg6[%add3A_93, %add3A_518], %gather3A_521 : memref<64x128xf32, #tpu.memory_space<vmem>>[vector<16xi32>, vector<16xi32>], vector<16xf32>,
          tpu.vector_store_idx %arg6[%add3A_127, %add3A_518], %gather3A_522 : memref<64x128xf32, #tpu.memory_space<vmem>>[vector<16xi32>, vector<16xi32>], vector<16xf32>,
          tpu.vector_store_idx %arg6[%add3A_161, %add3A_518], %gather3A_523 : memref<64x128xf32, #tpu.memory_space<vmem>>[vector<16xi32>, vector<16xi32>], vector<16xf32>,
          tpu.vector_store_idx %arg6[%add3A_195, %add3A_518], %gather3A_524 : memref<64x128xf32, #tpu.memory_space<vmem>>[vector<16xi32>, vector<16xi32>], vector<16xf32>,
          tpu.vector_store_idx %arg6[%add3A_229, %add3A_518], %gather3A_525 : memref<64x128xf32, #tpu.memory_space<vmem>>[vector<16xi32>, vector<16xi32>], vector<16xf32>,
          tpu.vector_store_idx %arg6[%add3A_263, %add3A_518], %gather3A_526 : memref<64x128xf32, #tpu.memory_space<vmem>>[vector<16xi32>, vector<16xi32>], vector<16xf32>,
          %add3A_527 = arith.constant 16 : i32
          %add3A_528 = vector.broadcast %add3A_527 : i32 to vector<16xi32>
          %add3A_529 = arith.addi %and3A_514, %add3A_528 : vector<16xi32>
          %add3A_530 = arith.addi %mul3A_293, %add3A_529 : vector<16xi32>
          %gather3A_531 = tpu.vector_load_idx %arg4[%add3A_529, %add3A_266] : memref<64x128xf32, #tpu.memory_space<vmem>>[vector<16xi32>, vector<16xi32>], vector<16xf32>,
          %gather3A_532 = tpu.vector_load_idx %arg4[%add3A_529, %add3A_269] : memref<64x128xf32, #tpu.memory_space<vmem>>[vector<16xi32>, vector<16xi32>], vector<16xf32>,
          %gather3A_533 = tpu.vector_load_idx %arg4[%add3A_529, %add3A_272] : memref<64x128xf32, #tpu.memory_space<vmem>>[vector<16xi32>, vector<16xi32>], vector<16xf32>,
          %gather3A_534 = tpu.vector_load_idx %arg4[%add3A_529, %add3A_275] : memref<64x128xf32, #tpu.memory_space<vmem>>[vector<16xi32>, vector<16xi32>], vector<16xf32>,
          %gather3A_535 = tpu.vector_load_idx %arg4[%add3A_529, %add3A_278] : memref<64x128xf32, #tpu.memory_space<vmem>>[vector<16xi32>, vector<16xi32>], vector<16xf32>,
          %gather3A_536 = tpu.vector_load_idx %arg4[%add3A_529, %add3A_281] : memref<64x128xf32, #tpu.memory_space<vmem>>[vector<16xi32>, vector<16xi32>], vector<16xf32>,
          %gather3A_537 = tpu.vector_load_idx %arg4[%add3A_529, %add3A_284] : memref<64x128xf32, #tpu.memory_space<vmem>>[vector<16xi32>, vector<16xi32>], vector<16xf32>,
          %gather3A_538 = tpu.vector_load_idx %arg4[%add3A_529, %add3A_287] : memref<64x128xf32, #tpu.memory_space<vmem>>[vector<16xi32>, vector<16xi32>], vector<16xf32>,
          tpu.vector_store_idx %arg6[%add3A_25, %add3A_530], %gather3A_531 : memref<64x128xf32, #tpu.memory_space<vmem>>[vector<16xi32>, vector<16xi32>], vector<16xf32>,
          tpu.vector_store_idx %arg6[%add3A_59, %add3A_530], %gather3A_532 : memref<64x128xf32, #tpu.memory_space<vmem>>[vector<16xi32>, vector<16xi32>], vector<16xf32>,
          tpu.vector_store_idx %arg6[%add3A_93, %add3A_530], %gather3A_533 : memref<64x128xf32, #tpu.memory_space<vmem>>[vector<16xi32>, vector<16xi32>], vector<16xf32>,
          tpu.vector_store_idx %arg6[%add3A_127, %add3A_530], %gather3A_534 : memref<64x128xf32, #tpu.memory_space<vmem>>[vector<16xi32>, vector<16xi32>], vector<16xf32>,
          tpu.vector_store_idx %arg6[%add3A_161, %add3A_530], %gather3A_535 : memref<64x128xf32, #tpu.memory_space<vmem>>[vector<16xi32>, vector<16xi32>], vector<16xf32>,
          tpu.vector_store_idx %arg6[%add3A_195, %add3A_530], %gather3A_536 : memref<64x128xf32, #tpu.memory_space<vmem>>[vector<16xi32>, vector<16xi32>], vector<16xf32>,
          tpu.vector_store_idx %arg6[%add3A_229, %add3A_530], %gather3A_537 : memref<64x128xf32, #tpu.memory_space<vmem>>[vector<16xi32>, vector<16xi32>], vector<16xf32>,
          tpu.vector_store_idx %arg6[%add3A_263, %add3A_530], %gather3A_538 : memref<64x128xf32, #tpu.memory_space<vmem>>[vector<16xi32>, vector<16xi32>], vector<16xf32>,
          %add3A_539 = arith.constant 32 : i32
          %add3A_540 = vector.broadcast %add3A_539 : i32 to vector<16xi32>
          %add3A_541 = arith.addi %and3A_514, %add3A_540 : vector<16xi32>
          %add3A_542 = arith.addi %mul3A_293, %add3A_541 : vector<16xi32>
          %gather3A_543 = tpu.vector_load_idx %arg4[%add3A_541, %add3A_266] : memref<64x128xf32, #tpu.memory_space<vmem>>[vector<16xi32>, vector<16xi32>], vector<16xf32>,
          %gather3A_544 = tpu.vector_load_idx %arg4[%add3A_541, %add3A_269] : memref<64x128xf32, #tpu.memory_space<vmem>>[vector<16xi32>, vector<16xi32>], vector<16xf32>,
          %gather3A_545 = tpu.vector_load_idx %arg4[%add3A_541, %add3A_272] : memref<64x128xf32, #tpu.memory_space<vmem>>[vector<16xi32>, vector<16xi32>], vector<16xf32>,
          %gather3A_546 = tpu.vector_load_idx %arg4[%add3A_541, %add3A_275] : memref<64x128xf32, #tpu.memory_space<vmem>>[vector<16xi32>, vector<16xi32>], vector<16xf32>,
          %gather3A_547 = tpu.vector_load_idx %arg4[%add3A_541, %add3A_278] : memref<64x128xf32, #tpu.memory_space<vmem>>[vector<16xi32>, vector<16xi32>], vector<16xf32>,
          %gather3A_548 = tpu.vector_load_idx %arg4[%add3A_541, %add3A_281] : memref<64x128xf32, #tpu.memory_space<vmem>>[vector<16xi32>, vector<16xi32>], vector<16xf32>,
          %gather3A_549 = tpu.vector_load_idx %arg4[%add3A_541, %add3A_284] : memref<64x128xf32, #tpu.memory_space<vmem>>[vector<16xi32>, vector<16xi32>], vector<16xf32>,
          %gather3A_550 = tpu.vector_load_idx %arg4[%add3A_541, %add3A_287] : memref<64x128xf32, #tpu.memory_space<vmem>>[vector<16xi32>, vector<16xi32>], vector<16xf32>,
          tpu.vector_store_idx %arg6[%add3A_25, %add3A_542], %gather3A_543 : memref<64x128xf32, #tpu.memory_space<vmem>>[vector<16xi32>, vector<16xi32>], vector<16xf32>,
          tpu.vector_store_idx %arg6[%add3A_59, %add3A_542], %gather3A_544 : memref<64x128xf32, #tpu.memory_space<vmem>>[vector<16xi32>, vector<16xi32>], vector<16xf32>,
          tpu.vector_store_idx %arg6[%add3A_93, %add3A_542], %gather3A_545 : memref<64x128xf32, #tpu.memory_space<vmem>>[vector<16xi32>, vector<16xi32>], vector<16xf32>,
          tpu.vector_store_idx %arg6[%add3A_127, %add3A_542], %gather3A_546 : memref<64x128xf32, #tpu.memory_space<vmem>>[vector<16xi32>, vector<16xi32>], vector<16xf32>,
          tpu.vector_store_idx %arg6[%add3A_161, %add3A_542], %gather3A_547 : memref<64x128xf32, #tpu.memory_space<vmem>>[vector<16xi32>, vector<16xi32>], vector<16xf32>,
          tpu.vector_store_idx %arg6[%add3A_195, %add3A_542], %gather3A_548 : memref<64x128xf32, #tpu.memory_space<vmem>>[vector<16xi32>, vector<16xi32>], vector<16xf32>,
          tpu.vector_store_idx %arg6[%add3A_229, %add3A_542], %gather3A_549 : memref<64x128xf32, #tpu.memory_space<vmem>>[vector<16xi32>, vector<16xi32>], vector<16xf32>,
          tpu.vector_store_idx %arg6[%add3A_263, %add3A_542], %gather3A_550 : memref<64x128xf32, #tpu.memory_space<vmem>>[vector<16xi32>, vector<16xi32>], vector<16xf32>,
          %add3A_551 = arith.constant 48 : i32
          %add3A_552 = vector.broadcast %add3A_551 : i32 to vector<16xi32>
          %add3A_553 = arith.addi %and3A_514, %add3A_552 : vector<16xi32>
          %add3A_554 = arith.addi %mul3A_293, %add3A_553 : vector<16xi32>
          %gather3A_555 = tpu.vector_load_idx %arg4[%add3A_553, %add3A_266] : memref<64x128xf32, #tpu.memory_space<vmem>>[vector<16xi32>, vector<16xi32>], vector<16xf32>,
          %gather3A_556 = tpu.vector_load_idx %arg4[%add3A_553, %add3A_269] : memref<64x128xf32, #tpu.memory_space<vmem>>[vector<16xi32>, vector<16xi32>], vector<16xf32>,
          %gather3A_557 = tpu.vector_load_idx %arg4[%add3A_553, %add3A_272] : memref<64x128xf32, #tpu.memory_space<vmem>>[vector<16xi32>, vector<16xi32>], vector<16xf32>,
          %gather3A_558 = tpu.vector_load_idx %arg4[%add3A_553, %add3A_275] : memref<64x128xf32, #tpu.memory_space<vmem>>[vector<16xi32>, vector<16xi32>], vector<16xf32>,
          %gather3A_559 = tpu.vector_load_idx %arg4[%add3A_553, %add3A_278] : memref<64x128xf32, #tpu.memory_space<vmem>>[vector<16xi32>, vector<16xi32>], vector<16xf32>,
          %gather3A_560 = tpu.vector_load_idx %arg4[%add3A_553, %add3A_281] : memref<64x128xf32, #tpu.memory_space<vmem>>[vector<16xi32>, vector<16xi32>], vector<16xf32>,
          %gather3A_561 = tpu.vector_load_idx %arg4[%add3A_553, %add3A_284] : memref<64x128xf32, #tpu.memory_space<vmem>>[vector<16xi32>, vector<16xi32>], vector<16xf32>,
          %gather3A_562 = tpu.vector_load_idx %arg4[%add3A_553, %add3A_287] : memref<64x128xf32, #tpu.memory_space<vmem>>[vector<16xi32>, vector<16xi32>], vector<16xf32>,
          tpu.vector_store_idx %arg6[%add3A_25, %add3A_554], %gather3A_555 : memref<64x128xf32, #tpu.memory_space<vmem>>[vector<16xi32>, vector<16xi32>], vector<16xf32>,
          tpu.vector_store_idx %arg6[%add3A_59, %add3A_554], %gather3A_556 : memref<64x128xf32, #tpu.memory_space<vmem>>[vector<16xi32>, vector<16xi32>], vector<16xf32>,
          tpu.vector_store_idx %arg6[%add3A_93, %add3A_554], %gather3A_557 : memref<64x128xf32, #tpu.memory_space<vmem>>[vector<16xi32>, vector<16xi32>], vector<16xf32>,
          tpu.vector_store_idx %arg6[%add3A_127, %add3A_554], %gather3A_558 : memref<64x128xf32, #tpu.memory_space<vmem>>[vector<16xi32>, vector<16xi32>], vector<16xf32>,
          tpu.vector_store_idx %arg6[%add3A_161, %add3A_554], %gather3A_559 : memref<64x128xf32, #tpu.memory_space<vmem>>[vector<16xi32>, vector<16xi32>], vector<16xf32>,
          tpu.vector_store_idx %arg6[%add3A_195, %add3A_554], %gather3A_560 : memref<64x128xf32, #tpu.memory_space<vmem>>[vector<16xi32>, vector<16xi32>], vector<16xf32>,
          tpu.vector_store_idx %arg6[%add3A_229, %add3A_554], %gather3A_561 : memref<64x128xf32, #tpu.memory_space<vmem>>[vector<16xi32>, vector<16xi32>], vector<16xf32>,
          tpu.vector_store_idx %arg6[%add3A_263, %add3A_554], %gather3A_562 : memref<64x128xf32, #tpu.memory_space<vmem>>[vector<16xi32>, vector<16xi32>], vector<16xf32>,
          %scan3A_563 = arith.constant 3 : i32
          %scan3A_564 = arith.addi %scan3A_400, %scan3A_563 : i32
          %add3A_565 = vector.broadcast %scan3A_564 : i32 to vector<16xi32>
          %add3A_566 = arith.addi %iota3A, %add3A_565 : vector<16xi32>
          %and3A_567 = arith.constant 15 : i32
          %and3A_568 = vector.broadcast %and3A_567 : i32 to vector<16xi32>
          %and3A_569 = arith.andi %add3A_566, %and3A_568 : vector<16xi32>
          %add3A_570 = arith.constant 0 : i32
          %add3A_571 = vector.broadcast %add3A_570 : i32 to vector<16xi32>
          %add3A_572 = arith.addi %and3A_569, %add3A_571 : vector<16xi32>
          %add3A_573 = arith.addi %mul3A_293, %add3A_572 : vector<16xi32>
          %gather3A_574 = tpu.vector_load_idx %arg4[%add3A_572, %add3A_266] : memref<64x128xf32, #tpu.memory_space<vmem>>[vector<16xi32>, vector<16xi32>], vector<16xf32>,
          %gather3A_575 = tpu.vector_load_idx %arg4[%add3A_572, %add3A_269] : memref<64x128xf32, #tpu.memory_space<vmem>>[vector<16xi32>, vector<16xi32>], vector<16xf32>,
          %gather3A_576 = tpu.vector_load_idx %arg4[%add3A_572, %add3A_272] : memref<64x128xf32, #tpu.memory_space<vmem>>[vector<16xi32>, vector<16xi32>], vector<16xf32>,
          %gather3A_577 = tpu.vector_load_idx %arg4[%add3A_572, %add3A_275] : memref<64x128xf32, #tpu.memory_space<vmem>>[vector<16xi32>, vector<16xi32>], vector<16xf32>,
          %gather3A_578 = tpu.vector_load_idx %arg4[%add3A_572, %add3A_278] : memref<64x128xf32, #tpu.memory_space<vmem>>[vector<16xi32>, vector<16xi32>], vector<16xf32>,
          %gather3A_579 = tpu.vector_load_idx %arg4[%add3A_572, %add3A_281] : memref<64x128xf32, #tpu.memory_space<vmem>>[vector<16xi32>, vector<16xi32>], vector<16xf32>,
          %gather3A_580 = tpu.vector_load_idx %arg4[%add3A_572, %add3A_284] : memref<64x128xf32, #tpu.memory_space<vmem>>[vector<16xi32>, vector<16xi32>], vector<16xf32>,
          %gather3A_581 = tpu.vector_load_idx %arg4[%add3A_572, %add3A_287] : memref<64x128xf32, #tpu.memory_space<vmem>>[vector<16xi32>, vector<16xi32>], vector<16xf32>,
          tpu.vector_store_idx %arg6[%add3A_25, %add3A_573], %gather3A_574 : memref<64x128xf32, #tpu.memory_space<vmem>>[vector<16xi32>, vector<16xi32>], vector<16xf32>,
          tpu.vector_store_idx %arg6[%add3A_59, %add3A_573], %gather3A_575 : memref<64x128xf32, #tpu.memory_space<vmem>>[vector<16xi32>, vector<16xi32>], vector<16xf32>,
          tpu.vector_store_idx %arg6[%add3A_93, %add3A_573], %gather3A_576 : memref<64x128xf32, #tpu.memory_space<vmem>>[vector<16xi32>, vector<16xi32>], vector<16xf32>,
          tpu.vector_store_idx %arg6[%add3A_127, %add3A_573], %gather3A_577 : memref<64x128xf32, #tpu.memory_space<vmem>>[vector<16xi32>, vector<16xi32>], vector<16xf32>,
          tpu.vector_store_idx %arg6[%add3A_161, %add3A_573], %gather3A_578 : memref<64x128xf32, #tpu.memory_space<vmem>>[vector<16xi32>, vector<16xi32>], vector<16xf32>,
          tpu.vector_store_idx %arg6[%add3A_195, %add3A_573], %gather3A_579 : memref<64x128xf32, #tpu.memory_space<vmem>>[vector<16xi32>, vector<16xi32>], vector<16xf32>,
          tpu.vector_store_idx %arg6[%add3A_229, %add3A_573], %gather3A_580 : memref<64x128xf32, #tpu.memory_space<vmem>>[vector<16xi32>, vector<16xi32>], vector<16xf32>,
          tpu.vector_store_idx %arg6[%add3A_263, %add3A_573], %gather3A_581 : memref<64x128xf32, #tpu.memory_space<vmem>>[vector<16xi32>, vector<16xi32>], vector<16xf32>,
          %add3A_582 = arith.constant 16 : i32
          %add3A_583 = vector.broadcast %add3A_582 : i32 to vector<16xi32>
          %add3A_584 = arith.addi %and3A_569, %add3A_583 : vector<16xi32>
          %add3A_585 = arith.addi %mul3A_293, %add3A_584 : vector<16xi32>
          %gather3A_586 = tpu.vector_load_idx %arg4[%add3A_584, %add3A_266] : memref<64x128xf32, #tpu.memory_space<vmem>>[vector<16xi32>, vector<16xi32>], vector<16xf32>,
          %gather3A_587 = tpu.vector_load_idx %arg4[%add3A_584, %add3A_269] : memref<64x128xf32, #tpu.memory_space<vmem>>[vector<16xi32>, vector<16xi32>], vector<16xf32>,
          %gather3A_588 = tpu.vector_load_idx %arg4[%add3A_584, %add3A_272] : memref<64x128xf32, #tpu.memory_space<vmem>>[vector<16xi32>, vector<16xi32>], vector<16xf32>,
          %gather3A_589 = tpu.vector_load_idx %arg4[%add3A_584, %add3A_275] : memref<64x128xf32, #tpu.memory_space<vmem>>[vector<16xi32>, vector<16xi32>], vector<16xf32>,
          %gather3A_590 = tpu.vector_load_idx %arg4[%add3A_584, %add3A_278] : memref<64x128xf32, #tpu.memory_space<vmem>>[vector<16xi32>, vector<16xi32>], vector<16xf32>,
          %gather3A_591 = tpu.vector_load_idx %arg4[%add3A_584, %add3A_281] : memref<64x128xf32, #tpu.memory_space<vmem>>[vector<16xi32>, vector<16xi32>], vector<16xf32>,
          %gather3A_592 = tpu.vector_load_idx %arg4[%add3A_584, %add3A_284] : memref<64x128xf32, #tpu.memory_space<vmem>>[vector<16xi32>, vector<16xi32>], vector<16xf32>,
          %gather3A_593 = tpu.vector_load_idx %arg4[%add3A_584, %add3A_287] : memref<64x128xf32, #tpu.memory_space<vmem>>[vector<16xi32>, vector<16xi32>], vector<16xf32>,
          tpu.vector_store_idx %arg6[%add3A_25, %add3A_585], %gather3A_586 : memref<64x128xf32, #tpu.memory_space<vmem>>[vector<16xi32>, vector<16xi32>], vector<16xf32>,
          tpu.vector_store_idx %arg6[%add3A_59, %add3A_585], %gather3A_587 : memref<64x128xf32, #tpu.memory_space<vmem>>[vector<16xi32>, vector<16xi32>], vector<16xf32>,
          tpu.vector_store_idx %arg6[%add3A_93, %add3A_585], %gather3A_588 : memref<64x128xf32, #tpu.memory_space<vmem>>[vector<16xi32>, vector<16xi32>], vector<16xf32>,
          tpu.vector_store_idx %arg6[%add3A_127, %add3A_585], %gather3A_589 : memref<64x128xf32, #tpu.memory_space<vmem>>[vector<16xi32>, vector<16xi32>], vector<16xf32>,
          tpu.vector_store_idx %arg6[%add3A_161, %add3A_585], %gather3A_590 : memref<64x128xf32, #tpu.memory_space<vmem>>[vector<16xi32>, vector<16xi32>], vector<16xf32>,
          tpu.vector_store_idx %arg6[%add3A_195, %add3A_585], %gather3A_591 : memref<64x128xf32, #tpu.memory_space<vmem>>[vector<16xi32>, vector<16xi32>], vector<16xf32>,
          tpu.vector_store_idx %arg6[%add3A_229, %add3A_585], %gather3A_592 : memref<64x128xf32, #tpu.memory_space<vmem>>[vector<16xi32>, vector<16xi32>], vector<16xf32>,
          tpu.vector_store_idx %arg6[%add3A_263, %add3A_585], %gather3A_593 : memref<64x128xf32, #tpu.memory_space<vmem>>[vector<16xi32>, vector<16xi32>], vector<16xf32>,
          %add3A_594 = arith.constant 32 : i32
          %add3A_595 = vector.broadcast %add3A_594 : i32 to vector<16xi32>
          %add3A_596 = arith.addi %and3A_569, %add3A_595 : vector<16xi32>
          %add3A_597 = arith.addi %mul3A_293, %add3A_596 : vector<16xi32>
          %gather3A_598 = tpu.vector_load_idx %arg4[%add3A_596, %add3A_266] : memref<64x128xf32, #tpu.memory_space<vmem>>[vector<16xi32>, vector<16xi32>], vector<16xf32>,
          %gather3A_599 = tpu.vector_load_idx %arg4[%add3A_596, %add3A_269] : memref<64x128xf32, #tpu.memory_space<vmem>>[vector<16xi32>, vector<16xi32>], vector<16xf32>,
          %gather3A_600 = tpu.vector_load_idx %arg4[%add3A_596, %add3A_272] : memref<64x128xf32, #tpu.memory_space<vmem>>[vector<16xi32>, vector<16xi32>], vector<16xf32>,
          %gather3A_601 = tpu.vector_load_idx %arg4[%add3A_596, %add3A_275] : memref<64x128xf32, #tpu.memory_space<vmem>>[vector<16xi32>, vector<16xi32>], vector<16xf32>,
          %gather3A_602 = tpu.vector_load_idx %arg4[%add3A_596, %add3A_278] : memref<64x128xf32, #tpu.memory_space<vmem>>[vector<16xi32>, vector<16xi32>], vector<16xf32>,
          %gather3A_603 = tpu.vector_load_idx %arg4[%add3A_596, %add3A_281] : memref<64x128xf32, #tpu.memory_space<vmem>>[vector<16xi32>, vector<16xi32>], vector<16xf32>,
          %gather3A_604 = tpu.vector_load_idx %arg4[%add3A_596, %add3A_284] : memref<64x128xf32, #tpu.memory_space<vmem>>[vector<16xi32>, vector<16xi32>], vector<16xf32>,
          %gather3A_605 = tpu.vector_load_idx %arg4[%add3A_596, %add3A_287] : memref<64x128xf32, #tpu.memory_space<vmem>>[vector<16xi32>, vector<16xi32>], vector<16xf32>,
          tpu.vector_store_idx %arg6[%add3A_25, %add3A_597], %gather3A_598 : memref<64x128xf32, #tpu.memory_space<vmem>>[vector<16xi32>, vector<16xi32>], vector<16xf32>,
          tpu.vector_store_idx %arg6[%add3A_59, %add3A_597], %gather3A_599 : memref<64x128xf32, #tpu.memory_space<vmem>>[vector<16xi32>, vector<16xi32>], vector<16xf32>,
          tpu.vector_store_idx %arg6[%add3A_93, %add3A_597], %gather3A_600 : memref<64x128xf32, #tpu.memory_space<vmem>>[vector<16xi32>, vector<16xi32>], vector<16xf32>,
          tpu.vector_store_idx %arg6[%add3A_127, %add3A_597], %gather3A_601 : memref<64x128xf32, #tpu.memory_space<vmem>>[vector<16xi32>, vector<16xi32>], vector<16xf32>,
          tpu.vector_store_idx %arg6[%add3A_161, %add3A_597], %gather3A_602 : memref<64x128xf32, #tpu.memory_space<vmem>>[vector<16xi32>, vector<16xi32>], vector<16xf32>,
          tpu.vector_store_idx %arg6[%add3A_195, %add3A_597], %gather3A_603 : memref<64x128xf32, #tpu.memory_space<vmem>>[vector<16xi32>, vector<16xi32>], vector<16xf32>,
          tpu.vector_store_idx %arg6[%add3A_229, %add3A_597], %gather3A_604 : memref<64x128xf32, #tpu.memory_space<vmem>>[vector<16xi32>, vector<16xi32>], vector<16xf32>,
          tpu.vector_store_idx %arg6[%add3A_263, %add3A_597], %gather3A_605 : memref<64x128xf32, #tpu.memory_space<vmem>>[vector<16xi32>, vector<16xi32>], vector<16xf32>,
          %add3A_606 = arith.constant 48 : i32
          %add3A_607 = vector.broadcast %add3A_606 : i32 to vector<16xi32>
          %add3A_608 = arith.addi %and3A_569, %add3A_607 : vector<16xi32>
          %add3A_609 = arith.addi %mul3A_293, %add3A_608 : vector<16xi32>
          %gather3A_610 = tpu.vector_load_idx %arg4[%add3A_608, %add3A_266] : memref<64x128xf32, #tpu.memory_space<vmem>>[vector<16xi32>, vector<16xi32>], vector<16xf32>,
          %gather3A_611 = tpu.vector_load_idx %arg4[%add3A_608, %add3A_269] : memref<64x128xf32, #tpu.memory_space<vmem>>[vector<16xi32>, vector<16xi32>], vector<16xf32>,
          %gather3A_612 = tpu.vector_load_idx %arg4[%add3A_608, %add3A_272] : memref<64x128xf32, #tpu.memory_space<vmem>>[vector<16xi32>, vector<16xi32>], vector<16xf32>,
          %gather3A_613 = tpu.vector_load_idx %arg4[%add3A_608, %add3A_275] : memref<64x128xf32, #tpu.memory_space<vmem>>[vector<16xi32>, vector<16xi32>], vector<16xf32>,
          %gather3A_614 = tpu.vector_load_idx %arg4[%add3A_608, %add3A_278] : memref<64x128xf32, #tpu.memory_space<vmem>>[vector<16xi32>, vector<16xi32>], vector<16xf32>,
          %gather3A_615 = tpu.vector_load_idx %arg4[%add3A_608, %add3A_281] : memref<64x128xf32, #tpu.memory_space<vmem>>[vector<16xi32>, vector<16xi32>], vector<16xf32>,
          %gather3A_616 = tpu.vector_load_idx %arg4[%add3A_608, %add3A_284] : memref<64x128xf32, #tpu.memory_space<vmem>>[vector<16xi32>, vector<16xi32>], vector<16xf32>,
          %gather3A_617 = tpu.vector_load_idx %arg4[%add3A_608, %add3A_287] : memref<64x128xf32, #tpu.memory_space<vmem>>[vector<16xi32>, vector<16xi32>], vector<16xf32>,
          tpu.vector_store_idx %arg6[%add3A_25, %add3A_609], %gather3A_610 : memref<64x128xf32, #tpu.memory_space<vmem>>[vector<16xi32>, vector<16xi32>], vector<16xf32>,
          tpu.vector_store_idx %arg6[%add3A_59, %add3A_609], %gather3A_611 : memref<64x128xf32, #tpu.memory_space<vmem>>[vector<16xi32>, vector<16xi32>], vector<16xf32>,
          tpu.vector_store_idx %arg6[%add3A_93, %add3A_609], %gather3A_612 : memref<64x128xf32, #tpu.memory_space<vmem>>[vector<16xi32>, vector<16xi32>], vector<16xf32>,
          tpu.vector_store_idx %arg6[%add3A_127, %add3A_609], %gather3A_613 : memref<64x128xf32, #tpu.memory_space<vmem>>[vector<16xi32>, vector<16xi32>], vector<16xf32>,
          tpu.vector_store_idx %arg6[%add3A_161, %add3A_609], %gather3A_614 : memref<64x128xf32, #tpu.memory_space<vmem>>[vector<16xi32>, vector<16xi32>], vector<16xf32>,
          tpu.vector_store_idx %arg6[%add3A_195, %add3A_609], %gather3A_615 : memref<64x128xf32, #tpu.memory_space<vmem>>[vector<16xi32>, vector<16xi32>], vector<16xf32>,
          tpu.vector_store_idx %arg6[%add3A_229, %add3A_609], %gather3A_616 : memref<64x128xf32, #tpu.memory_space<vmem>>[vector<16xi32>, vector<16xi32>], vector<16xf32>,
          tpu.vector_store_idx %arg6[%add3A_263, %add3A_609], %gather3A_617 : memref<64x128xf32, #tpu.memory_space<vmem>>[vector<16xi32>, vector<16xi32>], vector<16xf32>,
        }
        %scan3A_394 = arith.constant 16 : i32
        %mul3A_395 = arith.constant 64 : i32
        %mul3A_396 = arith.muli %add3A_347, %mul3A_395 : i32
        %dma_start3A = arith.constant 0 : i32
        %dma_start3A_397 = tpu.memref_slice %arg3[%mul3A_396, %dma_start3A] : memref<500032x128xf32, #tpu.memory_space<hbm>> -> memref<64x128xf32, #tpu.memory_space<hbm>>
        %dma_start3A_398 = arith.constant 0 : i32
        %dma_start3A_399 = tpu.memref_slice %arg3[%mul3A_396, %dma_start3A_398] : memref<500032x128xf32, #tpu.memory_space<hbm>> -> memref<64x128xf32, #tpu.memory_space<hbm>>
        tpu.enqueue_dma source(%arg6 : memref<64x128xf32, #tpu.memory_space<vmem>>) target(%dma_start3A_399 : memref<64x128xf32, #tpu.memory_space<hbm>>) target_semaphore(%arg10 : memref<!tpu.dma_semaphore, #tpu.memory_space<semaphore_mem>>)
      } else {
      }
      %mul3A_360 = arith.constant 2 : i32
      %mul3A_361 = arith.muli %mul3A_360, %scan3A_340 : i32
      %add3A_362 = arith.constant 1 : i32
      %add3A_363 = arith.addi %mul3A_361, %add3A_362 : i32
      %mul3A_364 = arith.constant 32 : i32
      %mul3A_365 = arith.muli %add3A_363, %mul3A_364 : i32
      %add3A_366 = arith.addi %add3A, %mul3A_365 : i32
      %add3A_367 = arith.constant 32 : i32
      %add3A_368 = arith.addi %add3A_366, %add3A_367 : i32
      %lt3A_369 = arith.constant 7813 : i32
      %lt3A_370 = arith.cmpi slt, %add3A_368, %lt3A_369 : i32
      %convert_element_type3A_371 = arith.extui %lt3A_370 : i1 to i32
      %cond3A_372 = arith.constant 0 : i32
      %cond3A_373 = arith.cmpi ne, %convert_element_type3A_371, %cond3A_372 : i32
      scf.if %cond3A_373 {
        %mul3A_379 = arith.constant 128 : i32
        %mul3A_380 = arith.muli %add3A_368, %mul3A_379 : i32
        %dma_start3A = arith.constant 0 : i32
        %dma_start3A_381 = tpu.memref_slice %arg2[%dma_start3A, %mul3A_380] : memref<64x1000000xf32, #tpu.memory_space<hbm>> -> memref<64x128xf32, #tpu.memory_space<hbm>>
        %dma_start3A_382 = arith.constant 0 : i32
        %dma_start3A_383 = tpu.memref_slice %arg2[%dma_start3A_382, %mul3A_380] : memref<64x1000000xf32, #tpu.memory_space<hbm>> -> memref<64x128xf32, #tpu.memory_space<hbm>>
        tpu.enqueue_dma source(%dma_start3A_383 : memref<64x128xf32, #tpu.memory_space<hbm>>) target(%arg4 : memref<64x128xf32, #tpu.memory_space<vmem>>) target_semaphore(%arg8 : memref<!tpu.dma_semaphore, #tpu.memory_space<semaphore_mem>>)
      } else {
      }
      %lt3A_374 = arith.constant 7813 : i32
      %lt3A_375 = arith.cmpi slt, %add3A_366, %lt3A_374 : i32
      %convert_element_type3A_376 = arith.extui %lt3A_375 : i1 to i32
      %cond3A_377 = arith.constant 0 : i32
      %cond3A_378 = arith.cmpi ne, %convert_element_type3A_376, %cond3A_377 : i32
      scf.if %cond3A_378 {
        %mul3A_379 = arith.constant 128 : i32
        %mul3A_380 = arith.muli %add3A_366, %mul3A_379 : i32
        %dma_wait3A = arith.constant 0 : i32
        %dma_wait3A_381 = tpu.memref_slice %arg2[%dma_wait3A, %mul3A_380] : memref<64x1000000xf32, #tpu.memory_space<hbm>> -> memref<64x128xf32, #tpu.memory_space<hbm>>
        %dma_wait3A_382 = arith.constant 0 : i32
        %dma_wait3A_383 = tpu.memref_slice %arg2[%dma_wait3A_382, %mul3A_380] : memref<64x1000000xf32, #tpu.memory_space<hbm>> -> memref<64x128xf32, #tpu.memory_space<hbm>>
        tpu.wait_dma2 semaphore(%arg9 : memref<!tpu.dma_semaphore, #tpu.memory_space<semaphore_mem>>) src(%dma_wait3A_383 : memref<64x128xf32, #tpu.memory_space<hbm>>) dst(%arg5 : memref<64x128xf32, #tpu.memory_space<vmem>>)
        %ge3A_384 = arith.constant 2 : i32
        %ge3A_385 = arith.cmpi sge, %add3A_363, %ge3A_384 : i32
        %convert_element_type3A_386 = arith.extui %ge3A_385 : i1 to i32
        %cond3A_387 = arith.constant 0 : i32
        %cond3A_388 = arith.cmpi ne, %convert_element_type3A_386, %cond3A_387 : i32
        scf.if %cond3A_388 {
          %sub3A_400 = arith.constant 64 : i32
          %sub3A_401 = arith.subi %add3A_366, %sub3A_400 : i32
          %mul3A_402 = arith.constant 64 : i32
          %mul3A_403 = arith.muli %sub3A_401, %mul3A_402 : i32
          %dma_wait3A_404 = arith.constant 0 : i32
          %dma_wait3A_405 = tpu.memref_slice %arg3[%mul3A_403, %dma_wait3A_404] : memref<500032x128xf32, #tpu.memory_space<hbm>> -> memref<64x128xf32, #tpu.memory_space<hbm>>
          %dma_wait3A_406 = arith.constant 0 : i32
          %dma_wait3A_407 = tpu.memref_slice %arg3[%mul3A_403, %dma_wait3A_406] : memref<500032x128xf32, #tpu.memory_space<hbm>> -> memref<64x128xf32, #tpu.memory_space<hbm>>
          tpu.wait_dma2 semaphore(%arg11 : memref<!tpu.dma_semaphore, #tpu.memory_space<semaphore_mem>>) src(%arg7 : memref<64x128xf32, #tpu.memory_space<vmem>>) dst(%dma_wait3A_407 : memref<64x128xf32, #tpu.memory_space<hbm>>)
        } else {
        }
        %scan3A_389 = arith.constant 0 : i32
        %scan3A_390 = arith.constant 0 : i32
        %scan3A_391 = arith.constant 16 : i32
        %scan3A_392 = arith.addi %scan3A_390, %scan3A_391 : i32
        %scan3A_393 = arith.constant 4 : i32
        scf.for %scan3A_400 = %scan3A_390 to %scan3A_392 step %scan3A_393  : i32 {
          %add3A_401 = vector.broadcast %scan3A_400 : i32 to vector<16xi32>
          %add3A_402 = arith.addi %iota3A, %add3A_401 : vector<16xi32>
          %and3A_403 = arith.constant 15 : i32
          %and3A_404 = vector.broadcast %and3A_403 : i32 to vector<16xi32>
          %and3A_405 = arith.andi %add3A_402, %and3A_404 : vector<16xi32>
          %add3A_406 = arith.constant 0 : i32
          %add3A_407 = vector.broadcast %add3A_406 : i32 to vector<16xi32>
          %add3A_408 = arith.addi %and3A_405, %add3A_407 : vector<16xi32>
          %add3A_409 = arith.addi %mul3A_293, %add3A_408 : vector<16xi32>
          %gather3A = tpu.vector_load_idx %arg5[%add3A_408, %add3A_266] : memref<64x128xf32, #tpu.memory_space<vmem>>[vector<16xi32>, vector<16xi32>], vector<16xf32>,
          %gather3A_410 = tpu.vector_load_idx %arg5[%add3A_408, %add3A_269] : memref<64x128xf32, #tpu.memory_space<vmem>>[vector<16xi32>, vector<16xi32>], vector<16xf32>,
          %gather3A_411 = tpu.vector_load_idx %arg5[%add3A_408, %add3A_272] : memref<64x128xf32, #tpu.memory_space<vmem>>[vector<16xi32>, vector<16xi32>], vector<16xf32>,
          %gather3A_412 = tpu.vector_load_idx %arg5[%add3A_408, %add3A_275] : memref<64x128xf32, #tpu.memory_space<vmem>>[vector<16xi32>, vector<16xi32>], vector<16xf32>,
          %gather3A_413 = tpu.vector_load_idx %arg5[%add3A_408, %add3A_278] : memref<64x128xf32, #tpu.memory_space<vmem>>[vector<16xi32>, vector<16xi32>], vector<16xf32>,
          %gather3A_414 = tpu.vector_load_idx %arg5[%add3A_408, %add3A_281] : memref<64x128xf32, #tpu.memory_space<vmem>>[vector<16xi32>, vector<16xi32>], vector<16xf32>,
          %gather3A_415 = tpu.vector_load_idx %arg5[%add3A_408, %add3A_284] : memref<64x128xf32, #tpu.memory_space<vmem>>[vector<16xi32>, vector<16xi32>], vector<16xf32>,
          %gather3A_416 = tpu.vector_load_idx %arg5[%add3A_408, %add3A_287] : memref<64x128xf32, #tpu.memory_space<vmem>>[vector<16xi32>, vector<16xi32>], vector<16xf32>,
          tpu.vector_store_idx %arg7[%add3A_25, %add3A_409], %gather3A : memref<64x128xf32, #tpu.memory_space<vmem>>[vector<16xi32>, vector<16xi32>], vector<16xf32>,
          tpu.vector_store_idx %arg7[%add3A_59, %add3A_409], %gather3A_410 : memref<64x128xf32, #tpu.memory_space<vmem>>[vector<16xi32>, vector<16xi32>], vector<16xf32>,
          tpu.vector_store_idx %arg7[%add3A_93, %add3A_409], %gather3A_411 : memref<64x128xf32, #tpu.memory_space<vmem>>[vector<16xi32>, vector<16xi32>], vector<16xf32>,
          tpu.vector_store_idx %arg7[%add3A_127, %add3A_409], %gather3A_412 : memref<64x128xf32, #tpu.memory_space<vmem>>[vector<16xi32>, vector<16xi32>], vector<16xf32>,
          tpu.vector_store_idx %arg7[%add3A_161, %add3A_409], %gather3A_413 : memref<64x128xf32, #tpu.memory_space<vmem>>[vector<16xi32>, vector<16xi32>], vector<16xf32>,
          tpu.vector_store_idx %arg7[%add3A_195, %add3A_409], %gather3A_414 : memref<64x128xf32, #tpu.memory_space<vmem>>[vector<16xi32>, vector<16xi32>], vector<16xf32>,
          tpu.vector_store_idx %arg7[%add3A_229, %add3A_409], %gather3A_415 : memref<64x128xf32, #tpu.memory_space<vmem>>[vector<16xi32>, vector<16xi32>], vector<16xf32>,
          tpu.vector_store_idx %arg7[%add3A_263, %add3A_409], %gather3A_416 : memref<64x128xf32, #tpu.memory_space<vmem>>[vector<16xi32>, vector<16xi32>], vector<16xf32>,
          %add3A_417 = arith.constant 16 : i32
          %add3A_418 = vector.broadcast %add3A_417 : i32 to vector<16xi32>
          %add3A_419 = arith.addi %and3A_405, %add3A_418 : vector<16xi32>
          %add3A_420 = arith.addi %mul3A_293, %add3A_419 : vector<16xi32>
          %gather3A_421 = tpu.vector_load_idx %arg5[%add3A_419, %add3A_266] : memref<64x128xf32, #tpu.memory_space<vmem>>[vector<16xi32>, vector<16xi32>], vector<16xf32>,
          %gather3A_422 = tpu.vector_load_idx %arg5[%add3A_419, %add3A_269] : memref<64x128xf32, #tpu.memory_space<vmem>>[vector<16xi32>, vector<16xi32>], vector<16xf32>,
          %gather3A_423 = tpu.vector_load_idx %arg5[%add3A_419, %add3A_272] : memref<64x128xf32, #tpu.memory_space<vmem>>[vector<16xi32>, vector<16xi32>], vector<16xf32>,
          %gather3A_424 = tpu.vector_load_idx %arg5[%add3A_419, %add3A_275] : memref<64x128xf32, #tpu.memory_space<vmem>>[vector<16xi32>, vector<16xi32>], vector<16xf32>,
          %gather3A_425 = tpu.vector_load_idx %arg5[%add3A_419, %add3A_278] : memref<64x128xf32, #tpu.memory_space<vmem>>[vector<16xi32>, vector<16xi32>], vector<16xf32>,
          %gather3A_426 = tpu.vector_load_idx %arg5[%add3A_419, %add3A_281] : memref<64x128xf32, #tpu.memory_space<vmem>>[vector<16xi32>, vector<16xi32>], vector<16xf32>,
          %gather3A_427 = tpu.vector_load_idx %arg5[%add3A_419, %add3A_284] : memref<64x128xf32, #tpu.memory_space<vmem>>[vector<16xi32>, vector<16xi32>], vector<16xf32>,
          %gather3A_428 = tpu.vector_load_idx %arg5[%add3A_419, %add3A_287] : memref<64x128xf32, #tpu.memory_space<vmem>>[vector<16xi32>, vector<16xi32>], vector<16xf32>,
          tpu.vector_store_idx %arg7[%add3A_25, %add3A_420], %gather3A_421 : memref<64x128xf32, #tpu.memory_space<vmem>>[vector<16xi32>, vector<16xi32>], vector<16xf32>,
          tpu.vector_store_idx %arg7[%add3A_59, %add3A_420], %gather3A_422 : memref<64x128xf32, #tpu.memory_space<vmem>>[vector<16xi32>, vector<16xi32>], vector<16xf32>,
          tpu.vector_store_idx %arg7[%add3A_93, %add3A_420], %gather3A_423 : memref<64x128xf32, #tpu.memory_space<vmem>>[vector<16xi32>, vector<16xi32>], vector<16xf32>,
          tpu.vector_store_idx %arg7[%add3A_127, %add3A_420], %gather3A_424 : memref<64x128xf32, #tpu.memory_space<vmem>>[vector<16xi32>, vector<16xi32>], vector<16xf32>,
          tpu.vector_store_idx %arg7[%add3A_161, %add3A_420], %gather3A_425 : memref<64x128xf32, #tpu.memory_space<vmem>>[vector<16xi32>, vector<16xi32>], vector<16xf32>,
          tpu.vector_store_idx %arg7[%add3A_195, %add3A_420], %gather3A_426 : memref<64x128xf32, #tpu.memory_space<vmem>>[vector<16xi32>, vector<16xi32>], vector<16xf32>,
          tpu.vector_store_idx %arg7[%add3A_229, %add3A_420], %gather3A_427 : memref<64x128xf32, #tpu.memory_space<vmem>>[vector<16xi32>, vector<16xi32>], vector<16xf32>,
          tpu.vector_store_idx %arg7[%add3A_263, %add3A_420], %gather3A_428 : memref<64x128xf32, #tpu.memory_space<vmem>>[vector<16xi32>, vector<16xi32>], vector<16xf32>,
          %add3A_429 = arith.constant 32 : i32
          %add3A_430 = vector.broadcast %add3A_429 : i32 to vector<16xi32>
          %add3A_431 = arith.addi %and3A_405, %add3A_430 : vector<16xi32>
          %add3A_432 = arith.addi %mul3A_293, %add3A_431 : vector<16xi32>
          %gather3A_433 = tpu.vector_load_idx %arg5[%add3A_431, %add3A_266] : memref<64x128xf32, #tpu.memory_space<vmem>>[vector<16xi32>, vector<16xi32>], vector<16xf32>,
          %gather3A_434 = tpu.vector_load_idx %arg5[%add3A_431, %add3A_269] : memref<64x128xf32, #tpu.memory_space<vmem>>[vector<16xi32>, vector<16xi32>], vector<16xf32>,
          %gather3A_435 = tpu.vector_load_idx %arg5[%add3A_431, %add3A_272] : memref<64x128xf32, #tpu.memory_space<vmem>>[vector<16xi32>, vector<16xi32>], vector<16xf32>,
          %gather3A_436 = tpu.vector_load_idx %arg5[%add3A_431, %add3A_275] : memref<64x128xf32, #tpu.memory_space<vmem>>[vector<16xi32>, vector<16xi32>], vector<16xf32>,
          %gather3A_437 = tpu.vector_load_idx %arg5[%add3A_431, %add3A_278] : memref<64x128xf32, #tpu.memory_space<vmem>>[vector<16xi32>, vector<16xi32>], vector<16xf32>,
          %gather3A_438 = tpu.vector_load_idx %arg5[%add3A_431, %add3A_281] : memref<64x128xf32, #tpu.memory_space<vmem>>[vector<16xi32>, vector<16xi32>], vector<16xf32>,
          %gather3A_439 = tpu.vector_load_idx %arg5[%add3A_431, %add3A_284] : memref<64x128xf32, #tpu.memory_space<vmem>>[vector<16xi32>, vector<16xi32>], vector<16xf32>,
          %gather3A_440 = tpu.vector_load_idx %arg5[%add3A_431, %add3A_287] : memref<64x128xf32, #tpu.memory_space<vmem>>[vector<16xi32>, vector<16xi32>], vector<16xf32>,
          tpu.vector_store_idx %arg7[%add3A_25, %add3A_432], %gather3A_433 : memref<64x128xf32, #tpu.memory_space<vmem>>[vector<16xi32>, vector<16xi32>], vector<16xf32>,
          tpu.vector_store_idx %arg7[%add3A_59, %add3A_432], %gather3A_434 : memref<64x128xf32, #tpu.memory_space<vmem>>[vector<16xi32>, vector<16xi32>], vector<16xf32>,
          tpu.vector_store_idx %arg7[%add3A_93, %add3A_432], %gather3A_435 : memref<64x128xf32, #tpu.memory_space<vmem>>[vector<16xi32>, vector<16xi32>], vector<16xf32>,
          tpu.vector_store_idx %arg7[%add3A_127, %add3A_432], %gather3A_436 : memref<64x128xf32, #tpu.memory_space<vmem>>[vector<16xi32>, vector<16xi32>], vector<16xf32>,
          tpu.vector_store_idx %arg7[%add3A_161, %add3A_432], %gather3A_437 : memref<64x128xf32, #tpu.memory_space<vmem>>[vector<16xi32>, vector<16xi32>], vector<16xf32>,
          tpu.vector_store_idx %arg7[%add3A_195, %add3A_432], %gather3A_438 : memref<64x128xf32, #tpu.memory_space<vmem>>[vector<16xi32>, vector<16xi32>], vector<16xf32>,
          tpu.vector_store_idx %arg7[%add3A_229, %add3A_432], %gather3A_439 : memref<64x128xf32, #tpu.memory_space<vmem>>[vector<16xi32>, vector<16xi32>], vector<16xf32>,
          tpu.vector_store_idx %arg7[%add3A_263, %add3A_432], %gather3A_440 : memref<64x128xf32, #tpu.memory_space<vmem>>[vector<16xi32>, vector<16xi32>], vector<16xf32>,
          %add3A_441 = arith.constant 48 : i32
          %add3A_442 = vector.broadcast %add3A_441 : i32 to vector<16xi32>
          %add3A_443 = arith.addi %and3A_405, %add3A_442 : vector<16xi32>
          %add3A_444 = arith.addi %mul3A_293, %add3A_443 : vector<16xi32>
          %gather3A_445 = tpu.vector_load_idx %arg5[%add3A_443, %add3A_266] : memref<64x128xf32, #tpu.memory_space<vmem>>[vector<16xi32>, vector<16xi32>], vector<16xf32>,
          %gather3A_446 = tpu.vector_load_idx %arg5[%add3A_443, %add3A_269] : memref<64x128xf32, #tpu.memory_space<vmem>>[vector<16xi32>, vector<16xi32>], vector<16xf32>,
          %gather3A_447 = tpu.vector_load_idx %arg5[%add3A_443, %add3A_272] : memref<64x128xf32, #tpu.memory_space<vmem>>[vector<16xi32>, vector<16xi32>], vector<16xf32>,
          %gather3A_448 = tpu.vector_load_idx %arg5[%add3A_443, %add3A_275] : memref<64x128xf32, #tpu.memory_space<vmem>>[vector<16xi32>, vector<16xi32>], vector<16xf32>,
          %gather3A_449 = tpu.vector_load_idx %arg5[%add3A_443, %add3A_278] : memref<64x128xf32, #tpu.memory_space<vmem>>[vector<16xi32>, vector<16xi32>], vector<16xf32>,
          %gather3A_450 = tpu.vector_load_idx %arg5[%add3A_443, %add3A_281] : memref<64x128xf32, #tpu.memory_space<vmem>>[vector<16xi32>, vector<16xi32>], vector<16xf32>,
          %gather3A_451 = tpu.vector_load_idx %arg5[%add3A_443, %add3A_284] : memref<64x128xf32, #tpu.memory_space<vmem>>[vector<16xi32>, vector<16xi32>], vector<16xf32>,
          %gather3A_452 = tpu.vector_load_idx %arg5[%add3A_443, %add3A_287] : memref<64x128xf32, #tpu.memory_space<vmem>>[vector<16xi32>, vector<16xi32>], vector<16xf32>,
          tpu.vector_store_idx %arg7[%add3A_25, %add3A_444], %gather3A_445 : memref<64x128xf32, #tpu.memory_space<vmem>>[vector<16xi32>, vector<16xi32>], vector<16xf32>,
          tpu.vector_store_idx %arg7[%add3A_59, %add3A_444], %gather3A_446 : memref<64x128xf32, #tpu.memory_space<vmem>>[vector<16xi32>, vector<16xi32>], vector<16xf32>,
          tpu.vector_store_idx %arg7[%add3A_93, %add3A_444], %gather3A_447 : memref<64x128xf32, #tpu.memory_space<vmem>>[vector<16xi32>, vector<16xi32>], vector<16xf32>,
          tpu.vector_store_idx %arg7[%add3A_127, %add3A_444], %gather3A_448 : memref<64x128xf32, #tpu.memory_space<vmem>>[vector<16xi32>, vector<16xi32>], vector<16xf32>,
          tpu.vector_store_idx %arg7[%add3A_161, %add3A_444], %gather3A_449 : memref<64x128xf32, #tpu.memory_space<vmem>>[vector<16xi32>, vector<16xi32>], vector<16xf32>,
          tpu.vector_store_idx %arg7[%add3A_195, %add3A_444], %gather3A_450 : memref<64x128xf32, #tpu.memory_space<vmem>>[vector<16xi32>, vector<16xi32>], vector<16xf32>,
          tpu.vector_store_idx %arg7[%add3A_229, %add3A_444], %gather3A_451 : memref<64x128xf32, #tpu.memory_space<vmem>>[vector<16xi32>, vector<16xi32>], vector<16xf32>,
          tpu.vector_store_idx %arg7[%add3A_263, %add3A_444], %gather3A_452 : memref<64x128xf32, #tpu.memory_space<vmem>>[vector<16xi32>, vector<16xi32>], vector<16xf32>,
          %scan3A_453 = arith.constant 1 : i32
          %scan3A_454 = arith.addi %scan3A_400, %scan3A_453 : i32
          %add3A_455 = vector.broadcast %scan3A_454 : i32 to vector<16xi32>
          %add3A_456 = arith.addi %iota3A, %add3A_455 : vector<16xi32>
          %and3A_457 = arith.constant 15 : i32
          %and3A_458 = vector.broadcast %and3A_457 : i32 to vector<16xi32>
          %and3A_459 = arith.andi %add3A_456, %and3A_458 : vector<16xi32>
          %add3A_460 = arith.constant 0 : i32
          %add3A_461 = vector.broadcast %add3A_460 : i32 to vector<16xi32>
          %add3A_462 = arith.addi %and3A_459, %add3A_461 : vector<16xi32>
          %add3A_463 = arith.addi %mul3A_293, %add3A_462 : vector<16xi32>
          %gather3A_464 = tpu.vector_load_idx %arg5[%add3A_462, %add3A_266] : memref<64x128xf32, #tpu.memory_space<vmem>>[vector<16xi32>, vector<16xi32>], vector<16xf32>,
          %gather3A_465 = tpu.vector_load_idx %arg5[%add3A_462, %add3A_269] : memref<64x128xf32, #tpu.memory_space<vmem>>[vector<16xi32>, vector<16xi32>], vector<16xf32>,
          %gather3A_466 = tpu.vector_load_idx %arg5[%add3A_462, %add3A_272] : memref<64x128xf32, #tpu.memory_space<vmem>>[vector<16xi32>, vector<16xi32>], vector<16xf32>,
          %gather3A_467 = tpu.vector_load_idx %arg5[%add3A_462, %add3A_275] : memref<64x128xf32, #tpu.memory_space<vmem>>[vector<16xi32>, vector<16xi32>], vector<16xf32>,
          %gather3A_468 = tpu.vector_load_idx %arg5[%add3A_462, %add3A_278] : memref<64x128xf32, #tpu.memory_space<vmem>>[vector<16xi32>, vector<16xi32>], vector<16xf32>,
          %gather3A_469 = tpu.vector_load_idx %arg5[%add3A_462, %add3A_281] : memref<64x128xf32, #tpu.memory_space<vmem>>[vector<16xi32>, vector<16xi32>], vector<16xf32>,
          %gather3A_470 = tpu.vector_load_idx %arg5[%add3A_462, %add3A_284] : memref<64x128xf32, #tpu.memory_space<vmem>>[vector<16xi32>, vector<16xi32>], vector<16xf32>,
          %gather3A_471 = tpu.vector_load_idx %arg5[%add3A_462, %add3A_287] : memref<64x128xf32, #tpu.memory_space<vmem>>[vector<16xi32>, vector<16xi32>], vector<16xf32>,
          tpu.vector_store_idx %arg7[%add3A_25, %add3A_463], %gather3A_464 : memref<64x128xf32, #tpu.memory_space<vmem>>[vector<16xi32>, vector<16xi32>], vector<16xf32>,
          tpu.vector_store_idx %arg7[%add3A_59, %add3A_463], %gather3A_465 : memref<64x128xf32, #tpu.memory_space<vmem>>[vector<16xi32>, vector<16xi32>], vector<16xf32>,
          tpu.vector_store_idx %arg7[%add3A_93, %add3A_463], %gather3A_466 : memref<64x128xf32, #tpu.memory_space<vmem>>[vector<16xi32>, vector<16xi32>], vector<16xf32>,
          tpu.vector_store_idx %arg7[%add3A_127, %add3A_463], %gather3A_467 : memref<64x128xf32, #tpu.memory_space<vmem>>[vector<16xi32>, vector<16xi32>], vector<16xf32>,
          tpu.vector_store_idx %arg7[%add3A_161, %add3A_463], %gather3A_468 : memref<64x128xf32, #tpu.memory_space<vmem>>[vector<16xi32>, vector<16xi32>], vector<16xf32>,
          tpu.vector_store_idx %arg7[%add3A_195, %add3A_463], %gather3A_469 : memref<64x128xf32, #tpu.memory_space<vmem>>[vector<16xi32>, vector<16xi32>], vector<16xf32>,
          tpu.vector_store_idx %arg7[%add3A_229, %add3A_463], %gather3A_470 : memref<64x128xf32, #tpu.memory_space<vmem>>[vector<16xi32>, vector<16xi32>], vector<16xf32>,
          tpu.vector_store_idx %arg7[%add3A_263, %add3A_463], %gather3A_471 : memref<64x128xf32, #tpu.memory_space<vmem>>[vector<16xi32>, vector<16xi32>], vector<16xf32>,
          %add3A_472 = arith.constant 16 : i32
          %add3A_473 = vector.broadcast %add3A_472 : i32 to vector<16xi32>
          %add3A_474 = arith.addi %and3A_459, %add3A_473 : vector<16xi32>
          %add3A_475 = arith.addi %mul3A_293, %add3A_474 : vector<16xi32>
          %gather3A_476 = tpu.vector_load_idx %arg5[%add3A_474, %add3A_266] : memref<64x128xf32, #tpu.memory_space<vmem>>[vector<16xi32>, vector<16xi32>], vector<16xf32>,
          %gather3A_477 = tpu.vector_load_idx %arg5[%add3A_474, %add3A_269] : memref<64x128xf32, #tpu.memory_space<vmem>>[vector<16xi32>, vector<16xi32>], vector<16xf32>,
          %gather3A_478 = tpu.vector_load_idx %arg5[%add3A_474, %add3A_272] : memref<64x128xf32, #tpu.memory_space<vmem>>[vector<16xi32>, vector<16xi32>], vector<16xf32>,
          %gather3A_479 = tpu.vector_load_idx %arg5[%add3A_474, %add3A_275] : memref<64x128xf32, #tpu.memory_space<vmem>>[vector<16xi32>, vector<16xi32>], vector<16xf32>,
          %gather3A_480 = tpu.vector_load_idx %arg5[%add3A_474, %add3A_278] : memref<64x128xf32, #tpu.memory_space<vmem>>[vector<16xi32>, vector<16xi32>], vector<16xf32>,
          %gather3A_481 = tpu.vector_load_idx %arg5[%add3A_474, %add3A_281] : memref<64x128xf32, #tpu.memory_space<vmem>>[vector<16xi32>, vector<16xi32>], vector<16xf32>,
          %gather3A_482 = tpu.vector_load_idx %arg5[%add3A_474, %add3A_284] : memref<64x128xf32, #tpu.memory_space<vmem>>[vector<16xi32>, vector<16xi32>], vector<16xf32>,
          %gather3A_483 = tpu.vector_load_idx %arg5[%add3A_474, %add3A_287] : memref<64x128xf32, #tpu.memory_space<vmem>>[vector<16xi32>, vector<16xi32>], vector<16xf32>,
          tpu.vector_store_idx %arg7[%add3A_25, %add3A_475], %gather3A_476 : memref<64x128xf32, #tpu.memory_space<vmem>>[vector<16xi32>, vector<16xi32>], vector<16xf32>,
          tpu.vector_store_idx %arg7[%add3A_59, %add3A_475], %gather3A_477 : memref<64x128xf32, #tpu.memory_space<vmem>>[vector<16xi32>, vector<16xi32>], vector<16xf32>,
          tpu.vector_store_idx %arg7[%add3A_93, %add3A_475], %gather3A_478 : memref<64x128xf32, #tpu.memory_space<vmem>>[vector<16xi32>, vector<16xi32>], vector<16xf32>,
          tpu.vector_store_idx %arg7[%add3A_127, %add3A_475], %gather3A_479 : memref<64x128xf32, #tpu.memory_space<vmem>>[vector<16xi32>, vector<16xi32>], vector<16xf32>,
          tpu.vector_store_idx %arg7[%add3A_161, %add3A_475], %gather3A_480 : memref<64x128xf32, #tpu.memory_space<vmem>>[vector<16xi32>, vector<16xi32>], vector<16xf32>,
          tpu.vector_store_idx %arg7[%add3A_195, %add3A_475], %gather3A_481 : memref<64x128xf32, #tpu.memory_space<vmem>>[vector<16xi32>, vector<16xi32>], vector<16xf32>,
          tpu.vector_store_idx %arg7[%add3A_229, %add3A_475], %gather3A_482 : memref<64x128xf32, #tpu.memory_space<vmem>>[vector<16xi32>, vector<16xi32>], vector<16xf32>,
          tpu.vector_store_idx %arg7[%add3A_263, %add3A_475], %gather3A_483 : memref<64x128xf32, #tpu.memory_space<vmem>>[vector<16xi32>, vector<16xi32>], vector<16xf32>,
          %add3A_484 = arith.constant 32 : i32
          %add3A_485 = vector.broadcast %add3A_484 : i32 to vector<16xi32>
          %add3A_486 = arith.addi %and3A_459, %add3A_485 : vector<16xi32>
          %add3A_487 = arith.addi %mul3A_293, %add3A_486 : vector<16xi32>
          %gather3A_488 = tpu.vector_load_idx %arg5[%add3A_486, %add3A_266] : memref<64x128xf32, #tpu.memory_space<vmem>>[vector<16xi32>, vector<16xi32>], vector<16xf32>,
          %gather3A_489 = tpu.vector_load_idx %arg5[%add3A_486, %add3A_269] : memref<64x128xf32, #tpu.memory_space<vmem>>[vector<16xi32>, vector<16xi32>], vector<16xf32>,
          %gather3A_490 = tpu.vector_load_idx %arg5[%add3A_486, %add3A_272] : memref<64x128xf32, #tpu.memory_space<vmem>>[vector<16xi32>, vector<16xi32>], vector<16xf32>,
          %gather3A_491 = tpu.vector_load_idx %arg5[%add3A_486, %add3A_275] : memref<64x128xf32, #tpu.memory_space<vmem>>[vector<16xi32>, vector<16xi32>], vector<16xf32>,
          %gather3A_492 = tpu.vector_load_idx %arg5[%add3A_486, %add3A_278] : memref<64x128xf32, #tpu.memory_space<vmem>>[vector<16xi32>, vector<16xi32>], vector<16xf32>,
          %gather3A_493 = tpu.vector_load_idx %arg5[%add3A_486, %add3A_281] : memref<64x128xf32, #tpu.memory_space<vmem>>[vector<16xi32>, vector<16xi32>], vector<16xf32>,
          %gather3A_494 = tpu.vector_load_idx %arg5[%add3A_486, %add3A_284] : memref<64x128xf32, #tpu.memory_space<vmem>>[vector<16xi32>, vector<16xi32>], vector<16xf32>,
          %gather3A_495 = tpu.vector_load_idx %arg5[%add3A_486, %add3A_287] : memref<64x128xf32, #tpu.memory_space<vmem>>[vector<16xi32>, vector<16xi32>], vector<16xf32>,
          tpu.vector_store_idx %arg7[%add3A_25, %add3A_487], %gather3A_488 : memref<64x128xf32, #tpu.memory_space<vmem>>[vector<16xi32>, vector<16xi32>], vector<16xf32>,
          tpu.vector_store_idx %arg7[%add3A_59, %add3A_487], %gather3A_489 : memref<64x128xf32, #tpu.memory_space<vmem>>[vector<16xi32>, vector<16xi32>], vector<16xf32>,
          tpu.vector_store_idx %arg7[%add3A_93, %add3A_487], %gather3A_490 : memref<64x128xf32, #tpu.memory_space<vmem>>[vector<16xi32>, vector<16xi32>], vector<16xf32>,
          tpu.vector_store_idx %arg7[%add3A_127, %add3A_487], %gather3A_491 : memref<64x128xf32, #tpu.memory_space<vmem>>[vector<16xi32>, vector<16xi32>], vector<16xf32>,
          tpu.vector_store_idx %arg7[%add3A_161, %add3A_487], %gather3A_492 : memref<64x128xf32, #tpu.memory_space<vmem>>[vector<16xi32>, vector<16xi32>], vector<16xf32>,
          tpu.vector_store_idx %arg7[%add3A_195, %add3A_487], %gather3A_493 : memref<64x128xf32, #tpu.memory_space<vmem>>[vector<16xi32>, vector<16xi32>], vector<16xf32>,
          tpu.vector_store_idx %arg7[%add3A_229, %add3A_487], %gather3A_494 : memref<64x128xf32, #tpu.memory_space<vmem>>[vector<16xi32>, vector<16xi32>], vector<16xf32>,
          tpu.vector_store_idx %arg7[%add3A_263, %add3A_487], %gather3A_495 : memref<64x128xf32, #tpu.memory_space<vmem>>[vector<16xi32>, vector<16xi32>], vector<16xf32>,
          %add3A_496 = arith.constant 48 : i32
          %add3A_497 = vector.broadcast %add3A_496 : i32 to vector<16xi32>
          %add3A_498 = arith.addi %and3A_459, %add3A_497 : vector<16xi32>
          %add3A_499 = arith.addi %mul3A_293, %add3A_498 : vector<16xi32>
          %gather3A_500 = tpu.vector_load_idx %arg5[%add3A_498, %add3A_266] : memref<64x128xf32, #tpu.memory_space<vmem>>[vector<16xi32>, vector<16xi32>], vector<16xf32>,
          %gather3A_501 = tpu.vector_load_idx %arg5[%add3A_498, %add3A_269] : memref<64x128xf32, #tpu.memory_space<vmem>>[vector<16xi32>, vector<16xi32>], vector<16xf32>,
          %gather3A_502 = tpu.vector_load_idx %arg5[%add3A_498, %add3A_272] : memref<64x128xf32, #tpu.memory_space<vmem>>[vector<16xi32>, vector<16xi32>], vector<16xf32>,
          %gather3A_503 = tpu.vector_load_idx %arg5[%add3A_498, %add3A_275] : memref<64x128xf32, #tpu.memory_space<vmem>>[vector<16xi32>, vector<16xi32>], vector<16xf32>,
          %gather3A_504 = tpu.vector_load_idx %arg5[%add3A_498, %add3A_278] : memref<64x128xf32, #tpu.memory_space<vmem>>[vector<16xi32>, vector<16xi32>], vector<16xf32>,
          %gather3A_505 = tpu.vector_load_idx %arg5[%add3A_498, %add3A_281] : memref<64x128xf32, #tpu.memory_space<vmem>>[vector<16xi32>, vector<16xi32>], vector<16xf32>,
          %gather3A_506 = tpu.vector_load_idx %arg5[%add3A_498, %add3A_284] : memref<64x128xf32, #tpu.memory_space<vmem>>[vector<16xi32>, vector<16xi32>], vector<16xf32>,
          %gather3A_507 = tpu.vector_load_idx %arg5[%add3A_498, %add3A_287] : memref<64x128xf32, #tpu.memory_space<vmem>>[vector<16xi32>, vector<16xi32>], vector<16xf32>,
          tpu.vector_store_idx %arg7[%add3A_25, %add3A_499], %gather3A_500 : memref<64x128xf32, #tpu.memory_space<vmem>>[vector<16xi32>, vector<16xi32>], vector<16xf32>,
          tpu.vector_store_idx %arg7[%add3A_59, %add3A_499], %gather3A_501 : memref<64x128xf32, #tpu.memory_space<vmem>>[vector<16xi32>, vector<16xi32>], vector<16xf32>,
          tpu.vector_store_idx %arg7[%add3A_93, %add3A_499], %gather3A_502 : memref<64x128xf32, #tpu.memory_space<vmem>>[vector<16xi32>, vector<16xi32>], vector<16xf32>,
          tpu.vector_store_idx %arg7[%add3A_127, %add3A_499], %gather3A_503 : memref<64x128xf32, #tpu.memory_space<vmem>>[vector<16xi32>, vector<16xi32>], vector<16xf32>,
          tpu.vector_store_idx %arg7[%add3A_161, %add3A_499], %gather3A_504 : memref<64x128xf32, #tpu.memory_space<vmem>>[vector<16xi32>, vector<16xi32>], vector<16xf32>,
          tpu.vector_store_idx %arg7[%add3A_195, %add3A_499], %gather3A_505 : memref<64x128xf32, #tpu.memory_space<vmem>>[vector<16xi32>, vector<16xi32>], vector<16xf32>,
          tpu.vector_store_idx %arg7[%add3A_229, %add3A_499], %gather3A_506 : memref<64x128xf32, #tpu.memory_space<vmem>>[vector<16xi32>, vector<16xi32>], vector<16xf32>,
          tpu.vector_store_idx %arg7[%add3A_263, %add3A_499], %gather3A_507 : memref<64x128xf32, #tpu.memory_space<vmem>>[vector<16xi32>, vector<16xi32>], vector<16xf32>,
          %scan3A_508 = arith.constant 2 : i32
          %scan3A_509 = arith.addi %scan3A_400, %scan3A_508 : i32
          %add3A_510 = vector.broadcast %scan3A_509 : i32 to vector<16xi32>
          %add3A_511 = arith.addi %iota3A, %add3A_510 : vector<16xi32>
          %and3A_512 = arith.constant 15 : i32
          %and3A_513 = vector.broadcast %and3A_512 : i32 to vector<16xi32>
          %and3A_514 = arith.andi %add3A_511, %and3A_513 : vector<16xi32>
          %add3A_515 = arith.constant 0 : i32
          %add3A_516 = vector.broadcast %add3A_515 : i32 to vector<16xi32>
          %add3A_517 = arith.addi %and3A_514, %add3A_516 : vector<16xi32>
          %add3A_518 = arith.addi %mul3A_293, %add3A_517 : vector<16xi32>
          %gather3A_519 = tpu.vector_load_idx %arg5[%add3A_517, %add3A_266] : memref<64x128xf32, #tpu.memory_space<vmem>>[vector<16xi32>, vector<16xi32>], vector<16xf32>,
          %gather3A_520 = tpu.vector_load_idx %arg5[%add3A_517, %add3A_269] : memref<64x128xf32, #tpu.memory_space<vmem>>[vector<16xi32>, vector<16xi32>], vector<16xf32>,
          %gather3A_521 = tpu.vector_load_idx %arg5[%add3A_517, %add3A_272] : memref<64x128xf32, #tpu.memory_space<vmem>>[vector<16xi32>, vector<16xi32>], vector<16xf32>,
          %gather3A_522 = tpu.vector_load_idx %arg5[%add3A_517, %add3A_275] : memref<64x128xf32, #tpu.memory_space<vmem>>[vector<16xi32>, vector<16xi32>], vector<16xf32>,
          %gather3A_523 = tpu.vector_load_idx %arg5[%add3A_517, %add3A_278] : memref<64x128xf32, #tpu.memory_space<vmem>>[vector<16xi32>, vector<16xi32>], vector<16xf32>,
          %gather3A_524 = tpu.vector_load_idx %arg5[%add3A_517, %add3A_281] : memref<64x128xf32, #tpu.memory_space<vmem>>[vector<16xi32>, vector<16xi32>], vector<16xf32>,
          %gather3A_525 = tpu.vector_load_idx %arg5[%add3A_517, %add3A_284] : memref<64x128xf32, #tpu.memory_space<vmem>>[vector<16xi32>, vector<16xi32>], vector<16xf32>,
          %gather3A_526 = tpu.vector_load_idx %arg5[%add3A_517, %add3A_287] : memref<64x128xf32, #tpu.memory_space<vmem>>[vector<16xi32>, vector<16xi32>], vector<16xf32>,
          tpu.vector_store_idx %arg7[%add3A_25, %add3A_518], %gather3A_519 : memref<64x128xf32, #tpu.memory_space<vmem>>[vector<16xi32>, vector<16xi32>], vector<16xf32>,
          tpu.vector_store_idx %arg7[%add3A_59, %add3A_518], %gather3A_520 : memref<64x128xf32, #tpu.memory_space<vmem>>[vector<16xi32>, vector<16xi32>], vector<16xf32>,
          tpu.vector_store_idx %arg7[%add3A_93, %add3A_518], %gather3A_521 : memref<64x128xf32, #tpu.memory_space<vmem>>[vector<16xi32>, vector<16xi32>], vector<16xf32>,
          tpu.vector_store_idx %arg7[%add3A_127, %add3A_518], %gather3A_522 : memref<64x128xf32, #tpu.memory_space<vmem>>[vector<16xi32>, vector<16xi32>], vector<16xf32>,
          tpu.vector_store_idx %arg7[%add3A_161, %add3A_518], %gather3A_523 : memref<64x128xf32, #tpu.memory_space<vmem>>[vector<16xi32>, vector<16xi32>], vector<16xf32>,
          tpu.vector_store_idx %arg7[%add3A_195, %add3A_518], %gather3A_524 : memref<64x128xf32, #tpu.memory_space<vmem>>[vector<16xi32>, vector<16xi32>], vector<16xf32>,
          tpu.vector_store_idx %arg7[%add3A_229, %add3A_518], %gather3A_525 : memref<64x128xf32, #tpu.memory_space<vmem>>[vector<16xi32>, vector<16xi32>], vector<16xf32>,
          tpu.vector_store_idx %arg7[%add3A_263, %add3A_518], %gather3A_526 : memref<64x128xf32, #tpu.memory_space<vmem>>[vector<16xi32>, vector<16xi32>], vector<16xf32>,
          %add3A_527 = arith.constant 16 : i32
          %add3A_528 = vector.broadcast %add3A_527 : i32 to vector<16xi32>
          %add3A_529 = arith.addi %and3A_514, %add3A_528 : vector<16xi32>
          %add3A_530 = arith.addi %mul3A_293, %add3A_529 : vector<16xi32>
          %gather3A_531 = tpu.vector_load_idx %arg5[%add3A_529, %add3A_266] : memref<64x128xf32, #tpu.memory_space<vmem>>[vector<16xi32>, vector<16xi32>], vector<16xf32>,
          %gather3A_532 = tpu.vector_load_idx %arg5[%add3A_529, %add3A_269] : memref<64x128xf32, #tpu.memory_space<vmem>>[vector<16xi32>, vector<16xi32>], vector<16xf32>,
          %gather3A_533 = tpu.vector_load_idx %arg5[%add3A_529, %add3A_272] : memref<64x128xf32, #tpu.memory_space<vmem>>[vector<16xi32>, vector<16xi32>], vector<16xf32>,
          %gather3A_534 = tpu.vector_load_idx %arg5[%add3A_529, %add3A_275] : memref<64x128xf32, #tpu.memory_space<vmem>>[vector<16xi32>, vector<16xi32>], vector<16xf32>,
          %gather3A_535 = tpu.vector_load_idx %arg5[%add3A_529, %add3A_278] : memref<64x128xf32, #tpu.memory_space<vmem>>[vector<16xi32>, vector<16xi32>], vector<16xf32>,
          %gather3A_536 = tpu.vector_load_idx %arg5[%add3A_529, %add3A_281] : memref<64x128xf32, #tpu.memory_space<vmem>>[vector<16xi32>, vector<16xi32>], vector<16xf32>,
          %gather3A_537 = tpu.vector_load_idx %arg5[%add3A_529, %add3A_284] : memref<64x128xf32, #tpu.memory_space<vmem>>[vector<16xi32>, vector<16xi32>], vector<16xf32>,
          %gather3A_538 = tpu.vector_load_idx %arg5[%add3A_529, %add3A_287] : memref<64x128xf32, #tpu.memory_space<vmem>>[vector<16xi32>, vector<16xi32>], vector<16xf32>,
          tpu.vector_store_idx %arg7[%add3A_25, %add3A_530], %gather3A_531 : memref<64x128xf32, #tpu.memory_space<vmem>>[vector<16xi32>, vector<16xi32>], vector<16xf32>,
          tpu.vector_store_idx %arg7[%add3A_59, %add3A_530], %gather3A_532 : memref<64x128xf32, #tpu.memory_space<vmem>>[vector<16xi32>, vector<16xi32>], vector<16xf32>,
          tpu.vector_store_idx %arg7[%add3A_93, %add3A_530], %gather3A_533 : memref<64x128xf32, #tpu.memory_space<vmem>>[vector<16xi32>, vector<16xi32>], vector<16xf32>,
          tpu.vector_store_idx %arg7[%add3A_127, %add3A_530], %gather3A_534 : memref<64x128xf32, #tpu.memory_space<vmem>>[vector<16xi32>, vector<16xi32>], vector<16xf32>,
          tpu.vector_store_idx %arg7[%add3A_161, %add3A_530], %gather3A_535 : memref<64x128xf32, #tpu.memory_space<vmem>>[vector<16xi32>, vector<16xi32>], vector<16xf32>,
          tpu.vector_store_idx %arg7[%add3A_195, %add3A_530], %gather3A_536 : memref<64x128xf32, #tpu.memory_space<vmem>>[vector<16xi32>, vector<16xi32>], vector<16xf32>,
          tpu.vector_store_idx %arg7[%add3A_229, %add3A_530], %gather3A_537 : memref<64x128xf32, #tpu.memory_space<vmem>>[vector<16xi32>, vector<16xi32>], vector<16xf32>,
          tpu.vector_store_idx %arg7[%add3A_263, %add3A_530], %gather3A_538 : memref<64x128xf32, #tpu.memory_space<vmem>>[vector<16xi32>, vector<16xi32>], vector<16xf32>,
          %add3A_539 = arith.constant 32 : i32
          %add3A_540 = vector.broadcast %add3A_539 : i32 to vector<16xi32>
          %add3A_541 = arith.addi %and3A_514, %add3A_540 : vector<16xi32>
          %add3A_542 = arith.addi %mul3A_293, %add3A_541 : vector<16xi32>
          %gather3A_543 = tpu.vector_load_idx %arg5[%add3A_541, %add3A_266] : memref<64x128xf32, #tpu.memory_space<vmem>>[vector<16xi32>, vector<16xi32>], vector<16xf32>,
          %gather3A_544 = tpu.vector_load_idx %arg5[%add3A_541, %add3A_269] : memref<64x128xf32, #tpu.memory_space<vmem>>[vector<16xi32>, vector<16xi32>], vector<16xf32>,
          %gather3A_545 = tpu.vector_load_idx %arg5[%add3A_541, %add3A_272] : memref<64x128xf32, #tpu.memory_space<vmem>>[vector<16xi32>, vector<16xi32>], vector<16xf32>,
          %gather3A_546 = tpu.vector_load_idx %arg5[%add3A_541, %add3A_275] : memref<64x128xf32, #tpu.memory_space<vmem>>[vector<16xi32>, vector<16xi32>], vector<16xf32>,
          %gather3A_547 = tpu.vector_load_idx %arg5[%add3A_541, %add3A_278] : memref<64x128xf32, #tpu.memory_space<vmem>>[vector<16xi32>, vector<16xi32>], vector<16xf32>,
          %gather3A_548 = tpu.vector_load_idx %arg5[%add3A_541, %add3A_281] : memref<64x128xf32, #tpu.memory_space<vmem>>[vector<16xi32>, vector<16xi32>], vector<16xf32>,
          %gather3A_549 = tpu.vector_load_idx %arg5[%add3A_541, %add3A_284] : memref<64x128xf32, #tpu.memory_space<vmem>>[vector<16xi32>, vector<16xi32>], vector<16xf32>,
          %gather3A_550 = tpu.vector_load_idx %arg5[%add3A_541, %add3A_287] : memref<64x128xf32, #tpu.memory_space<vmem>>[vector<16xi32>, vector<16xi32>], vector<16xf32>,
          tpu.vector_store_idx %arg7[%add3A_25, %add3A_542], %gather3A_543 : memref<64x128xf32, #tpu.memory_space<vmem>>[vector<16xi32>, vector<16xi32>], vector<16xf32>,
          tpu.vector_store_idx %arg7[%add3A_59, %add3A_542], %gather3A_544 : memref<64x128xf32, #tpu.memory_space<vmem>>[vector<16xi32>, vector<16xi32>], vector<16xf32>,
          tpu.vector_store_idx %arg7[%add3A_93, %add3A_542], %gather3A_545 : memref<64x128xf32, #tpu.memory_space<vmem>>[vector<16xi32>, vector<16xi32>], vector<16xf32>,
          tpu.vector_store_idx %arg7[%add3A_127, %add3A_542], %gather3A_546 : memref<64x128xf32, #tpu.memory_space<vmem>>[vector<16xi32>, vector<16xi32>], vector<16xf32>,
          tpu.vector_store_idx %arg7[%add3A_161, %add3A_542], %gather3A_547 : memref<64x128xf32, #tpu.memory_space<vmem>>[vector<16xi32>, vector<16xi32>], vector<16xf32>,
          tpu.vector_store_idx %arg7[%add3A_195, %add3A_542], %gather3A_548 : memref<64x128xf32, #tpu.memory_space<vmem>>[vector<16xi32>, vector<16xi32>], vector<16xf32>,
          tpu.vector_store_idx %arg7[%add3A_229, %add3A_542], %gather3A_549 : memref<64x128xf32, #tpu.memory_space<vmem>>[vector<16xi32>, vector<16xi32>], vector<16xf32>,
          tpu.vector_store_idx %arg7[%add3A_263, %add3A_542], %gather3A_550 : memref<64x128xf32, #tpu.memory_space<vmem>>[vector<16xi32>, vector<16xi32>], vector<16xf32>,
          %add3A_551 = arith.constant 48 : i32
          %add3A_552 = vector.broadcast %add3A_551 : i32 to vector<16xi32>
          %add3A_553 = arith.addi %and3A_514, %add3A_552 : vector<16xi32>
          %add3A_554 = arith.addi %mul3A_293, %add3A_553 : vector<16xi32>
          %gather3A_555 = tpu.vector_load_idx %arg5[%add3A_553, %add3A_266] : memref<64x128xf32, #tpu.memory_space<vmem>>[vector<16xi32>, vector<16xi32>], vector<16xf32>,
          %gather3A_556 = tpu.vector_load_idx %arg5[%add3A_553, %add3A_269] : memref<64x128xf32, #tpu.memory_space<vmem>>[vector<16xi32>, vector<16xi32>], vector<16xf32>,
          %gather3A_557 = tpu.vector_load_idx %arg5[%add3A_553, %add3A_272] : memref<64x128xf32, #tpu.memory_space<vmem>>[vector<16xi32>, vector<16xi32>], vector<16xf32>,
          %gather3A_558 = tpu.vector_load_idx %arg5[%add3A_553, %add3A_275] : memref<64x128xf32, #tpu.memory_space<vmem>>[vector<16xi32>, vector<16xi32>], vector<16xf32>,
          %gather3A_559 = tpu.vector_load_idx %arg5[%add3A_553, %add3A_278] : memref<64x128xf32, #tpu.memory_space<vmem>>[vector<16xi32>, vector<16xi32>], vector<16xf32>,
          %gather3A_560 = tpu.vector_load_idx %arg5[%add3A_553, %add3A_281] : memref<64x128xf32, #tpu.memory_space<vmem>>[vector<16xi32>, vector<16xi32>], vector<16xf32>,
          %gather3A_561 = tpu.vector_load_idx %arg5[%add3A_553, %add3A_284] : memref<64x128xf32, #tpu.memory_space<vmem>>[vector<16xi32>, vector<16xi32>], vector<16xf32>,
          %gather3A_562 = tpu.vector_load_idx %arg5[%add3A_553, %add3A_287] : memref<64x128xf32, #tpu.memory_space<vmem>>[vector<16xi32>, vector<16xi32>], vector<16xf32>,
          tpu.vector_store_idx %arg7[%add3A_25, %add3A_554], %gather3A_555 : memref<64x128xf32, #tpu.memory_space<vmem>>[vector<16xi32>, vector<16xi32>], vector<16xf32>,
          tpu.vector_store_idx %arg7[%add3A_59, %add3A_554], %gather3A_556 : memref<64x128xf32, #tpu.memory_space<vmem>>[vector<16xi32>, vector<16xi32>], vector<16xf32>,
          tpu.vector_store_idx %arg7[%add3A_93, %add3A_554], %gather3A_557 : memref<64x128xf32, #tpu.memory_space<vmem>>[vector<16xi32>, vector<16xi32>], vector<16xf32>,
          tpu.vector_store_idx %arg7[%add3A_127, %add3A_554], %gather3A_558 : memref<64x128xf32, #tpu.memory_space<vmem>>[vector<16xi32>, vector<16xi32>], vector<16xf32>,
          tpu.vector_store_idx %arg7[%add3A_161, %add3A_554], %gather3A_559 : memref<64x128xf32, #tpu.memory_space<vmem>>[vector<16xi32>, vector<16xi32>], vector<16xf32>,
          tpu.vector_store_idx %arg7[%add3A_195, %add3A_554], %gather3A_560 : memref<64x128xf32, #tpu.memory_space<vmem>>[vector<16xi32>, vector<16xi32>], vector<16xf32>,
          tpu.vector_store_idx %arg7[%add3A_229, %add3A_554], %gather3A_561 : memref<64x128xf32, #tpu.memory_space<vmem>>[vector<16xi32>, vector<16xi32>], vector<16xf32>,
          tpu.vector_store_idx %arg7[%add3A_263, %add3A_554], %gather3A_562 : memref<64x128xf32, #tpu.memory_space<vmem>>[vector<16xi32>, vector<16xi32>], vector<16xf32>,
          %scan3A_563 = arith.constant 3 : i32
          %scan3A_564 = arith.addi %scan3A_400, %scan3A_563 : i32
          %add3A_565 = vector.broadcast %scan3A_564 : i32 to vector<16xi32>
          %add3A_566 = arith.addi %iota3A, %add3A_565 : vector<16xi32>
          %and3A_567 = arith.constant 15 : i32
          %and3A_568 = vector.broadcast %and3A_567 : i32 to vector<16xi32>
          %and3A_569 = arith.andi %add3A_566, %and3A_568 : vector<16xi32>
          %add3A_570 = arith.constant 0 : i32
          %add3A_571 = vector.broadcast %add3A_570 : i32 to vector<16xi32>
          %add3A_572 = arith.addi %and3A_569, %add3A_571 : vector<16xi32>
          %add3A_573 = arith.addi %mul3A_293, %add3A_572 : vector<16xi32>
          %gather3A_574 = tpu.vector_load_idx %arg5[%add3A_572, %add3A_266] : memref<64x128xf32, #tpu.memory_space<vmem>>[vector<16xi32>, vector<16xi32>], vector<16xf32>,
          %gather3A_575 = tpu.vector_load_idx %arg5[%add3A_572, %add3A_269] : memref<64x128xf32, #tpu.memory_space<vmem>>[vector<16xi32>, vector<16xi32>], vector<16xf32>,
          %gather3A_576 = tpu.vector_load_idx %arg5[%add3A_572, %add3A_272] : memref<64x128xf32, #tpu.memory_space<vmem>>[vector<16xi32>, vector<16xi32>], vector<16xf32>,
          %gather3A_577 = tpu.vector_load_idx %arg5[%add3A_572, %add3A_275] : memref<64x128xf32, #tpu.memory_space<vmem>>[vector<16xi32>, vector<16xi32>], vector<16xf32>,
          %gather3A_578 = tpu.vector_load_idx %arg5[%add3A_572, %add3A_278] : memref<64x128xf32, #tpu.memory_space<vmem>>[vector<16xi32>, vector<16xi32>], vector<16xf32>,
          %gather3A_579 = tpu.vector_load_idx %arg5[%add3A_572, %add3A_281] : memref<64x128xf32, #tpu.memory_space<vmem>>[vector<16xi32>, vector<16xi32>], vector<16xf32>,
          %gather3A_580 = tpu.vector_load_idx %arg5[%add3A_572, %add3A_284] : memref<64x128xf32, #tpu.memory_space<vmem>>[vector<16xi32>, vector<16xi32>], vector<16xf32>,
          %gather3A_581 = tpu.vector_load_idx %arg5[%add3A_572, %add3A_287] : memref<64x128xf32, #tpu.memory_space<vmem>>[vector<16xi32>, vector<16xi32>], vector<16xf32>,
          tpu.vector_store_idx %arg7[%add3A_25, %add3A_573], %gather3A_574 : memref<64x128xf32, #tpu.memory_space<vmem>>[vector<16xi32>, vector<16xi32>], vector<16xf32>,
          tpu.vector_store_idx %arg7[%add3A_59, %add3A_573], %gather3A_575 : memref<64x128xf32, #tpu.memory_space<vmem>>[vector<16xi32>, vector<16xi32>], vector<16xf32>,
          tpu.vector_store_idx %arg7[%add3A_93, %add3A_573], %gather3A_576 : memref<64x128xf32, #tpu.memory_space<vmem>>[vector<16xi32>, vector<16xi32>], vector<16xf32>,
          tpu.vector_store_idx %arg7[%add3A_127, %add3A_573], %gather3A_577 : memref<64x128xf32, #tpu.memory_space<vmem>>[vector<16xi32>, vector<16xi32>], vector<16xf32>,
          tpu.vector_store_idx %arg7[%add3A_161, %add3A_573], %gather3A_578 : memref<64x128xf32, #tpu.memory_space<vmem>>[vector<16xi32>, vector<16xi32>], vector<16xf32>,
          tpu.vector_store_idx %arg7[%add3A_195, %add3A_573], %gather3A_579 : memref<64x128xf32, #tpu.memory_space<vmem>>[vector<16xi32>, vector<16xi32>], vector<16xf32>,
          tpu.vector_store_idx %arg7[%add3A_229, %add3A_573], %gather3A_580 : memref<64x128xf32, #tpu.memory_space<vmem>>[vector<16xi32>, vector<16xi32>], vector<16xf32>,
          tpu.vector_store_idx %arg7[%add3A_263, %add3A_573], %gather3A_581 : memref<64x128xf32, #tpu.memory_space<vmem>>[vector<16xi32>, vector<16xi32>], vector<16xf32>,
          %add3A_582 = arith.constant 16 : i32
          %add3A_583 = vector.broadcast %add3A_582 : i32 to vector<16xi32>
          %add3A_584 = arith.addi %and3A_569, %add3A_583 : vector<16xi32>
          %add3A_585 = arith.addi %mul3A_293, %add3A_584 : vector<16xi32>
          %gather3A_586 = tpu.vector_load_idx %arg5[%add3A_584, %add3A_266] : memref<64x128xf32, #tpu.memory_space<vmem>>[vector<16xi32>, vector<16xi32>], vector<16xf32>,
          %gather3A_587 = tpu.vector_load_idx %arg5[%add3A_584, %add3A_269] : memref<64x128xf32, #tpu.memory_space<vmem>>[vector<16xi32>, vector<16xi32>], vector<16xf32>,
          %gather3A_588 = tpu.vector_load_idx %arg5[%add3A_584, %add3A_272] : memref<64x128xf32, #tpu.memory_space<vmem>>[vector<16xi32>, vector<16xi32>], vector<16xf32>,
          %gather3A_589 = tpu.vector_load_idx %arg5[%add3A_584, %add3A_275] : memref<64x128xf32, #tpu.memory_space<vmem>>[vector<16xi32>, vector<16xi32>], vector<16xf32>,
          %gather3A_590 = tpu.vector_load_idx %arg5[%add3A_584, %add3A_278] : memref<64x128xf32, #tpu.memory_space<vmem>>[vector<16xi32>, vector<16xi32>], vector<16xf32>,
          %gather3A_591 = tpu.vector_load_idx %arg5[%add3A_584, %add3A_281] : memref<64x128xf32, #tpu.memory_space<vmem>>[vector<16xi32>, vector<16xi32>], vector<16xf32>,
          %gather3A_592 = tpu.vector_load_idx %arg5[%add3A_584, %add3A_284] : memref<64x128xf32, #tpu.memory_space<vmem>>[vector<16xi32>, vector<16xi32>], vector<16xf32>,
          %gather3A_593 = tpu.vector_load_idx %arg5[%add3A_584, %add3A_287] : memref<64x128xf32, #tpu.memory_space<vmem>>[vector<16xi32>, vector<16xi32>], vector<16xf32>,
          tpu.vector_store_idx %arg7[%add3A_25, %add3A_585], %gather3A_586 : memref<64x128xf32, #tpu.memory_space<vmem>>[vector<16xi32>, vector<16xi32>], vector<16xf32>,
          tpu.vector_store_idx %arg7[%add3A_59, %add3A_585], %gather3A_587 : memref<64x128xf32, #tpu.memory_space<vmem>>[vector<16xi32>, vector<16xi32>], vector<16xf32>,
          tpu.vector_store_idx %arg7[%add3A_93, %add3A_585], %gather3A_588 : memref<64x128xf32, #tpu.memory_space<vmem>>[vector<16xi32>, vector<16xi32>], vector<16xf32>,
          tpu.vector_store_idx %arg7[%add3A_127, %add3A_585], %gather3A_589 : memref<64x128xf32, #tpu.memory_space<vmem>>[vector<16xi32>, vector<16xi32>], vector<16xf32>,
          tpu.vector_store_idx %arg7[%add3A_161, %add3A_585], %gather3A_590 : memref<64x128xf32, #tpu.memory_space<vmem>>[vector<16xi32>, vector<16xi32>], vector<16xf32>,
          tpu.vector_store_idx %arg7[%add3A_195, %add3A_585], %gather3A_591 : memref<64x128xf32, #tpu.memory_space<vmem>>[vector<16xi32>, vector<16xi32>], vector<16xf32>,
          tpu.vector_store_idx %arg7[%add3A_229, %add3A_585], %gather3A_592 : memref<64x128xf32, #tpu.memory_space<vmem>>[vector<16xi32>, vector<16xi32>], vector<16xf32>,
          tpu.vector_store_idx %arg7[%add3A_263, %add3A_585], %gather3A_593 : memref<64x128xf32, #tpu.memory_space<vmem>>[vector<16xi32>, vector<16xi32>], vector<16xf32>,
          %add3A_594 = arith.constant 32 : i32
          %add3A_595 = vector.broadcast %add3A_594 : i32 to vector<16xi32>
          %add3A_596 = arith.addi %and3A_569, %add3A_595 : vector<16xi32>
          %add3A_597 = arith.addi %mul3A_293, %add3A_596 : vector<16xi32>
          %gather3A_598 = tpu.vector_load_idx %arg5[%add3A_596, %add3A_266] : memref<64x128xf32, #tpu.memory_space<vmem>>[vector<16xi32>, vector<16xi32>], vector<16xf32>,
          %gather3A_599 = tpu.vector_load_idx %arg5[%add3A_596, %add3A_269] : memref<64x128xf32, #tpu.memory_space<vmem>>[vector<16xi32>, vector<16xi32>], vector<16xf32>,
          %gather3A_600 = tpu.vector_load_idx %arg5[%add3A_596, %add3A_272] : memref<64x128xf32, #tpu.memory_space<vmem>>[vector<16xi32>, vector<16xi32>], vector<16xf32>,
          %gather3A_601 = tpu.vector_load_idx %arg5[%add3A_596, %add3A_275] : memref<64x128xf32, #tpu.memory_space<vmem>>[vector<16xi32>, vector<16xi32>], vector<16xf32>,
          %gather3A_602 = tpu.vector_load_idx %arg5[%add3A_596, %add3A_278] : memref<64x128xf32, #tpu.memory_space<vmem>>[vector<16xi32>, vector<16xi32>], vector<16xf32>,
          %gather3A_603 = tpu.vector_load_idx %arg5[%add3A_596, %add3A_281] : memref<64x128xf32, #tpu.memory_space<vmem>>[vector<16xi32>, vector<16xi32>], vector<16xf32>,
          %gather3A_604 = tpu.vector_load_idx %arg5[%add3A_596, %add3A_284] : memref<64x128xf32, #tpu.memory_space<vmem>>[vector<16xi32>, vector<16xi32>], vector<16xf32>,
          %gather3A_605 = tpu.vector_load_idx %arg5[%add3A_596, %add3A_287] : memref<64x128xf32, #tpu.memory_space<vmem>>[vector<16xi32>, vector<16xi32>], vector<16xf32>,
          tpu.vector_store_idx %arg7[%add3A_25, %add3A_597], %gather3A_598 : memref<64x128xf32, #tpu.memory_space<vmem>>[vector<16xi32>, vector<16xi32>], vector<16xf32>,
          tpu.vector_store_idx %arg7[%add3A_59, %add3A_597], %gather3A_599 : memref<64x128xf32, #tpu.memory_space<vmem>>[vector<16xi32>, vector<16xi32>], vector<16xf32>,
          tpu.vector_store_idx %arg7[%add3A_93, %add3A_597], %gather3A_600 : memref<64x128xf32, #tpu.memory_space<vmem>>[vector<16xi32>, vector<16xi32>], vector<16xf32>,
          tpu.vector_store_idx %arg7[%add3A_127, %add3A_597], %gather3A_601 : memref<64x128xf32, #tpu.memory_space<vmem>>[vector<16xi32>, vector<16xi32>], vector<16xf32>,
          tpu.vector_store_idx %arg7[%add3A_161, %add3A_597], %gather3A_602 : memref<64x128xf32, #tpu.memory_space<vmem>>[vector<16xi32>, vector<16xi32>], vector<16xf32>,
          tpu.vector_store_idx %arg7[%add3A_195, %add3A_597], %gather3A_603 : memref<64x128xf32, #tpu.memory_space<vmem>>[vector<16xi32>, vector<16xi32>], vector<16xf32>,
          tpu.vector_store_idx %arg7[%add3A_229, %add3A_597], %gather3A_604 : memref<64x128xf32, #tpu.memory_space<vmem>>[vector<16xi32>, vector<16xi32>], vector<16xf32>,
          tpu.vector_store_idx %arg7[%add3A_263, %add3A_597], %gather3A_605 : memref<64x128xf32, #tpu.memory_space<vmem>>[vector<16xi32>, vector<16xi32>], vector<16xf32>,
          %add3A_606 = arith.constant 48 : i32
          %add3A_607 = vector.broadcast %add3A_606 : i32 to vector<16xi32>
          %add3A_608 = arith.addi %and3A_569, %add3A_607 : vector<16xi32>
          %add3A_609 = arith.addi %mul3A_293, %add3A_608 : vector<16xi32>
          %gather3A_610 = tpu.vector_load_idx %arg5[%add3A_608, %add3A_266] : memref<64x128xf32, #tpu.memory_space<vmem>>[vector<16xi32>, vector<16xi32>], vector<16xf32>,
          %gather3A_611 = tpu.vector_load_idx %arg5[%add3A_608, %add3A_269] : memref<64x128xf32, #tpu.memory_space<vmem>>[vector<16xi32>, vector<16xi32>], vector<16xf32>,
          %gather3A_612 = tpu.vector_load_idx %arg5[%add3A_608, %add3A_272] : memref<64x128xf32, #tpu.memory_space<vmem>>[vector<16xi32>, vector<16xi32>], vector<16xf32>,
          %gather3A_613 = tpu.vector_load_idx %arg5[%add3A_608, %add3A_275] : memref<64x128xf32, #tpu.memory_space<vmem>>[vector<16xi32>, vector<16xi32>], vector<16xf32>,
          %gather3A_614 = tpu.vector_load_idx %arg5[%add3A_608, %add3A_278] : memref<64x128xf32, #tpu.memory_space<vmem>>[vector<16xi32>, vector<16xi32>], vector<16xf32>,
          %gather3A_615 = tpu.vector_load_idx %arg5[%add3A_608, %add3A_281] : memref<64x128xf32, #tpu.memory_space<vmem>>[vector<16xi32>, vector<16xi32>], vector<16xf32>,
          %gather3A_616 = tpu.vector_load_idx %arg5[%add3A_608, %add3A_284] : memref<64x128xf32, #tpu.memory_space<vmem>>[vector<16xi32>, vector<16xi32>], vector<16xf32>,
          %gather3A_617 = tpu.vector_load_idx %arg5[%add3A_608, %add3A_287] : memref<64x128xf32, #tpu.memory_space<vmem>>[vector<16xi32>, vector<16xi32>], vector<16xf32>,
          tpu.vector_store_idx %arg7[%add3A_25, %add3A_609], %gather3A_610 : memref<64x128xf32, #tpu.memory_space<vmem>>[vector<16xi32>, vector<16xi32>], vector<16xf32>,
          tpu.vector_store_idx %arg7[%add3A_59, %add3A_609], %gather3A_611 : memref<64x128xf32, #tpu.memory_space<vmem>>[vector<16xi32>, vector<16xi32>], vector<16xf32>,
          tpu.vector_store_idx %arg7[%add3A_93, %add3A_609], %gather3A_612 : memref<64x128xf32, #tpu.memory_space<vmem>>[vector<16xi32>, vector<16xi32>], vector<16xf32>,
          tpu.vector_store_idx %arg7[%add3A_127, %add3A_609], %gather3A_613 : memref<64x128xf32, #tpu.memory_space<vmem>>[vector<16xi32>, vector<16xi32>], vector<16xf32>,
          tpu.vector_store_idx %arg7[%add3A_161, %add3A_609], %gather3A_614 : memref<64x128xf32, #tpu.memory_space<vmem>>[vector<16xi32>, vector<16xi32>], vector<16xf32>,
          tpu.vector_store_idx %arg7[%add3A_195, %add3A_609], %gather3A_615 : memref<64x128xf32, #tpu.memory_space<vmem>>[vector<16xi32>, vector<16xi32>], vector<16xf32>,
          tpu.vector_store_idx %arg7[%add3A_229, %add3A_609], %gather3A_616 : memref<64x128xf32, #tpu.memory_space<vmem>>[vector<16xi32>, vector<16xi32>], vector<16xf32>,
          tpu.vector_store_idx %arg7[%add3A_263, %add3A_609], %gather3A_617 : memref<64x128xf32, #tpu.memory_space<vmem>>[vector<16xi32>, vector<16xi32>], vector<16xf32>,
        }
        %scan3A_394 = arith.constant 16 : i32
        %mul3A_395 = arith.constant 64 : i32
        %mul3A_396 = arith.muli %add3A_366, %mul3A_395 : i32
        %dma_start3A = arith.constant 0 : i32
        %dma_start3A_397 = tpu.memref_slice %arg3[%mul3A_396, %dma_start3A] : memref<500032x128xf32, #tpu.memory_space<hbm>> -> memref<64x128xf32, #tpu.memory_space<hbm>>
        %dma_start3A_398 = arith.constant 0 : i32
        %dma_start3A_399 = tpu.memref_slice %arg3[%mul3A_396, %dma_start3A_398] : memref<500032x128xf32, #tpu.memory_space<hbm>> -> memref<64x128xf32, #tpu.memory_space<hbm>>
        tpu.enqueue_dma source(%arg7 : memref<64x128xf32, #tpu.memory_space<vmem>>) target(%dma_start3A_399 : memref<64x128xf32, #tpu.memory_space<hbm>>) target_semaphore(%arg11 : memref<!tpu.dma_semaphore, #tpu.memory_space<semaphore_mem>>)
      } else {
      }
    }
    %scan3A_300 = arith.constant 123 : i32
    %add3A_301 = arith.constant 7808 : i32
    %add3A_302 = arith.addi %add3A, %add3A_301 : i32
    %lt3A_303 = arith.constant 7813 : i32
    %lt3A_304 = arith.cmpi slt, %add3A_302, %lt3A_303 : i32
    %convert_element_type3A_305 = arith.extui %lt3A_304 : i1 to i32
    %cond3A_306 = arith.constant 0 : i32
    %cond3A_307 = arith.cmpi ne, %convert_element_type3A_305, %cond3A_306 : i32
    scf.if %cond3A_307 {
      %mul3A_340 = arith.constant 64 : i32
      %mul3A_341 = arith.muli %add3A_302, %mul3A_340 : i32
      %dma_wait3A = arith.constant 0 : i32
      %dma_wait3A_342 = tpu.memref_slice %arg3[%mul3A_341, %dma_wait3A] : memref<500032x128xf32, #tpu.memory_space<hbm>> -> memref<64x128xf32, #tpu.memory_space<hbm>>
      %dma_wait3A_343 = arith.constant 0 : i32
      %dma_wait3A_344 = tpu.memref_slice %arg3[%mul3A_341, %dma_wait3A_343] : memref<500032x128xf32, #tpu.memory_space<hbm>> -> memref<64x128xf32, #tpu.memory_space<hbm>>
      tpu.wait_dma2 semaphore(%arg10 : memref<!tpu.dma_semaphore, #tpu.memory_space<semaphore_mem>>) src(%arg6 : memref<64x128xf32, #tpu.memory_space<vmem>>) dst(%dma_wait3A_344 : memref<64x128xf32, #tpu.memory_space<hbm>>)
    } else {
    }
    %ge3A = arith.constant 7813 : i32
    %ge3A_308 = arith.cmpi sge, %add3A_302, %ge3A : i32
    %sub3A_309 = arith.constant 64 : i32
    %sub3A_310 = arith.subi %add3A_302, %sub3A_309 : i32
    %lt3A_311 = arith.constant 7813 : i32
    %lt3A_312 = arith.cmpi slt, %sub3A_310, %lt3A_311 : i32
    %and3A_313 = arith.andi %ge3A_308, %lt3A_312 : i1
    %ge3A_314 = arith.constant 64 : i32
    %ge3A_315 = arith.cmpi sge, %add3A_302, %ge3A_314 : i32
    %and3A_316 = arith.andi %and3A_313, %ge3A_315 : i1
    %convert_element_type3A_317 = arith.extui %and3A_316 : i1 to i32
    %cond3A_318 = arith.constant 0 : i32
    %cond3A_319 = arith.cmpi ne, %convert_element_type3A_317, %cond3A_318 : i32
    scf.if %cond3A_319 {
      %sub3A_340 = arith.constant 64 : i32
      %sub3A_341 = arith.subi %add3A_302, %sub3A_340 : i32
      %mul3A_342 = arith.constant 64 : i32
      %mul3A_343 = arith.muli %sub3A_341, %mul3A_342 : i32
      %dma_wait3A = arith.constant 0 : i32
      %dma_wait3A_344 = tpu.memref_slice %arg3[%mul3A_343, %dma_wait3A] : memref<500032x128xf32, #tpu.memory_space<hbm>> -> memref<64x128xf32, #tpu.memory_space<hbm>>
      %dma_wait3A_345 = arith.constant 0 : i32
      %dma_wait3A_346 = tpu.memref_slice %arg3[%mul3A_343, %dma_wait3A_345] : memref<500032x128xf32, #tpu.memory_space<hbm>> -> memref<64x128xf32, #tpu.memory_space<hbm>>
      tpu.wait_dma2 semaphore(%arg10 : memref<!tpu.dma_semaphore, #tpu.memory_space<semaphore_mem>>) src(%arg6 : memref<64x128xf32, #tpu.memory_space<vmem>>) dst(%dma_wait3A_346 : memref<64x128xf32, #tpu.memory_space<hbm>>)
    } else {
    }
    %add3A_320 = arith.constant 7840 : i32
    %add3A_321 = arith.addi %add3A, %add3A_320 : i32
    %lt3A_322 = arith.constant 7813 : i32
    %lt3A_323 = arith.cmpi slt, %add3A_321, %lt3A_322 : i32
    %convert_element_type3A_324 = arith.extui %lt3A_323 : i1 to i32
    %cond3A_325 = arith.constant 0 : i32
    %cond3A_326 = arith.cmpi ne, %convert_element_type3A_324, %cond3A_325 : i32
    scf.if %cond3A_326 {
      %mul3A_340 = arith.constant 64 : i32
      %mul3A_341 = arith.muli %add3A_321, %mul3A_340 : i32
      %dma_wait3A = arith.constant 0 : i32
      %dma_wait3A_342 = tpu.memref_slice %arg3[%mul3A_341, %dma_wait3A] : memref<500032x128xf32, #tpu.memory_space<hbm>> -> memref<64x128xf32, #tpu.memory_space<hbm>>
      %dma_wait3A_343 = arith.constant 0 : i32
      %dma_wait3A_344 = tpu.memref_slice %arg3[%mul3A_341, %dma_wait3A_343] : memref<500032x128xf32, #tpu.memory_space<hbm>> -> memref<64x128xf32, #tpu.memory_space<hbm>>
      tpu.wait_dma2 semaphore(%arg11 : memref<!tpu.dma_semaphore, #tpu.memory_space<semaphore_mem>>) src(%arg7 : memref<64x128xf32, #tpu.memory_space<vmem>>) dst(%dma_wait3A_344 : memref<64x128xf32, #tpu.memory_space<hbm>>)
    } else {
    }
    %ge3A_327 = arith.constant 7813 : i32
    %ge3A_328 = arith.cmpi sge, %add3A_321, %ge3A_327 : i32
    %sub3A_329 = arith.constant 64 : i32
    %sub3A_330 = arith.subi %add3A_321, %sub3A_329 : i32
    %lt3A_331 = arith.constant 7813 : i32
    %lt3A_332 = arith.cmpi slt, %sub3A_330, %lt3A_331 : i32
    %and3A_333 = arith.andi %ge3A_328, %lt3A_332 : i1
    %ge3A_334 = arith.constant 64 : i32
    %ge3A_335 = arith.cmpi sge, %add3A_321, %ge3A_334 : i32
    %and3A_336 = arith.andi %and3A_333, %ge3A_335 : i1
    %convert_element_type3A_337 = arith.extui %and3A_336 : i1 to i32
    %cond3A_338 = arith.constant 0 : i32
    %cond3A_339 = arith.cmpi ne, %convert_element_type3A_337, %cond3A_338 : i32
    scf.if %cond3A_339 {
      %sub3A_340 = arith.constant 64 : i32
      %sub3A_341 = arith.subi %add3A_321, %sub3A_340 : i32
      %mul3A_342 = arith.constant 64 : i32
      %mul3A_343 = arith.muli %sub3A_341, %mul3A_342 : i32
      %dma_wait3A = arith.constant 0 : i32
      %dma_wait3A_344 = tpu.memref_slice %arg3[%mul3A_343, %dma_wait3A] : memref<500032x128xf32, #tpu.memory_space<hbm>> -> memref<64x128xf32, #tpu.memory_space<hbm>>
      %dma_wait3A_345 = arith.constant 0 : i32
      %dma_wait3A_346 = tpu.memref_slice %arg3[%mul3A_343, %dma_wait3A_345] : memref<500032x128xf32, #tpu.memory_space<hbm>> -> memref<64x128xf32, #tpu.memory_space<hbm>>
      tpu.wait_dma2 semaphore(%arg11 : memref<!tpu.dma_semaphore, #tpu.memory_space<semaphore_mem>>) src(%arg7 : memref<64x128xf32, #tpu.memory_space<vmem>>) dst(%dma_wait3A_346 : memref<64x128xf32, #tpu.memory_space<hbm>>)
    } else {
    }
    return
  }
}

</mosaic_0001>

<sc_bundles>
// kernel: kernel.4.cloned.1.call-start
scs
__scs_entry_jumppad:
0x0: {  	(pc) =	sbr.rel $0x88, $3  }
0x1: {  	(tag) =	ssettag $0x0;
	lr =	simm.s32 $0x1  }
0x2: {  	[smem:$0x3F9F] =	sst lr;
	_ =	strace $0xD0000000  }
0x3: {  	_ = 	snop  }
0x4: {  	_ = 	snop  }
0x5: {  	_ = 	snop  }
0x6: {  	_ = 	snop  }
0x7: {  	_ = 	snop  }
__scs_overlays_trampoline_lowered:
0x8: {  	[smem:$0x3FAE] =	sst s0  }
0x9: {  	[smem:$0x3FAF] =	sst s1  }
0xa: {  	[smem:$0x3FB0] =	sst s2  }
0xb: {  	[smem:$0x3FB1] =	sst s3  }
0xc: {  	[smem:$0x3FB2] =	sst s4  }
0xd: {  	[smem:$0x3FB3] =	sst s5  }
0xe: {  	[smem:$0x3FB4] =	sst s6  }
0xf: {  	[smem:$0x3FB5] =	sst s7  }
0x10: {  	[smem:$0x3FB6] =	sst s8  }
0x11: {  	[smem:$0x3FB7] =	sst s9;
	s0 =	simm.s32 @!p0 $0x0  }
0x12: {  	s1 =	sld [smem:$0x3F9D];
	s0 =	simm.s32 @p0 $0x1  }
0x13: {  	[smem:$0x3FB8] =	sst s0;
	s0 =	simm.s32 @!p1 $0x0  }
0x14: {  	s2 =	sld [smem:$0x3F9C];
	s0 =	simm.s32 @p1 $0x1  }
0x15: {  	[smem:$0x3FB9] =	sst s0;
	s0 =	simm.s32 @!p2 $0x0  }
0x16: {  	s3 =	sld [smem:$0x3FDB];
	s0 =	simm.s32 @p2 $0x1  }
0x17: {  	s4 =	simm.s32 $0x1BF5;
	[smem:$0x3FBB] =	sst s0  }
0x18: {  	s0 =	sld [smem:$0x3F9E];
	_ =	swait.ge [sflag:s4], $0x0  }
0x19: {  	s7 =	sld [smem:$0x3F9F]  }
0x1a: {  	s8 =	sadd.s32 $0xFFFFE003, lr  }
0x1b: {  	s9 =	sadd.s32 $0xFFFFFEF7, lr;
	s5 =	simm.s32 $0xFFFFFFFF;
	p2 =	slt.u32 s8, $0xFFFFF086  }
0x1c: {  	p1 =	slt.u32 s9, $0xF7A;
	s5 =	simm.s32 @!p2 $0x0  }
0x1d: {  	s5 =	simm.s32 @p1 $0x1;
	p0 =	seq.s32 s7, s2  }
0x1e: {  	s7 =	smul.u32 @!p0 $0xF7A, s2;
	p2 =	seq.s32 @!p0 s5, $0x0  }
0x1f: {  	s9 =	smul.u32 $0xF7A, s1;
	s8 =	simm.s32 @!p0 $0x1BF5;
	p2 =	por !p2, p0  }
0x20: {  	[sflag:s8] =	ssyncset.s32 @!p0 $0xFFFFF086;
	s6 =	sadd.s32 @!p0 s3, s7;
	s7 =	simm.s32 @!p0 $0x108  }
0x21: {  	s3 =	sadd.s32 s3, s9;
	s6 =	sadd.s32 @!p0 $0x88, s6;
	s7 =	simm.s32 @p2 $0x1082  }
0x22: {  	[simem:s7], [sflag:s8] =	dma.local @!p0 [hbm:s6], $0xF7A  }
0x23: {  	s9 =	sor.u32 $0xD0000000, s2;
	s6 =	simm.s32 $0x108;
	_ =	swait.ge @!p0 [sflag:s8], $0x0  }
0x24: {  	s3 =	sadd.s32 $0x88, s3;
	s6 =	simm.s32 @!p1 $0x1082;
	[sflag:s4] =	ssyncset.s32 $0xFFFFF086  }
0x25: {  	[simem:s6], [sflag:s4] =	dma.local [hbm:s3], $0xF7A  }
0x26: {  	[smem:$0x3F9F] =	sst s1;
	(tag) =	ssettag s2;
	_ =	strace s9  }
0x27: {  	s1 =	sld [smem:$0x3FAF]  }
0x28: {  	s2 =	sld [smem:$0x3FB0]  }
0x29: {  	s4 =	sld [smem:$0x3FB2]  }
0x2a: {  	p0 =	seq.s32 s5, $0x0;
	s5 =	sld [smem:$0x3FB3]  }
0x2b: {  	s6 =	sld [smem:$0x3FB4]  }
0x2c: {  	s7 =	sld [smem:$0x3FB5]  }
0x2d: {  	s3 =	simm.s32 $0x108;
	s8 =	sld [smem:$0x3FB6]  }
0x2e: {  	s3 =	simm.s32 @!p0 $0x1082;
	s9 =	sld [smem:$0x3FB7]  }
0x2f: {  	lr =	sadd.s32 s0, s3;
	s0 =	sld [smem:$0x3FAE]  }
0x30: {  	s3 =	sld [smem:$0x3FB1]  }
0x31: {  	[smem:$0x3FBA] =	sst s10  }
0x32: {  	s10 =	sld [smem:$0x3FB8];
	_ =	sdelay $0x3  }
0x33: {  	p0 =	seq.s32 s10, $0x1;
	s10 =	sld [smem:$0x3FBA];
	_ =	sdelay $0x3  }
0x34: {  	[smem:$0x3FBA] =	sst s10  }
0x35: {  	s10 =	sld [smem:$0x3FB9];
	_ =	sdelay $0x3  }
0x36: {  	p1 =	seq.s32 s10, $0x1;
	s10 =	sld [smem:$0x3FBA];
	_ =	sdelay $0x3  }
0x37: {  	[smem:$0x3FBA] =	sst s10  }
0x38: {  	s10 =	sld [smem:$0x3FBB]  }
0x39: {  	_ = 	snop;
	(pc) =	sbr.ind lr, $3  }
0x3a: {  	_ = 	snop  }
0x3b: {  	_ = 	snop  }
0x3c: {  	p2 =	seq.s32 s10, $0x1;
	s10 =	sld [smem:$0x3FBA]  }
0x3d: {  	_ =	shalt  }
0x3e: {  	_ =	shalt  }
0x3f: {  	_ =	shalt  }
0x40: {  	_ =	shalt  }
0x41: {  	_ =	shalt  }
0x42: {  	_ =	shalt  }
0x43: {  	_ =	shalt  }
0x44: {  	_ =	shalt  }
0x45: {  	_ =	shalt  }
0x46: {  	_ =	shalt  }
0x47: {  	_ =	shalt  }
0x48: {  	_ =	shalt  }
0x49: {  	_ =	shalt  }
0x4a: {  	_ =	shalt  }
0x4b: {  	_ =	shalt  }
0x4c: {  	_ =	shalt  }
0x4d: {  	_ =	shalt  }
0x4e: {  	_ =	shalt  }
0x4f: {  	_ =	shalt  }
0x50: {  	_ =	shalt  }
0x51: {  	_ =	shalt  }
0x52: {  	_ =	shalt  }
0x53: {  	_ =	shalt  }
0x54: {  	_ =	shalt  }
0x55: {  	_ =	shalt  }
0x56: {  	_ =	shalt  }
0x57: {  	_ =	shalt  }
0x58: {  	_ =	shalt  }
0x59: {  	_ =	shalt  }
0x5a: {  	_ =	shalt  }
0x5b: {  	_ =	shalt  }
0x5c: {  	_ =	shalt  }
0x5d: {  	_ =	shalt  }
0x5e: {  	_ =	shalt  }
0x5f: {  	_ =	shalt  }
0x60: {  	_ =	shalt  }
0x61: {  	_ =	shalt  }
0x62: {  	_ =	shalt  }
0x63: {  	_ =	shalt  }
0x64: {  	_ =	shalt  }
0x65: {  	_ =	shalt  }
0x66: {  	_ =	shalt  }
0x67: {  	_ =	shalt  }
0x68: {  	_ =	shalt  }
0x69: {  	_ =	shalt  }
0x6a: {  	_ =	shalt  }
0x6b: {  	_ =	shalt  }
0x6c: {  	_ =	shalt  }
0x6d: {  	_ =	shalt  }
0x6e: {  	_ =	shalt  }
0x6f: {  	_ =	shalt  }
0x70: {  	_ =	shalt  }
0x71: {  	_ =	shalt  }
0x72: {  	_ =	shalt  }
0x73: {  	_ =	shalt  }
0x74: {  	_ =	shalt  }
0x75: {  	_ =	shalt  }
0x76: {  	_ =	shalt  }
0x77: {  	_ =	shalt  }
0x78: {  	_ =	shalt  }
0x79: {  	_ =	shalt  }
0x7a: {  	_ =	shalt  }
0x7b: {  	_ =	shalt  }
0x7c: {  	_ =	shalt  }
0x7d: {  	_ =	shalt  }
0x7e: {  	_ =	shalt  }
0x7f: {  	_ =	shalt  }
0x80: {  	_ =	shalt  }
0x81: {  	_ =	shalt  }
0x82: {  	_ =	shalt  }
0x83: {  	_ =	shalt  }
0x84: {  	_ =	shalt  }
0x85: {  	_ =	shalt  }
0x86: {  	_ =	shalt  }
0x87: {  	_ =	shalt  }
.Lfunc_end0:
.L_simem_size_0:
called_computation_lowered:
.L_overlay_start_0:
0x88: {  	s2 =	sld [smem:$0x3FD9]  }
0x89: {  	s3 =	sld [smem:$0x3FFE];
	_ =	sdelay $0x1  }
0x8a: {  	s1 =	srdreg.scid  }
0x8b: {  	s0 =	sand.u32 $0x1, s1  }
0x8c: {  	s17 =	sshll.u32 s0, $0xA;
	s2 =	sadd.s32 s3, s2  }
0x8d: {  	s2 =	sadd.s32 s2, s17  }
0x8e: {  	[smem:$0x3FC6] =	sst s2  }
0x8f: {  	_ = 	snop  }
0x90: {  	s2 =	sld [smem:$0x3FC8];
	(tm) =	ssettm $0x1  }
0x91: {  	s18 =	sld [smem:$0x3FFB];
	_ =	sdelay $0x3  }
0x92: {  	_ =	strace s18  }
0x93: {  	s3 =	sld [smem:$0x3FFC];
	_ =	sdelay $0x3  }
0x94: {  	_ =	strace s3  }
0x95: {  	s3 =	sld [smem:$0x3FFD];
	_ =	sdelay $0x3  }
0x96: {  	_ =	strace s3  }
0x97: {  	_ =	strace $0x8FFFFFFF  }
0x98: {  	s19 =	sld [smem:$0x3FDB];
	_ =	sdelay $0x1  }
0x99: {  	s4 =	simm.s32 $_scs_section_size  }
0x9a: {  	s5 =	simm.s32 $_size__tile_overlayer_lowered;
	s6 =	simm.s32 $_tile_overlayer_lowered  }
0x9b: {  	s22 =	simm.s32 $0x1BFF;
	s21 =	sshll.u32 s6, $0x1;
	s3 =	sadd.s32 s4, s19  }
0x9c: {  	s7 =	simm.s32 $0x0;
	s20 =	sshll.u32 s5, $0x1;
	s5 =	sadd.s32 s21, s3  }
0x9d: {  	[timem:s7], [sflag:s22] =	dma.local [hbm:s5], s20  }
0x9e: {  	_ =	swait.ge [sflag:s22], s20  }
0x9f: {  	s4 =	ssub.s32 $0x0, s20;
	[sflag:s22] =	ssyncset.done $0x0  }
0xa0: {  	[sflag:s22] =	ssyncadd.s32 s4;
	_ =	sdelay $0x1  }
0xa1: {  	s23 =	simm.s32 $0x1B8B  }
0xa2: {  	_ =	swait.ge [sflag:s23], $0x1  }
0xa3: {  	[sflag:s23] =	ssyncset.done $0x0  }
0xa4: {  	s25 =	simm.s32 $0x1B8E;
	s24 =	sld [smem:$0x3FFE];
	[sflag:s23] =	ssyncadd.s32 $0xFFFFFFFF  }
0xa5: {  	s26 =	simm.s32 $execute0_lowered;
	[smem:$0x3FD2] =	sst s25  }
0xa6: {  	s5 =	sshll.u32 s26, $0x1;
	_ =	strace $0x80000046;
	[dreg:$0x1] =	wrdreg $0xFFFFFFFF  }
0xa7: {  	s28 =	simm.s32 $_size_execute0_lowered;
	s3 =	sadd.s32 s3, s5;
	[dreg:$0x0] =	wrdreg $0x0  }
0xa8: {  	s5 =	sshll.u32 s28, $0x1;
	[dreg:$0x2] =	wrdreg s3  }
0xa9: {  	[dreg:$0x3] =	wrdreg s5  }
0xaa: {  	[dreg:$0x4] =	wrdreg $0xC0  }
0xab: {  	_ =	task [dreg:s7], $0x5FFFF  }
0xac: {  	[dreg:$0x1] =	wrdreg $0xFFFFFFFF  }
0xad: {  	[dreg:$0x0] =	wrdreg $0x60  }
0xae: {  	[dreg:$0x2] =	wrdreg s2  }
0xaf: {  	[dreg:$0x3] =	wrdreg s24  }
0xb0: {  	[dreg:$0x4] =	wrdreg $0x9  }
0xb1: {  	_ =	task.clear_ibuf [dreg:s7], $0x5FFFF;
	_ =	strace $0x90000046  }
0xb2: {  	s29 =	simm.s32 $0x9;
	_ =	strace $0x80000048  }
0xb3: {  	_ =	swait.ge [sflag:s29], $0x1  }
0xb4: {  	[sflag:s29] =	ssyncadd.s32 $0xFFFFFFFF  }
0xb5: {  	_ =	strace $0x90000048  }
0xb6: {  	_ =	sfence  }
0xb7: {  	s30 =	sld [smem:$0x0];
	_ =	sdelay $0x2  }
0xb8: {  	s31 =	sshll.u32 s1, $0xD;
	s1 =	sshrl.u32 s1, $0x2  }
0xb9: {  	s3 =	sand.u32 $0x4000, s31;
	s1 =	sadd.s32 s1, s30  }
0xba: {  	s0 =	sor.u32 s3, s0;
	s1 =	sshll.u32 s1, $0x11  }
0xbb: {  	s0 =	sor.u32 s1, s0  }
0xbc: {  	s0 =	sadd.s32 $0x8F2B, s0  }
0xbd: {  	[sflag:s0] =	ssyncadd.remote.s32 $0x1  }
0xbe: {  	_ =	sfence.sel $0xFFFF  }
0xbf: {  	[dreg:$0x0] =	wrdreg $0xFFFFFFFF;
	(pc) =	sbr.abs _section_cstart, $3  }
0xc0: {  	[dreg:$0x1] =	wrdreg $0xFFFFFFFF  }
0xc1: {  	_ =	task.clear_ibuf [dreg:s7], $0x2FFFF;
	_ =	strace $0x9FFFFFFF  }
0xc2: {  	(tm) =	ssettm $0x7FFFFFFF  }
0xc3: {  	_ =	shalt  }
tec
execute0_lowered:
.L_overlay_start_1:
0x0: {  	(tag) =	ssettag $0x1  }
0x1: {  	v0 =	vlaneseq.u32;
	s0 =	rddreg [dreg:$0x0]  }
0x2: {  	s5 =	rddreg [dreg:$0x1];
	s3 =	simm.s32 $0x0;
	v1 =	vor.u32 $0x20, v0  }
0x3: {  	v2 =	vor.u32 $0x10, v0;
	[smem:$0x7FF] =	sst s3;
	[tilespmem:$0x1FC10] =	vst v1  }
0x4: {  	s1 =	rddreg [dreg:$0x2];
	v18 =	vmul.u32 $0x40, v0;
	v19 =	vor.u32 $0x30, v0;
	_ =	strace $0x80000047;
	[tilespmem:$0x1FC30] =	vst v2  }
0x5: {  	[tilespmem:$0x1FC40] =	vst v19  }
0x6: {  	v21 =	vor.u32 $0x50, v0;
	[tilespmem:$0x1FC50] =	vst v18  }
0x7: {  	v17 =	vor.u32 $0x40, v0;
	[tilespmem:$0x1FC60] =	vst v21  }
0x8: {  	v23 =	vor.u32 $0x70, v0;
	[tilespmem:$0x1FC70] =	vst v17  }
0x9: {  	v22 =	vor.u32 $0x60, v0;
	[tilespmem:$0x1FC80] =	vst v23  }
0xa: {  	v31 =	vor.u32 $0x800, v0;
	[tilespmem:$0x1FC90] =	vst v22  }
0xb: {  	v32 =	vor.u32 $0x810, v0;
	[tilespmem:$0x1FD00] =	vst v31  }
0xc: {  	v33 =	vor.u32 $0x820, v0;
	[tilespmem:$0x1FD20] =	vst v32  }
0xd: {  	v34 =	vor.u32 $0x830, v0;
	[tilespmem:$0x1FD30] =	vst v33  }
0xe: {  	v35 =	vor.u32 $0x840, v0;
	[tilespmem:$0x1FD40] =	vst v34  }
0xf: {  	v36 =	vor.u32 $0x850, v0;
	[tilespmem:$0x1FD50] =	vst v35  }
0x10: {  	v37 =	vor.u32 $0x860, v0;
	[tilespmem:$0x1FD60] =	vst v36  }
0x11: {  	v38 =	vor.u32 $0x870, v0;
	[tilespmem:$0x1FD70] =	vst v37  }
0x12: {  	v47 =	vor.u32 $0x1000, v0;
	[tilespmem:$0x1FD80] =	vst v38  }
0x13: {  	v48 =	vor.u32 $0x1010, v0;
	[tilespmem:$0x1FE10] =	vst v47  }
0x14: {  	v49 =	vor.u32 $0x1020, v0;
	[tilespmem:$0x1FE20] =	vst v48  }
0x15: {  	v50 =	vor.u32 $0x1030, v0;
	[tilespmem:$0x1FE30] =	vst v49  }
0x16: {  	v51 =	vor.u32 $0x1040, v0;
	[tilespmem:$0x1FE40] =	vst v50  }
0x17: {  	v52 =	vor.u32 $0x1050, v0;
	[tilespmem:$0x1FE50] =	vst v51  }
0x18: {  	v53 =	vor.u32 $0x1060, v0;
	[tilespmem:$0x1FE60] =	vst v52  }
0x19: {  	v54 =	vor.u32 $0x1070, v0;
	[tilespmem:$0x1FE70] =	vst v53  }
0x1a: {  	v63 =	vor.u32 $0x1800, v0;
	[tilespmem:$0x1FE80] =	vst v54  }
0x1b: {  	v8 =	vor.u32 $0x1810, v0;
	[tilespmem:$0x1FF10] =	vst v63  }
0x1c: {  	v1 =	vor.u32 $0x1820, v0;
	[tilespmem:$0x1FF20] =	vst v8  }
0x1d: {  	v3 =	vor.u32 $0x1830, v0;
	[tilespmem:$0x1FF30] =	vst v1  }
0x1e: {  	v4 =	vor.u32 $0x1840, v0;
	[tilespmem:$0x1FF40] =	vst v3  }
0x1f: {  	v5 =	vor.u32 $0x1850, v0;
	[tilespmem:$0x1FF50] =	vst v4  }
0x20: {  	v6 =	vor.u32 $0x1860, v0;
	[tilespmem:$0x1FF60] =	vst v5  }
0x21: {  	v7 =	vor.u32 $0x1870, v0;
	[tilespmem:$0x1FF70] =	vst v6  }
0x22: {  	v16 =	vor.u32 $0x1C30, v18;
	[tilespmem:$0x1FF80] =	vst v7  }
0x23: {  	v25 =	vor.u32 $0x800, v18;
	[tilespmem:$0x1FC20] =	vst v16  }
0x24: {  	v24 =	vor.u32 $0x400, v18;
	[tilespmem:$0x1FCA0] =	vst v25  }
0x25: {  	v27 =	vor.u32 $0x1000, v18;
	[tilespmem:$0x1FCB0] =	vst v24  }
0x26: {  	v26 =	vor.u32 $0xC00, v18;
	[tilespmem:$0x1FCC0] =	vst v27  }
0x27: {  	v29 =	vor.u32 $0x1800, v18;
	[tilespmem:$0x1FCD0] =	vst v26  }
0x28: {  	v28 =	vor.u32 $0x1400, v18;
	[tilespmem:$0x1FCE0] =	vst v29  }
0x29: {  	v30 =	vor.u32 $0x1C00, v18;
	[tilespmem:$0x1FCF0] =	vst v28  }
0x2a: {  	v39 =	vor.u32 $0x10, v18;
	[tilespmem:$0x1FD10] =	vst v30  }
0x2b: {  	v40 =	vor.u32 $0x410, v18;
	[tilespmem:$0x1FD90] =	vst v39  }
0x2c: {  	v41 =	vor.u32 $0x810, v18;
	[tilespmem:$0x1FDA0] =	vst v40  }
0x2d: {  	v42 =	vor.u32 $0xC10, v18;
	[tilespmem:$0x1FDB0] =	vst v41  }
0x2e: {  	v43 =	vor.u32 $0x1010, v18;
	[tilespmem:$0x1FDC0] =	vst v42  }
0x2f: {  	v44 =	vor.u32 $0x1410, v18;
	[tilespmem:$0x1FDD0] =	vst v43  }
0x30: {  	v45 =	vor.u32 $0x1810, v18;
	[tilespmem:$0x1FDE0] =	vst v44  }
0x31: {  	v20 =	vor.u32 $0x1C10, v18;
	[tilespmem:$0x1FDF0] =	vst v45  }
0x32: {  	v55 =	vor.u32 $0x20, v18;
	[tilespmem:$0x1FE00] =	vst v20  }
0x33: {  	v56 =	vor.u32 $0x420, v18;
	[tilespmem:$0x1FE90] =	vst v55  }
0x34: {  	v57 =	vor.u32 $0x820, v18;
	[tilespmem:$0x1FEA0] =	vst v56  }
0x35: {  	v58 =	vor.u32 $0xC20, v18;
	[tilespmem:$0x1FEB0] =	vst v57  }
0x36: {  	v59 =	vor.u32 $0x1020, v18;
	[tilespmem:$0x1FEC0] =	vst v58  }
0x37: {  	v60 =	vor.u32 $0x1420, v18;
	[tilespmem:$0x1FED0] =	vst v59  }
0x38: {  	v61 =	vor.u32 $0x1820, v18;
	[tilespmem:$0x1FEE0] =	vst v60  }
0x39: {  	v62 =	vor.u32 $0x1C20, v18;
	[tilespmem:$0x1FEF0] =	vst v61  }
0x3a: {  	s4 =	srdreg.scid;
	s2 =	stileid.u32;
	s10 =	simm.s32 $0x7A1400;
	v9 =	vor.u32 $0x30, v18;
	[tilespmem:$0x1FF00] =	vst v62  }
0x3b: {  	s11 =	simm.s32 $0x1;
	s12 =	simm.s32 $0x4000;
	s13 =	simm.s32 $0x2;
	v10 =	vor.u32 $0x430, v18;
	[tilespmem:$0x1FF90] =	vst v9  }
0x3c: {  	s14 =	simm.s32 $0x2000;
	s15 =	simm.s32 $0x6000;
	s16 =	simm.s32 $0x3;
	v11 =	vor.u32 $0x830, v18;
	[tilespmem:$0x1FFA0] =	vst v10  }
.Ltmp0:
0x3d: {  	s4 =	sand.u32 $0x1, s4;
	s6 =	sshll.u32 s2, $0x1;
	v12 =	vor.u32 $0xC30, v18;
	[tilespmem:$0x1FFB0] =	vst v11;
	(pc) =	sbr.rel .LBB2_1-.Ltmp0, $4  }
0x3e: {  	s17 =	simm.s32 $0x4;
	s7 =	ssub.s32 $0x2, s4;
	s4 =	sor.u32 s4, s6;
	v13 =	vor.u32 $0x1030, v18;
	[tilespmem:$0x1FFC0] =	vst v12  }
0x3f: {  	s18 =	simm.s32 $0x0;
	s31 =	sshrl.u32 s7, $0x1;
	s8 =	sshll.u32 s4, $0x7;
	v14 =	vor.u32 $0x1430, v18;
	[tilespmem:$0x1FFD0] =	vst v13  }
0x40: {  	s5 =	sadd.s32 $0xA00, s5;
	v15 =	vor.u32 $0x1830, v18;
	s9 =	ssub.s32 s7, s31;
	s6 =	sadd.s32 s0, s8;
	[tilespmem:$0x1FFE0] =	vst v14  }
0x41: {  	s7 =	sadd.s32 $0x1000, s0;
	[tilespmem:$0x1FFF0] =	vst v15;
	s8 =	smax.u32 s9, $0x1;
	s9 =	simm.s32 $0x400  }
.LBB2_12:
0x42: {  	s18 =	sadd.s32 $0x1, s18  }
0x43: {  	_ =	swait.ge [sflag:s16], $0x2000;
	p0 =	sne.s32 s18, s8  }
.Ltmp1:
0x44: {  	[sflag:s16] =	ssyncset.done $0x0;
	(pc) =	sbr.rel @!p0 .LBB2_13-.Ltmp1, $4  }
0x45: {  	[sflag:s16] =	ssyncadd.s32 $0xFFFFE000  }
0x46: {  	_ =	swait.ge [sflag:s17], $0x2000  }
0x47: {  	[sflag:s17] =	ssyncset.done $0x0  }
0x48: {  	[sflag:s17] =	ssyncadd.s32 $0xFFFFE000  }
.LBB2_1:
.Ltmp2:
0x49: {  	(pc) =	sbr.rel .LBB2_2-.Ltmp2, $3  }
0x4a: {  	_ =	sdelay $0x1  }
0x4b: {  	[tilespmem:s3], [sflag:$0x1] =	stream.strided.gather [hbm4b:s6+s9], $0x2000, s10, s9, $0x38;
	[tilespmem:$0x8000] =	vst v63  }
0x4c: {  	s19 =	simm.s32 $0x0  }
.LBB2_11:
0x4d: {  	s19 =	sadd.s32 $0x1, s19  }
0x4e: {  	p0 =	sne.s32 s19, $0x7B  }
.Ltmp3:
0x4f: {  	_ = 	snop;
	(pc) =	sbr.rel @!p0 .LBB2_12-.Ltmp3, $1  }
0x50: {  	_ =	sdelay $0x3  }
.LBB2_2:
0x51: {  	s20 =	sshll.u32 s19, $0x6  }
0x52: {  	s21 =	sor.u32 s4, s20  }
0x53: {  	p0 =	sgt.u32 s21, $0x1E84  }
.Ltmp4:
0x54: {  	s20 =	sor.u32 $0x20, s21;
	(pc) =	sbr.rel @p0 .LBB2_11-.Ltmp4, $4  }
0x55: {  	p1 =	sgt.u32 s20, $0x1E84  }
0x56: {  	s22 =	sshll.u32 @!p1 s20, $0x7;
	s23 =	simm.s32 @!p1 $0x400  }
0x57: {  	s24 =	simm.s32 @!p1 $0x7A1400;
	s25 =	simm.s32 @!p1 $0x2000;
	s22 =	sadd.s32 @!p1 s0, s22  }
0x58: {  	[tilespmem:s25], [sflag:$0x2] =	stream.strided.gather @!p1 [hbm4b:s22+s23], $0x2000, s24, s23, $0x38;
	[tilespmem:$0x8000] =	vst v63  }
0x59: {  	_ =	swait.ge [sflag:s11], $0x2000  }
0x5a: {  	p0 =	seq.s32 s19, $0x0;
	[sflag:s11] =	ssyncset.done $0x0  }
0x5b: {  	s22 =	simm.s32 @!p0 $0x3;
	[sflag:s11] =	ssyncadd.s32 $0xFFFFE000  }
0x5c: {  	_ =	swait.ge @!p0 [sflag:s22], $0x2000  }
0x5d: {  	[sflag:s22] =	ssyncset.done @!p0 $0x0  }
0x5e: {  	[sflag:s22] =	ssyncadd.s32 @!p0 $0xFFFFE000;
	s22 =	simm.s32 $0x0  }
.LBB2_4:
0x5f: {  	v62 =	vld [tilespmem:$0x1FC30]  }
0x60: {  	v60 =	vld [tilespmem:$0x1FC10]  }
0x61: {  	v42 =	vld [tilespmem:$0x1FC40]  }
0x62: {  	v58 =	vld [tilespmem:$0x1FC70]  }
0x63: {  	v57 =	vld [tilespmem:$0x1FC60]  }
0x64: {  	v56 =	vld [tilespmem:$0x1FC90]  }
0x65: {  	v55 =	vld [tilespmem:$0x1FC80]  }
0x66: {  	v54 =	vld [tilespmem:$0x1FC50]  }
0x67: {  	v53 =	vld [tilespmem:$0x1FCB0]  }
0x68: {  	v52 =	vld [tilespmem:$0x1FCA0]  }
0x69: {  	v51 =	vld [tilespmem:$0x1FCD0]  }
0x6a: {  	v50 =	vld [tilespmem:$0x1FCC0]  }
0x6b: {  	v49 =	vld [tilespmem:$0x1FCF0]  }
0x6c: {  	v48 =	vld [tilespmem:$0x1FCE0]  }
0x6d: {  	v47 =	vld [tilespmem:$0x1FD10]  }
0x6e: {  	v45 =	vld [tilespmem:$0x1FD00]  }
0x6f: {  	v1 =	vadd.s32 s22, v0;
	v44 =	vld [tilespmem:$0x1FD20]  }
0x70: {  	v27 =	vld [tilespmem:$0x1FD30];
	v0 =	vand.u32 $0xF, v1  }
0x71: {  	v3 =	vlaneseq.u32;
	v46 =	vld [tilespmem:$0x1FD40];
	v2 =	vshll.u32 v0, $0x7  }
0x72: {  	v39 =	vld [tilespmem:$0x1FD50];
	v3 =	vor.u32 v3, v2  }
0x73: {  	v40 =	vld [tilespmem:$0x1FD60];
	v4 =	vor.u32 v62, v2  }
0x74: {  	v38 =	vld [tilespmem:$0x1FD70];
	v5 =	vor.u32 v60, v2  }
0x75: {  	v37 =	vld [tilespmem:$0x1FD80];
	v6 =	vor.u32 v42, v2  }
0x76: {  	v25 =	vld [tilespmem:$0x1FD90];
	v7 =	vor.u32 v58, v2  }
0x77: {  	v8 =	vor.u32 v57, v2;
	v3 =	vld.idx.msk [tilespmem:v3+s3+$0x0], $0xffff  }
0x78: {  	v9 =	vor.u32 v56, v2;
	v4 =	vld.idx.msk [tilespmem:v4+s3+$0x0], $0xffff  }
0x79: {  	v10 =	vor.u32 v55, v2;
	v11 =	vor.u32 v54, v0;
	v5 =	vld.idx.msk [tilespmem:v5+s3+$0x0], $0xffff  }
0x7a: {  	v12 =	vor.u32 v53, v0;
	v6 =	vld.idx.msk [tilespmem:v6+s3+$0x0], $0xffff  }
0x7b: {  	v13 =	vor.u32 v52, v0;
	v7 =	vld.idx.msk [tilespmem:v7+s3+$0x0], $0xffff  }
0x7c: {  	v14 =	vor.u32 v51, v0;
	v8 =	vld.idx.msk [tilespmem:v8+s3+$0x0], $0xffff  }
0x7d: {  	v15 =	vor.u32 v50, v0;
	v9 =	vld.idx.msk [tilespmem:v9+s3+$0x0], $0xffff  }
0x7e: {  	v10 =	vld.idx.msk [tilespmem:v10+s3+$0x0], $0xffff;
	[tilespmem:v11+s12+$0x0] =	vst.idx.msk $0xffff, v3;
	v3 =	vor.u32 v49, v0  }
0x7f: {  	v19 =	vld [tilespmem:$0x1FDA0];
	v22 =	vor.u32 v48, v0;
	[tilespmem:v12+s12+$0x0] =	vst.idx.msk $0xffff, v4  }
0x80: {  	v20 =	vld [tilespmem:$0x1FDB0];
	v23 =	vor.u32 v47, v0;
	[tilespmem:v13+s12+$0x0] =	vst.idx.msk $0xffff, v5  }
0x81: {  	v18 =	vld [tilespmem:$0x1FDC0];
	v30 =	vor.u32 v45, v2;
	[tilespmem:v14+s12+$0x0] =	vst.idx.msk $0xffff, v6  }
0x82: {  	v28 =	vld [tilespmem:$0x1FDD0];
	v31 =	vor.u32 v44, v2;
	[tilespmem:v15+s12+$0x0] =	vst.idx.msk $0xffff, v7  }
0x83: {  	v21 =	vld [tilespmem:$0x1FE40];
	v32 =	vor.u32 v46, v2;
	[tilespmem:v3+s12+$0x0] =	vst.idx.msk $0xffff, v8  }
0x84: {  	v26 =	vld [tilespmem:$0x1FE50];
	v33 =	vor.u32 v39, v2;
	[tilespmem:v22+s12+$0x0] =	vst.idx.msk $0xffff, v9  }
0x85: {  	v24 =	vld [tilespmem:$0x1FE60];
	v34 =	vor.u32 v40, v2;
	[tilespmem:v23+s12+$0x0] =	vst.idx.msk $0xffff, v10  }
0x86: {  	v35 =	vor.u32 v38, v2;
	v6 =	vld.idx.msk [tilespmem:v30+s3+$0x0], $0xffff  }
0x87: {  	v36 =	vor.u32 v37, v2;
	v7 =	vld.idx.msk [tilespmem:v31+s3+$0x0], $0xffff  }
0x88: {  	v4 =	vld.idx.msk [tilespmem:v32+s3+$0x0], $0xffff  }
0x89: {  	v5 =	vld.idx.msk [tilespmem:v33+s3+$0x0], $0xffff  }
0x8a: {  	v8 =	vld.idx.msk [tilespmem:v34+s3+$0x0], $0xffff  }
0x8b: {  	v3 =	vor.u32 v27, v2;
	v9 =	vld.idx.msk [tilespmem:v35+s3+$0x0], $0xffff  }
0x8c: {  	v10 =	vld.idx.msk [tilespmem:v36+s3+$0x0], $0xffff  }
0x8d: {  	v31 =	vld [tilespmem:$0x1FDE0]  }
0x8e: {  	v41 =	vor.u32 v25, v1;
	v32 =	vld [tilespmem:$0x1FDF0]  }
0x8f: {  	v43 =	vor.u32 v19, v1;
	v33 =	vld [tilespmem:$0x1FE00]  }
0x90: {  	v59 =	vor.u32 v20, v1;
	v3 =	vld.idx.msk [tilespmem:v3+s3+$0x0], $0xffff  }
0x91: {  	v61 =	vor.u32 v18, v1;
	v34 =	vld [tilespmem:$0x1FE10]  }
0x92: {  	v63 =	vor.u32 v28, v1;
	v35 =	vld [tilespmem:$0x1FE20]  }
0x93: {  	v36 =	vld [tilespmem:$0x1FE30];
	[tilespmem:v41+s12+$0x0] =	vst.idx.msk $0xffff, v6;
	v11 =	vor.u32 v31, v1  }
0x94: {  	v23 =	vld [tilespmem:$0x1FE70];
	v12 =	vor.u32 v32, v1;
	[tilespmem:v43+s12+$0x0] =	vst.idx.msk $0xffff, v7  }
0x95: {  	v30 =	vld [tilespmem:$0x1FE90];
	[tilespmem:v59+s12+$0x0] =	vst.idx.msk $0xffff, v3;
	v3 =	vor.u32 v33, v1  }
0x96: {  	v14 =	vor.u32 v34, v2;
	v41 =	vld [tilespmem:$0x1FE80];
	[tilespmem:v61+s12+$0x0] =	vst.idx.msk $0xffff, v4  }
0x97: {  	v16 =	vor.u32 v35, v2;
	v43 =	vld [tilespmem:$0x1FEA0];
	[tilespmem:v63+s12+$0x0] =	vst.idx.msk $0xffff, v5  }
0x98: {  	v17 =	vor.u32 v36, v2;
	v59 =	vld [tilespmem:$0x1FEB0];
	[tilespmem:v11+s12+$0x0] =	vst.idx.msk $0xffff, v8  }
0x99: {  	v7 =	vor.u32 v21, v2;
	v61 =	vld [tilespmem:$0x1FEC0];
	[tilespmem:v12+s12+$0x0] =	vst.idx.msk $0xffff, v9  }
0x9a: {  	v22 =	vor.u32 v24, v2;
	v63 =	vld [tilespmem:$0x1FED0];
	[tilespmem:v3+s12+$0x0] =	vst.idx.msk $0xffff, v10  }
0x9b: {  	v4 =	vld.idx.msk [tilespmem:v14+s3+$0x0], $0xffff  }
0x9c: {  	v29 =	vor.u32 v41, v2;
	v5 =	vld.idx.msk [tilespmem:v16+s3+$0x0], $0xffff  }
0x9d: {  	v9 =	vor.u32 v23, v2;
	v6 =	vld.idx.msk [tilespmem:v17+s3+$0x0], $0xffff  }
0x9e: {  	v11 =	vor.u32 v30, v0;
	v3 =	vor.u32 v26, v2;
	v7 =	vld.idx.msk [tilespmem:v7+s3+$0x0], $0xffff  }
0x9f: {  	v12 =	vor.u32 v43, v0;
	v8 =	vld.idx.msk [tilespmem:v22+s3+$0x0], $0xffff  }
0xa0: {  	v22 =	vld [tilespmem:$0x1FEE0]  }
0xa1: {  	v10 =	vld.idx.msk [tilespmem:v29+s3+$0x0], $0xffff  }
0xa2: {  	v9 =	vld.idx.msk [tilespmem:v9+s3+$0x0], $0xffff  }
0xa3: {  	v3 =	vld.idx.msk [tilespmem:v3+s3+$0x0], $0xffff;
	[tilespmem:v11+s12+$0x0] =	vst.idx.msk $0xffff, v4  }
0xa4: {  	[tilespmem:v12+s12+$0x0] =	vst.idx.msk $0xffff, v5;
	v12 =	vld [tilespmem:$0x1FEF0]  }
0xa5: {  	v13 =	vor.u32 v59, v0  }
0xa6: {  	v14 =	vor.u32 v61, v0  }
0xa7: {  	v15 =	vor.u32 v63, v0  }
0xa8: {  	v23 =	vld [tilespmem:$0x1FF40];
	v11 =	vor.u32 v22, v0  }
0xa9: {  	v59 =	vld [tilespmem:$0x1FF00];
	v5 =	vor.u32 v12, v0  }
0xaa: {  	[tilespmem:v13+s12+$0x0] =	vst.idx.msk $0xffff, v6  }
0xab: {  	[tilespmem:v14+s12+$0x0] =	vst.idx.msk $0xffff, v7  }
0xac: {  	v21 =	vld [tilespmem:$0x1FF60];
	[tilespmem:v15+s12+$0x0] =	vst.idx.msk $0xffff, v3  }
0xad: {  	v14 =	vld [tilespmem:$0x1FF10];
	[tilespmem:v11+s12+$0x0] =	vst.idx.msk $0xffff, v8  }
0xae: {  	v0 =	vor.u32 v59, v0;
	[tilespmem:v5+s12+$0x0] =	vst.idx.msk $0xffff, v9;
	v5 =	vor.u32 v23, v2;
	v23 =	vld [tilespmem:$0x1FF50]  }
0xaf: {  	v30 =	vld [tilespmem:$0x1FF70]  }
0xb0: {  	v17 =	vld [tilespmem:$0x1FF30]  }
0xb1: {  	v61 =	vld [tilespmem:$0x1FF90]  }
0xb2: {  	v6 =	vor.u32 v14, v2  }
0xb3: {  	v3 =	vld [tilespmem:$0x1FF20];
	[tilespmem:v0+s12+$0x0] =	vst.idx.msk $0xffff, v10;
	v0 =	vor.u32 v23, v2  }
0xb4: {  	v43 =	vld [tilespmem:$0x1FF80]  }
0xb5: {  	v16 =	vor.u32 v17, v2;
	v8 =	vor.u32 v30, v2;
	v30 =	vld [tilespmem:$0x1FFD0]  }
0xb6: {  	v29 =	vor.u32 v21, v2;
	v9 =	vor.u32 v61, v1;
	v61 =	vld [tilespmem:$0x1FFF0]  }
0xb7: {  	v6 =	vld.idx.msk [tilespmem:v6+s3+$0x0], $0xffff  }
0xb8: {  	v3 =	vor.u32 v3, v2;
	v10 =	vld.idx.msk [tilespmem:v0+s3+$0x0], $0xffff  }
0xb9: {  	v0 =	vld [tilespmem:$0x1FFA0]  }
0xba: {  	v4 =	vld.idx.msk [tilespmem:v16+s3+$0x0], $0xffff  }
0xbb: {  	v7 =	vld.idx.msk [tilespmem:v29+s3+$0x0], $0xffff  }
0xbc: {  	v29 =	vld [tilespmem:$0x1FFB0]  }
0xbd: {  	v3 =	vld.idx.msk [tilespmem:v3+s3+$0x0], $0xffff;
	v2 =	vor.u32 v43, v2  }
0xbe: {  	v63 =	vor.u32 v0, v1;
	v0 =	vld [tilespmem:$0x1FFC0]  }
0xbf: {  	v8 =	vld.idx.msk [tilespmem:v8+s3+$0x0], $0xffff  }
0xc0: {  	v5 =	vld.idx.msk [tilespmem:v5+s3+$0x0], $0xffff  }
0xc1: {  	v43 =	vld [tilespmem:$0x1FFE0]  }
0xc2: {  	v12 =	vor.u32 v29, v1;
	v2 =	vld.idx.msk [tilespmem:v2+s3+$0x0], $0xffff;
	[tilespmem:v9+s12+$0x0] =	vst.idx.msk $0xffff, v6  }
0xc3: {  	v13 =	vor.u32 v0, v1;
	[tilespmem:v63+s12+$0x0] =	vst.idx.msk $0xffff, v3;
	v63 =	vld [tilespmem:$0x1FC20];
	_ =	sdelay $0x1  }
0xc4: {  	s23 =	sadd.s32 $0x1, s22;
	v14 =	vor.u32 v30, v1;
	v0 =	vlaneseq.u32  }
0xc5: {  	v16 =	vor.u32 v43, v1;
	v0 =	vadd.s32 s23, v0  }
0xc6: {  	v3 =	vor.u32 v61, v1;
	[tilespmem:v12+s12+$0x0] =	vst.idx.msk $0xffff, v4;
	v9 =	vand.u32 $0xF, v0  }
0xc7: {  	v4 =	vshll.u32 v9, $0x7;
	v1 =	vor.u32 v63, v1;
	[tilespmem:v13+s12+$0x0] =	vst.idx.msk $0xffff, v5;
	v13 =	vlaneseq.u32  }
0xc8: {  	v5 =	vor.u32 v13, v4  }
0xc9: {  	[tilespmem:v14+s12+$0x0] =	vst.idx.msk $0xffff, v10;
	v14 =	vor.u32 v62, v4  }
0xca: {  	v15 =	vor.u32 v60, v4;
	[tilespmem:v16+s12+$0x0] =	vst.idx.msk $0xffff, v7  }
0xcb: {  	v16 =	vor.u32 v55, v4;
	[tilespmem:v3+s12+$0x0] =	vst.idx.msk $0xffff, v8  }
0xcc: {  	v3 =	vor.u32 v42, v4;
	[tilespmem:v1+s12+$0x0] =	vst.idx.msk $0xffff, v2  }
0xcd: {  	v8 =	vor.u32 v56, v4;
	v2 =	vld.idx.msk [tilespmem:v5+s3+$0x0], $0xffff  }
0xce: {  	v1 =	vor.u32 v58, v4;
	v7 =	vld.idx.msk [tilespmem:v14+s3+$0x0], $0xffff  }
0xcf: {  	v11 =	vor.u32 v54, v9;
	v5 =	vor.u32 v57, v4;
	v6 =	vld.idx.msk [tilespmem:v15+s3+$0x0], $0xffff  }
0xd0: {  	v12 =	vor.u32 v53, v9;
	v10 =	vld.idx.msk [tilespmem:v16+s3+$0x0], $0xffff  }
0xd1: {  	v13 =	vor.u32 v52, v9;
	v3 =	vld.idx.msk [tilespmem:v3+s3+$0x0], $0xffff  }
0xd2: {  	v14 =	vor.u32 v51, v9;
	v8 =	vld.idx.msk [tilespmem:v8+s3+$0x0], $0xffff  }
0xd3: {  	v15 =	vor.u32 v50, v9;
	v1 =	vld.idx.msk [tilespmem:v1+s3+$0x0], $0xffff  }
0xd4: {  	v5 =	vld.idx.msk [tilespmem:v5+s3+$0x0], $0xffff;
	[tilespmem:v11+s12+$0x0] =	vst.idx.msk $0xffff, v2;
	v2 =	vor.u32 v49, v9  }
0xd5: {  	[tilespmem:v12+s12+$0x0] =	vst.idx.msk $0xffff, v7;
	v12 =	vor.u32 v48, v9  }
0xd6: {  	[tilespmem:v13+s12+$0x0] =	vst.idx.msk $0xffff, v6;
	v13 =	vor.u32 v47, v9  }
0xd7: {  	[tilespmem:v14+s12+$0x0] =	vst.idx.msk $0xffff, v3;
	v3 =	vor.u32 v45, v4  }
0xd8: {  	v16 =	vor.u32 v37, v4;
	[tilespmem:v15+s12+$0x0] =	vst.idx.msk $0xffff, v1  }
0xd9: {  	[tilespmem:v2+s12+$0x0] =	vst.idx.msk $0xffff, v5  }
0xda: {  	v1 =	vor.u32 v44, v4;
	[tilespmem:v12+s12+$0x0] =	vst.idx.msk $0xffff, v8  }
0xdb: {  	v2 =	vor.u32 v27, v4;
	[tilespmem:v13+s12+$0x0] =	vst.idx.msk $0xffff, v10  }
0xdc: {  	v27 =	vor.u32 v39, v4;
	v3 =	vld.idx.msk [tilespmem:v3+s3+$0x0], $0xffff  }
0xdd: {  	v15 =	vor.u32 v46, v4;
	v10 =	vld.idx.msk [tilespmem:v16+s3+$0x0], $0xffff  }
0xde: {  	v39 =	vor.u32 v40, v4;
	v16 =	vld [tilespmem:$0x1FE70]  }
0xdf: {  	v11 =	vor.u32 v25, v0;
	v40 =	vor.u32 v38, v4;
	v1 =	vld.idx.msk [tilespmem:v1+s3+$0x0], $0xffff  }
0xe0: {  	v46 =	vmov v25;
	v25 =	vor.u32 v19, v0;
	v2 =	vld.idx.msk [tilespmem:v2+s3+$0x0], $0xffff  }
0xe1: {  	v6 =	vld.idx.msk [tilespmem:v27+s3+$0x0], $0xffff;
	v27 =	vor.u32 v20, v0  }
0xe2: {  	v18 =	vor.u32 v18, v0;
	v5 =	vld.idx.msk [tilespmem:v15+s3+$0x0], $0xffff  }
0xe3: {  	v45 =	vmov v19;
	v19 =	vor.u32 v28, v0;
	v7 =	vld.idx.msk [tilespmem:v39+s3+$0x0], $0xffff  }
0xe4: {  	v8 =	vld.idx.msk [tilespmem:v40+s3+$0x0], $0xffff;
	[tilespmem:v11+s12+$0x0] =	vst.idx.msk $0xffff, v3;
	v3 =	vor.u32 v31, v0  }
0xe5: {  	[tilespmem:v25+s12+$0x0] =	vst.idx.msk $0xffff, v1;
	v1 =	vor.u32 v32, v0  }
0xe6: {  	[tilespmem:v27+s12+$0x0] =	vst.idx.msk $0xffff, v2;
	v2 =	vor.u32 v33, v0  }
0xe7: {  	v44 =	vmov v20;
	v39 =	vmov v28;
	v20 =	vor.u32 v34, v4;
	v28 =	vld [tilespmem:$0x1FE40];
	[tilespmem:v18+s12+$0x0] =	vst.idx.msk $0xffff, v5  }
0xe8: {  	v40 =	vld [tilespmem:$0x1FEA0];
	v25 =	vor.u32 v35, v4;
	[tilespmem:v19+s12+$0x0] =	vst.idx.msk $0xffff, v6  }
0xe9: {  	v27 =	vor.u32 v16, v4;
	v18 =	vld [tilespmem:$0x1FE90];
	[tilespmem:v3+s12+$0x0] =	vst.idx.msk $0xffff, v7  }
0xea: {  	v19 =	vld [tilespmem:$0x1FEB0];
	[tilespmem:v1+s12+$0x0] =	vst.idx.msk $0xffff, v8  }
0xeb: {  	v47 =	vmov v41;
	v3 =	vor.u32 v36, v4;
	[tilespmem:v2+s12+$0x0] =	vst.idx.msk $0xffff, v10;
	v10 =	vor.u32 v41, v4;
	v41 =	vld [tilespmem:$0x1FEC0]  }
0xec: {  	v1 =	vor.u32 v28, v4;
	v5 =	vld.idx.msk [tilespmem:v20+s3+$0x0], $0xffff  }
0xed: {  	v2 =	vor.u32 v26, v4;
	v6 =	vld.idx.msk [tilespmem:v25+s3+$0x0], $0xffff  }
0xee: {  	v48 =	vmovc v37;
	v37 =	vmov v32;
	v32 =	vmov v26;
	v26 =	vor.u32 v24, v4;
	v8 =	vld.idx.msk [tilespmem:v27+s3+$0x0], $0xffff  }
0xef: {  	v20 =	vld [tilespmem:$0x1FED0]  }
0xf0: {  	v49 =	vmovc v38;
	v38 =	vmov v31;
	v31 =	vmov v24;
	v24 =	vor.u32 v18, v9;
	v3 =	vld.idx.msk [tilespmem:v3+s3+$0x0], $0xffff  }
0xf1: {  	v1 =	vld.idx.msk [tilespmem:v1+s3+$0x0], $0xffff  }
0xf2: {  	v2 =	vld.idx.msk [tilespmem:v2+s3+$0x0], $0xffff  }
0xf3: {  	v7 =	vld.idx.msk [tilespmem:v26+s3+$0x0], $0xffff  }
0xf4: {  	v10 =	vld.idx.msk [tilespmem:v10+s3+$0x0], $0xffff  }
0xf5: {  	v25 =	vor.u32 v40, v9;
	[tilespmem:v24+s12+$0x0] =	vst.idx.msk $0xffff, v5;
	v5 =	vor.u32 v22, v9;
	v22 =	vld [tilespmem:$0x1FEF0]  }
0xf6: {  	v26 =	vor.u32 v19, v9  }
0xf7: {  	v27 =	vor.u32 v41, v9  }
0xf8: {  	v15 =	vor.u32 v20, v9  }
0xf9: {  	v24 =	vld [tilespmem:$0x1FF10]  }
0xfa: {  	[tilespmem:v25+s12+$0x0] =	vst.idx.msk $0xffff, v6;
	v11 =	vor.u32 v22, v9  }
0xfb: {  	v12 =	vor.u32 v17, v4;
	v17 =	vld [tilespmem:$0x1FF40];
	[tilespmem:v26+s12+$0x0] =	vst.idx.msk $0xffff, v3;
	v3 =	vor.u32 v59, v9  }
0xfc: {  	[tilespmem:v27+s12+$0x0] =	vst.idx.msk $0xffff, v1  }
0xfd: {  	v26 =	vld [tilespmem:$0x1FF20];
	[tilespmem:v15+s12+$0x0] =	vst.idx.msk $0xffff, v2  }
0xfe: {  	v14 =	vor.u32 v21, v4;
	v21 =	vld [tilespmem:$0x1FF70];
	v1 =	vor.u32 v24, v4;
	[tilespmem:v5+s12+$0x0] =	vst.idx.msk $0xffff, v7  }
0xff: {  	v25 =	vld [tilespmem:$0x1FF90];
	[tilespmem:v11+s12+$0x0] =	vst.idx.msk $0xffff, v8  }
0x100: {  	v13 =	vor.u32 v17, v4;
	[tilespmem:v3+s12+$0x0] =	vst.idx.msk $0xffff, v10;
	v3 =	vor.u32 v23, v4;
	v23 =	vld [tilespmem:$0x1FF80]  }
0x101: {  	v27 =	vld [tilespmem:$0x1FFA0]  }
0x102: {  	v2 =	vor.u32 v26, v4;
	v11 =	vor.u32 v29, v0;
	v29 =	vld [tilespmem:$0x1FFC0]  }
0x103: {  	v15 =	vor.u32 v21, v4;
	v1 =	vld.idx.msk [tilespmem:v1+s3+$0x0], $0xffff  }
0x104: {  	v5 =	vld.idx.msk [tilespmem:v12+s3+$0x0], $0xffff  }
0x105: {  	v9 =	vor.u32 v25, v0;
	v6 =	vld.idx.msk [tilespmem:v13+s3+$0x0], $0xffff;
	v4 =	vor.u32 v23, v4  }
0x106: {  	v7 =	vld.idx.msk [tilespmem:v14+s3+$0x0], $0xffff  }
0x107: {  	v10 =	vor.u32 v27, v0;
	v2 =	vld.idx.msk [tilespmem:v2+s3+$0x0], $0xffff  }
0x108: {  	v8 =	vld.idx.msk [tilespmem:v15+s3+$0x0], $0xffff  }
0x109: {  	v12 =	vor.u32 v29, v0;
	v3 =	vld.idx.msk [tilespmem:v3+s3+$0x0], $0xffff  }
0x10a: {  	s30 =	sadd.s32 $0x2, s22;
	v13 =	vor.u32 v30, v0;
	v4 =	vld.idx.msk [tilespmem:v4+s3+$0x0], $0xffff;
	[tilespmem:v9+s12+$0x0] =	vst.idx.msk $0xffff, v1;
	v1 =	vlaneseq.u32  }
0x10b: {  	v43 =	vor.u32 v43, v0;
	v1 =	vadd.s32 s30, v1  }
0x10c: {  	[tilespmem:v10+s12+$0x0] =	vst.idx.msk $0xffff, v2;
	v2 =	vor.u32 v61, v0;
	v10 =	vand.u32 $0xF, v1  }
0x10d: {  	v14 =	vlaneseq.u32;
	v0 =	vor.u32 v63, v0;
	[tilespmem:v11+s12+$0x0] =	vst.idx.msk $0xffff, v5;
	v5 =	vshll.u32 v10, $0x7  }
0x10e: {  	[tilespmem:v12+s12+$0x0] =	vst.idx.msk $0xffff, v6;
	v6 =	vor.u32 v14, v5  }
0x10f: {  	[tilespmem:v13+s12+$0x0] =	vst.idx.msk $0xffff, v3;
	v3 =	vor.u32 v62, v5  }
0x110: {  	v15 =	vor.u32 v60, v5;
	[tilespmem:v43+s12+$0x0] =	vst.idx.msk $0xffff, v7  }
0x111: {  	v43 =	vor.u32 v57, v5;
	[tilespmem:v2+s12+$0x0] =	vst.idx.msk $0xffff, v8  }
0x112: {  	v57 =	vor.u32 v56, v5;
	v2 =	vor.u32 v42, v5;
	v42 =	vld [tilespmem:$0x1FCF0];
	[tilespmem:v0+s12+$0x0] =	vst.idx.msk $0xffff, v4  }
0x113: {  	v4 =	vld.idx.msk [tilespmem:v6+s3+$0x0], $0xffff  }
0x114: {  	v0 =	vor.u32 v58, v5;
	v3 =	vld.idx.msk [tilespmem:v3+s3+$0x0], $0xffff  }
0x115: {  	v60 =	vor.u32 v54, v10;
	v58 =	vor.u32 v55, v5;
	v7 =	vld.idx.msk [tilespmem:v15+s3+$0x0], $0xffff  }
0x116: {  	v62 =	vor.u32 v53, v10;
	v6 =	vld.idx.msk [tilespmem:v43+s3+$0x0], $0xffff  }
0x117: {  	v8 =	vld.idx.msk [tilespmem:v57+s3+$0x0], $0xffff  }
0x118: {  	v2 =	vld.idx.msk [tilespmem:v2+s3+$0x0], $0xffff  }
0x119: {  	v0 =	vld.idx.msk [tilespmem:v0+s3+$0x0], $0xffff  }
0x11a: {  	v9 =	vld.idx.msk [tilespmem:v58+s3+$0x0], $0xffff;
	[tilespmem:v60+s12+$0x0] =	vst.idx.msk $0xffff, v4  }
0x11b: {  	v52 =	vor.u32 v52, v10;
	[tilespmem:v62+s12+$0x0] =	vst.idx.msk $0xffff, v3;
	v62 =	vld [tilespmem:$0x1FCE0]  }
0x11c: {  	v54 =	vor.u32 v51, v10;
	v60 =	vld [tilespmem:$0x1FD10]  }
0x11d: {  	v55 =	vor.u32 v50, v10;
	_ =	sdelay $0x1  }
0x11e: {  	v11 =	vor.u32 v42, v10;
	v58 =	vld [tilespmem:$0x1FD00]  }
0x11f: {  	v57 =	vld [tilespmem:$0x1FD20];
	[tilespmem:v52+s12+$0x0] =	vst.idx.msk $0xffff, v7;
	v3 =	vor.u32 v62, v10  }
0x120: {  	v52 =	vld [tilespmem:$0x1FD50];
	[tilespmem:v54+s12+$0x0] =	vst.idx.msk $0xffff, v2;
	v13 =	vor.u32 v60, v10  }
0x121: {  	v43 =	vor.u32 v49, v5;
	[tilespmem:v55+s12+$0x0] =	vst.idx.msk $0xffff, v0;
	v55 =	vld [tilespmem:$0x1FD30]  }
0x122: {  	v54 =	vld [tilespmem:$0x1FD40]  }
0x123: {  	v51 =	vld [tilespmem:$0x1FD60];
	v2 =	vor.u32 v58, v5;
	[tilespmem:v11+s12+$0x0] =	vst.idx.msk $0xffff, v6  }
0x124: {  	v0 =	vor.u32 v57, v5;
	[tilespmem:v3+s12+$0x0] =	vst.idx.msk $0xffff, v8  }
0x125: {  	v15 =	vor.u32 v52, v5;
	[tilespmem:v13+s12+$0x0] =	vst.idx.msk $0xffff, v9  }
0x126: {  	v14 =	vor.u32 v55, v5;
	v8 =	vld.idx.msk [tilespmem:v43+s3+$0x0], $0xffff  }
0x127: {  	v3 =	vor.u32 v54, v5;
	v43 =	vld [tilespmem:$0x1FDC0]  }
0x128: {  	v7 =	vor.u32 v51, v5;
	v2 =	vld.idx.msk [tilespmem:v2+s3+$0x0], $0xffff  }
0x129: {  	v11 =	vor.u32 v46, v1;
	v9 =	vor.u32 v48, v5;
	v0 =	vld.idx.msk [tilespmem:v0+s3+$0x0], $0xffff  }
0x12a: {  	v12 =	vor.u32 v45, v1;
	v6 =	vld.idx.msk [tilespmem:v15+s3+$0x0], $0xffff  }
0x12b: {  	v13 =	vor.u32 v44, v1;
	v4 =	vld.idx.msk [tilespmem:v14+s3+$0x0], $0xffff  }
0x12c: {  	v3 =	vld.idx.msk [tilespmem:v3+s3+$0x0], $0xffff;
	v14 =	vor.u32 v43, v1  }
0x12d: {  	v7 =	vld.idx.msk [tilespmem:v7+s3+$0x0], $0xffff;
	v15 =	vor.u32 v39, v1  }
0x12e: {  	v9 =	vld.idx.msk [tilespmem:v9+s3+$0x0], $0xffff;
	[tilespmem:v11+s12+$0x0] =	vst.idx.msk $0xffff, v2;
	v2 =	vor.u32 v38, v1  }
0x12f: {  	[tilespmem:v12+s12+$0x0] =	vst.idx.msk $0xffff, v0;
	v0 =	vor.u32 v37, v1  }
0x130: {  	[tilespmem:v13+s12+$0x0] =	vst.idx.msk $0xffff, v4  }
0x131: {  	v12 =	vor.u32 v33, v1;
	[tilespmem:v14+s12+$0x0] =	vst.idx.msk $0xffff, v3  }
0x132: {  	v3 =	vor.u32 v34, v5;
	[tilespmem:v15+s12+$0x0] =	vst.idx.msk $0xffff, v6  }
0x133: {  	v13 =	vor.u32 v35, v5;
	[tilespmem:v2+s12+$0x0] =	vst.idx.msk $0xffff, v7  }
0x134: {  	[tilespmem:v0+s12+$0x0] =	vst.idx.msk $0xffff, v8;
	v8 =	vor.u32 v16, v5;
	v16 =	vmov v47;
	v47 =	vor.u32 v47, v5;
	_ =	sdelay $0x1  }
0x135: {  	v14 =	vor.u32 v32, v5;
	v32 =	vor.u32 v31, v5;
	[tilespmem:v12+s12+$0x0] =	vst.idx.msk $0xffff, v9  }
0x136: {  	v2 =	vor.u32 v36, v5;
	v3 =	vld.idx.msk [tilespmem:v3+s3+$0x0], $0xffff  }
0x137: {  	v0 =	vor.u32 v28, v5;
	v6 =	vld.idx.msk [tilespmem:v13+s3+$0x0], $0xffff  }
0x138: {  	v9 =	vld.idx.msk [tilespmem:v47+s3+$0x0], $0xffff  }
0x139: {  	v28 =	vor.u32 v18, v10;
	v47 =	vor.u32 v20, v10;
	v20 =	vld [tilespmem:$0x1FEE0]  }
0x13a: {  	v31 =	vor.u32 v40, v10;
	v7 =	vld.idx.msk [tilespmem:v32+s3+$0x0], $0xffff  }
0x13b: {  	v32 =	vor.u32 v19, v10;
	v2 =	vld.idx.msk [tilespmem:v2+s3+$0x0], $0xffff  }
0x13c: {  	v19 =	vmov v41;
	v41 =	vor.u32 v41, v10;
	v0 =	vld.idx.msk [tilespmem:v0+s3+$0x0], $0xffff  }
0x13d: {  	v4 =	vld.idx.msk [tilespmem:v14+s3+$0x0], $0xffff  }
0x13e: {  	v8 =	vld.idx.msk [tilespmem:v8+s3+$0x0], $0xffff;
	[tilespmem:v28+s12+$0x0] =	vst.idx.msk $0xffff, v3;
	v3 =	vor.u32 v20, v10  }
0x13f: {  	v11 =	vor.u32 v22, v10;
	[tilespmem:v31+s12+$0x0] =	vst.idx.msk $0xffff, v6;
	v31 =	vld [tilespmem:$0x1FF60]  }
0x140: {  	[tilespmem:v32+s12+$0x0] =	vst.idx.msk $0xffff, v2;
	v2 =	vor.u32 v59, v10;
	v32 =	vld [tilespmem:$0x1FF30]  }
0x141: {  	[tilespmem:v41+s12+$0x0] =	vst.idx.msk $0xffff, v0;
	v0 =	vor.u32 v24, v5  }
0x142: {  	v12 =	vor.u32 v26, v5;
	v13 =	vor.u32 v17, v5;
	v41 =	vmov v17;
	v17 =	vld [tilespmem:$0x1FF50];
	[tilespmem:v47+s12+$0x0] =	vst.idx.msk $0xffff, v4  }
0x143: {  	[tilespmem:v3+s12+$0x0] =	vst.idx.msk $0xffff, v7  }
0x144: {  	v22 =	vmov v59;
	v59 =	vmov v24;
	v24 =	vld [tilespmem:$0x1FFB0];
	v14 =	vor.u32 v31, v5;
	[tilespmem:v11+s12+$0x0] =	vst.idx.msk $0xffff, v8  }
0x145: {  	v47 =	vmov v26;
	v26 =	vld [tilespmem:$0x1FFE0];
	v3 =	vor.u32 v32, v5;
	[tilespmem:v2+s12+$0x0] =	vst.idx.msk $0xffff, v9  }
0x146: {  	v15 =	vor.u32 v21, v5;
	v0 =	vld.idx.msk [tilespmem:v0+s3+$0x0], $0xffff  }
0x147: {  	v2 =	vor.u32 v17, v5;
	v4 =	vld.idx.msk [tilespmem:v12+s3+$0x0], $0xffff  }
0x148: {  	v5 =	vor.u32 v23, v5;
	v9 =	vor.u32 v25, v1;
	v6 =	vld.idx.msk [tilespmem:v13+s3+$0x0], $0xffff  }
0x149: {  	v28 =	vor.u32 v27, v1;
	v7 =	vld.idx.msk [tilespmem:v14+s3+$0x0], $0xffff  }
0x14a: {  	v11 =	vor.u32 v24, v1;
	v3 =	vld.idx.msk [tilespmem:v3+s3+$0x0], $0xffff  }
0x14b: {  	v8 =	vld.idx.msk [tilespmem:v15+s3+$0x0], $0xffff;
	v12 =	vor.u32 v29, v1  }
0x14c: {  	v13 =	vor.u32 v30, v1;
	v2 =	vld.idx.msk [tilespmem:v2+s3+$0x0], $0xffff  }
0x14d: {  	v15 =	vor.u32 v26, v1;
	v5 =	vld.idx.msk [tilespmem:v5+s3+$0x0], $0xffff;
	[tilespmem:v9+s12+$0x0] =	vst.idx.msk $0xffff, v0  }
0x14e: {  	[tilespmem:v28+s12+$0x0] =	vst.idx.msk $0xffff, v4  }
0x14f: {  	s31 =	sadd.s32 $0x3, s22;
	v0 =	vlaneseq.u32;
	v28 =	vor.u32 v61, v1;
	[tilespmem:v11+s12+$0x0] =	vst.idx.msk $0xffff, v3  }
0x150: {  	v14 =	vld [tilespmem:$0x1FC10];
	v0 =	vadd.s32 s31, v0;
	[tilespmem:v12+s12+$0x0] =	vst.idx.msk $0xffff, v6  }
0x151: {  	v1 =	vor.u32 v63, v1;
	v10 =	vand.u32 $0xF, v0;
	[tilespmem:v13+s12+$0x0] =	vst.idx.msk $0xffff, v2  }
0x152: {  	v3 =	vshll.u32 v10, $0x7;
	v12 =	vlaneseq.u32;
	[tilespmem:v15+s12+$0x0] =	vst.idx.msk $0xffff, v7;
	v15 =	vld [tilespmem:$0x1FC40]  }
0x153: {  	v6 =	vor.u32 v12, v3;
	v2 =	vld [tilespmem:$0x1FC30]  }
0x154: {  	[tilespmem:v28+s12+$0x0] =	vst.idx.msk $0xffff, v8;
	v28 =	vld [tilespmem:$0x1FC60]  }
0x155: {  	v7 =	vor.u32 v14, v3;
	v14 =	vld [tilespmem:$0x1FC80]  }
0x156: {  	v56 =	vor.u32 v56, v3;
	[tilespmem:v1+s12+$0x0] =	vst.idx.msk $0xffff, v5;
	v1 =	vld [tilespmem:$0x1FC70]  }
0x157: {  	v4 =	vor.u32 v15, v3;
	v15 =	vld [tilespmem:$0x1FC50]  }
0x158: {  	v2 =	vor.u32 v2, v3;
	v5 =	vld.idx.msk [tilespmem:v6+s3+$0x0], $0xffff  }
0x159: {  	v6 =	vor.u32 v28, v3;
	v28 =	vld [tilespmem:$0x1FCA0]  }
0x15a: {  	v12 =	vor.u32 v53, v10;
	v53 =	vld [tilespmem:$0x1FCD0];
	v9 =	vor.u32 v14, v3  }
0x15b: {  	v8 =	vld.idx.msk [tilespmem:v56+s3+$0x0], $0xffff;
	v1 =	vor.u32 v1, v3  }
0x15c: {  	v7 =	vld.idx.msk [tilespmem:v7+s3+$0x0], $0xffff;
	v11 =	vor.u32 v15, v10  }
0x15d: {  	v2 =	vld.idx.msk [tilespmem:v2+s3+$0x0], $0xffff  }
0x15e: {  	v4 =	vld.idx.msk [tilespmem:v4+s3+$0x0], $0xffff;
	v13 =	vor.u32 v28, v10  }
0x15f: {  	v14 =	vor.u32 v53, v10;
	v9 =	vld.idx.msk [tilespmem:v9+s3+$0x0], $0xffff  }
0x160: {  	v56 =	vor.u32 v50, v10;
	v1 =	vld.idx.msk [tilespmem:v1+s3+$0x0], $0xffff  }
0x161: {  	v6 =	vld.idx.msk [tilespmem:v6+s3+$0x0], $0xffff;
	[tilespmem:v11+s12+$0x0] =	vst.idx.msk $0xffff, v5;
	v11 =	vor.u32 v42, v10  }
0x162: {  	[tilespmem:v12+s12+$0x0] =	vst.idx.msk $0xffff, v2;
	v2 =	vor.u32 v62, v10  }
0x163: {  	v28 =	vor.u32 v60, v10;
	[tilespmem:v13+s12+$0x0] =	vst.idx.msk $0xffff, v7  }
0x164: {  	v42 =	vor.u32 v58, v3;
	[tilespmem:v14+s12+$0x0] =	vst.idx.msk $0xffff, v4  }
0x165: {  	v50 =	vor.u32 v55, v3;
	[tilespmem:v56+s12+$0x0] =	vst.idx.msk $0xffff, v1  }
0x166: {  	v52 =	vor.u32 v52, v3;
	[tilespmem:v11+s12+$0x0] =	vst.idx.msk $0xffff, v6  }
0x167: {  	v1 =	vor.u32 v57, v3;
	[tilespmem:v2+s12+$0x0] =	vst.idx.msk $0xffff, v8  }
0x168: {  	v53 =	vor.u32 v51, v3;
	[tilespmem:v28+s12+$0x0] =	vst.idx.msk $0xffff, v9  }
0x169: {  	v2 =	vor.u32 v54, v3;
	v4 =	vld.idx.msk [tilespmem:v42+s3+$0x0], $0xffff  }
0x16a: {  	v55 =	vor.u32 v48, v3;
	v5 =	vld.idx.msk [tilespmem:v50+s3+$0x0], $0xffff  }
0x16b: {  	v56 =	vor.u32 v46, v0;
	v54 =	vor.u32 v49, v3;
	v6 =	vld.idx.msk [tilespmem:v52+s3+$0x0], $0xffff  }
0x16c: {  	v57 =	vor.u32 v45, v0;
	v1 =	vld.idx.msk [tilespmem:v1+s3+$0x0], $0xffff  }
0x16d: {  	v58 =	vor.u32 v44, v0;
	v7 =	vld.idx.msk [tilespmem:v53+s3+$0x0], $0xffff  }
0x16e: {  	v60 =	vor.u32 v43, v0;
	v2 =	vld.idx.msk [tilespmem:v2+s3+$0x0], $0xffff  }
0x16f: {  	v62 =	vor.u32 v39, v0;
	v9 =	vld.idx.msk [tilespmem:v55+s3+$0x0], $0xffff  }
0x170: {  	v28 =	vor.u32 v38, v0;
	v8 =	vld.idx.msk [tilespmem:v54+s3+$0x0], $0xffff;
	[tilespmem:v56+s12+$0x0] =	vst.idx.msk $0xffff, v4  }
0x171: {  	[tilespmem:v57+s12+$0x0] =	vst.idx.msk $0xffff, v1;
	v1 =	vor.u32 v37, v0  }
0x172: {  	[tilespmem:v58+s12+$0x0] =	vst.idx.msk $0xffff, v5  }
0x173: {  	[tilespmem:v60+s12+$0x0] =	vst.idx.msk $0xffff, v2  }
0x174: {  	v48 =	vld [tilespmem:$0x1FED0];
	[tilespmem:v62+s12+$0x0] =	vst.idx.msk $0xffff, v6  }
0x175: {  	v33 =	vor.u32 v33, v0;
	v38 =	vld [tilespmem:$0x1FE60];
	[tilespmem:v28+s12+$0x0] =	vst.idx.msk $0xffff, v7  }
0x176: {  	v2 =	vor.u32 v34, v3;
	[tilespmem:v1+s12+$0x0] =	vst.idx.msk $0xffff, v8;
	v1 =	vld [tilespmem:$0x1FE40]  }
0x177: {  	v35 =	vor.u32 v35, v3;
	v37 =	vld [tilespmem:$0x1FE50]  }
0x178: {  	v36 =	vor.u32 v36, v3;
	v39 =	vld [tilespmem:$0x1FE70]  }
0x179: {  	v45 =	vld [tilespmem:$0x1FEB0];
	v42 =	vor.u32 v16, v3  }
0x17a: {  	v49 =	vld [tilespmem:$0x1FEF0];
	v7 =	vor.u32 v38, v3;
	[tilespmem:v33+s12+$0x0] =	vst.idx.msk $0xffff, v9  }
0x17b: {  	v2 =	vld.idx.msk [tilespmem:v2+s3+$0x0], $0xffff;
	v1 =	vor.u32 v1, v3  }
0x17c: {  	v5 =	vor.u32 v37, v3;
	v6 =	vld.idx.msk [tilespmem:v35+s3+$0x0], $0xffff  }
0x17d: {  	v43 =	vor.u32 v18, v10;
	v8 =	vor.u32 v39, v3;
	v4 =	vld.idx.msk [tilespmem:v36+s3+$0x0], $0xffff  }
0x17e: {  	v44 =	vor.u32 v40, v10;
	v9 =	vld.idx.msk [tilespmem:v42+s3+$0x0], $0xffff  }
0x17f: {  	v13 =	vor.u32 v45, v10;
	v7 =	vld.idx.msk [tilespmem:v7+s3+$0x0], $0xffff  }
0x180: {  	v46 =	vor.u32 v19, v10;
	v1 =	vld.idx.msk [tilespmem:v1+s3+$0x0], $0xffff  }
0x181: {  	v15 =	vor.u32 v48, v10;
	v5 =	vld.idx.msk [tilespmem:v5+s3+$0x0], $0xffff  }
0x182: {  	v8 =	vld.idx.msk [tilespmem:v8+s3+$0x0], $0xffff;
	[tilespmem:v43+s12+$0x0] =	vst.idx.msk $0xffff, v2;
	v2 =	vor.u32 v20, v10  }
0x183: {  	[tilespmem:v44+s12+$0x0] =	vst.idx.msk $0xffff, v6;
	v6 =	vor.u32 v49, v10  }
0x184: {  	v50 =	vor.u32 v22, v10;
	[tilespmem:v13+s12+$0x0] =	vst.idx.msk $0xffff, v4  }
0x185: {  	[tilespmem:v46+s12+$0x0] =	vst.idx.msk $0xffff, v1;
	v1 =	vor.u32 v59, v3  }
0x186: {  	v51 =	vor.u32 v47, v3;
	[tilespmem:v15+s12+$0x0] =	vst.idx.msk $0xffff, v5  }
0x187: {  	v52 =	vor.u32 v41, v3;
	[tilespmem:v2+s12+$0x0] =	vst.idx.msk $0xffff, v7  }
0x188: {  	v53 =	vor.u32 v17, v3;
	[tilespmem:v6+s12+$0x0] =	vst.idx.msk $0xffff, v8  }
0x189: {  	v2 =	vor.u32 v32, v3;
	[tilespmem:v50+s12+$0x0] =	vst.idx.msk $0xffff, v9  }
0x18a: {  	v54 =	vor.u32 v31, v3;
	v1 =	vld.idx.msk [tilespmem:v1+s3+$0x0], $0xffff  }
0x18b: {  	v55 =	vor.u32 v21, v3;
	v5 =	vld.idx.msk [tilespmem:v51+s3+$0x0], $0xffff  }
0x18c: {  	v56 =	vor.u32 v25, v0;
	v3 =	vor.u32 v23, v3;
	v6 =	vld.idx.msk [tilespmem:v52+s3+$0x0], $0xffff  }
0x18d: {  	v57 =	vor.u32 v27, v0;
	v4 =	vld.idx.msk [tilespmem:v53+s3+$0x0], $0xffff  }
0x18e: {  	v58 =	vor.u32 v24, v0;
	v2 =	vld.idx.msk [tilespmem:v2+s3+$0x0], $0xffff  }
0x18f: {  	v59 =	vor.u32 v29, v0;
	v7 =	vld.idx.msk [tilespmem:v54+s3+$0x0], $0xffff  }
0x190: {  	v60 =	vor.u32 v30, v0;
	v8 =	vld.idx.msk [tilespmem:v55+s3+$0x0], $0xffff  }
0x191: {  	v3 =	vld.idx.msk [tilespmem:v3+s3+$0x0], $0xffff;
	[tilespmem:v56+s12+$0x0] =	vst.idx.msk $0xffff, v1;
	v1 =	vor.u32 v26, v0  }
0x192: {  	v62 =	vor.u32 v61, v0;
	[tilespmem:v57+s12+$0x0] =	vst.idx.msk $0xffff, v5  }
0x193: {  	p2 =	slt.u32 s22, $0xC;
	v0 =	vor.u32 v63, v0;
	[tilespmem:v58+s12+$0x0] =	vst.idx.msk $0xffff, v2  }
.Ltmp5:
0x194: {  	[tilespmem:v59+s12+$0x0] =	vst.idx.msk $0xffff, v6;
	(pc) =	sbr.rel @p2 .LBB2_4-.Ltmp5, $4  }
0x195: {  	[tilespmem:v60+s12+$0x0] =	vst.idx.msk $0xffff, v4  }
0x196: {  	[tilespmem:v1+s12+$0x0] =	vst.idx.msk $0xffff, v7  }
0x197: {  	[tilespmem:v62+s12+$0x0] =	vst.idx.msk $0xffff, v8  }
0x198: {  	s22 =	sadd.s32 $0x4, s22;
	[tilespmem:v0+s12+$0x0] =	vst.idx.msk $0xffff, v3;
	v0 =	vlaneseq.u32  }
0x199: {  	p2 =	sgt.u32 s20, $0x1E64  }
.Ltmp6:
0x19a: {  	_ = 	snop;
	(pc) =	sbr.rel @p2 .LBB2_7-.Ltmp6, $4  }
0x19b: {  	_ = 	snop  }
0x19c: {  	s21 =	sshll.u32 s21, $0xA  }
0x19d: {  	s21 =	sadd.s32 s5, s21  }
0x19e: {  	[hbm4b:s21+s3] =	stream.linear.scatter [tilespmem:s12], [sflag:$0x3], $0x2000, $0x38;
	[tilespmem:$0x8000] =	vst v63  }
.Ltmp7:
0x19f: {  	(pc) =	sbr.rel .LBB2_8-.Ltmp7, $4  }
0x1a0: {  	_ = 	snop  }
0x1a1: {  	s21 =	sshll.u32 s20, $0x7  }
0x1a2: {  	s21 =	sadd.s32 s21, s7  }
0x1a3: {  	[tilespmem:s3], [sflag:$0x1] =	stream.strided.gather [hbm4b:s21+s9], $0x2000, s10, s9, $0x38;
	[tilespmem:$0x8000] =	vst v63  }
.LBB2_7:
.Ltmp8:
0x1a4: {  	(pc) =	sbr.rel @p1 .LBB2_11-.Ltmp8, $1  }
0x1a5: {  	_ =	sdelay $0x3  }
.LBB2_8:
0x1a6: {  	_ =	swait.ge [sflag:s13], $0x2000  }
0x1a7: {  	[sflag:s13] =	ssyncset.done $0x0  }
0x1a8: {  	s21 =	simm.s32 @!p0 $0x4;
	[sflag:s13] =	ssyncadd.s32 $0xFFFFE000  }
0x1a9: {  	_ =	swait.ge @!p0 [sflag:s21], $0x2000  }
0x1aa: {  	[sflag:s21] =	ssyncset.done @!p0 $0x0  }
0x1ab: {  	[sflag:s21] =	ssyncadd.s32 @!p0 $0xFFFFE000;
	s21 =	simm.s32 $0x0  }
.LBB2_9:
0x1ac: {  	v58 =	vld [tilespmem:$0x1FC30]  }
0x1ad: {  	v49 =	vld [tilespmem:$0x1FC10]  }
0x1ae: {  	v48 =	vld [tilespmem:$0x1FC40]  }
0x1af: {  	v55 =	vld [tilespmem:$0x1FC70]  }
0x1b0: {  	v46 =	vld [tilespmem:$0x1FC60]  }
0x1b1: {  	v56 =	vld [tilespmem:$0x1FC90]  }
0x1b2: {  	v57 =	vld [tilespmem:$0x1FC80]  }
0x1b3: {  	v51 =	vld [tilespmem:$0x1FC50]  }
0x1b4: {  	v44 =	vld [tilespmem:$0x1FCB0]  }
0x1b5: {  	v42 =	vld [tilespmem:$0x1FCA0]  }
0x1b6: {  	v63 =	vld [tilespmem:$0x1FCD0]  }
0x1b7: {  	v41 =	vld [tilespmem:$0x1FCC0]  }
0x1b8: {  	v34 =	vld [tilespmem:$0x1FCF0]  }
0x1b9: {  	v22 =	vld [tilespmem:$0x1FCE0]  }
0x1ba: {  	v35 =	vld [tilespmem:$0x1FD10]  }
0x1bb: {  	v29 =	vld [tilespmem:$0x1FD00]  }
0x1bc: {  	v30 =	vld [tilespmem:$0x1FD20]  }
0x1bd: {  	v31 =	vld [tilespmem:$0x1FD30]  }
0x1be: {  	v32 =	vld [tilespmem:$0x1FD40]  }
0x1bf: {  	v38 =	vld [tilespmem:$0x1FD50]  }
0x1c0: {  	v1 =	vadd.s32 s21, v0;
	v39 =	vld [tilespmem:$0x1FD60]  }
0x1c1: {  	v37 =	vld [tilespmem:$0x1FD70];
	v0 =	vand.u32 $0xF, v1  }
0x1c2: {  	v3 =	vlaneseq.u32;
	v60 =	vld [tilespmem:$0x1FD80];
	v2 =	vshll.u32 v0, $0x7  }
0x1c3: {  	v54 =	vld [tilespmem:$0x1FD90];
	v3 =	vor.u32 v3, v2  }
0x1c4: {  	v52 =	vld [tilespmem:$0x1FDA0];
	v4 =	vor.u32 v58, v2  }
0x1c5: {  	v62 =	vld [tilespmem:$0x1FDB0];
	v5 =	vor.u32 v49, v2  }
0x1c6: {  	v50 =	vld [tilespmem:$0x1FDC0];
	v6 =	vor.u32 v48, v2  }
0x1c7: {  	v61 =	vld [tilespmem:$0x1FDD0];
	v7 =	vor.u32 v55, v2  }
0x1c8: {  	v8 =	vor.u32 v46, v2;
	v3 =	vld.idx.msk [tilespmem:v3+s14+$0x0], $0xffff  }
0x1c9: {  	v9 =	vor.u32 v56, v2;
	v4 =	vld.idx.msk [tilespmem:v4+s14+$0x0], $0xffff  }
0x1ca: {  	v10 =	vor.u32 v57, v2;
	v11 =	vor.u32 v51, v0;
	v5 =	vld.idx.msk [tilespmem:v5+s14+$0x0], $0xffff  }
0x1cb: {  	v12 =	vor.u32 v44, v0;
	v6 =	vld.idx.msk [tilespmem:v6+s14+$0x0], $0xffff  }
0x1cc: {  	v13 =	vor.u32 v42, v0;
	v7 =	vld.idx.msk [tilespmem:v7+s14+$0x0], $0xffff  }
0x1cd: {  	v14 =	vor.u32 v63, v0;
	v8 =	vld.idx.msk [tilespmem:v8+s14+$0x0], $0xffff  }
0x1ce: {  	v15 =	vor.u32 v41, v0;
	v9 =	vld.idx.msk [tilespmem:v9+s14+$0x0], $0xffff  }
0x1cf: {  	v10 =	vld.idx.msk [tilespmem:v10+s14+$0x0], $0xffff;
	[tilespmem:v11+s15+$0x0] =	vst.idx.msk $0xffff, v3;
	v3 =	vor.u32 v34, v0  }
0x1d0: {  	v21 =	vld [tilespmem:$0x1FDE0];
	v24 =	vor.u32 v22, v0;
	[tilespmem:v12+s15+$0x0] =	vst.idx.msk $0xffff, v4  }
0x1d1: {  	v36 =	vld [tilespmem:$0x1FE10];
	v25 =	vor.u32 v35, v0;
	[tilespmem:v13+s15+$0x0] =	vst.idx.msk $0xffff, v5  }
0x1d2: {  	v28 =	vld [tilespmem:$0x1FE40];
	v26 =	vor.u32 v29, v2;
	[tilespmem:v14+s15+$0x0] =	vst.idx.msk $0xffff, v6  }
0x1d3: {  	v20 =	vld [tilespmem:$0x1FE50];
	v27 =	vor.u32 v30, v2;
	[tilespmem:v15+s15+$0x0] =	vst.idx.msk $0xffff, v7  }
0x1d4: {  	v18 =	vld [tilespmem:$0x1FEE0];
	v33 =	vor.u32 v32, v2;
	[tilespmem:v3+s15+$0x0] =	vst.idx.msk $0xffff, v8  }
0x1d5: {  	v12 =	vld [tilespmem:$0x1FDF0];
	v5 =	vor.u32 v38, v2;
	[tilespmem:v24+s15+$0x0] =	vst.idx.msk $0xffff, v9  }
0x1d6: {  	v40 =	vor.u32 v37, v2;
	v38 =	vld [tilespmem:$0x1FE70];
	[tilespmem:v25+s15+$0x0] =	vst.idx.msk $0xffff, v10  }
0x1d7: {  	v43 =	vor.u32 v60, v2;
	v6 =	vld.idx.msk [tilespmem:v26+s14+$0x0], $0xffff  }
0x1d8: {  	v3 =	vor.u32 v31, v2;
	v7 =	vld.idx.msk [tilespmem:v27+s14+$0x0], $0xffff  }
0x1d9: {  	v45 =	vor.u32 v54, v1;
	v8 =	vor.u32 v39, v2;
	v4 =	vld.idx.msk [tilespmem:v33+s14+$0x0], $0xffff  }
0x1da: {  	v47 =	vor.u32 v52, v1;
	v5 =	vld.idx.msk [tilespmem:v5+s14+$0x0], $0xffff  }
0x1db: {  	v9 =	vld.idx.msk [tilespmem:v40+s14+$0x0], $0xffff  }
0x1dc: {  	v10 =	vld.idx.msk [tilespmem:v43+s14+$0x0], $0xffff  }
0x1dd: {  	v3 =	vld.idx.msk [tilespmem:v3+s14+$0x0], $0xffff  }
0x1de: {  	v8 =	vld.idx.msk [tilespmem:v8+s14+$0x0], $0xffff;
	[tilespmem:v45+s15+$0x0] =	vst.idx.msk $0xffff, v6  }
0x1df: {  	v53 =	vor.u32 v62, v1;
	[tilespmem:v47+s15+$0x0] =	vst.idx.msk $0xffff, v7;
	v47 =	vld [tilespmem:$0x1FE00]  }
0x1e0: {  	v59 =	vor.u32 v50, v1;
	v43 =	vld [tilespmem:$0x1FE30]  }
0x1e1: {  	v15 =	vor.u32 v61, v1;
	v45 =	vld [tilespmem:$0x1FE20]  }
0x1e2: {  	v11 =	vor.u32 v21, v1;
	v33 =	vld [tilespmem:$0x1FEA0]  }
0x1e3: {  	v61 =	vld [tilespmem:$0x1FED0];
	v7 =	vor.u32 v12, v1  }
0x1e4: {  	v27 =	vld [tilespmem:$0x1FE60];
	[tilespmem:v53+s15+$0x0] =	vst.idx.msk $0xffff, v3;
	v3 =	vor.u32 v47, v1  }
0x1e5: {  	v14 =	vor.u32 v36, v2;
	v25 =	vld [tilespmem:$0x1FE80];
	[tilespmem:v59+s15+$0x0] =	vst.idx.msk $0xffff, v4  }
0x1e6: {  	v26 =	vld [tilespmem:$0x1FE90];
	[tilespmem:v15+s15+$0x0] =	vst.idx.msk $0xffff, v5;
	v15 =	vor.u32 v45, v2  }
0x1e7: {  	v16 =	vor.u32 v43, v2;
	v12 =	vor.u32 v33, v0;
	v33 =	vld [tilespmem:$0x1FF30];
	[tilespmem:v11+s15+$0x0] =	vst.idx.msk $0xffff, v8  }
0x1e8: {  	v17 =	vor.u32 v28, v2;
	v53 =	vld [tilespmem:$0x1FEC0];
	[tilespmem:v7+s15+$0x0] =	vst.idx.msk $0xffff, v9  }
0x1e9: {  	v23 =	vor.u32 v27, v2;
	v59 =	vld [tilespmem:$0x1FEB0];
	[tilespmem:v3+s15+$0x0] =	vst.idx.msk $0xffff, v10  }
0x1ea: {  	v24 =	vor.u32 v38, v2;
	v4 =	vld.idx.msk [tilespmem:v14+s14+$0x0], $0xffff  }
0x1eb: {  	v5 =	vld.idx.msk [tilespmem:v15+s14+$0x0], $0xffff  }
0x1ec: {  	v6 =	vld.idx.msk [tilespmem:v16+s14+$0x0], $0xffff  }
0x1ed: {  	v7 =	vld.idx.msk [tilespmem:v17+s14+$0x0], $0xffff  }
0x1ee: {  	v3 =	vor.u32 v20, v2;
	v8 =	vld.idx.msk [tilespmem:v23+s14+$0x0], $0xffff  }
0x1ef: {  	v11 =	vor.u32 v26, v0;
	v10 =	vor.u32 v25, v2;
	v9 =	vld.idx.msk [tilespmem:v24+s14+$0x0], $0xffff  }
0x1f0: {  	v16 =	vld [tilespmem:$0x1FEF0]  }
0x1f1: {  	v39 =	vor.u32 v59, v0;
	v15 =	vor.u32 v61, v0;
	v61 =	vld [tilespmem:$0x1FF00]  }
0x1f2: {  	v40 =	vor.u32 v53, v0;
	v14 =	vld [tilespmem:$0x1FF10]  }
0x1f3: {  	v3 =	vld.idx.msk [tilespmem:v3+s14+$0x0], $0xffff  }
0x1f4: {  	v10 =	vld.idx.msk [tilespmem:v10+s14+$0x0], $0xffff;
	[tilespmem:v11+s15+$0x0] =	vst.idx.msk $0xffff, v4  }
0x1f5: {  	v19 =	vld [tilespmem:$0x1FF60];
	v11 =	vor.u32 v18, v0;
	[tilespmem:v12+s15+$0x0] =	vst.idx.msk $0xffff, v5  }
0x1f6: {  	v26 =	vld [tilespmem:$0x1FF40];
	v12 =	vor.u32 v16, v0;
	[tilespmem:v39+s15+$0x0] =	vst.idx.msk $0xffff, v6  }
0x1f7: {  	v25 =	vld [tilespmem:$0x1FF70];
	v0 =	vor.u32 v61, v0;
	[tilespmem:v40+s15+$0x0] =	vst.idx.msk $0xffff, v7  }
0x1f8: {  	v24 =	vld [tilespmem:$0x1FF50];
	[tilespmem:v15+s15+$0x0] =	vst.idx.msk $0xffff, v3;
	v15 =	vor.u32 v33, v2  }
0x1f9: {  	v6 =	vor.u32 v14, v2;
	v14 =	vld [tilespmem:$0x1FF80]  }
0x1fa: {  	v3 =	vld [tilespmem:$0x1FF20];
	[tilespmem:v11+s15+$0x0] =	vst.idx.msk $0xffff, v8  }
0x1fb: {  	v39 =	vld [tilespmem:$0x1FFB0];
	[tilespmem:v12+s15+$0x0] =	vst.idx.msk $0xffff, v9  }
0x1fc: {  	v17 =	vor.u32 v26, v2;
	v40 =	vld [tilespmem:$0x1FFA0];
	[tilespmem:v0+s15+$0x0] =	vst.idx.msk $0xffff, v10  }
0x1fd: {  	v7 =	vor.u32 v19, v2;
	v4 =	vld.idx.msk [tilespmem:v15+s14+$0x0], $0xffff  }
0x1fe: {  	v23 =	vor.u32 v25, v2;
	v15 =	vld [tilespmem:$0x1FF90]  }
0x1ff: {  	v19 =	vld [tilespmem:$0x1FFC0];
	v3 =	vor.u32 v3, v2  }
0x200: {  	v6 =	vld.idx.msk [tilespmem:v6+s14+$0x0], $0xffff  }
0x201: {  	v0 =	vor.u32 v24, v2;
	v5 =	vld.idx.msk [tilespmem:v17+s14+$0x0], $0xffff  }
0x202: {  	v7 =	vld.idx.msk [tilespmem:v7+s14+$0x0], $0xffff  }
0x203: {  	v8 =	vld.idx.msk [tilespmem:v23+s14+$0x0], $0xffff;
	v2 =	vor.u32 v14, v2;
	v9 =	vor.u32 v15, v1  }
0x204: {  	v11 =	vor.u32 v40, v1;
	v3 =	vld.idx.msk [tilespmem:v3+s14+$0x0], $0xffff  }
0x205: {  	v12 =	vor.u32 v39, v1;
	v23 =	vld [tilespmem:$0x1FFE0]  }
0x206: {  	v10 =	vld.idx.msk [tilespmem:v0+s14+$0x0], $0xffff  }
0x207: {  	v0 =	vld [tilespmem:$0x1FFD0]  }
0x208: {  	v2 =	vld.idx.msk [tilespmem:v2+s14+$0x0], $0xffff;
	[tilespmem:v9+s15+$0x0] =	vst.idx.msk $0xffff, v6  }
0x209: {  	[tilespmem:v11+s15+$0x0] =	vst.idx.msk $0xffff, v3;
	v3 =	vld [tilespmem:$0x1FFF0]  }
0x20a: {  	v13 =	vor.u32 v19, v1;
	[tilespmem:v12+s15+$0x0] =	vst.idx.msk $0xffff, v4;
	v12 =	vld [tilespmem:$0x1FC20];
	_ =	sdelay $0x1  }
0x20b: {  	s22 =	sadd.s32 $0x1, s21;
	v14 =	vor.u32 v0, v1;
	v0 =	vlaneseq.u32  }
0x20c: {  	v17 =	vor.u32 v23, v1;
	v0 =	vadd.s32 s22, v0  }
0x20d: {  	v9 =	vand.u32 $0xF, v0;
	v3 =	vor.u32 v3, v1  }
0x20e: {  	v4 =	vshll.u32 v9, $0x7;
	[tilespmem:v13+s15+$0x0] =	vst.idx.msk $0xffff, v5;
	v13 =	vlaneseq.u32;
	v1 =	vor.u32 v12, v1  }
0x20f: {  	v5 =	vor.u32 v13, v4  }
0x210: {  	[tilespmem:v14+s15+$0x0] =	vst.idx.msk $0xffff, v10;
	v14 =	vor.u32 v58, v4  }
0x211: {  	v15 =	vor.u32 v49, v4;
	[tilespmem:v17+s15+$0x0] =	vst.idx.msk $0xffff, v7  }
0x212: {  	v17 =	vor.u32 v57, v4;
	[tilespmem:v3+s15+$0x0] =	vst.idx.msk $0xffff, v8  }
0x213: {  	v3 =	vor.u32 v48, v4;
	[tilespmem:v1+s15+$0x0] =	vst.idx.msk $0xffff, v2  }
0x214: {  	v8 =	vor.u32 v56, v4;
	v2 =	vld.idx.msk [tilespmem:v5+s14+$0x0], $0xffff  }
0x215: {  	v1 =	vor.u32 v55, v4;
	v7 =	vld.idx.msk [tilespmem:v14+s14+$0x0], $0xffff  }
0x216: {  	v11 =	vor.u32 v51, v9;
	v5 =	vor.u32 v46, v4;
	v6 =	vld.idx.msk [tilespmem:v15+s14+$0x0], $0xffff  }
0x217: {  	v12 =	vor.u32 v44, v9;
	v10 =	vld.idx.msk [tilespmem:v17+s14+$0x0], $0xffff  }
0x218: {  	v13 =	vor.u32 v42, v9;
	v3 =	vld.idx.msk [tilespmem:v3+s14+$0x0], $0xffff  }
0x219: {  	v14 =	vor.u32 v63, v9;
	v8 =	vld.idx.msk [tilespmem:v8+s14+$0x0], $0xffff  }
0x21a: {  	v15 =	vor.u32 v41, v9;
	v1 =	vld.idx.msk [tilespmem:v1+s14+$0x0], $0xffff  }
0x21b: {  	v5 =	vld.idx.msk [tilespmem:v5+s14+$0x0], $0xffff;
	[tilespmem:v11+s15+$0x0] =	vst.idx.msk $0xffff, v2;
	v2 =	vor.u32 v34, v9  }
0x21c: {  	[tilespmem:v12+s15+$0x0] =	vst.idx.msk $0xffff, v7;
	v12 =	vor.u32 v22, v9  }
0x21d: {  	[tilespmem:v13+s15+$0x0] =	vst.idx.msk $0xffff, v6;
	v13 =	vor.u32 v35, v9  }
0x21e: {  	[tilespmem:v14+s15+$0x0] =	vst.idx.msk $0xffff, v3;
	v3 =	vor.u32 v29, v4  }
0x21f: {  	v14 =	vor.u32 v32, v4;
	[tilespmem:v15+s15+$0x0] =	vst.idx.msk $0xffff, v1  }
0x220: {  	v17 =	vor.u32 v60, v4;
	v22 =	vmov v29;
	v29 =	vmov v30;
	v32 =	vld [tilespmem:$0x1FD60];
	[tilespmem:v2+s15+$0x0] =	vst.idx.msk $0xffff, v5  }
0x221: {  	v1 =	vor.u32 v30, v4;
	v30 =	vmov v31;
	v2 =	vor.u32 v31, v4;
	v31 =	vld [tilespmem:$0x1FD50];
	[tilespmem:v12+s15+$0x0] =	vst.idx.msk $0xffff, v8  }
0x222: {  	[tilespmem:v13+s15+$0x0] =	vst.idx.msk $0xffff, v10  }
0x223: {  	v3 =	vld.idx.msk [tilespmem:v3+s14+$0x0], $0xffff  }
0x224: {  	v8 =	vor.u32 v37, v4;
	v5 =	vld.idx.msk [tilespmem:v14+s14+$0x0], $0xffff  }
0x225: {  	v7 =	vor.u32 v32, v4;
	v10 =	vld.idx.msk [tilespmem:v17+s14+$0x0], $0xffff  }
0x226: {  	v17 =	vld [tilespmem:$0x1FDD0];
	v15 =	vor.u32 v31, v4  }
0x227: {  	v37 =	vor.u32 v54, v0;
	v1 =	vld.idx.msk [tilespmem:v1+s14+$0x0], $0xffff  }
0x228: {  	v2 =	vld.idx.msk [tilespmem:v2+s14+$0x0], $0xffff  }
0x229: {  	v12 =	vor.u32 v52, v0;
	v8 =	vld.idx.msk [tilespmem:v8+s14+$0x0], $0xffff  }
0x22a: {  	v13 =	vor.u32 v62, v0;
	v7 =	vld.idx.msk [tilespmem:v7+s14+$0x0], $0xffff  }
0x22b: {  	v14 =	vor.u32 v50, v0;
	v6 =	vld.idx.msk [tilespmem:v15+s14+$0x0], $0xffff  }
0x22c: {  	v15 =	vor.u32 v17, v0;
	[tilespmem:v37+s15+$0x0] =	vst.idx.msk $0xffff, v3;
	v3 =	vor.u32 v21, v0;
	v37 =	vmov v21;
	v21 =	vld [tilespmem:$0x1FDF0];
	_ =	sdelay $0x1  }
0x22d: {  	[tilespmem:v12+s15+$0x0] =	vst.idx.msk $0xffff, v1  }
0x22e: {  	[tilespmem:v13+s15+$0x0] =	vst.idx.msk $0xffff, v2  }
0x22f: {  	[tilespmem:v14+s15+$0x0] =	vst.idx.msk $0xffff, v5  }
0x230: {  	v1 =	vor.u32 v21, v0;
	[tilespmem:v15+s15+$0x0] =	vst.idx.msk $0xffff, v6  }
0x231: {  	v2 =	vor.u32 v47, v0;
	[tilespmem:v3+s15+$0x0] =	vst.idx.msk $0xffff, v7;
	v7 =	vor.u32 v27, v4;
	v27 =	vld [tilespmem:$0x1FE80];
	_ =	sdelay $0x1  }
0x232: {  	v14 =	vor.u32 v36, v4  }
0x233: {  	v15 =	vor.u32 v45, v4  }
0x234: {  	v3 =	vor.u32 v43, v4;
	[tilespmem:v1+s15+$0x0] =	vst.idx.msk $0xffff, v8;
	v1 =	vor.u32 v28, v4  }
0x235: {  	v45 =	vmov v20;
	v28 =	vld [tilespmem:$0x1FE90];
	[tilespmem:v2+s15+$0x0] =	vst.idx.msk $0xffff, v10;
	v2 =	vor.u32 v20, v4;
	v20 =	vor.u32 v27, v4  }
0x236: {  	v8 =	vor.u32 v38, v4;
	v38 =	vld [tilespmem:$0x1FEA0]  }
0x237: {  	v5 =	vld.idx.msk [tilespmem:v14+s14+$0x0], $0xffff  }
0x238: {  	v6 =	vld.idx.msk [tilespmem:v15+s14+$0x0], $0xffff  }
0x239: {  	v3 =	vld.idx.msk [tilespmem:v3+s14+$0x0], $0xffff  }
0x23a: {  	v10 =	vld.idx.msk [tilespmem:v20+s14+$0x0], $0xffff  }
0x23b: {  	v11 =	vor.u32 v28, v9;
	v20 =	vld [tilespmem:$0x1FED0]  }
0x23c: {  	v7 =	vld.idx.msk [tilespmem:v7+s14+$0x0], $0xffff  }
0x23d: {  	v1 =	vld.idx.msk [tilespmem:v1+s14+$0x0], $0xffff;
	v12 =	vor.u32 v38, v9  }
0x23e: {  	v13 =	vor.u32 v59, v9;
	v8 =	vld.idx.msk [tilespmem:v8+s14+$0x0], $0xffff  }
0x23f: {  	v14 =	vor.u32 v53, v9;
	v2 =	vld.idx.msk [tilespmem:v2+s14+$0x0], $0xffff  }
0x240: {  	[tilespmem:v11+s15+$0x0] =	vst.idx.msk $0xffff, v5;
	v11 =	vor.u32 v18, v9;
	v18 =	vld [tilespmem:$0x1FF10];
	v15 =	vor.u32 v20, v9;
	_ =	sdelay $0x1  }
0x241: {  	[tilespmem:v12+s15+$0x0] =	vst.idx.msk $0xffff, v6;
	v12 =	vor.u32 v16, v9;
	v16 =	vld [tilespmem:$0x1FF20]  }
0x242: {  	[tilespmem:v13+s15+$0x0] =	vst.idx.msk $0xffff, v3;
	v3 =	vor.u32 v61, v9  }
0x243: {  	[tilespmem:v14+s15+$0x0] =	vst.idx.msk $0xffff, v1  }
0x244: {  	v1 =	vor.u32 v18, v4;
	[tilespmem:v15+s15+$0x0] =	vst.idx.msk $0xffff, v2  }
0x245: {  	v14 =	vor.u32 v25, v4;
	v25 =	vld [tilespmem:$0x1FF80];
	[tilespmem:v11+s15+$0x0] =	vst.idx.msk $0xffff, v7  }
0x246: {  	v2 =	vor.u32 v16, v4;
	[tilespmem:v12+s15+$0x0] =	vst.idx.msk $0xffff, v8;
	v12 =	vor.u32 v26, v4;
	v26 =	vld [tilespmem:$0x1FF90]  }
0x247: {  	[tilespmem:v3+s15+$0x0] =	vst.idx.msk $0xffff, v10;
	v3 =	vor.u32 v24, v4;
	v24 =	vld [tilespmem:$0x1FF60]  }
0x248: {  	v11 =	vor.u32 v39, v0;
	v10 =	vor.u32 v40, v0;
	v40 =	vmov v39;
	v39 =	vld [tilespmem:$0x1FC20]  }
0x249: {  	v15 =	vor.u32 v33, v4;
	v1 =	vld.idx.msk [tilespmem:v1+s14+$0x0], $0xffff  }
0x24a: {  	v8 =	vld.idx.msk [tilespmem:v14+s14+$0x0], $0xffff  }
0x24b: {  	v2 =	vld.idx.msk [tilespmem:v2+s14+$0x0], $0xffff  }
0x24c: {  	v6 =	vld.idx.msk [tilespmem:v12+s14+$0x0], $0xffff;
	v13 =	vor.u32 v24, v4  }
0x24d: {  	v9 =	vor.u32 v26, v0;
	v12 =	vor.u32 v19, v0;
	v19 =	vld [tilespmem:$0x1FFD0];
	v4 =	vor.u32 v25, v4  }
0x24e: {  	v5 =	vld.idx.msk [tilespmem:v15+s14+$0x0], $0xffff  }
0x24f: {  	v15 =	vor.u32 v23, v0;
	v23 =	vld [tilespmem:$0x1FFF0]  }
0x250: {  	v3 =	vld.idx.msk [tilespmem:v3+s14+$0x0], $0xffff  }
0x251: {  	v7 =	vld.idx.msk [tilespmem:v13+s14+$0x0], $0xffff  }
0x252: {  	s30 =	sadd.s32 $0x2, s21;
	v4 =	vld.idx.msk [tilespmem:v4+s14+$0x0], $0xffff;
	v13 =	vor.u32 v19, v0;
	[tilespmem:v9+s15+$0x0] =	vst.idx.msk $0xffff, v1;
	v1 =	vlaneseq.u32  }
0x253: {  	v1 =	vadd.s32 s30, v1  }
0x254: {  	[tilespmem:v10+s15+$0x0] =	vst.idx.msk $0xffff, v2;
	v2 =	vor.u32 v23, v0;
	v10 =	vand.u32 $0xF, v1  }
0x255: {  	v14 =	vlaneseq.u32;
	v0 =	vor.u32 v39, v0;
	[tilespmem:v11+s15+$0x0] =	vst.idx.msk $0xffff, v5;
	v5 =	vshll.u32 v10, $0x7  }
0x256: {  	[tilespmem:v12+s15+$0x0] =	vst.idx.msk $0xffff, v6;
	v6 =	vor.u32 v14, v5  }
0x257: {  	v9 =	vor.u32 v57, v5;
	[tilespmem:v13+s15+$0x0] =	vst.idx.msk $0xffff, v3  }
0x258: {  	v3 =	vor.u32 v58, v5;
	[tilespmem:v15+s15+$0x0] =	vst.idx.msk $0xffff, v7  }
0x259: {  	v15 =	vor.u32 v49, v5;
	[tilespmem:v2+s15+$0x0] =	vst.idx.msk $0xffff, v8  }
0x25a: {  	v2 =	vor.u32 v48, v5;
	[tilespmem:v0+s15+$0x0] =	vst.idx.msk $0xffff, v4  }
0x25b: {  	v8 =	vor.u32 v56, v5;
	v4 =	vld.idx.msk [tilespmem:v6+s14+$0x0], $0xffff  }
0x25c: {  	v0 =	vor.u32 v55, v5;
	v9 =	vld.idx.msk [tilespmem:v9+s14+$0x0], $0xffff  }
0x25d: {  	v6 =	vor.u32 v46, v5;
	v3 =	vld.idx.msk [tilespmem:v3+s14+$0x0], $0xffff  }
0x25e: {  	v11 =	vor.u32 v51, v10;
	v7 =	vld.idx.msk [tilespmem:v15+s14+$0x0], $0xffff  }
0x25f: {  	v2 =	vld.idx.msk [tilespmem:v2+s14+$0x0], $0xffff  }
0x260: {  	v8 =	vld.idx.msk [tilespmem:v8+s14+$0x0], $0xffff  }
0x261: {  	v0 =	vld.idx.msk [tilespmem:v0+s14+$0x0], $0xffff  }
0x262: {  	v6 =	vld.idx.msk [tilespmem:v6+s14+$0x0], $0xffff  }
0x263: {  	v12 =	vor.u32 v44, v10;
	[tilespmem:v11+s15+$0x0] =	vst.idx.msk $0xffff, v4;
	v11 =	vor.u32 v34, v10;
	v34 =	vld [tilespmem:$0x1FCE0]  }
0x264: {  	v13 =	vor.u32 v42, v10  }
0x265: {  	v14 =	vor.u32 v63, v10  }
0x266: {  	v15 =	vor.u32 v41, v10;
	_ =	sdelay $0x1  }
0x267: {  	[tilespmem:v12+s15+$0x0] =	vst.idx.msk $0xffff, v3;
	v3 =	vor.u32 v34, v10  }
0x268: {  	[tilespmem:v13+s15+$0x0] =	vst.idx.msk $0xffff, v7;
	v13 =	vor.u32 v35, v10  }
0x269: {  	[tilespmem:v14+s15+$0x0] =	vst.idx.msk $0xffff, v2;
	v2 =	vor.u32 v22, v5;
	v22 =	vld [tilespmem:$0x1FD40]  }
0x26a: {  	[tilespmem:v15+s15+$0x0] =	vst.idx.msk $0xffff, v0;
	v0 =	vor.u32 v29, v5;
	v29 =	vld [tilespmem:$0x1FD70]  }
0x26b: {  	v14 =	vor.u32 v30, v5;
	[tilespmem:v11+s15+$0x0] =	vst.idx.msk $0xffff, v6  }
0x26c: {  	v15 =	vor.u32 v31, v5;
	[tilespmem:v3+s15+$0x0] =	vst.idx.msk $0xffff, v8  }
0x26d: {  	v7 =	vor.u32 v32, v5;
	[tilespmem:v13+s15+$0x0] =	vst.idx.msk $0xffff, v9  }
0x26e: {  	v3 =	vor.u32 v22, v5;
	v2 =	vld.idx.msk [tilespmem:v2+s14+$0x0], $0xffff  }
0x26f: {  	v8 =	vor.u32 v29, v5;
	v0 =	vld.idx.msk [tilespmem:v0+s14+$0x0], $0xffff  }
0x270: {  	v30 =	vmovc v31;
	v31 =	vmov v32;
	v32 =	vor.u32 v54, v1;
	v9 =	vor.u32 v60, v5;
	v4 =	vld.idx.msk [tilespmem:v14+s14+$0x0], $0xffff  }
0x271: {  	v12 =	vor.u32 v52, v1;
	v6 =	vld.idx.msk [tilespmem:v15+s14+$0x0], $0xffff  }
0x272: {  	v13 =	vor.u32 v62, v1;
	v7 =	vld.idx.msk [tilespmem:v7+s14+$0x0], $0xffff  }
0x273: {  	v14 =	vor.u32 v50, v1;
	v3 =	vld.idx.msk [tilespmem:v3+s14+$0x0], $0xffff  }
0x274: {  	v15 =	vor.u32 v17, v1;
	v8 =	vld.idx.msk [tilespmem:v8+s14+$0x0], $0xffff  }
0x275: {  	v9 =	vld.idx.msk [tilespmem:v9+s14+$0x0], $0xffff;
	[tilespmem:v32+s15+$0x0] =	vst.idx.msk $0xffff, v2;
	v2 =	vor.u32 v37, v1  }
0x276: {  	[tilespmem:v12+s15+$0x0] =	vst.idx.msk $0xffff, v0;
	v0 =	vor.u32 v21, v1  }
0x277: {  	v21 =	vld [tilespmem:$0x1FE20];
	[tilespmem:v13+s15+$0x0] =	vst.idx.msk $0xffff, v4;
	v13 =	vor.u32 v47, v1  }
0x278: {  	v17 =	vld [tilespmem:$0x1FE40];
	[tilespmem:v14+s15+$0x0] =	vst.idx.msk $0xffff, v3;
	v3 =	vor.u32 v36, v5  }
0x279: {  	[tilespmem:v15+s15+$0x0] =	vst.idx.msk $0xffff, v6;
	v15 =	vor.u32 v45, v5  }
0x27a: {  	v36 =	vld [tilespmem:$0x1FE60];
	[tilespmem:v2+s15+$0x0] =	vst.idx.msk $0xffff, v7  }
0x27b: {  	v45 =	vld [tilespmem:$0x1FE70];
	v2 =	vor.u32 v43, v5;
	[tilespmem:v0+s15+$0x0] =	vst.idx.msk $0xffff, v8  }
0x27c: {  	v14 =	vor.u32 v21, v5;
	[tilespmem:v13+s15+$0x0] =	vst.idx.msk $0xffff, v9  }
0x27d: {  	v0 =	vor.u32 v17, v5;
	v3 =	vld.idx.msk [tilespmem:v3+s14+$0x0], $0xffff  }
0x27e: {  	v9 =	vor.u32 v27, v5;
	v4 =	vld.idx.msk [tilespmem:v15+s14+$0x0], $0xffff  }
0x27f: {  	v7 =	vor.u32 v36, v5;
	v15 =	vor.u32 v20, v10;
	v20 =	vld [tilespmem:$0x1FEE0]  }
0x280: {  	v8 =	vor.u32 v45, v5;
	v2 =	vld.idx.msk [tilespmem:v2+s14+$0x0], $0xffff  }
0x281: {  	v32 =	vmov v37;
	v37 =	vor.u32 v28, v10;
	v6 =	vld.idx.msk [tilespmem:v14+s14+$0x0], $0xffff  }
0x282: {  	v0 =	vld.idx.msk [tilespmem:v0+s14+$0x0], $0xffff  }
0x283: {  	v9 =	vld.idx.msk [tilespmem:v9+s14+$0x0], $0xffff  }
0x284: {  	v27 =	vmov v28;
	v28 =	vmov v38;
	v38 =	vor.u32 v38, v10;
	v7 =	vld.idx.msk [tilespmem:v7+s14+$0x0], $0xffff  }
0x285: {  	v13 =	vor.u32 v59, v10;
	v8 =	vld.idx.msk [tilespmem:v8+s14+$0x0], $0xffff  }
0x286: {  	v14 =	vor.u32 v53, v10;
	[tilespmem:v37+s15+$0x0] =	vst.idx.msk $0xffff, v3;
	v37 =	vld [tilespmem:$0x1FEF0];
	_ =	sdelay $0x2  }
0x287: {  	[tilespmem:v38+s15+$0x0] =	vst.idx.msk $0xffff, v6  }
0x288: {  	v12 =	vor.u32 v16, v5;
	v16 =	vld [tilespmem:$0x1FF40];
	v3 =	vor.u32 v20, v10;
	[tilespmem:v13+s15+$0x0] =	vst.idx.msk $0xffff, v2  }
0x289: {  	[tilespmem:v14+s15+$0x0] =	vst.idx.msk $0xffff, v0;
	v14 =	vor.u32 v24, v5;
	v24 =	vld [tilespmem:$0x1FF70];
	v11 =	vor.u32 v37, v10  }
0x28a: {  	v2 =	vor.u32 v61, v10;
	v0 =	vor.u32 v18, v5;
	v18 =	vld [tilespmem:$0x1FF50];
	_ =	sdelay $0x1  }
0x28b: {  	[tilespmem:v15+s15+$0x0] =	vst.idx.msk $0xffff, v4  }
0x28c: {  	[tilespmem:v3+s15+$0x0] =	vst.idx.msk $0xffff, v7;
	v3 =	vor.u32 v33, v5  }
0x28d: {  	v13 =	vor.u32 v16, v5;
	v33 =	vld [tilespmem:$0x1FFA0];
	v15 =	vor.u32 v24, v5;
	[tilespmem:v11+s15+$0x0] =	vst.idx.msk $0xffff, v8  }
0x28e: {  	[tilespmem:v2+s15+$0x0] =	vst.idx.msk $0xffff, v9;
	v2 =	vor.u32 v18, v5;
	v5 =	vor.u32 v25, v5;
	v25 =	vld [tilespmem:$0x1FFC0]  }
0x28f: {  	v0 =	vld.idx.msk [tilespmem:v0+s14+$0x0], $0xffff  }
0x290: {  	v4 =	vld.idx.msk [tilespmem:v12+s14+$0x0], $0xffff  }
0x291: {  	v3 =	vld.idx.msk [tilespmem:v3+s14+$0x0], $0xffff  }
0x292: {  	v9 =	vor.u32 v26, v1;
	v6 =	vld.idx.msk [tilespmem:v13+s14+$0x0], $0xffff  }
0x293: {  	v38 =	vmov v19;
	v13 =	vor.u32 v19, v1;
	v19 =	vld [tilespmem:$0x1FFE0]  }
0x294: {  	v10 =	vor.u32 v33, v1;
	v7 =	vld.idx.msk [tilespmem:v14+s14+$0x0], $0xffff  }
0x295: {  	v11 =	vor.u32 v40, v1;
	v8 =	vld.idx.msk [tilespmem:v15+s14+$0x0], $0xffff  }
0x296: {  	v2 =	vld.idx.msk [tilespmem:v2+s14+$0x0], $0xffff;
	v12 =	vor.u32 v25, v1  }
0x297: {  	s31 =	sadd.s32 $0x3, s21;
	v5 =	vld.idx.msk [tilespmem:v5+s14+$0x0], $0xffff;
	[tilespmem:v9+s15+$0x0] =	vst.idx.msk $0xffff, v0;
	v0 =	vlaneseq.u32  }
0x298: {  	v26 =	vor.u32 v19, v1;
	v0 =	vadd.s32 s31, v0  }
0x299: {  	v14 =	vor.u32 v23, v1;
	[tilespmem:v10+s15+$0x0] =	vst.idx.msk $0xffff, v4;
	v10 =	vand.u32 $0xF, v0  }
0x29a: {  	v15 =	vlaneseq.u32;
	v1 =	vor.u32 v39, v1;
	[tilespmem:v11+s15+$0x0] =	vst.idx.msk $0xffff, v3;
	v3 =	vshll.u32 v10, $0x7  }
0x29b: {  	[tilespmem:v12+s15+$0x0] =	vst.idx.msk $0xffff, v6;
	v6 =	vor.u32 v15, v3  }
0x29c: {  	v56 =	vor.u32 v56, v3;
	[tilespmem:v13+s15+$0x0] =	vst.idx.msk $0xffff, v2  }
0x29d: {  	v2 =	vor.u32 v58, v3;
	[tilespmem:v26+s15+$0x0] =	vst.idx.msk $0xffff, v7  }
0x29e: {  	v26 =	vor.u32 v49, v3;
	[tilespmem:v14+s15+$0x0] =	vst.idx.msk $0xffff, v8  }
0x29f: {  	v57 =	vor.u32 v57, v3;
	v49 =	vor.u32 v48, v3;
	v48 =	vld [tilespmem:$0x1FCF0];
	[tilespmem:v1+s15+$0x0] =	vst.idx.msk $0xffff, v5  }
0x2a0: {  	v5 =	vld.idx.msk [tilespmem:v6+s14+$0x0], $0xffff  }
0x2a1: {  	v1 =	vor.u32 v55, v3;
	v8 =	vld.idx.msk [tilespmem:v56+s14+$0x0], $0xffff  }
0x2a2: {  	v58 =	vor.u32 v51, v10;
	v55 =	vor.u32 v46, v3;
	v2 =	vld.idx.msk [tilespmem:v2+s14+$0x0], $0xffff  }
0x2a3: {  	v7 =	vld.idx.msk [tilespmem:v26+s14+$0x0], $0xffff;
	v26 =	vor.u32 v44, v10  }
0x2a4: {  	v42 =	vor.u32 v42, v10;
	v9 =	vld.idx.msk [tilespmem:v57+s14+$0x0], $0xffff  }
0x2a5: {  	v4 =	vld.idx.msk [tilespmem:v49+s14+$0x0], $0xffff;
	v44 =	vor.u32 v63, v10  }
0x2a6: {  	v46 =	vor.u32 v41, v10;
	v1 =	vld.idx.msk [tilespmem:v1+s14+$0x0], $0xffff  }
0x2a7: {  	v6 =	vld.idx.msk [tilespmem:v55+s14+$0x0], $0xffff;
	[tilespmem:v58+s15+$0x0] =	vst.idx.msk $0xffff, v5  }
0x2a8: {  	v51 =	vld [tilespmem:$0x1FD00];
	[tilespmem:v26+s15+$0x0] =	vst.idx.msk $0xffff, v2  }
0x2a9: {  	[tilespmem:v42+s15+$0x0] =	vst.idx.msk $0xffff, v7  }
0x2aa: {  	v5 =	vor.u32 v48, v10;
	[tilespmem:v44+s15+$0x0] =	vst.idx.msk $0xffff, v4  }
0x2ab: {  	v2 =	vor.u32 v34, v10;
	[tilespmem:v46+s15+$0x0] =	vst.idx.msk $0xffff, v1;
	v1 =	vld [tilespmem:$0x1FD20]  }
0x2ac: {  	v49 =	vor.u32 v35, v10;
	v55 =	vld [tilespmem:$0x1FD30]  }
0x2ad: {  	v4 =	vor.u32 v51, v3  }
0x2ae: {  	v56 =	vor.u32 v30, v3  }
0x2af: {  	v57 =	vor.u32 v31, v3;
	[tilespmem:v5+s15+$0x0] =	vst.idx.msk $0xffff, v6  }
0x2b0: {  	[tilespmem:v2+s15+$0x0] =	vst.idx.msk $0xffff, v8;
	v1 =	vor.u32 v1, v3  }
0x2b1: {  	v30 =	vld [tilespmem:$0x1FDD0];
	v5 =	vor.u32 v55, v3;
	[tilespmem:v49+s15+$0x0] =	vst.idx.msk $0xffff, v9  }
0x2b2: {  	v2 =	vor.u32 v22, v3;
	v4 =	vld.idx.msk [tilespmem:v4+s14+$0x0], $0xffff  }
0x2b3: {  	v58 =	vor.u32 v29, v3;
	v6 =	vld.idx.msk [tilespmem:v56+s14+$0x0], $0xffff  }
0x2b4: {  	v60 =	vor.u32 v60, v3;
	v63 =	vor.u32 v54, v0;
	v7 =	vld.idx.msk [tilespmem:v57+s14+$0x0], $0xffff  }
0x2b5: {  	v22 =	vor.u32 v52, v0;
	v1 =	vld.idx.msk [tilespmem:v1+s14+$0x0], $0xffff  }
0x2b6: {  	v26 =	vor.u32 v62, v0;
	v5 =	vld.idx.msk [tilespmem:v5+s14+$0x0], $0xffff  }
0x2b7: {  	v29 =	vor.u32 v50, v0;
	v2 =	vld.idx.msk [tilespmem:v2+s14+$0x0], $0xffff  }
0x2b8: {  	v8 =	vld.idx.msk [tilespmem:v58+s14+$0x0], $0xffff  }
0x2b9: {  	v9 =	vld.idx.msk [tilespmem:v60+s14+$0x0], $0xffff;
	[tilespmem:v63+s15+$0x0] =	vst.idx.msk $0xffff, v4  }
0x2ba: {  	[tilespmem:v22+s15+$0x0] =	vst.idx.msk $0xffff, v1;
	v1 =	vld [tilespmem:$0x1FDF0]  }
0x2bb: {  	[tilespmem:v26+s15+$0x0] =	vst.idx.msk $0xffff, v5  }
0x2bc: {  	[tilespmem:v29+s15+$0x0] =	vst.idx.msk $0xffff, v2;
	v2 =	vld [tilespmem:$0x1FE10]  }
0x2bd: {  	v15 =	vor.u32 v30, v0  }
0x2be: {  	v31 =	vor.u32 v32, v0  }
0x2bf: {  	v41 =	vld [tilespmem:$0x1FE50];
	v1 =	vor.u32 v1, v0  }
0x2c0: {  	v32 =	vor.u32 v47, v0  }
0x2c1: {  	v2 =	vor.u32 v2, v3  }
0x2c2: {  	v34 =	vor.u32 v21, v3;
	[tilespmem:v15+s15+$0x0] =	vst.idx.msk $0xffff, v6  }
0x2c3: {  	v35 =	vor.u32 v43, v3;
	v44 =	vld [tilespmem:$0x1FE80];
	[tilespmem:v31+s15+$0x0] =	vst.idx.msk $0xffff, v7  }
0x2c4: {  	v5 =	vor.u32 v41, v3;
	[tilespmem:v1+s15+$0x0] =	vst.idx.msk $0xffff, v8  }
0x2c5: {  	v42 =	vor.u32 v36, v3;
	v49 =	vld [tilespmem:$0x1FED0];
	[tilespmem:v32+s15+$0x0] =	vst.idx.msk $0xffff, v9  }
0x2c6: {  	v1 =	vor.u32 v17, v3;
	v2 =	vld.idx.msk [tilespmem:v2+s14+$0x0], $0xffff  }
0x2c7: {  	v43 =	vor.u32 v45, v3;
	v6 =	vld.idx.msk [tilespmem:v34+s14+$0x0], $0xffff  }
0x2c8: {  	v45 =	vor.u32 v27, v10;
	v9 =	vor.u32 v44, v3;
	v4 =	vld.idx.msk [tilespmem:v35+s14+$0x0], $0xffff  }
0x2c9: {  	v46 =	vor.u32 v28, v10;
	v5 =	vld.idx.msk [tilespmem:v5+s14+$0x0], $0xffff  }
0x2ca: {  	v47 =	vor.u32 v59, v10;
	v7 =	vld.idx.msk [tilespmem:v42+s14+$0x0], $0xffff  }
0x2cb: {  	v48 =	vor.u32 v53, v10;
	v1 =	vld.idx.msk [tilespmem:v1+s14+$0x0], $0xffff  }
0x2cc: {  	v15 =	vor.u32 v49, v10;
	v8 =	vld.idx.msk [tilespmem:v43+s14+$0x0], $0xffff  }
0x2cd: {  	v9 =	vld.idx.msk [tilespmem:v9+s14+$0x0], $0xffff;
	[tilespmem:v45+s15+$0x0] =	vst.idx.msk $0xffff, v2;
	v2 =	vor.u32 v20, v10  }
0x2ce: {  	[tilespmem:v46+s15+$0x0] =	vst.idx.msk $0xffff, v6  }
0x2cf: {  	[tilespmem:v47+s15+$0x0] =	vst.idx.msk $0xffff, v4  }
0x2d0: {  	[tilespmem:v48+s15+$0x0] =	vst.idx.msk $0xffff, v1;
	v1 =	vld [tilespmem:$0x1FF10]  }
0x2d1: {  	v50 =	vor.u32 v37, v10;
	v52 =	vld [tilespmem:$0x1FF20];
	[tilespmem:v15+s15+$0x0] =	vst.idx.msk $0xffff, v5  }
0x2d2: {  	v51 =	vor.u32 v61, v10;
	[tilespmem:v2+s15+$0x0] =	vst.idx.msk $0xffff, v7;
	v2 =	vld [tilespmem:$0x1FF30]  }
0x2d3: {  	v53 =	vor.u32 v16, v3;
	v55 =	vld [tilespmem:$0x1FF60]  }
0x2d4: {  	v54 =	vor.u32 v18, v3;
	v57 =	vld [tilespmem:$0x1FF80]  }
0x2d5: {  	v58 =	vld [tilespmem:$0x1FF90];
	v1 =	vor.u32 v1, v3  }
0x2d6: {  	v5 =	vor.u32 v52, v3;
	[tilespmem:v50+s15+$0x0] =	vst.idx.msk $0xffff, v8  }
0x2d7: {  	[tilespmem:v51+s15+$0x0] =	vst.idx.msk $0xffff, v9;
	v2 =	vor.u32 v2, v3  }
0x2d8: {  	v56 =	vor.u32 v24, v3;
	v6 =	vld.idx.msk [tilespmem:v53+s14+$0x0], $0xffff  }
0x2d9: {  	v7 =	vor.u32 v55, v3;
	v4 =	vld.idx.msk [tilespmem:v54+s14+$0x0], $0xffff  }
0x2da: {  	v9 =	vor.u32 v58, v0;
	v3 =	vor.u32 v57, v3;
	v1 =	vld.idx.msk [tilespmem:v1+s14+$0x0], $0xffff  }
0x2db: {  	v59 =	vor.u32 v33, v0;
	v5 =	vld.idx.msk [tilespmem:v5+s14+$0x0], $0xffff  }
0x2dc: {  	v60 =	vor.u32 v40, v0;
	v2 =	vld.idx.msk [tilespmem:v2+s14+$0x0], $0xffff  }
0x2dd: {  	v61 =	vor.u32 v25, v0;
	v8 =	vld.idx.msk [tilespmem:v56+s14+$0x0], $0xffff  }
0x2de: {  	v62 =	vor.u32 v38, v0;
	v7 =	vld.idx.msk [tilespmem:v7+s14+$0x0], $0xffff  }
0x2df: {  	v3 =	vld.idx.msk [tilespmem:v3+s14+$0x0], $0xffff;
	[tilespmem:v9+s15+$0x0] =	vst.idx.msk $0xffff, v1;
	v1 =	vor.u32 v19, v0  }
0x2e0: {  	v63 =	vor.u32 v23, v0;
	[tilespmem:v59+s15+$0x0] =	vst.idx.msk $0xffff, v5  }
0x2e1: {  	p0 =	slt.u32 s21, $0xC;
	v0 =	vor.u32 v39, v0;
	[tilespmem:v60+s15+$0x0] =	vst.idx.msk $0xffff, v2  }
.Ltmp9:
0x2e2: {  	[tilespmem:v61+s15+$0x0] =	vst.idx.msk $0xffff, v6;
	(pc) =	sbr.rel @p0 .LBB2_9-.Ltmp9, $4  }
0x2e3: {  	[tilespmem:v62+s15+$0x0] =	vst.idx.msk $0xffff, v4  }
0x2e4: {  	[tilespmem:v1+s15+$0x0] =	vst.idx.msk $0xffff, v7  }
0x2e5: {  	[tilespmem:v63+s15+$0x0] =	vst.idx.msk $0xffff, v8  }
0x2e6: {  	s21 =	sadd.s32 $0x4, s21;
	[tilespmem:v0+s15+$0x0] =	vst.idx.msk $0xffff, v3;
	v0 =	vlaneseq.u32  }
.Ltmp10:
0x2e7: {  	(pc) =	sbr.rel .LBB2_11-.Ltmp10, $4  }
0x2e8: {  	_ = 	snop  }
0x2e9: {  	s20 =	sshll.u32 s20, $0xA  }
0x2ea: {  	s20 =	sadd.s32 s5, s20  }
0x2eb: {  	[hbm4b:s20+s3] =	stream.linear.scatter [tilespmem:s15], [sflag:$0x4], $0x2000, $0x38;
	[tilespmem:$0x8000] =	vst v63  }
.LBB2_13:
0x2ec: {  	_ =	sfence.sel $0x180000  }
0x2ed: {  	[bflag:$0x0] =	sbarrier.arrive $0xFFFF  }
0x2ee: {  	p0 =	sne.s32 s2, $0x0;
	_ =	strace $0x90000047  }
0x2ef: {  	s0 =	sadd.s32 @!p0 $0x100000, s1;
	[bflag:$0x2] =	sbarrier.arrive $0xFFFF  }
0x2f0: {  	[sflag:s0] =	ssyncadd.tile.s32 @!p0 $0x1;
	_ =	shalt  }
.Lfunc_end2:
_tile_overlayer_lowered:
.L_overlay_start_2:
0x2f1: {  	(tag) =	ssettag $0x2  }
0x2f2: {  	s0 =	rddreg [dreg:$0x0];
	s2 =	stileid.u32  }
0x2f3: {  	s1 =	rddreg [dreg:$0x1];
	p0 =	sne.s32 s2, $0x0  }
0x2f4: {  	s3 =	rddreg [dreg:$0x2];
	[bflag:$0x3] =	sbarrier.arrive $0xFFFF;
	s2 =	simm.s32 @!p0 $0x1C05  }
0x2f5: {  	[timem:s3], [sflag:s2] =	dma.local @!p0 [hbm:s0], s1  }
0x2f6: {  	s0 =	simm.s32 @!p0 $0x5  }
0x2f7: {  	_ =	swait.ge @!p0 [sflag:s0], s1  }
0x2f8: {  	s1 =	ssub.s32 @!p0 $0x0, s1;
	[sflag:s0] =	ssyncset.done @!p0 $0x0  }
0x2f9: {  	[sflag:s0] =	ssyncadd.s32 @!p0 s1  }
0x2fa: {  	[bflag:$0x3] =	sbarrier.arrive $0xFFFF  }
0x2fb: {  	_ =	shalt  }

// kernel: kernel.7.cloned.1.call-start
scs
__scs_entry_jumppad:
0x0: {  	(pc) =	sbr.rel $0x88, $3  }
0x1: {  	(tag) =	ssettag $0x0;
	lr =	simm.s32 $0x1  }
0x2: {  	[smem:$0x3F9F] =	sst lr;
	_ =	strace $0xD0000000  }
0x3: {  	_ = 	snop  }
0x4: {  	_ = 	snop  }
0x5: {  	_ = 	snop  }
0x6: {  	_ = 	snop  }
0x7: {  	_ = 	snop  }
__scs_overlays_trampoline_lowered:
0x8: {  	[smem:$0x3FAE] =	sst s0  }
0x9: {  	[smem:$0x3FAF] =	sst s1  }
0xa: {  	[smem:$0x3FB0] =	sst s2  }
0xb: {  	[smem:$0x3FB1] =	sst s3  }
0xc: {  	[smem:$0x3FB2] =	sst s4  }
0xd: {  	[smem:$0x3FB3] =	sst s5  }
0xe: {  	[smem:$0x3FB4] =	sst s6  }
0xf: {  	[smem:$0x3FB5] =	sst s7  }
0x10: {  	[smem:$0x3FB6] =	sst s8  }
0x11: {  	[smem:$0x3FB7] =	sst s9;
	s0 =	simm.s32 @!p0 $0x0  }
0x12: {  	s1 =	sld [smem:$0x3F9D];
	s0 =	simm.s32 @p0 $0x1  }
0x13: {  	[smem:$0x3FB8] =	sst s0;
	s0 =	simm.s32 @!p1 $0x0  }
0x14: {  	s2 =	sld [smem:$0x3F9C];
	s0 =	simm.s32 @p1 $0x1  }
0x15: {  	[smem:$0x3FB9] =	sst s0;
	s0 =	simm.s32 @!p2 $0x0  }
0x16: {  	s3 =	sld [smem:$0x3FDB];
	s0 =	simm.s32 @p2 $0x1  }
0x17: {  	s4 =	simm.s32 $0x1BF5;
	[smem:$0x3FBB] =	sst s0  }
0x18: {  	s0 =	sld [smem:$0x3F9E];
	_ =	swait.ge [sflag:s4], $0x0  }
0x19: {  	s7 =	sld [smem:$0x3F9F]  }
0x1a: {  	s8 =	sadd.s32 $0xFFFFE003, lr  }
0x1b: {  	s9 =	sadd.s32 $0xFFFFFEF7, lr;
	s5 =	simm.s32 $0xFFFFFFFF;
	p2 =	slt.u32 s8, $0xFFFFF086  }
0x1c: {  	p1 =	slt.u32 s9, $0xF7A;
	s5 =	simm.s32 @!p2 $0x0  }
0x1d: {  	s5 =	simm.s32 @p1 $0x1;
	p0 =	seq.s32 s7, s2  }
0x1e: {  	s7 =	smul.u32 @!p0 $0xF7A, s2;
	p2 =	seq.s32 @!p0 s5, $0x0  }
0x1f: {  	s9 =	smul.u32 $0xF7A, s1;
	s8 =	simm.s32 @!p0 $0x1BF5;
	p2 =	por !p2, p0  }
0x20: {  	[sflag:s8] =	ssyncset.s32 @!p0 $0xFFFFF086;
	s6 =	sadd.s32 @!p0 s3, s7;
	s7 =	simm.s32 @!p0 $0x108  }
0x21: {  	s3 =	sadd.s32 s3, s9;
	s6 =	sadd.s32 @!p0 $0x88, s6;
	s7 =	simm.s32 @p2 $0x1082  }
0x22: {  	[simem:s7], [sflag:s8] =	dma.local @!p0 [hbm:s6], $0xF7A  }
0x23: {  	s9 =	sor.u32 $0xD0000000, s2;
	s6 =	simm.s32 $0x108;
	_ =	swait.ge @!p0 [sflag:s8], $0x0  }
0x24: {  	s3 =	sadd.s32 $0x88, s3;
	s6 =	simm.s32 @!p1 $0x1082;
	[sflag:s4] =	ssyncset.s32 $0xFFFFF086  }
0x25: {  	[simem:s6], [sflag:s4] =	dma.local [hbm:s3], $0xF7A  }
0x26: {  	[smem:$0x3F9F] =	sst s1;
	(tag) =	ssettag s2;
	_ =	strace s9  }
0x27: {  	s1 =	sld [smem:$0x3FAF]  }
0x28: {  	s2 =	sld [smem:$0x3FB0]  }
0x29: {  	s4 =	sld [smem:$0x3FB2]  }
0x2a: {  	p0 =	seq.s32 s5, $0x0;
	s5 =	sld [smem:$0x3FB3]  }
0x2b: {  	s6 =	sld [smem:$0x3FB4]  }
0x2c: {  	s7 =	sld [smem:$0x3FB5]  }
0x2d: {  	s3 =	simm.s32 $0x108;
	s8 =	sld [smem:$0x3FB6]  }
0x2e: {  	s3 =	simm.s32 @!p0 $0x1082;
	s9 =	sld [smem:$0x3FB7]  }
0x2f: {  	lr =	sadd.s32 s0, s3;
	s0 =	sld [smem:$0x3FAE]  }
0x30: {  	s3 =	sld [smem:$0x3FB1]  }
0x31: {  	[smem:$0x3FBA] =	sst s10  }
0x32: {  	s10 =	sld [smem:$0x3FB8];
	_ =	sdelay $0x3  }
0x33: {  	p0 =	seq.s32 s10, $0x1;
	s10 =	sld [smem:$0x3FBA];
	_ =	sdelay $0x3  }
0x34: {  	[smem:$0x3FBA] =	sst s10  }
0x35: {  	s10 =	sld [smem:$0x3FB9];
	_ =	sdelay $0x3  }
0x36: {  	p1 =	seq.s32 s10, $0x1;
	s10 =	sld [smem:$0x3FBA];
	_ =	sdelay $0x3  }
0x37: {  	[smem:$0x3FBA] =	sst s10  }
0x38: {  	s10 =	sld [smem:$0x3FBB]  }
0x39: {  	_ = 	snop;
	(pc) =	sbr.ind lr, $3  }
0x3a: {  	_ = 	snop  }
0x3b: {  	_ = 	snop  }
0x3c: {  	p2 =	seq.s32 s10, $0x1;
	s10 =	sld [smem:$0x3FBA]  }
0x3d: {  	_ =	shalt  }
0x3e: {  	_ =	shalt  }
0x3f: {  	_ =	shalt  }
0x40: {  	_ =	shalt  }
0x41: {  	_ =	shalt  }
0x42: {  	_ =	shalt  }
0x43: {  	_ =	shalt  }
0x44: {  	_ =	shalt  }
0x45: {  	_ =	shalt  }
0x46: {  	_ =	shalt  }
0x47: {  	_ =	shalt  }
0x48: {  	_ =	shalt  }
0x49: {  	_ =	shalt  }
0x4a: {  	_ =	shalt  }
0x4b: {  	_ =	shalt  }
0x4c: {  	_ =	shalt  }
0x4d: {  	_ =	shalt  }
0x4e: {  	_ =	shalt  }
0x4f: {  	_ =	shalt  }
0x50: {  	_ =	shalt  }
0x51: {  	_ =	shalt  }
0x52: {  	_ =	shalt  }
0x53: {  	_ =	shalt  }
0x54: {  	_ =	shalt  }
0x55: {  	_ =	shalt  }
0x56: {  	_ =	shalt  }
0x57: {  	_ =	shalt  }
0x58: {  	_ =	shalt  }
0x59: {  	_ =	shalt  }
0x5a: {  	_ =	shalt  }
0x5b: {  	_ =	shalt  }
0x5c: {  	_ =	shalt  }
0x5d: {  	_ =	shalt  }
0x5e: {  	_ =	shalt  }
0x5f: {  	_ =	shalt  }
0x60: {  	_ =	shalt  }
0x61: {  	_ =	shalt  }
0x62: {  	_ =	shalt  }
0x63: {  	_ =	shalt  }
0x64: {  	_ =	shalt  }
0x65: {  	_ =	shalt  }
0x66: {  	_ =	shalt  }
0x67: {  	_ =	shalt  }
0x68: {  	_ =	shalt  }
0x69: {  	_ =	shalt  }
0x6a: {  	_ =	shalt  }
0x6b: {  	_ =	shalt  }
0x6c: {  	_ =	shalt  }
0x6d: {  	_ =	shalt  }
0x6e: {  	_ =	shalt  }
0x6f: {  	_ =	shalt  }
0x70: {  	_ =	shalt  }
0x71: {  	_ =	shalt  }
0x72: {  	_ =	shalt  }
0x73: {  	_ =	shalt  }
0x74: {  	_ =	shalt  }
0x75: {  	_ =	shalt  }
0x76: {  	_ =	shalt  }
0x77: {  	_ =	shalt  }
0x78: {  	_ =	shalt  }
0x79: {  	_ =	shalt  }
0x7a: {  	_ =	shalt  }
0x7b: {  	_ =	shalt  }
0x7c: {  	_ =	shalt  }
0x7d: {  	_ =	shalt  }
0x7e: {  	_ =	shalt  }
0x7f: {  	_ =	shalt  }
0x80: {  	_ =	shalt  }
0x81: {  	_ =	shalt  }
0x82: {  	_ =	shalt  }
0x83: {  	_ =	shalt  }
0x84: {  	_ =	shalt  }
0x85: {  	_ =	shalt  }
0x86: {  	_ =	shalt  }
0x87: {  	_ =	shalt  }
.Lfunc_end0:
.L_simem_size_0:
called_computation.1_lowered:
.L_overlay_start_0:
0x88: {  	s2 =	sld [smem:$0x3FD9]  }
0x89: {  	s3 =	sld [smem:$0x3FFE];
	_ =	sdelay $0x1  }
0x8a: {  	s1 =	srdreg.scid  }
0x8b: {  	s0 =	sand.u32 $0x1, s1  }
0x8c: {  	s17 =	sshll.u32 s0, $0xA;
	s2 =	sadd.s32 s3, s2  }
0x8d: {  	s2 =	sadd.s32 s2, s17  }
0x8e: {  	[smem:$0x3FC6] =	sst s2  }
0x8f: {  	_ = 	snop  }
0x90: {  	s2 =	sld [smem:$0x3FD0];
	(tm) =	ssettm $0x1  }
0x91: {  	s18 =	sld [smem:$0x3FFB];
	_ =	sdelay $0x3  }
0x92: {  	_ =	strace s18  }
0x93: {  	s3 =	sld [smem:$0x3FFC];
	_ =	sdelay $0x3  }
0x94: {  	_ =	strace s3  }
0x95: {  	s3 =	sld [smem:$0x3FFD];
	_ =	sdelay $0x3  }
0x96: {  	_ =	strace s3  }
0x97: {  	_ =	strace $0x8FFFFFFF  }
0x98: {  	s19 =	sld [smem:$0x3FDB];
	_ =	sdelay $0x1  }
0x99: {  	s4 =	simm.s32 $_scs_section_size  }
0x9a: {  	s5 =	simm.s32 $_size__tile_overlayer_lowered;
	s6 =	simm.s32 $_tile_overlayer_lowered  }
0x9b: {  	s22 =	simm.s32 $0x1BFF;
	s21 =	sshll.u32 s6, $0x1;
	s3 =	sadd.s32 s4, s19  }
0x9c: {  	s7 =	simm.s32 $0x0;
	s20 =	sshll.u32 s5, $0x1;
	s5 =	sadd.s32 s21, s3  }
0x9d: {  	[timem:s7], [sflag:s22] =	dma.local [hbm:s5], s20  }
0x9e: {  	_ =	swait.ge [sflag:s22], s20  }
0x9f: {  	s4 =	ssub.s32 $0x0, s20;
	[sflag:s22] =	ssyncset.done $0x0  }
0xa0: {  	[sflag:s22] =	ssyncadd.s32 s4;
	_ =	sdelay $0x1  }
0xa1: {  	s23 =	simm.s32 $0x1B8B  }
0xa2: {  	_ =	swait.ge [sflag:s23], $0x1  }
0xa3: {  	[sflag:s23] =	ssyncset.done $0x0  }
0xa4: {  	s25 =	simm.s32 $0x1B8E;
	s24 =	sld [smem:$0x3FFE];
	[sflag:s23] =	ssyncadd.s32 $0xFFFFFFFF  }
0xa5: {  	s26 =	simm.s32 $execute0_lowered;
	[smem:$0x3FD2] =	sst s25  }
0xa6: {  	s5 =	sshll.u32 s26, $0x1;
	_ =	strace $0x80000049;
	[dreg:$0x1] =	wrdreg $0xFFFFFFFF  }
0xa7: {  	s28 =	simm.s32 $_size_execute0_lowered;
	s3 =	sadd.s32 s3, s5;
	[dreg:$0x0] =	wrdreg $0x0  }
0xa8: {  	s5 =	sshll.u32 s28, $0x1;
	[dreg:$0x2] =	wrdreg s3  }
0xa9: {  	[dreg:$0x3] =	wrdreg s5  }
0xaa: {  	[dreg:$0x4] =	wrdreg $0xC0  }
0xab: {  	_ =	task [dreg:s7], $0x5FFFF  }
0xac: {  	[dreg:$0x1] =	wrdreg $0xFFFFFFFF  }
0xad: {  	[dreg:$0x0] =	wrdreg $0x60  }
0xae: {  	[dreg:$0x2] =	wrdreg s24  }
0xaf: {  	[dreg:$0x3] =	wrdreg s2  }
0xb0: {  	[dreg:$0x4] =	wrdreg $0x9  }
0xb1: {  	_ =	task.clear_ibuf [dreg:s7], $0x5FFFF;
	_ =	strace $0x90000049  }
0xb2: {  	s29 =	simm.s32 $0x9;
	_ =	strace $0x8000004B  }
0xb3: {  	_ =	swait.ge [sflag:s29], $0x1  }
0xb4: {  	[sflag:s29] =	ssyncadd.s32 $0xFFFFFFFF  }
0xb5: {  	_ =	strace $0x9000004B  }
0xb6: {  	_ =	sfence  }
0xb7: {  	s30 =	sld [smem:$0x0];
	_ =	sdelay $0x2  }
0xb8: {  	s31 =	sshll.u32 s1, $0xD;
	s1 =	sshrl.u32 s1, $0x2  }
0xb9: {  	s3 =	sand.u32 $0x4000, s31;
	s1 =	sadd.s32 s1, s30  }
0xba: {  	s0 =	sor.u32 s3, s0;
	s1 =	sshll.u32 s1, $0x11  }
0xbb: {  	s0 =	sor.u32 s1, s0  }
0xbc: {  	s0 =	sadd.s32 $0x8F2B, s0  }
0xbd: {  	[sflag:s0] =	ssyncadd.remote.s32 $0x1  }
0xbe: {  	_ =	sfence.sel $0xFFFF  }
0xbf: {  	[dreg:$0x0] =	wrdreg $0xFFFFFFFF;
	(pc) =	sbr.abs _section_cstart, $3  }
0xc0: {  	[dreg:$0x1] =	wrdreg $0xFFFFFFFF  }
0xc1: {  	_ =	task.clear_ibuf [dreg:s7], $0x2FFFF;
	_ =	strace $0x9FFFFFFF  }
0xc2: {  	(tm) =	ssettm $0x7FFFFFFF  }
0xc3: {  	_ =	shalt  }
tec
execute0_lowered:
.L_overlay_start_1:
0x0: {  	(tag) =	ssettag $0x1  }
0x1: {  	v0 =	vlaneseq.u32  }
0x2: {  	v3 =	vmul.u32 $0x40, v0  }
0x3: {  	v5 =	vor.u32 $0x70, v0  }
0x4: {  	[tilespmem:$0x1FD80] =	vst v5;
	v5 =	vor.u32 $0x10, v3  }
0x5: {  	s5 =	rddreg [dreg:$0x0];
	[tilespmem:$0x1FD90] =	vst v5;
	v5 =	vor.u32 $0x410, v3  }
0x6: {  	s1 =	rddreg [dreg:$0x1];
	s3 =	simm.s32 $0x0;
	[tilespmem:$0x1FDA0] =	vst v5;
	v5 =	vor.u32 $0x810, v3  }
0x7: {  	[smem:$0x7FF] =	sst s3;
	[tilespmem:$0x1FDB0] =	vst v5;
	v5 =	vor.u32 $0xC10, v3  }
0x8: {  	s0 =	rddreg [dreg:$0x2];
	v44 =	vor.u32 $0x400, v3;
	_ =	strace $0x8000004A;
	[tilespmem:$0x1FDC0] =	vst v5  }
0x9: {  	v46 =	vor.u32 $0xC00, v3;
	[tilespmem:$0x1FF00] =	vst v44  }
0xa: {  	v49 =	vor.u32 $0x1400, v3;
	[tilespmem:$0x1FF10] =	vst v46  }
0xb: {  	[tilespmem:$0x1FF20] =	vst v49  }
0xc: {  	v56 =	vor.u32 $0x40, v0;
	[tilespmem:$0x1FF30] =	vst v3  }
0xd: {  	v47 =	vor.u32 $0x50, v0;
	[tilespmem:$0x1FF40] =	vst v56  }
0xe: {  	v57 =	vor.u32 $0x60, v0;
	[tilespmem:$0x1FF50] =	vst v47  }
0xf: {  	v45 =	vor.u32 $0x800, v3;
	[tilespmem:$0x1FF60] =	vst v57  }
0x10: {  	v48 =	vor.u32 $0x1000, v3;
	[tilespmem:$0x1FF70] =	vst v45  }
0x11: {  	v50 =	vor.u32 $0x1800, v3;
	[tilespmem:$0x1FF80] =	vst v48  }
0x12: {  	v52 =	vor.u32 $0x1C00, v3;
	[tilespmem:$0x1FF90] =	vst v50  }
0x13: {  	v51 =	vand.u32 $0x7, v0;
	[tilespmem:$0x1FFA0] =	vst v52  }
0x14: {  	v4 =	vor.u32 $0x10, v0;
	[tilespmem:$0x1FFB0] =	vst v51  }
0x15: {  	v59 =	vor.u32 $0x30, v3;
	[tilespmem:$0x1FFC0] =	vst v4  }
0x16: {  	v61 =	vor.u32 $0x430, v3;
	[tilespmem:$0x1FFD0] =	vst v59  }
0x17: {  	v62 =	vor.u32 $0x830, v3;
	[tilespmem:$0x1FFE0] =	vst v61  }
0x18: {  	v5 =	vor.u32 $0x1010, v3;
	[tilespmem:$0x1FFF0] =	vst v62  }
0x19: {  	[tilespmem:$0x1FDD0] =	vst v5;
	v5 =	vor.u32 $0x1410, v3  }
0x1a: {  	[tilespmem:$0x1FDE0] =	vst v5;
	v5 =	vor.u32 $0x1810, v3  }
0x1b: {  	[tilespmem:$0x1FDF0] =	vst v5;
	v5 =	vor.u32 $0x1C10, v3  }
0x1c: {  	[tilespmem:$0x1FE00] =	vst v5;
	v5 =	vor.u32 $0x800, v51  }
0x1d: {  	[tilespmem:$0x1FE10] =	vst v5;
	v5 =	vor.u32 $0x20, v3  }
0x1e: {  	[tilespmem:$0x1FE20] =	vst v5;
	v5 =	vor.u32 $0x420, v3  }
0x1f: {  	[tilespmem:$0x1FE30] =	vst v5;
	v5 =	vor.u32 $0x820, v3  }
0x20: {  	[tilespmem:$0x1FE40] =	vst v5;
	v5 =	vor.u32 $0xC20, v3  }
0x21: {  	[tilespmem:$0x1FE50] =	vst v5;
	v5 =	vor.u32 $0x1020, v3  }
0x22: {  	s4 =	srdreg.scid;
	s2 =	stileid.u32;
	[tilespmem:$0x1FE60] =	vst v5;
	v5 =	vor.u32 $0x1420, v3  }
0x23: {  	s10 =	simm.s32 $0x1;
	s11 =	simm.s32 $0x80;
	s12 =	simm.s32 $0x6400;
	[tilespmem:$0x1FE70] =	vst v5;
	v5 =	vor.u32 $0x1820, v3  }
0x24: {  	s13 =	simm.s32 $0x8400;
	s14 =	simm.s32 $0x2;
	s15 =	simm.s32 $0xA400;
	[tilespmem:$0x1FE80] =	vst v5;
	v5 =	vor.u32 $0x1C20, v3  }
0x25: {  	s16 =	simm.s32 $0x400;
	s17 =	simm.s32 $0x20000;
	s18 =	simm.s32 $0x3;
	[tilespmem:$0x1FE90] =	vst v5;
	v5 =	vor.u32 $0x1000, v51  }
0x26: {  	s19 =	simm.s32 $0x5;
	s20 =	simm.s32 $0xC400;
	s21 =	simm.s32 $0x4;
	[tilespmem:$0x1FEA0] =	vst v5;
	v5 =	vor.u32 $0x1030, v3  }
0x27: {  	s22 =	simm.s32 $0x0;
	s4 =	sand.u32 $0x1, s4;
	s6 =	sshll.u32 s2, $0x1;
	[tilespmem:$0x1FEB0] =	vst v5;
	v5 =	vor.u32 $0x1430, v3  }
0x28: {  	s6 =	sor.u32 s4, s6;
	s7 =	ssub.s32 $0x2, s4;
	s4 =	sadd.s32 $0xA00, s5;
	[tilespmem:$0x1FEC0] =	vst v5;
	v5 =	vor.u32 $0x1830, v3  }
0x29: {  	s8 =	sshll.u32 s6, $0x6;
	s9 =	sshrl.u32 s7, $0x1;
	s6 =	sshll.u32 s6, $0x2;
	[tilespmem:$0x1FED0] =	vst v5;
	v5 =	vor.u32 $0x1C30, v3  }
0x2a: {  	v1 =	vor.u32 $0x20, v0;
	s5 =	sadd.s32 s8, s5;
	s7 =	ssub.s32 s7, s9;
	s8 =	simm.s32 $0x200;
	[tilespmem:$0x1FEE0] =	vst v5;
	v5 =	vor.u32 $0x1800, v51  }
0x2b: {  	v2 =	vor.u32 $0x30, v0;
	v63 =	vor.u32 $0xC30, v3;
	s9 =	simm.s32 $0x4000;
	s5 =	sadd.s32 $0x7A1E00, s5;
	s7 =	smax.u32 s7, $0x1;
	[tilespmem:$0x1FEF0] =	vst v5  }
.LBB2_1:
0x2c: {  	[tilespmem:s3], [sflag:$0x1] =	stream.strided.gather [hbm4b:s5+s8], $0x6400, s9, s8, $0x38;
	[tilespmem:$0xE400] =	vst v63  }
0x2d: {  	_ =	swait.ge [sflag:s10], $0x6400  }
0x2e: {  	s25 =	simm.s32 $0x0;
	[sflag:s10] =	ssyncset.done $0x0  }
0x2f: {  	s24 =	simm.s32 $0x0;
	s23 =	simm.s32 $0x0;
	[sflag:s10] =	ssyncadd.s32 $0xFFFF9C00  }
0x30: {  	[tilespmem:s12], [sflag:$0x2] =	stream.indirect.gather [hbm4b:s4+s11], $0x40, s3, s11, $0xb8;
	[tilespmem:$0xE400] =	vst v63  }
.LBB2_2:
0x31: {  	s26 =	sadd.s32 $0x1, s24  }
0x32: {  	s28 =	simm.s32 $0x1;
	p0 =	seq.s32 s26, $0x32  }
0x33: {  	s28 =	simm.s32 @!p0 $0x0  }
0x34: {  	s26 =	simm.s32 @p0 $0x0;
	s28 =	sadd.s32 s28, s25  }
0x35: {  	s29 =	sshll.u32 s26, $0xB;
	s30 =	sshll.u32 s28, $0x9  }
0x36: {  	s29 =	sshra.s32 s29, $0x2;
	s30 =	sshra.s32 s30, $0x2  }
0x37: {  	s29 =	sadd.s32 s30, s29  }
0x38: {  	[tilespmem:s13], [sflag:$0x3] =	stream.indirect.gather [hbm4b:s4+s11], $0x40, s29, s11, $0xb8;
	[tilespmem:$0xE400] =	vst v63  }
0x39: {  	_ =	swait.ge [sflag:s14], $0x2000  }
0x3a: {  	p0 =	seq.s32 s23, $0x0;
	[sflag:s14] =	ssyncset.done $0x0  }
0x3b: {  	s29 =	simm.s32 @!p0 $0x4;
	[sflag:s14] =	ssyncadd.s32 $0xFFFFE000  }
0x3c: {  	_ =	swait.ge @!p0 [sflag:s29], $0x2000  }
0x3d: {  	[sflag:s29] =	ssyncset.done @!p0 $0x0  }
0x3e: {  	[sflag:s29] =	ssyncadd.s32 @!p0 $0xFFFFE000;
	s29 =	simm.s32 $0x0  }
.LBB2_3:
0x3f: {  	v10 =	vld [tilespmem:$0x1FF30]  }
0x40: {  	v26 =	vld [tilespmem:$0x1FF00]  }
0x41: {  	v14 =	vld [tilespmem:$0x1FF70]  }
0x42: {  	v28 =	vld [tilespmem:$0x1FF10]  }
0x43: {  	v16 =	vld [tilespmem:$0x1FF80]  }
0x44: {  	v30 =	vld [tilespmem:$0x1FF20]  }
0x45: {  	v18 =	vld [tilespmem:$0x1FF90]  }
0x46: {  	v19 =	vld [tilespmem:$0x1FFA0]  }
0x47: {  	v20 =	vld [tilespmem:$0x1FFB0]  }
0x48: {  	v9 =	vld [tilespmem:$0x1FF40]  }
0x49: {  	v23 =	vld [tilespmem:$0x1FF50]  }
0x4a: {  	v44 =	vadd.s32 s29, v0;
	v11 =	vld [tilespmem:$0x1FF60]  }
0x4b: {  	v24 =	vld [tilespmem:$0x1FD80];
	v45 =	vand.u32 $0xF, v44  }
0x4c: {  	v25 =	vld [tilespmem:$0x1FD90];
	v46 =	vor.u32 v10, v45  }
0x4d: {  	v13 =	vld [tilespmem:$0x1FDA0];
	v47 =	vor.u32 v26, v45  }
0x4e: {  	v27 =	vld [tilespmem:$0x1FDB0];
	v44 =	vshll.u32 v44, $0x7;
	v48 =	vor.u32 v14, v45  }
0x4f: {  	v15 =	vld [tilespmem:$0x1FDC0];
	v51 =	vor.u32 v0, v44;
	v49 =	vor.u32 v28, v45  }
0x50: {  	v29 =	vld [tilespmem:$0x1FDD0];
	v53 =	vor.u32 v4, v44;
	v55 =	vand.u32 $0x400, v44;
	v50 =	vor.u32 v16, v45  }
0x51: {  	v58 =	vor.u32 v1, v44;
	v60 =	vor.u32 v2, v44;
	v52 =	vor.u32 v30, v45;
	v46 =	vld.idx.msk [tilespmem:v46+s12+$0x0], $0xffff  }
0x52: {  	v51 =	vand.u32 $0x388, v51;
	v54 =	vor.u32 v18, v45;
	v57 =	vor.u32 v20, v55;
	v47 =	vld.idx.msk [tilespmem:v47+s12+$0x0], $0xffff  }
0x53: {  	v53 =	vand.u32 $0x398, v53;
	v56 =	vor.u32 v19, v45;
	v59 =	vor.u32 v51, v57;
	v48 =	vld.idx.msk [tilespmem:v48+s12+$0x0], $0xffff  }
0x54: {  	v6 =	vmovc v1;
	v58 =	vand.u32 $0x3A8, v58;
	v60 =	vand.u32 $0x3B8, v60;
	v61 =	vor.u32 v53, v57;
	v49 =	vld.idx.msk [tilespmem:v49+s12+$0x0], $0xffff  }
0x55: {  	v62 =	vor.u32 v9, v44;
	v0 =	vor.u32 v23, v44;
	v39 =	vor.u32 v58, v57;
	v50 =	vld.idx.msk [tilespmem:v50+s12+$0x0], $0xffff  }
0x56: {  	v7 =	vmovc v2;
	v2 =	vor.u32 v11, v44;
	v1 =	vor.u32 v60, v57;
	v62 =	vand.u32 $0x3C8, v62;
	v52 =	vld.idx.msk [tilespmem:v52+s12+$0x0], $0xffff  }
0x57: {  	v44 =	vor.u32 v24, v44;
	v0 =	vand.u32 $0x3D8, v0;
	v3 =	vor.u32 v62, v57;
	v54 =	vld.idx.msk [tilespmem:v54+s12+$0x0], $0xffff  }
0x58: {  	v2 =	vand.u32 $0x3E8, v2;
	v40 =	vor.u32 v0, v57;
	v56 =	vld.idx.msk [tilespmem:v56+s12+$0x0], $0xffff;
	[tilespmem:v59+s15+$0x0] =	vst.idx.msk $0xffff, v46  }
0x59: {  	v17 =	vld [tilespmem:$0x1FDE0];
	v44 =	vand.u32 $0x3F8, v44;
	v41 =	vor.u32 v2, v57;
	[tilespmem:v61+s15+$0x0] =	vst.idx.msk $0xffff, v47  }
0x5a: {  	v31 =	vld [tilespmem:$0x1FDF0];
	v59 =	vor.u32 v44, v57;
	[tilespmem:v39+s15+$0x0] =	vst.idx.msk $0xffff, v48  }
0x5b: {  	v32 =	vld [tilespmem:$0x1FE00];
	[tilespmem:v1+s15+$0x0] =	vst.idx.msk $0xffff, v49;
	v1 =	vor.u32 v25, v45  }
0x5c: {  	v33 =	vld [tilespmem:$0x1FE10];
	v61 =	vor.u32 v27, v45;
	[tilespmem:v3+s15+$0x0] =	vst.idx.msk $0xffff, v50  }
0x5d: {  	v42 =	vmov v63;
	v34 =	vld [tilespmem:$0x1FE20];
	v63 =	vor.u32 v15, v45;
	[tilespmem:v40+s15+$0x0] =	vst.idx.msk $0xffff, v52  }
0x5e: {  	v35 =	vld [tilespmem:$0x1FE30];
	v12 =	vor.u32 v29, v45;
	[tilespmem:v41+s15+$0x0] =	vst.idx.msk $0xffff, v54  }
0x5f: {  	v8 =	vld [tilespmem:$0x1FEA0];
	v3 =	vor.u32 v13, v45;
	[tilespmem:v59+s15+$0x0] =	vst.idx.msk $0xffff, v56  }
0x60: {  	v21 =	vor.u32 v17, v45;
	v1 =	vld.idx.msk [tilespmem:v1+s12+$0x0], $0xffff  }
0x61: {  	v22 =	vor.u32 v31, v45;
	v46 =	vld.idx.msk [tilespmem:v61+s12+$0x0], $0xffff  }
0x62: {  	v36 =	vor.u32 v32, v45;
	v37 =	vor.u32 v33, v55;
	v47 =	vld.idx.msk [tilespmem:v63+s12+$0x0], $0xffff  }
0x63: {  	v38 =	vor.u32 v51, v37;
	v48 =	vld.idx.msk [tilespmem:v12+s12+$0x0], $0xffff  }
0x64: {  	v39 =	vor.u32 v53, v37;
	v3 =	vld.idx.msk [tilespmem:v3+s12+$0x0], $0xffff  }
0x65: {  	v40 =	vor.u32 v58, v37;
	v49 =	vld.idx.msk [tilespmem:v21+s12+$0x0], $0xffff  }
0x66: {  	v41 =	vor.u32 v60, v37;
	v50 =	vld.idx.msk [tilespmem:v22+s12+$0x0], $0xffff  }
0x67: {  	v43 =	vor.u32 v62, v37;
	v52 =	vld.idx.msk [tilespmem:v36+s12+$0x0], $0xffff  }
0x68: {  	v12 =	vld [tilespmem:$0x1FE80];
	[tilespmem:v38+s15+$0x0] =	vst.idx.msk $0xffff, v1;
	v1 =	vor.u32 v0, v37  }
0x69: {  	v21 =	vld [tilespmem:$0x1FE90];
	[tilespmem:v39+s15+$0x0] =	vst.idx.msk $0xffff, v3;
	v3 =	vor.u32 v2, v37  }
0x6a: {  	v56 =	vor.u32 v44, v37;
	v36 =	vld [tilespmem:$0x1FE40];
	[tilespmem:v40+s15+$0x0] =	vst.idx.msk $0xffff, v46  }
0x6b: {  	v57 =	vor.u32 v34, v45;
	v37 =	vld [tilespmem:$0x1FE50];
	[tilespmem:v41+s15+$0x0] =	vst.idx.msk $0xffff, v47  }
0x6c: {  	v59 =	vor.u32 v35, v45;
	v38 =	vld [tilespmem:$0x1FE60];
	[tilespmem:v43+s15+$0x0] =	vst.idx.msk $0xffff, v48  }
0x6d: {  	v63 =	vor.u32 v12, v45;
	v43 =	vld [tilespmem:$0x1FE70];
	[tilespmem:v1+s15+$0x0] =	vst.idx.msk $0xffff, v49  }
0x6e: {  	v22 =	vor.u32 v21, v45;
	[tilespmem:v3+s15+$0x0] =	vst.idx.msk $0xffff, v50  }
0x6f: {  	v5 =	vld [tilespmem:$0x1FFE0];
	v1 =	vor.u32 v36, v45;
	[tilespmem:v56+s15+$0x0] =	vst.idx.msk $0xffff, v52  }
0x70: {  	v3 =	vor.u32 v37, v45;
	v47 =	vld.idx.msk [tilespmem:v57+s12+$0x0], $0xffff  }
0x71: {  	v54 =	vor.u32 v8, v55;
	v46 =	vor.u32 v38, v45;
	v48 =	vld.idx.msk [tilespmem:v59+s12+$0x0], $0xffff  }
0x72: {  	v39 =	vor.u32 v51, v54;
	v50 =	vld.idx.msk [tilespmem:v63+s12+$0x0], $0xffff;
	v61 =	vor.u32 v43, v45  }
0x73: {  	v40 =	vor.u32 v53, v54;
	v52 =	vld.idx.msk [tilespmem:v22+s12+$0x0], $0xffff  }
0x74: {  	v59 =	vor.u32 v58, v54;
	v1 =	vld.idx.msk [tilespmem:v1+s12+$0x0], $0xffff  }
0x75: {  	v41 =	vor.u32 v60, v54;
	v3 =	vld.idx.msk [tilespmem:v3+s12+$0x0], $0xffff  }
0x76: {  	v46 =	vld.idx.msk [tilespmem:v46+s12+$0x0], $0xffff  }
0x77: {  	v22 =	vor.u32 v62, v54;
	v49 =	vld.idx.msk [tilespmem:v61+s12+$0x0], $0xffff;
	[tilespmem:v39+s15+$0x0] =	vst.idx.msk $0xffff, v47  }
0x78: {  	v39 =	vor.u32 v0, v54;
	[tilespmem:v40+s15+$0x0] =	vst.idx.msk $0xffff, v48  }
0x79: {  	v40 =	vor.u32 v2, v54;
	[tilespmem:v59+s15+$0x0] =	vst.idx.msk $0xffff, v1  }
0x7a: {  	v1 =	vor.u32 v44, v54;
	[tilespmem:v41+s15+$0x0] =	vst.idx.msk $0xffff, v3;
	v41 =	vor.u32 v5, v45;
	v5 =	vld [tilespmem:$0x1FFF0];
	_ =	sdelay $0x1  }
0x7b: {  	v3 =	vld [tilespmem:$0x1FFD0];
	[tilespmem:v22+s15+$0x0] =	vst.idx.msk $0xffff, v46  }
0x7c: {  	v22 =	vld [tilespmem:$0x1FEB0];
	[tilespmem:v39+s15+$0x0] =	vst.idx.msk $0xffff, v49  }
0x7d: {  	v39 =	vld [tilespmem:$0x1FED0];
	[tilespmem:v40+s15+$0x0] =	vst.idx.msk $0xffff, v50  }
0x7e: {  	[tilespmem:v1+s15+$0x0] =	vst.idx.msk $0xffff, v52;
	v54 =	vor.u32 v5, v45;
	v5 =	vld [tilespmem:$0x1FEC0]  }
0x7f: {  	v46 =	vld.idx.msk [tilespmem:v41+s12+$0x0], $0xffff  }
0x80: {  	v56 =	vor.u32 v42, v45;
	v41 =	vld [tilespmem:$0x1FEF0]  }
0x81: {  	v40 =	vld [tilespmem:$0x1FEE0];
	v3 =	vor.u32 v3, v45;
	_ =	sdelay $0x1  }
0x82: {  	v1 =	vor.u32 v22, v45  }
0x83: {  	v59 =	vor.u32 v39, v45  }
0x84: {  	v48 =	vld.idx.msk [tilespmem:v56+s12+$0x0], $0xffff;
	v57 =	vor.u32 v5, v45;
	v52 =	vor.u32 v41, v55  }
0x85: {  	v3 =	vld.idx.msk [tilespmem:v3+s12+$0x0], $0xffff;
	v45 =	vor.u32 v40, v45;
	v51 =	vor.u32 v51, v52  }
0x86: {  	v47 =	vld.idx.msk [tilespmem:v54+s12+$0x0], $0xffff;
	v53 =	vor.u32 v53, v52  }
0x87: {  	v1 =	vld.idx.msk [tilespmem:v1+s12+$0x0], $0xffff;
	v61 =	vor.u32 v58, v52  }
0x88: {  	v55 =	vor.u32 v60, v52;
	v50 =	vld.idx.msk [tilespmem:v59+s12+$0x0], $0xffff  }
0x89: {  	v63 =	vor.u32 v62, v52;
	v49 =	vld.idx.msk [tilespmem:v57+s12+$0x0], $0xffff  }
0x8a: {  	s30 =	sadd.s32 $0x1, s29;
	v4 =	vlaneseq.u32;
	v0 =	vor.u32 v0, v52;
	v45 =	vld.idx.msk [tilespmem:v45+s12+$0x0], $0xffff;
	[tilespmem:v51+s15+$0x0] =	vst.idx.msk $0xffff, v3  }
0x8b: {  	v2 =	vor.u32 v2, v52;
	v3 =	vadd.s32 s30, v4;
	[tilespmem:v53+s15+$0x0] =	vst.idx.msk $0xffff, v46  }
0x8c: {  	v58 =	vor.u32 v44, v52;
	v44 =	vand.u32 $0xF, v3;
	[tilespmem:v61+s15+$0x0] =	vst.idx.msk $0xffff, v47  }
0x8d: {  	v59 =	vor.u32 v10, v44;
	[tilespmem:v55+s15+$0x0] =	vst.idx.msk $0xffff, v48  }
0x8e: {  	v62 =	vld [tilespmem:$0x1FFC0];
	v61 =	vor.u32 v30, v44;
	[tilespmem:v63+s15+$0x0] =	vst.idx.msk $0xffff, v1  }
0x8f: {  	v3 =	vshll.u32 v3, $0x7;
	v52 =	vor.u32 v19, v44;
	[tilespmem:v0+s15+$0x0] =	vst.idx.msk $0xffff, v49  }
0x90: {  	v60 =	vor.u32 v4, v3;
	v1 =	vor.u32 v26, v44;
	[tilespmem:v2+s15+$0x0] =	vst.idx.msk $0xffff, v50  }
0x91: {  	v51 =	vand.u32 $0x400, v3;
	v46 =	vand.u32 $0x388, v60;
	v0 =	vor.u32 v14, v44;
	[tilespmem:v58+s15+$0x0] =	vst.idx.msk $0xffff, v45  }
0x92: {  	v53 =	vor.u32 v20, v51;
	v60 =	vor.u32 v7, v3;
	v2 =	vor.u32 v28, v44;
	v47 =	vld.idx.msk [tilespmem:v59+s12+$0x0], $0xffff  }
0x93: {  	v63 =	vor.u32 v6, v3;
	v49 =	vor.u32 v62, v3;
	v45 =	vor.u32 v16, v44;
	v48 =	vld.idx.msk [tilespmem:v61+s12+$0x0], $0xffff  }
0x94: {  	v55 =	vor.u32 v46, v53;
	v50 =	vor.u32 v18, v44;
	v49 =	vand.u32 $0x398, v49;
	v52 =	vld.idx.msk [tilespmem:v52+s12+$0x0], $0xffff  }
0x95: {  	v56 =	vand.u32 $0x3B8, v60;
	v54 =	vand.u32 $0x3A8, v63;
	v57 =	vor.u32 v49, v53;
	v1 =	vld.idx.msk [tilespmem:v1+s12+$0x0], $0xffff  }
0x96: {  	v60 =	vor.u32 v23, v3;
	v58 =	vor.u32 v9, v3;
	v59 =	vor.u32 v54, v53;
	v0 =	vld.idx.msk [tilespmem:v0+s12+$0x0], $0xffff  }
0x97: {  	v62 =	vor.u32 v11, v3;
	v61 =	vor.u32 v56, v53;
	v58 =	vand.u32 $0x3C8, v58;
	v2 =	vld.idx.msk [tilespmem:v2+s12+$0x0], $0xffff  }
0x98: {  	v60 =	vand.u32 $0x3D8, v60;
	v3 =	vor.u32 v24, v3;
	v63 =	vor.u32 v58, v53;
	v45 =	vld.idx.msk [tilespmem:v45+s12+$0x0], $0xffff  }
0x99: {  	v50 =	vld.idx.msk [tilespmem:v50+s12+$0x0], $0xffff;
	[tilespmem:v55+s15+$0x0] =	vst.idx.msk $0xffff, v47;
	v47 =	vor.u32 v60, v53;
	v55 =	vand.u32 $0x3E8, v62  }
0x9a: {  	v3 =	vand.u32 $0x3F8, v3;
	[tilespmem:v57+s15+$0x0] =	vst.idx.msk $0xffff, v1;
	v1 =	vor.u32 v55, v53  }
0x9b: {  	[tilespmem:v59+s15+$0x0] =	vst.idx.msk $0xffff, v0;
	v0 =	vor.u32 v3, v53  }
0x9c: {  	[tilespmem:v61+s15+$0x0] =	vst.idx.msk $0xffff, v2;
	v2 =	vor.u32 v25, v44  }
0x9d: {  	v61 =	vor.u32 v13, v44;
	[tilespmem:v63+s15+$0x0] =	vst.idx.msk $0xffff, v45  }
0x9e: {  	v62 =	vor.u32 v27, v44;
	[tilespmem:v47+s15+$0x0] =	vst.idx.msk $0xffff, v48  }
0x9f: {  	v63 =	vor.u32 v17, v44;
	[tilespmem:v1+s15+$0x0] =	vst.idx.msk $0xffff, v50  }
0xa0: {  	v1 =	vor.u32 v15, v44;
	[tilespmem:v0+s15+$0x0] =	vst.idx.msk $0xffff, v52  }
0xa1: {  	v50 =	vor.u32 v31, v44;
	v2 =	vld.idx.msk [tilespmem:v2+s12+$0x0], $0xffff  }
0xa2: {  	v53 =	vor.u32 v33, v51;
	v0 =	vor.u32 v29, v44;
	v45 =	vld.idx.msk [tilespmem:v61+s12+$0x0], $0xffff  }
0xa3: {  	v57 =	vor.u32 v46, v53;
	v52 =	vor.u32 v32, v44;
	v47 =	vld.idx.msk [tilespmem:v62+s12+$0x0], $0xffff  }
0xa4: {  	v59 =	vor.u32 v49, v53;
	v48 =	vld.idx.msk [tilespmem:v63+s12+$0x0], $0xffff  }
0xa5: {  	v61 =	vor.u32 v54, v53;
	v1 =	vld.idx.msk [tilespmem:v1+s12+$0x0], $0xffff  }
0xa6: {  	v62 =	vor.u32 v56, v53;
	v50 =	vld.idx.msk [tilespmem:v50+s12+$0x0], $0xffff  }
0xa7: {  	v63 =	vor.u32 v58, v53;
	v0 =	vld.idx.msk [tilespmem:v0+s12+$0x0], $0xffff  }
0xa8: {  	v52 =	vld.idx.msk [tilespmem:v52+s12+$0x0], $0xffff;
	[tilespmem:v57+s15+$0x0] =	vst.idx.msk $0xffff, v2;
	v2 =	vor.u32 v60, v53  }
0xa9: {  	[tilespmem:v59+s15+$0x0] =	vst.idx.msk $0xffff, v45;
	v59 =	vor.u32 v55, v53  }
0xaa: {  	[tilespmem:v61+s15+$0x0] =	vst.idx.msk $0xffff, v47;
	v61 =	vor.u32 v3, v53  }
0xab: {  	[tilespmem:v62+s15+$0x0] =	vst.idx.msk $0xffff, v1;
	v1 =	vor.u32 v34, v44  }
0xac: {  	v62 =	vor.u32 v37, v44;
	[tilespmem:v63+s15+$0x0] =	vst.idx.msk $0xffff, v0  }
0xad: {  	v0 =	vor.u32 v35, v44;
	[tilespmem:v2+s15+$0x0] =	vst.idx.msk $0xffff, v48  }
0xae: {  	v2 =	vor.u32 v36, v44;
	[tilespmem:v59+s15+$0x0] =	vst.idx.msk $0xffff, v50  }
0xaf: {  	[tilespmem:v61+s15+$0x0] =	vst.idx.msk $0xffff, v52;
	v61 =	vor.u32 v43, v44  }
0xb0: {  	v63 =	vor.u32 v38, v44;
	v1 =	vld.idx.msk [tilespmem:v1+s12+$0x0], $0xffff  }
0xb1: {  	v53 =	vor.u32 v8, v51;
	v50 =	vor.u32 v12, v44;
	v45 =	vld.idx.msk [tilespmem:v62+s12+$0x0], $0xffff  }
0xb2: {  	v57 =	vor.u32 v46, v53;
	v52 =	vor.u32 v21, v44;
	v0 =	vld.idx.msk [tilespmem:v0+s12+$0x0], $0xffff  }
0xb3: {  	v59 =	vor.u32 v49, v53;
	v2 =	vld.idx.msk [tilespmem:v2+s12+$0x0], $0xffff  }
0xb4: {  	v48 =	vld.idx.msk [tilespmem:v61+s12+$0x0], $0xffff;
	v61 =	vor.u32 v54, v53  }
0xb5: {  	v62 =	vor.u32 v56, v53;
	v47 =	vld.idx.msk [tilespmem:v63+s12+$0x0], $0xffff  }
0xb6: {  	v63 =	vor.u32 v58, v53;
	v50 =	vld.idx.msk [tilespmem:v50+s12+$0x0], $0xffff  }
0xb7: {  	v52 =	vld.idx.msk [tilespmem:v52+s12+$0x0], $0xffff;
	[tilespmem:v57+s15+$0x0] =	vst.idx.msk $0xffff, v1;
	v1 =	vor.u32 v60, v53  }
0xb8: {  	[tilespmem:v59+s15+$0x0] =	vst.idx.msk $0xffff, v0  }
0xb9: {  	[tilespmem:v61+s15+$0x0] =	vst.idx.msk $0xffff, v2  }
0xba: {  	[tilespmem:v62+s15+$0x0] =	vst.idx.msk $0xffff, v45;
	v62 =	vld [tilespmem:$0x1FFD0]  }
0xbb: {  	v0 =	vor.u32 v55, v53;
	v2 =	vor.u32 v3, v53;
	v53 =	vld [tilespmem:$0x1FFE0];
	[tilespmem:v63+s15+$0x0] =	vst.idx.msk $0xffff, v47  }
0xbc: {  	[tilespmem:v1+s15+$0x0] =	vst.idx.msk $0xffff, v48;
	v1 =	vld [tilespmem:$0x1FFF0]  }
0xbd: {  	v57 =	vor.u32 v5, v44  }
0xbe: {  	v59 =	vor.u32 v39, v44  }
0xbf: {  	v45 =	vor.u32 v62, v44  }
0xc0: {  	[tilespmem:v0+s15+$0x0] =	vst.idx.msk $0xffff, v50;
	v47 =	vor.u32 v53, v44  }
0xc1: {  	[tilespmem:v2+s15+$0x0] =	vst.idx.msk $0xffff, v52;
	v1 =	vor.u32 v1, v44  }
0xc2: {  	v0 =	vor.u32 v42, v44;
	v48 =	vld.idx.msk [tilespmem:v57+s12+$0x0], $0xffff  }
0xc3: {  	v51 =	vor.u32 v41, v51;
	v2 =	vor.u32 v22, v44;
	v50 =	vld.idx.msk [tilespmem:v59+s12+$0x0], $0xffff  }
0xc4: {  	v46 =	vor.u32 v46, v51;
	v44 =	vor.u32 v40, v44;
	v45 =	vld.idx.msk [tilespmem:v45+s12+$0x0], $0xffff  }
0xc5: {  	v49 =	vor.u32 v49, v51;
	v47 =	vld.idx.msk [tilespmem:v47+s12+$0x0], $0xffff  }
0xc6: {  	v52 =	vor.u32 v54, v51;
	v1 =	vld.idx.msk [tilespmem:v1+s12+$0x0], $0xffff  }
0xc7: {  	v61 =	vor.u32 v56, v51;
	v0 =	vld.idx.msk [tilespmem:v0+s12+$0x0], $0xffff  }
0xc8: {  	v63 =	vor.u32 v58, v51;
	v2 =	vld.idx.msk [tilespmem:v2+s12+$0x0], $0xffff  }
0xc9: {  	v57 =	vor.u32 v60, v51;
	v62 =	vld.idx.msk [tilespmem:v44+s12+$0x0], $0xffff;
	[tilespmem:v46+s15+$0x0] =	vst.idx.msk $0xffff, v45  }
0xca: {  	v58 =	vor.u32 v55, v51;
	[tilespmem:v49+s15+$0x0] =	vst.idx.msk $0xffff, v47  }
0xcb: {  	s31 =	sadd.s32 $0x2, s29;
	[tilespmem:v52+s15+$0x0] =	vst.idx.msk $0xffff, v1;
	v1 =	vor.u32 v3, v51  }
0xcc: {  	v59 =	vadd.s32 s31, v4;
	[tilespmem:v61+s15+$0x0] =	vst.idx.msk $0xffff, v0  }
0xcd: {  	v44 =	vand.u32 $0xF, v59;
	[tilespmem:v63+s15+$0x0] =	vst.idx.msk $0xffff, v2  }
0xce: {  	v0 =	vor.u32 v10, v44;
	[tilespmem:v57+s15+$0x0] =	vst.idx.msk $0xffff, v48  }
0xcf: {  	v3 =	vor.u32 v14, v44;
	[tilespmem:v58+s15+$0x0] =	vst.idx.msk $0xffff, v50  }
0xd0: {  	v60 =	vor.u32 v28, v44;
	[tilespmem:v1+s15+$0x0] =	vst.idx.msk $0xffff, v62;
	v62 =	vld [tilespmem:$0x1FFC0]  }
0xd1: {  	v46 =	vor.u32 v16, v44  }
0xd2: {  	v2 =	vor.u32 v26, v44  }
0xd3: {  	v52 =	vor.u32 v19, v44;
	v61 =	vor.u32 v30, v44;
	v1 =	vshll.u32 v59, $0x7;
	v0 =	vld.idx.msk [tilespmem:v0+s12+$0x0], $0xffff  }
0xd4: {  	v50 =	vor.u32 v18, v44;
	v47 =	vor.u32 v4, v1;
	v51 =	vand.u32 $0x400, v1;
	v3 =	vld.idx.msk [tilespmem:v3+s12+$0x0], $0xffff  }
0xd5: {  	v45 =	vld.idx.msk [tilespmem:v60+s12+$0x0], $0xffff;
	v47 =	vand.u32 $0x388, v47;
	v53 =	vor.u32 v20, v51;
	v49 =	vor.u32 v62, v1  }
0xd6: {  	v63 =	vor.u32 v6, v1;
	v46 =	vld.idx.msk [tilespmem:v46+s12+$0x0], $0xffff;
	v55 =	vor.u32 v47, v53;
	v49 =	vand.u32 $0x398, v49  }
0xd7: {  	v60 =	vor.u32 v7, v1;
	v2 =	vld.idx.msk [tilespmem:v2+s12+$0x0], $0xffff;
	v54 =	vand.u32 $0x3A8, v63;
	v57 =	vor.u32 v49, v53  }
0xd8: {  	v58 =	vor.u32 v9, v1;
	v48 =	vld.idx.msk [tilespmem:v61+s12+$0x0], $0xffff;
	v56 =	vand.u32 $0x3B8, v60;
	v59 =	vor.u32 v54, v53  }
0xd9: {  	v52 =	vld.idx.msk [tilespmem:v52+s12+$0x0], $0xffff;
	v60 =	vor.u32 v23, v1;
	v58 =	vand.u32 $0x3C8, v58;
	v61 =	vor.u32 v56, v53  }
0xda: {  	v63 =	vor.u32 v58, v53;
	v60 =	vand.u32 $0x3D8, v60;
	v50 =	vld.idx.msk [tilespmem:v50+s12+$0x0], $0xffff;
	v62 =	vor.u32 v11, v1  }
0xdb: {  	v1 =	vor.u32 v24, v1;
	[tilespmem:v55+s15+$0x0] =	vst.idx.msk $0xffff, v0;
	v0 =	vor.u32 v60, v53;
	v55 =	vand.u32 $0x3E8, v62  }
0xdc: {  	v1 =	vand.u32 $0x3F8, v1;
	[tilespmem:v57+s15+$0x0] =	vst.idx.msk $0xffff, v2;
	v2 =	vor.u32 v55, v53  }
0xdd: {  	[tilespmem:v59+s15+$0x0] =	vst.idx.msk $0xffff, v3;
	v3 =	vor.u32 v1, v53  }
0xde: {  	[tilespmem:v61+s15+$0x0] =	vst.idx.msk $0xffff, v45;
	v61 =	vor.u32 v25, v44  }
0xdf: {  	v62 =	vor.u32 v13, v44;
	[tilespmem:v63+s15+$0x0] =	vst.idx.msk $0xffff, v46  }
0xe0: {  	v63 =	vor.u32 v17, v44;
	[tilespmem:v0+s15+$0x0] =	vst.idx.msk $0xffff, v48  }
0xe1: {  	v0 =	vor.u32 v27, v44;
	[tilespmem:v2+s15+$0x0] =	vst.idx.msk $0xffff, v50  }
0xe2: {  	v2 =	vor.u32 v15, v44;
	[tilespmem:v3+s15+$0x0] =	vst.idx.msk $0xffff, v52  }
0xe3: {  	v50 =	vor.u32 v31, v44;
	v45 =	vld.idx.msk [tilespmem:v61+s12+$0x0], $0xffff  }
0xe4: {  	v53 =	vor.u32 v33, v51;
	v3 =	vor.u32 v29, v44;
	v46 =	vld.idx.msk [tilespmem:v62+s12+$0x0], $0xffff  }
0xe5: {  	v57 =	vor.u32 v47, v53;
	v52 =	vor.u32 v32, v44;
	v48 =	vld.idx.msk [tilespmem:v63+s12+$0x0], $0xffff  }
0xe6: {  	v59 =	vor.u32 v49, v53;
	v0 =	vld.idx.msk [tilespmem:v0+s12+$0x0], $0xffff  }
0xe7: {  	v61 =	vor.u32 v54, v53;
	v2 =	vld.idx.msk [tilespmem:v2+s12+$0x0], $0xffff  }
0xe8: {  	v62 =	vor.u32 v56, v53;
	v50 =	vld.idx.msk [tilespmem:v50+s12+$0x0], $0xffff  }
0xe9: {  	v63 =	vor.u32 v58, v53;
	v3 =	vld.idx.msk [tilespmem:v3+s12+$0x0], $0xffff  }
0xea: {  	v52 =	vld.idx.msk [tilespmem:v52+s12+$0x0], $0xffff;
	[tilespmem:v57+s15+$0x0] =	vst.idx.msk $0xffff, v45;
	v57 =	vor.u32 v60, v53  }
0xeb: {  	[tilespmem:v59+s15+$0x0] =	vst.idx.msk $0xffff, v46;
	v59 =	vor.u32 v55, v53  }
0xec: {  	[tilespmem:v61+s15+$0x0] =	vst.idx.msk $0xffff, v0;
	v0 =	vor.u32 v1, v53  }
0xed: {  	[tilespmem:v62+s15+$0x0] =	vst.idx.msk $0xffff, v2;
	v2 =	vor.u32 v34, v44  }
0xee: {  	v61 =	vor.u32 v36, v44;
	[tilespmem:v63+s15+$0x0] =	vst.idx.msk $0xffff, v3  }
0xef: {  	v62 =	vor.u32 v37, v44;
	[tilespmem:v57+s15+$0x0] =	vst.idx.msk $0xffff, v48  }
0xf0: {  	v3 =	vor.u32 v35, v44;
	[tilespmem:v59+s15+$0x0] =	vst.idx.msk $0xffff, v50  }
0xf1: {  	v63 =	vor.u32 v43, v44;
	[tilespmem:v0+s15+$0x0] =	vst.idx.msk $0xffff, v52  }
0xf2: {  	v50 =	vor.u32 v12, v44;
	v2 =	vld.idx.msk [tilespmem:v2+s12+$0x0], $0xffff  }
0xf3: {  	v53 =	vor.u32 v8, v51;
	v0 =	vor.u32 v38, v44;
	v45 =	vld.idx.msk [tilespmem:v61+s12+$0x0], $0xffff  }
0xf4: {  	v57 =	vor.u32 v47, v53;
	v52 =	vor.u32 v21, v44;
	v46 =	vld.idx.msk [tilespmem:v62+s12+$0x0], $0xffff  }
0xf5: {  	v59 =	vor.u32 v49, v53;
	v3 =	vld.idx.msk [tilespmem:v3+s12+$0x0], $0xffff  }
0xf6: {  	v61 =	vor.u32 v54, v53;
	v48 =	vld.idx.msk [tilespmem:v63+s12+$0x0], $0xffff  }
0xf7: {  	v62 =	vor.u32 v56, v53;
	v50 =	vld.idx.msk [tilespmem:v50+s12+$0x0], $0xffff  }
0xf8: {  	v63 =	vor.u32 v58, v53;
	v0 =	vld.idx.msk [tilespmem:v0+s12+$0x0], $0xffff  }
0xf9: {  	v52 =	vld.idx.msk [tilespmem:v52+s12+$0x0], $0xffff;
	[tilespmem:v57+s15+$0x0] =	vst.idx.msk $0xffff, v2;
	v2 =	vor.u32 v60, v53  }
0xfa: {  	[tilespmem:v59+s15+$0x0] =	vst.idx.msk $0xffff, v3  }
0xfb: {  	[tilespmem:v61+s15+$0x0] =	vst.idx.msk $0xffff, v45  }
0xfc: {  	[tilespmem:v62+s15+$0x0] =	vst.idx.msk $0xffff, v46;
	v62 =	vld [tilespmem:$0x1FFD0]  }
0xfd: {  	v3 =	vor.u32 v55, v53;
	[tilespmem:v63+s15+$0x0] =	vst.idx.msk $0xffff, v0;
	v0 =	vld [tilespmem:$0x1FFE0]  }
0xfe: {  	v61 =	vor.u32 v1, v53;
	[tilespmem:v2+s15+$0x0] =	vst.idx.msk $0xffff, v48;
	v2 =	vld [tilespmem:$0x1FFF0]  }
0xff: {  	v57 =	vor.u32 v5, v44  }
0x100: {  	v59 =	vor.u32 v39, v44  }
0x101: {  	v46 =	vor.u32 v62, v44  }
0x102: {  	[tilespmem:v3+s15+$0x0] =	vst.idx.msk $0xffff, v50;
	v0 =	vor.u32 v0, v44  }
0x103: {  	[tilespmem:v61+s15+$0x0] =	vst.idx.msk $0xffff, v52;
	v2 =	vor.u32 v2, v44  }
0x104: {  	v3 =	vor.u32 v42, v44;
	v48 =	vld.idx.msk [tilespmem:v57+s12+$0x0], $0xffff  }
0x105: {  	v51 =	vor.u32 v41, v51;
	v63 =	vor.u32 v22, v44;
	v50 =	vld.idx.msk [tilespmem:v59+s12+$0x0], $0xffff  }
0x106: {  	v47 =	vor.u32 v47, v51;
	v44 =	vor.u32 v40, v44;
	v46 =	vld.idx.msk [tilespmem:v46+s12+$0x0], $0xffff  }
0x107: {  	v49 =	vor.u32 v49, v51;
	v0 =	vld.idx.msk [tilespmem:v0+s12+$0x0], $0xffff  }
0x108: {  	v52 =	vor.u32 v54, v51;
	v2 =	vld.idx.msk [tilespmem:v2+s12+$0x0], $0xffff  }
0x109: {  	v61 =	vor.u32 v56, v51;
	v3 =	vld.idx.msk [tilespmem:v3+s12+$0x0], $0xffff  }
0x10a: {  	v45 =	vld.idx.msk [tilespmem:v63+s12+$0x0], $0xffff;
	v63 =	vor.u32 v58, v51  }
0x10b: {  	v59 =	vor.u32 v60, v51;
	v62 =	vld.idx.msk [tilespmem:v44+s12+$0x0], $0xffff;
	[tilespmem:v47+s15+$0x0] =	vst.idx.msk $0xffff, v46  }
0x10c: {  	[tilespmem:v49+s15+$0x0] =	vst.idx.msk $0xffff, v0;
	v0 =	vor.u32 v55, v51  }
0x10d: {  	v1 =	vor.u32 v1, v51;
	[tilespmem:v52+s15+$0x0] =	vst.idx.msk $0xffff, v2  }
0x10e: {  	s31 =	sadd.s32 $0x3, s29;
	[tilespmem:v61+s15+$0x0] =	vst.idx.msk $0xffff, v3  }
0x10f: {  	v60 =	vadd.s32 s31, v4;
	[tilespmem:v63+s15+$0x0] =	vst.idx.msk $0xffff, v45  }
0x110: {  	v44 =	vand.u32 $0xF, v60;
	[tilespmem:v59+s15+$0x0] =	vst.idx.msk $0xffff, v48  }
0x111: {  	v2 =	vor.u32 v10, v44;
	[tilespmem:v0+s15+$0x0] =	vst.idx.msk $0xffff, v50  }
0x112: {  	v3 =	vor.u32 v26, v44;
	[tilespmem:v1+s15+$0x0] =	vst.idx.msk $0xffff, v62;
	v1 =	vshll.u32 v60, $0x7  }
0x113: {  	v61 =	vor.u32 v14, v44;
	v47 =	vor.u32 v4, v1;
	v4 =	vld [tilespmem:$0x1FFC0]  }
0x114: {  	v63 =	vor.u32 v30, v44  }
0x115: {  	v30 =	vor.u32 v19, v44  }
0x116: {  	v0 =	vor.u32 v28, v44;
	v2 =	vld.idx.msk [tilespmem:v2+s12+$0x0], $0xffff  }
0x117: {  	v28 =	vor.u32 v18, v44;
	v62 =	vor.u32 v16, v44;
	v3 =	vld.idx.msk [tilespmem:v3+s12+$0x0], $0xffff;
	v51 =	vand.u32 $0x400, v1  }
0x118: {  	v45 =	vld.idx.msk [tilespmem:v61+s12+$0x0], $0xffff;
	v47 =	vand.u32 $0x388, v47;
	v53 =	vor.u32 v20, v51;
	v26 =	vor.u32 v4, v1  }
0x119: {  	v10 =	vor.u32 v6, v1;
	v48 =	vld.idx.msk [tilespmem:v63+s12+$0x0], $0xffff;
	v14 =	vor.u32 v47, v53;
	v49 =	vand.u32 $0x398, v26  }
0x11a: {  	v16 =	vor.u32 v7, v1;
	v54 =	vand.u32 $0x3A8, v10;
	v52 =	vld.idx.msk [tilespmem:v30+s12+$0x0], $0xffff;
	v18 =	vor.u32 v49, v53  }
0x11b: {  	v19 =	vor.u32 v9, v1;
	v56 =	vand.u32 $0x3B8, v16;
	v20 =	vor.u32 v54, v53;
	v0 =	vld.idx.msk [tilespmem:v0+s12+$0x0], $0xffff  }
0x11c: {  	v23 =	vor.u32 v23, v1;
	v58 =	vand.u32 $0x3C8, v19;
	v50 =	vld.idx.msk [tilespmem:v28+s12+$0x0], $0xffff;
	v26 =	vor.u32 v56, v53  }
0x11d: {  	v60 =	vand.u32 $0x3D8, v23;
	v30 =	vor.u32 v58, v53;
	v28 =	vor.u32 v11, v1;
	v46 =	vld.idx.msk [tilespmem:v62+s12+$0x0], $0xffff  }
0x11e: {  	v55 =	vand.u32 $0x3E8, v28;
	v1 =	vor.u32 v24, v1;
	[tilespmem:v14+s15+$0x0] =	vst.idx.msk $0xffff, v2;
	v2 =	vor.u32 v60, v53  }
0x11f: {  	v1 =	vand.u32 $0x3F8, v1;
	[tilespmem:v18+s15+$0x0] =	vst.idx.msk $0xffff, v3;
	v3 =	vor.u32 v55, v53  }
0x120: {  	v59 =	vor.u32 v1, v53;
	[tilespmem:v20+s15+$0x0] =	vst.idx.msk $0xffff, v45  }
0x121: {  	[tilespmem:v26+s15+$0x0] =	vst.idx.msk $0xffff, v0;
	v0 =	vor.u32 v25, v44  }
0x122: {  	v61 =	vor.u32 v13, v44;
	[tilespmem:v30+s15+$0x0] =	vst.idx.msk $0xffff, v46  }
0x123: {  	v62 =	vor.u32 v29, v44;
	[tilespmem:v2+s15+$0x0] =	vst.idx.msk $0xffff, v48  }
0x124: {  	v63 =	vor.u32 v17, v44;
	[tilespmem:v3+s15+$0x0] =	vst.idx.msk $0xffff, v50  }
0x125: {  	v2 =	vor.u32 v27, v44;
	[tilespmem:v59+s15+$0x0] =	vst.idx.msk $0xffff, v52  }
0x126: {  	v3 =	vor.u32 v15, v44;
	v0 =	vld.idx.msk [tilespmem:v0+s12+$0x0], $0xffff  }
0x127: {  	v9 =	vor.u32 v31, v44;
	v11 =	vor.u32 v33, v51;
	v46 =	vld.idx.msk [tilespmem:v61+s12+$0x0], $0xffff  }
0x128: {  	v10 =	vor.u32 v32, v44;
	v13 =	vor.u32 v47, v11;
	v45 =	vld.idx.msk [tilespmem:v62+s12+$0x0], $0xffff  }
0x129: {  	v14 =	vor.u32 v49, v11;
	v48 =	vld.idx.msk [tilespmem:v63+s12+$0x0], $0xffff  }
0x12a: {  	v15 =	vor.u32 v54, v11;
	v2 =	vld.idx.msk [tilespmem:v2+s12+$0x0], $0xffff  }
0x12b: {  	v16 =	vor.u32 v56, v11;
	v3 =	vld.idx.msk [tilespmem:v3+s12+$0x0], $0xffff  }
0x12c: {  	v17 =	vor.u32 v58, v11;
	v50 =	vld.idx.msk [tilespmem:v9+s12+$0x0], $0xffff  }
0x12d: {  	v52 =	vld.idx.msk [tilespmem:v10+s12+$0x0], $0xffff;
	[tilespmem:v13+s15+$0x0] =	vst.idx.msk $0xffff, v0;
	v0 =	vor.u32 v60, v11  }
0x12e: {  	v18 =	vor.u32 v55, v11;
	[tilespmem:v14+s15+$0x0] =	vst.idx.msk $0xffff, v46  }
0x12f: {  	[tilespmem:v15+s15+$0x0] =	vst.idx.msk $0xffff, v2;
	v2 =	vor.u32 v1, v11  }
0x130: {  	[tilespmem:v16+s15+$0x0] =	vst.idx.msk $0xffff, v3;
	v3 =	vor.u32 v34, v44  }
0x131: {  	v19 =	vor.u32 v35, v44;
	[tilespmem:v17+s15+$0x0] =	vst.idx.msk $0xffff, v45  }
0x132: {  	v20 =	vor.u32 v37, v44;
	[tilespmem:v0+s15+$0x0] =	vst.idx.msk $0xffff, v48  }
0x133: {  	v23 =	vor.u32 v43, v44;
	[tilespmem:v18+s15+$0x0] =	vst.idx.msk $0xffff, v50  }
0x134: {  	v32 =	vld [tilespmem:$0x1FFD0];
	v0 =	vor.u32 v36, v44;
	[tilespmem:v2+s15+$0x0] =	vst.idx.msk $0xffff, v52  }
0x135: {  	v24 =	vor.u32 v12, v44;
	v3 =	vld.idx.msk [tilespmem:v3+s12+$0x0], $0xffff  }
0x136: {  	v26 =	vor.u32 v8, v51;
	v2 =	vor.u32 v38, v44;
	v45 =	vld.idx.msk [tilespmem:v19+s12+$0x0], $0xffff  }
0x137: {  	v25 =	vor.u32 v21, v44;
	v27 =	vor.u32 v47, v26;
	v46 =	vld.idx.msk [tilespmem:v20+s12+$0x0], $0xffff  }
0x138: {  	v28 =	vor.u32 v49, v26;
	v48 =	vld.idx.msk [tilespmem:v23+s12+$0x0], $0xffff  }
0x139: {  	v29 =	vor.u32 v54, v26;
	v0 =	vld.idx.msk [tilespmem:v0+s12+$0x0], $0xffff  }
0x13a: {  	v30 =	vor.u32 v56, v26;
	v50 =	vld.idx.msk [tilespmem:v24+s12+$0x0], $0xffff  }
0x13b: {  	v31 =	vor.u32 v58, v26;
	v2 =	vld.idx.msk [tilespmem:v2+s12+$0x0], $0xffff  }
0x13c: {  	v52 =	vld.idx.msk [tilespmem:v25+s12+$0x0], $0xffff;
	[tilespmem:v27+s15+$0x0] =	vst.idx.msk $0xffff, v3;
	v3 =	vor.u32 v60, v26  }
0x13d: {  	v33 =	vor.u32 v55, v26;
	v34 =	vld [tilespmem:$0x1FFE0];
	[tilespmem:v28+s15+$0x0] =	vst.idx.msk $0xffff, v45  }
0x13e: {  	v35 =	vld [tilespmem:$0x1FFF0];
	[tilespmem:v29+s15+$0x0] =	vst.idx.msk $0xffff, v0;
	v0 =	vor.u32 v1, v26  }
0x13f: {  	v36 =	vor.u32 v32, v44;
	[tilespmem:v30+s15+$0x0] =	vst.idx.msk $0xffff, v46  }
0x140: {  	v37 =	vor.u32 v42, v44;
	[tilespmem:v31+s15+$0x0] =	vst.idx.msk $0xffff, v2  }
0x141: {  	v38 =	vor.u32 v5, v44;
	[tilespmem:v3+s15+$0x0] =	vst.idx.msk $0xffff, v48  }
0x142: {  	v2 =	vor.u32 v34, v44;
	[tilespmem:v33+s15+$0x0] =	vst.idx.msk $0xffff, v50  }
0x143: {  	v3 =	vor.u32 v35, v44;
	[tilespmem:v0+s15+$0x0] =	vst.idx.msk $0xffff, v52  }
0x144: {  	v39 =	vor.u32 v39, v44;
	v46 =	vld.idx.msk [tilespmem:v36+s12+$0x0], $0xffff  }
0x145: {  	v51 =	vor.u32 v41, v51;
	v0 =	vor.u32 v22, v44;
	v45 =	vld.idx.msk [tilespmem:v37+s12+$0x0], $0xffff  }
0x146: {  	v47 =	vor.u32 v47, v51;
	v44 =	vor.u32 v40, v44;
	v48 =	vld.idx.msk [tilespmem:v38+s12+$0x0], $0xffff  }
0x147: {  	v49 =	vor.u32 v49, v51;
	v2 =	vld.idx.msk [tilespmem:v2+s12+$0x0], $0xffff  }
0x148: {  	v57 =	vor.u32 v54, v51;
	v3 =	vld.idx.msk [tilespmem:v3+s12+$0x0], $0xffff  }
0x149: {  	v59 =	vor.u32 v56, v51;
	v50 =	vld.idx.msk [tilespmem:v39+s12+$0x0], $0xffff  }
0x14a: {  	v61 =	vor.u32 v58, v51;
	v0 =	vld.idx.msk [tilespmem:v0+s12+$0x0], $0xffff  }
0x14b: {  	v62 =	vor.u32 v60, v51;
	v44 =	vld.idx.msk [tilespmem:v44+s12+$0x0], $0xffff;
	[tilespmem:v47+s15+$0x0] =	vst.idx.msk $0xffff, v46  }
0x14c: {  	[tilespmem:v49+s15+$0x0] =	vst.idx.msk $0xffff, v2;
	v2 =	vor.u32 v55, v51  }
0x14d: {  	p1 =	slt.u32 s29, $0xC;
	v1 =	vor.u32 v1, v51;
	[tilespmem:v57+s15+$0x0] =	vst.idx.msk $0xffff, v3  }
.Ltmp0:
0x14e: {  	[tilespmem:v59+s15+$0x0] =	vst.idx.msk $0xffff, v45;
	(pc) =	sbr.rel @p1 .LBB2_3-.Ltmp0, $4  }
0x14f: {  	[tilespmem:v61+s15+$0x0] =	vst.idx.msk $0xffff, v0  }
0x150: {  	[tilespmem:v62+s15+$0x0] =	vst.idx.msk $0xffff, v48  }
0x151: {  	[tilespmem:v2+s15+$0x0] =	vst.idx.msk $0xffff, v50  }
0x152: {  	s29 =	sadd.s32 $0x4, s29;
	v63 =	vmovc v42;
	v0 =	vlaneseq.u32;
	v2 =	vmov v7;
	[tilespmem:v1+s15+$0x0] =	vst.idx.msk $0xffff, v44;
	v1 =	vmov v6  }
0x153: {  	s25 =	sadd.s32 s6, s25  }
0x154: {  	s24 =	sshll.u32 s24, $0x14;
	s25 =	sshll.u32 s25, $0xA  }
0x155: {  	s24 =	sadd.s32 s24, s25  }
0x156: {  	v20 =	vld [tilespmem:$0x1FFB0];
	s24 =	sshrl.u32 s24, $0x3  }
0x157: {  	v19 =	vld [tilespmem:$0x1FFA0];
	p2 =	sne.s32 s23, $0x63;
	s24 =	sadd.s32 s1, s24  }
0x158: {  	v18 =	vld [tilespmem:$0x1FF90];
	[hbm4b:s24+s16] =	stream.strided.scatter [tilespmem:s15], [sflag:$0x4], $0x2000, s17, s16, $0x38  }
.Ltmp1:
0x159: {  	v16 =	vld [tilespmem:$0x1FF80];
	(pc) =	sbr.rel @p2 .LBB2_6-.Ltmp1, $4  }
0x15a: {  	v14 =	vld [tilespmem:$0x1FF70];
	s24 =	sadd.s32 $0x1, s26  }
0x15b: {  	v11 =	vld [tilespmem:$0x1FF60];
	s25 =	simm.s32 $0x1;
	p1 =	seq.s32 s24, $0x32  }
0x15c: {  	v10 =	vld [tilespmem:$0x1FF50];
	s25 =	simm.s32 @!p1 $0x0  }
0x15d: {  	v9 =	vld [tilespmem:$0x1FF40];
	s24 =	simm.s32 @p1 $0x0;
	s25 =	sadd.s32 s25, s28  }
.Ltmp2:
0x15e: {  	_ =	swait.ge [sflag:s18], $0x2000;
	(pc) =	sbr.rel .LBB2_7-.Ltmp2, $4  }
0x15f: {  	v3 =	vld [tilespmem:$0x1FF30]  }
0x160: {  	v44 =	vld [tilespmem:$0x1FF00]  }
0x161: {  	[sflag:s18] =	ssyncset.done $0x0;
	v46 =	vld [tilespmem:$0x1FF10]  }
0x162: {  	v48 =	vmov v16;
	v45 =	vmov v14;
	v49 =	vld [tilespmem:$0x1FF20];
	[sflag:s18] =	ssyncadd.s32 $0xFFFFE000  }
.LBB2_6:
0x163: {  	s29 =	sshll.u32 s24, $0xB;
	s30 =	sshll.u32 s25, $0x9  }
0x164: {  	s29 =	sshra.s32 s29, $0x2;
	s30 =	sshra.s32 s30, $0x2  }
0x165: {  	s29 =	sadd.s32 s30, s29  }
0x166: {  	[tilespmem:s12], [sflag:$0x2] =	stream.indirect.gather [hbm4b:s4+s11], $0x40, s29, s11, $0xb8;
	[tilespmem:$0xE400] =	vst v63  }
.Ltmp3:
0x167: {  	_ =	swait.ge [sflag:s18], $0x2000;
	(pc) =	sbr.rel @p0 .LBB2_8-.Ltmp3, $4  }
0x168: {  	v3 =	vld [tilespmem:$0x1FF30]  }
0x169: {  	v44 =	vld [tilespmem:$0x1FF00]  }
0x16a: {  	[sflag:s18] =	ssyncset.done $0x0;
	v46 =	vld [tilespmem:$0x1FF10]  }
0x16b: {  	v48 =	vmov v16;
	v45 =	vmov v14;
	v49 =	vld [tilespmem:$0x1FF20];
	[sflag:s18] =	ssyncadd.s32 $0xFFFFE000  }
.LBB2_7:
0x16c: {  	_ =	swait.ge [sflag:s19], $0x2000  }
0x16d: {  	[sflag:s19] =	ssyncset.done $0x0  }
0x16e: {  	[sflag:s19] =	ssyncadd.s32 $0xFFFFE000  }
.LBB2_8:
0x16f: {  	v12 =	vld [tilespmem:$0x1FD80]  }
0x170: {  	v21 =	vld [tilespmem:$0x1FD90]  }
0x171: {  	v22 =	vld [tilespmem:$0x1FDA0]  }
0x172: {  	v23 =	vld [tilespmem:$0x1FDB0]  }
0x173: {  	v24 =	vld [tilespmem:$0x1FDC0]  }
0x174: {  	v25 =	vld [tilespmem:$0x1FDD0]  }
0x175: {  	v26 =	vld [tilespmem:$0x1FDE0]  }
0x176: {  	v27 =	vld [tilespmem:$0x1FDF0]  }
0x177: {  	v28 =	vld [tilespmem:$0x1FE00]  }
0x178: {  	v29 =	vld [tilespmem:$0x1FE10]  }
0x179: {  	v30 =	vld [tilespmem:$0x1FE20]  }
0x17a: {  	v31 =	vld [tilespmem:$0x1FE30]  }
0x17b: {  	v32 =	vld [tilespmem:$0x1FE40]  }
0x17c: {  	v33 =	vld [tilespmem:$0x1FE50]  }
0x17d: {  	v34 =	vld [tilespmem:$0x1FE60]  }
0x17e: {  	v35 =	vld [tilespmem:$0x1FE70]  }
0x17f: {  	v36 =	vld [tilespmem:$0x1FE80]  }
0x180: {  	v37 =	vld [tilespmem:$0x1FE90]  }
0x181: {  	v38 =	vld [tilespmem:$0x1FEA0]  }
0x182: {  	v43 =	vld [tilespmem:$0x1FEB0]  }
0x183: {  	v13 =	vld [tilespmem:$0x1FEC0]  }
0x184: {  	v15 =	vld [tilespmem:$0x1FED0]  }
0x185: {  	v17 =	vld [tilespmem:$0x1FEE0]  }
0x186: {  	s29 =	simm.s32 $0x0;
	v8 =	vld [tilespmem:$0x1FEF0]  }
.LBB2_9:
0x187: {  	v4 =	vlaneseq.u32  }
0x188: {  	v0 =	vadd.s32 s29, v4  }
0x189: {  	v1 =	vand.u32 $0xF, v0  }
0x18a: {  	v62 =	vor.u32 v45, v1  }
0x18b: {  	v5 =	vld [tilespmem:$0x1FFC0];
	v39 =	vor.u32 v48, v1  }
0x18c: {  	v0 =	vshll.u32 v0, $0x7;
	v2 =	vor.u32 v3, v1  }
0x18d: {  	v47 =	vor.u32 v4, v0;
	v3 =	vor.u32 v44, v1  }
0x18e: {  	v50 =	vor.u32 v18, v1;
	v51 =	vand.u32 $0x400, v0;
	v52 =	vor.u32 v19, v1  }
0x18f: {  	v54 =	vor.u32 v6, v0;
	v56 =	vor.u32 v7, v0;
	v63 =	vor.u32 v46, v1;
	v44 =	vld.idx.msk [tilespmem:v62+s13+$0x0], $0xffff  }
0x190: {  	v47 =	vand.u32 $0x388, v47;
	v53 =	vor.u32 v20, v51;
	v41 =	vor.u32 v5, v0;
	v46 =	vld.idx.msk [tilespmem:v39+s13+$0x0], $0xffff  }
0x191: {  	v40 =	vor.u32 v49, v1;
	v55 =	vor.u32 v47, v53;
	v49 =	vand.u32 $0x398, v41;
	v2 =	vld.idx.msk [tilespmem:v2+s13+$0x0], $0xffff  }
0x192: {  	v58 =	vor.u32 v9, v0;
	v54 =	vand.u32 $0x3A8, v54;
	v57 =	vor.u32 v49, v53;
	v3 =	vld.idx.msk [tilespmem:v3+s13+$0x0], $0xffff  }
0x193: {  	v60 =	vor.u32 v10, v0;
	v56 =	vand.u32 $0x3B8, v56;
	v59 =	vor.u32 v54, v53;
	v50 =	vld.idx.msk [tilespmem:v50+s13+$0x0], $0xffff  }
0x194: {  	v58 =	vand.u32 $0x3C8, v58;
	v60 =	vand.u32 $0x3D8, v60;
	v61 =	vor.u32 v56, v53;
	v45 =	vld.idx.msk [tilespmem:v63+s13+$0x0], $0xffff  }
0x195: {  	v62 =	vor.u32 v11, v0;
	v52 =	vld.idx.msk [tilespmem:v52+s13+$0x0], $0xffff;
	v0 =	vor.u32 v12, v0;
	v63 =	vor.u32 v58, v53  }
0x196: {  	v48 =	vld.idx.msk [tilespmem:v40+s13+$0x0], $0xffff;
	[tilespmem:v55+s20+$0x0] =	vst.idx.msk $0xffff, v2;
	v2 =	vor.u32 v60, v53;
	v55 =	vand.u32 $0x3E8, v62  }
0x197: {  	v0 =	vand.u32 $0x3F8, v0;
	[tilespmem:v57+s20+$0x0] =	vst.idx.msk $0xffff, v3;
	v3 =	vor.u32 v55, v53  }
0x198: {  	v57 =	vor.u32 v0, v53;
	[tilespmem:v59+s20+$0x0] =	vst.idx.msk $0xffff, v44  }
0x199: {  	v59 =	vor.u32 v21, v1;
	[tilespmem:v61+s20+$0x0] =	vst.idx.msk $0xffff, v45  }
0x19a: {  	v61 =	vor.u32 v22, v1;
	[tilespmem:v63+s20+$0x0] =	vst.idx.msk $0xffff, v46  }
0x19b: {  	v62 =	vor.u32 v25, v1;
	[tilespmem:v2+s20+$0x0] =	vst.idx.msk $0xffff, v48  }
0x19c: {  	v39 =	vor.u32 v27, v1;
	[tilespmem:v3+s20+$0x0] =	vst.idx.msk $0xffff, v50  }
0x19d: {  	v2 =	vor.u32 v23, v1;
	[tilespmem:v57+s20+$0x0] =	vst.idx.msk $0xffff, v52  }
0x19e: {  	v3 =	vor.u32 v24, v1;
	v45 =	vld.idx.msk [tilespmem:v59+s13+$0x0], $0xffff  }
0x19f: {  	v40 =	vor.u32 v28, v1;
	v53 =	vor.u32 v29, v51;
	v46 =	vld.idx.msk [tilespmem:v61+s13+$0x0], $0xffff  }
0x1a0: {  	v41 =	vor.u32 v47, v53;
	v63 =	vor.u32 v26, v1;
	v44 =	vld.idx.msk [tilespmem:v62+s13+$0x0], $0xffff  }
0x1a1: {  	v59 =	vor.u32 v49, v53;
	v50 =	vld.idx.msk [tilespmem:v39+s13+$0x0], $0xffff  }
0x1a2: {  	v61 =	vor.u32 v54, v53;
	v2 =	vld.idx.msk [tilespmem:v2+s13+$0x0], $0xffff  }
0x1a3: {  	v39 =	vor.u32 v56, v53;
	v3 =	vld.idx.msk [tilespmem:v3+s13+$0x0], $0xffff  }
0x1a4: {  	v52 =	vld.idx.msk [tilespmem:v40+s13+$0x0], $0xffff;
	v40 =	vor.u32 v58, v53  }
0x1a5: {  	v48 =	vld.idx.msk [tilespmem:v63+s13+$0x0], $0xffff;
	[tilespmem:v41+s20+$0x0] =	vst.idx.msk $0xffff, v45;
	v41 =	vor.u32 v60, v53  }
0x1a6: {  	v57 =	vor.u32 v55, v53;
	[tilespmem:v59+s20+$0x0] =	vst.idx.msk $0xffff, v46  }
0x1a7: {  	[tilespmem:v61+s20+$0x0] =	vst.idx.msk $0xffff, v2;
	v2 =	vor.u32 v0, v53  }
0x1a8: {  	[tilespmem:v39+s20+$0x0] =	vst.idx.msk $0xffff, v3;
	v3 =	vor.u32 v30, v1  }
0x1a9: {  	v59 =	vor.u32 v31, v1;
	[tilespmem:v40+s20+$0x0] =	vst.idx.msk $0xffff, v44  }
0x1aa: {  	v61 =	vor.u32 v32, v1;
	[tilespmem:v41+s20+$0x0] =	vst.idx.msk $0xffff, v48  }
0x1ab: {  	v62 =	vor.u32 v33, v1;
	[tilespmem:v57+s20+$0x0] =	vst.idx.msk $0xffff, v50  }
0x1ac: {  	v63 =	vor.u32 v35, v1;
	[tilespmem:v2+s20+$0x0] =	vst.idx.msk $0xffff, v52  }
0x1ad: {  	v39 =	vor.u32 v37, v1;
	v3 =	vld.idx.msk [tilespmem:v3+s13+$0x0], $0xffff  }
0x1ae: {  	v53 =	vor.u32 v38, v51;
	v2 =	vor.u32 v34, v1;
	v44 =	vld.idx.msk [tilespmem:v59+s13+$0x0], $0xffff  }
0x1af: {  	v50 =	vor.u32 v36, v1;
	v57 =	vor.u32 v47, v53;
	v45 =	vld.idx.msk [tilespmem:v61+s13+$0x0], $0xffff  }
0x1b0: {  	v40 =	vor.u32 v49, v53;
	v46 =	vld.idx.msk [tilespmem:v62+s13+$0x0], $0xffff  }
0x1b1: {  	v41 =	vor.u32 v54, v53;
	v48 =	vld.idx.msk [tilespmem:v63+s13+$0x0], $0xffff  }
0x1b2: {  	v62 =	vor.u32 v56, v53;
	v52 =	vld.idx.msk [tilespmem:v39+s13+$0x0], $0xffff  }
0x1b3: {  	v39 =	vor.u32 v58, v53;
	v2 =	vld.idx.msk [tilespmem:v2+s13+$0x0], $0xffff  }
0x1b4: {  	v50 =	vld.idx.msk [tilespmem:v50+s13+$0x0], $0xffff;
	[tilespmem:v57+s20+$0x0] =	vst.idx.msk $0xffff, v3;
	v3 =	vor.u32 v60, v53  }
0x1b5: {  	v5 =	vld [tilespmem:$0x1FFD0];
	[tilespmem:v40+s20+$0x0] =	vst.idx.msk $0xffff, v44  }
0x1b6: {  	[tilespmem:v41+s20+$0x0] =	vst.idx.msk $0xffff, v45  }
0x1b7: {  	[tilespmem:v62+s20+$0x0] =	vst.idx.msk $0xffff, v46  }
0x1b8: {  	v40 =	vor.u32 v55, v53;
	[tilespmem:v39+s20+$0x0] =	vst.idx.msk $0xffff, v2;
	v2 =	vld [tilespmem:$0x1FFE0]  }
0x1b9: {  	v41 =	vor.u32 v0, v53;
	[tilespmem:v3+s20+$0x0] =	vst.idx.msk $0xffff, v48;
	v3 =	vld [tilespmem:$0x1FFF0]  }
0x1ba: {  	v53 =	vor.u32 v5, v1  }
0x1bb: {  	v57 =	vor.u32 v42, v1  }
0x1bc: {  	v59 =	vor.u32 v43, v1  }
0x1bd: {  	[tilespmem:v40+s20+$0x0] =	vst.idx.msk $0xffff, v50;
	v2 =	vor.u32 v2, v1  }
0x1be: {  	[tilespmem:v41+s20+$0x0] =	vst.idx.msk $0xffff, v52;
	v3 =	vor.u32 v3, v1  }
0x1bf: {  	v61 =	vor.u32 v13, v1;
	v46 =	vld.idx.msk [tilespmem:v53+s13+$0x0], $0xffff  }
0x1c0: {  	v51 =	vor.u32 v8, v51;
	v62 =	vor.u32 v15, v1;
	v52 =	vld.idx.msk [tilespmem:v57+s13+$0x0], $0xffff  }
0x1c1: {  	v63 =	vor.u32 v47, v51;
	v45 =	vld.idx.msk [tilespmem:v59+s13+$0x0], $0xffff;
	v1 =	vor.u32 v17, v1  }
0x1c2: {  	v39 =	vor.u32 v49, v51;
	v2 =	vld.idx.msk [tilespmem:v2+s13+$0x0], $0xffff  }
0x1c3: {  	v40 =	vor.u32 v54, v51;
	v3 =	vld.idx.msk [tilespmem:v3+s13+$0x0], $0xffff  }
0x1c4: {  	v41 =	vor.u32 v56, v51;
	v48 =	vld.idx.msk [tilespmem:v61+s13+$0x0], $0xffff  }
0x1c5: {  	v50 =	vld.idx.msk [tilespmem:v62+s13+$0x0], $0xffff;
	v57 =	vor.u32 v58, v51  }
0x1c6: {  	v58 =	vor.u32 v60, v51;
	v1 =	vld.idx.msk [tilespmem:v1+s13+$0x0], $0xffff;
	[tilespmem:v63+s20+$0x0] =	vst.idx.msk $0xffff, v46  }
0x1c7: {  	[tilespmem:v39+s20+$0x0] =	vst.idx.msk $0xffff, v2;
	v2 =	vor.u32 v55, v51  }
0x1c8: {  	v60 =	vld [tilespmem:$0x1FF00];
	[tilespmem:v40+s20+$0x0] =	vst.idx.msk $0xffff, v3  }
0x1c9: {  	s30 =	sadd.s32 $0x1, s29;
	v3 =	vld [tilespmem:$0x1FF30];
	[tilespmem:v41+s20+$0x0] =	vst.idx.msk $0xffff, v52  }
0x1ca: {  	v0 =	vor.u32 v0, v51;
	v59 =	vadd.s32 s30, v4;
	v62 =	vld [tilespmem:$0x1FF20];
	[tilespmem:v57+s20+$0x0] =	vst.idx.msk $0xffff, v45  }
0x1cb: {  	v5 =	vld [tilespmem:$0x1FFC0];
	v44 =	vand.u32 $0xF, v59;
	[tilespmem:v58+s20+$0x0] =	vst.idx.msk $0xffff, v48  }
0x1cc: {  	v61 =	vor.u32 v14, v44;
	[tilespmem:v2+s20+$0x0] =	vst.idx.msk $0xffff, v50;
	v2 =	vld [tilespmem:$0x1FF10]  }
0x1cd: {  	v52 =	vor.u32 v19, v44  }
0x1ce: {  	v3 =	vor.u32 v3, v44  }
0x1cf: {  	v45 =	vor.u32 v60, v44;
	v48 =	vor.u32 v62, v44;
	[tilespmem:v0+s20+$0x0] =	vst.idx.msk $0xffff, v1;
	v0 =	vshll.u32 v59, $0x7  }
0x1d0: {  	v50 =	vor.u32 v18, v44;
	v1 =	vor.u32 v16, v44;
	v47 =	vor.u32 v4, v0  }
0x1d1: {  	v63 =	vor.u32 v5, v0;
	v51 =	vand.u32 $0x400, v0;
	v46 =	vld.idx.msk [tilespmem:v61+s13+$0x0], $0xffff;
	v2 =	vor.u32 v2, v44  }
0x1d2: {  	v39 =	vor.u32 v6, v0;
	v52 =	vld.idx.msk [tilespmem:v52+s13+$0x0], $0xffff;
	v47 =	vand.u32 $0x388, v47;
	v53 =	vor.u32 v20, v51  }
0x1d3: {  	v40 =	vor.u32 v7, v0;
	v49 =	vand.u32 $0x398, v63;
	v55 =	vor.u32 v47, v53;
	v3 =	vld.idx.msk [tilespmem:v3+s13+$0x0], $0xffff  }
0x1d4: {  	v41 =	vor.u32 v9, v0;
	v45 =	vld.idx.msk [tilespmem:v45+s13+$0x0], $0xffff;
	v54 =	vand.u32 $0x3A8, v39;
	v57 =	vor.u32 v49, v53  }
0x1d5: {  	v60 =	vor.u32 v10, v0;
	v56 =	vand.u32 $0x3B8, v40;
	v48 =	vld.idx.msk [tilespmem:v48+s13+$0x0], $0xffff;
	v59 =	vor.u32 v54, v53  }
0x1d6: {  	v58 =	vand.u32 $0x3C8, v41;
	v40 =	vor.u32 v11, v0;
	v39 =	vor.u32 v56, v53;
	v2 =	vld.idx.msk [tilespmem:v2+s13+$0x0], $0xffff  }
0x1d7: {  	v60 =	vand.u32 $0x3D8, v60;
	v0 =	vor.u32 v12, v0;
	v41 =	vor.u32 v58, v53;
	v1 =	vld.idx.msk [tilespmem:v1+s13+$0x0], $0xffff  }
0x1d8: {  	v50 =	vld.idx.msk [tilespmem:v50+s13+$0x0], $0xffff;
	[tilespmem:v55+s20+$0x0] =	vst.idx.msk $0xffff, v3;
	v3 =	vor.u32 v60, v53;
	v55 =	vand.u32 $0x3E8, v40  }
0x1d9: {  	v0 =	vand.u32 $0x3F8, v0;
	[tilespmem:v57+s20+$0x0] =	vst.idx.msk $0xffff, v45;
	v57 =	vor.u32 v55, v53  }
0x1da: {  	[tilespmem:v59+s20+$0x0] =	vst.idx.msk $0xffff, v46;
	v59 =	vor.u32 v0, v53  }
0x1db: {  	[tilespmem:v39+s20+$0x0] =	vst.idx.msk $0xffff, v2;
	v2 =	vor.u32 v21, v44  }
0x1dc: {  	v62 =	vor.u32 v24, v44;
	[tilespmem:v41+s20+$0x0] =	vst.idx.msk $0xffff, v1  }
0x1dd: {  	v63 =	vor.u32 v25, v44;
	[tilespmem:v3+s20+$0x0] =	vst.idx.msk $0xffff, v48  }
0x1de: {  	v39 =	vor.u32 v26, v44;
	[tilespmem:v57+s20+$0x0] =	vst.idx.msk $0xffff, v50  }
0x1df: {  	v1 =	vor.u32 v22, v44;
	[tilespmem:v59+s20+$0x0] =	vst.idx.msk $0xffff, v52  }
0x1e0: {  	v3 =	vor.u32 v23, v44;
	v2 =	vld.idx.msk [tilespmem:v2+s13+$0x0], $0xffff  }
0x1e1: {  	v40 =	vor.u32 v27, v44;
	v45 =	vld.idx.msk [tilespmem:v62+s13+$0x0], $0xffff  }
0x1e2: {  	v53 =	vor.u32 v29, v51;
	v41 =	vor.u32 v28, v44;
	v46 =	vld.idx.msk [tilespmem:v63+s13+$0x0], $0xffff  }
0x1e3: {  	v57 =	vor.u32 v47, v53;
	v48 =	vld.idx.msk [tilespmem:v39+s13+$0x0], $0xffff  }
0x1e4: {  	v59 =	vor.u32 v49, v53;
	v1 =	vld.idx.msk [tilespmem:v1+s13+$0x0], $0xffff  }
0x1e5: {  	v39 =	vor.u32 v54, v53;
	v3 =	vld.idx.msk [tilespmem:v3+s13+$0x0], $0xffff  }
0x1e6: {  	v50 =	vld.idx.msk [tilespmem:v40+s13+$0x0], $0xffff;
	v40 =	vor.u32 v56, v53  }
0x1e7: {  	v52 =	vld.idx.msk [tilespmem:v41+s13+$0x0], $0xffff;
	v41 =	vor.u32 v58, v53  }
0x1e8: {  	[tilespmem:v57+s20+$0x0] =	vst.idx.msk $0xffff, v2;
	v2 =	vor.u32 v60, v53  }
0x1e9: {  	[tilespmem:v59+s20+$0x0] =	vst.idx.msk $0xffff, v1;
	v1 =	vor.u32 v55, v53  }
0x1ea: {  	[tilespmem:v39+s20+$0x0] =	vst.idx.msk $0xffff, v3;
	v3 =	vor.u32 v0, v53  }
0x1eb: {  	v61 =	vor.u32 v30, v44;
	[tilespmem:v40+s20+$0x0] =	vst.idx.msk $0xffff, v45  }
0x1ec: {  	v62 =	vor.u32 v31, v44;
	[tilespmem:v41+s20+$0x0] =	vst.idx.msk $0xffff, v46  }
0x1ed: {  	v63 =	vor.u32 v35, v44;
	[tilespmem:v2+s20+$0x0] =	vst.idx.msk $0xffff, v48  }
0x1ee: {  	v39 =	vor.u32 v37, v44;
	[tilespmem:v1+s20+$0x0] =	vst.idx.msk $0xffff, v50  }
0x1ef: {  	v2 =	vor.u32 v32, v44;
	[tilespmem:v3+s20+$0x0] =	vst.idx.msk $0xffff, v52  }
0x1f0: {  	v1 =	vor.u32 v33, v44;
	v45 =	vld.idx.msk [tilespmem:v61+s13+$0x0], $0xffff  }
0x1f1: {  	v53 =	vor.u32 v38, v51;
	v3 =	vor.u32 v34, v44;
	v46 =	vld.idx.msk [tilespmem:v62+s13+$0x0], $0xffff  }
0x1f2: {  	v40 =	vor.u32 v47, v53;
	v50 =	vor.u32 v36, v44;
	v48 =	vld.idx.msk [tilespmem:v63+s13+$0x0], $0xffff  }
0x1f3: {  	v41 =	vor.u32 v49, v53;
	v52 =	vld.idx.msk [tilespmem:v39+s13+$0x0], $0xffff  }
0x1f4: {  	v61 =	vor.u32 v54, v53;
	v2 =	vld.idx.msk [tilespmem:v2+s13+$0x0], $0xffff  }
0x1f5: {  	v62 =	vor.u32 v56, v53;
	v1 =	vld.idx.msk [tilespmem:v1+s13+$0x0], $0xffff  }
0x1f6: {  	v39 =	vor.u32 v58, v53;
	v3 =	vld.idx.msk [tilespmem:v3+s13+$0x0], $0xffff  }
0x1f7: {  	v50 =	vld.idx.msk [tilespmem:v50+s13+$0x0], $0xffff;
	[tilespmem:v40+s20+$0x0] =	vst.idx.msk $0xffff, v45  }
0x1f8: {  	v5 =	vld [tilespmem:$0x1FFF0];
	[tilespmem:v41+s20+$0x0] =	vst.idx.msk $0xffff, v46  }
0x1f9: {  	[tilespmem:v61+s20+$0x0] =	vst.idx.msk $0xffff, v2  }
0x1fa: {  	v40 =	vor.u32 v60, v53;
	[tilespmem:v62+s20+$0x0] =	vst.idx.msk $0xffff, v1;
	v1 =	vld [tilespmem:$0x1FFD0]  }
0x1fb: {  	v41 =	vor.u32 v55, v53;
	[tilespmem:v39+s20+$0x0] =	vst.idx.msk $0xffff, v3;
	v3 =	vld [tilespmem:$0x1FFE0]  }
0x1fc: {  	v2 =	vor.u32 v0, v53  }
0x1fd: {  	v57 =	vor.u32 v5, v44  }
0x1fe: {  	v59 =	vor.u32 v42, v44  }
0x1ff: {  	[tilespmem:v40+s20+$0x0] =	vst.idx.msk $0xffff, v48;
	v1 =	vor.u32 v1, v44  }
0x200: {  	[tilespmem:v41+s20+$0x0] =	vst.idx.msk $0xffff, v50;
	v3 =	vor.u32 v3, v44  }
0x201: {  	v61 =	vor.u32 v13, v44;
	[tilespmem:v2+s20+$0x0] =	vst.idx.msk $0xffff, v52  }
0x202: {  	v62 =	vor.u32 v15, v44;
	v45 =	vld.idx.msk [tilespmem:v57+s13+$0x0], $0xffff  }
0x203: {  	v51 =	vor.u32 v8, v51;
	v2 =	vor.u32 v43, v44;
	v46 =	vld.idx.msk [tilespmem:v59+s13+$0x0], $0xffff  }
0x204: {  	v47 =	vor.u32 v47, v51;
	v44 =	vor.u32 v17, v44;
	v1 =	vld.idx.msk [tilespmem:v1+s13+$0x0], $0xffff  }
0x205: {  	v49 =	vor.u32 v49, v51;
	v3 =	vld.idx.msk [tilespmem:v3+s13+$0x0], $0xffff  }
0x206: {  	v63 =	vor.u32 v54, v51;
	v48 =	vld.idx.msk [tilespmem:v61+s13+$0x0], $0xffff  }
0x207: {  	v39 =	vor.u32 v56, v51;
	v50 =	vld.idx.msk [tilespmem:v62+s13+$0x0], $0xffff  }
0x208: {  	v41 =	vor.u32 v58, v51;
	v2 =	vld.idx.msk [tilespmem:v2+s13+$0x0], $0xffff  }
0x209: {  	v40 =	vld.idx.msk [tilespmem:v44+s13+$0x0], $0xffff;
	[tilespmem:v47+s20+$0x0] =	vst.idx.msk $0xffff, v1;
	v1 =	vor.u32 v60, v51  }
0x20a: {  	v59 =	vld [tilespmem:$0x1FF30];
	[tilespmem:v49+s20+$0x0] =	vst.idx.msk $0xffff, v3;
	v3 =	vor.u32 v55, v51  }
0x20b: {  	[tilespmem:v63+s20+$0x0] =	vst.idx.msk $0xffff, v45  }
0x20c: {  	s31 =	sadd.s32 $0x2, s29;
	v5 =	vld [tilespmem:$0x1FFC0];
	[tilespmem:v39+s20+$0x0] =	vst.idx.msk $0xffff, v46  }
0x20d: {  	v0 =	vor.u32 v0, v51;
	v58 =	vadd.s32 s31, v4;
	[tilespmem:v41+s20+$0x0] =	vst.idx.msk $0xffff, v2;
	v2 =	vld [tilespmem:$0x1FF00]  }
0x20e: {  	v61 =	vld [tilespmem:$0x1FF20];
	v44 =	vand.u32 $0xF, v58;
	[tilespmem:v1+s20+$0x0] =	vst.idx.msk $0xffff, v48  }
0x20f: {  	v45 =	vor.u32 v59, v44;
	[tilespmem:v3+s20+$0x0] =	vst.idx.msk $0xffff, v50;
	v3 =	vld [tilespmem:$0x1FF10]  }
0x210: {  	v60 =	vor.u32 v16, v44  }
0x211: {  	v52 =	vor.u32 v19, v44  }
0x212: {  	v1 =	vor.u32 v14, v44;
	[tilespmem:v0+s20+$0x0] =	vst.idx.msk $0xffff, v40;
	v0 =	vshll.u32 v58, $0x7;
	v2 =	vor.u32 v2, v44  }
0x213: {  	v48 =	vor.u32 v61, v44;
	v50 =	vor.u32 v18, v44;
	v47 =	vor.u32 v4, v0  }
0x214: {  	v45 =	vld.idx.msk [tilespmem:v45+s13+$0x0], $0xffff;
	v62 =	vor.u32 v5, v0;
	v51 =	vand.u32 $0x400, v0;
	v3 =	vor.u32 v3, v44  }
0x215: {  	v63 =	vor.u32 v6, v0;
	v46 =	vld.idx.msk [tilespmem:v60+s13+$0x0], $0xffff;
	v47 =	vand.u32 $0x388, v47;
	v53 =	vor.u32 v20, v51  }
0x216: {  	v39 =	vor.u32 v7, v0;
	v52 =	vld.idx.msk [tilespmem:v52+s13+$0x0], $0xffff;
	v49 =	vand.u32 $0x398, v62;
	v55 =	vor.u32 v47, v53  }
0x217: {  	v40 =	vor.u32 v9, v0;
	v54 =	vand.u32 $0x3A8, v63;
	v57 =	vor.u32 v49, v53;
	v2 =	vld.idx.msk [tilespmem:v2+s13+$0x0], $0xffff  }
0x218: {  	v41 =	vor.u32 v10, v0;
	v56 =	vand.u32 $0x3B8, v39;
	v1 =	vld.idx.msk [tilespmem:v1+s13+$0x0], $0xffff;
	v59 =	vor.u32 v54, v53  }
0x219: {  	v58 =	vand.u32 $0x3C8, v40;
	v39 =	vor.u32 v11, v0;
	v61 =	vor.u32 v56, v53;
	v3 =	vld.idx.msk [tilespmem:v3+s13+$0x0], $0xffff  }
0x21a: {  	v60 =	vand.u32 $0x3D8, v41;
	v0 =	vor.u32 v12, v0;
	v48 =	vld.idx.msk [tilespmem:v48+s13+$0x0], $0xffff;
	v40 =	vor.u32 v58, v53  }
0x21b: {  	v41 =	vor.u32 v60, v53;
	v50 =	vld.idx.msk [tilespmem:v50+s13+$0x0], $0xffff;
	[tilespmem:v55+s20+$0x0] =	vst.idx.msk $0xffff, v45;
	v55 =	vand.u32 $0x3E8, v39  }
0x21c: {  	v0 =	vand.u32 $0x3F8, v0;
	[tilespmem:v57+s20+$0x0] =	vst.idx.msk $0xffff, v2;
	v2 =	vor.u32 v55, v53  }
0x21d: {  	[tilespmem:v59+s20+$0x0] =	vst.idx.msk $0xffff, v1;
	v1 =	vor.u32 v0, v53  }
0x21e: {  	[tilespmem:v61+s20+$0x0] =	vst.idx.msk $0xffff, v3;
	v3 =	vor.u32 v21, v44  }
0x21f: {  	v62 =	vor.u32 v22, v44;
	[tilespmem:v40+s20+$0x0] =	vst.idx.msk $0xffff, v46  }
0x220: {  	v63 =	vor.u32 v23, v44;
	[tilespmem:v41+s20+$0x0] =	vst.idx.msk $0xffff, v48  }
0x221: {  	v39 =	vor.u32 v26, v44;
	[tilespmem:v2+s20+$0x0] =	vst.idx.msk $0xffff, v50  }
0x222: {  	v40 =	vor.u32 v27, v44;
	[tilespmem:v1+s20+$0x0] =	vst.idx.msk $0xffff, v52  }
0x223: {  	v41 =	vor.u32 v28, v44;
	v3 =	vld.idx.msk [tilespmem:v3+s13+$0x0], $0xffff  }
0x224: {  	v2 =	vor.u32 v24, v44;
	v46 =	vld.idx.msk [tilespmem:v62+s13+$0x0], $0xffff  }
0x225: {  	v53 =	vor.u32 v29, v51;
	v1 =	vor.u32 v25, v44;
	v45 =	vld.idx.msk [tilespmem:v63+s13+$0x0], $0xffff  }
0x226: {  	v57 =	vor.u32 v47, v53;
	v48 =	vld.idx.msk [tilespmem:v39+s13+$0x0], $0xffff  }
0x227: {  	v59 =	vor.u32 v49, v53;
	v50 =	vld.idx.msk [tilespmem:v40+s13+$0x0], $0xffff  }
0x228: {  	v39 =	vor.u32 v54, v53;
	v52 =	vld.idx.msk [tilespmem:v41+s13+$0x0], $0xffff  }
0x229: {  	v40 =	vor.u32 v56, v53;
	v2 =	vld.idx.msk [tilespmem:v2+s13+$0x0], $0xffff  }
0x22a: {  	v41 =	vor.u32 v58, v53;
	v1 =	vld.idx.msk [tilespmem:v1+s13+$0x0], $0xffff  }
0x22b: {  	[tilespmem:v57+s20+$0x0] =	vst.idx.msk $0xffff, v3;
	v3 =	vor.u32 v60, v53  }
0x22c: {  	[tilespmem:v59+s20+$0x0] =	vst.idx.msk $0xffff, v46;
	v59 =	vor.u32 v55, v53  }
0x22d: {  	v61 =	vor.u32 v0, v53;
	[tilespmem:v39+s20+$0x0] =	vst.idx.msk $0xffff, v45  }
0x22e: {  	[tilespmem:v40+s20+$0x0] =	vst.idx.msk $0xffff, v2;
	v2 =	vor.u32 v30, v44  }
0x22f: {  	v62 =	vor.u32 v33, v44;
	[tilespmem:v41+s20+$0x0] =	vst.idx.msk $0xffff, v1  }
0x230: {  	v63 =	vor.u32 v34, v44;
	[tilespmem:v3+s20+$0x0] =	vst.idx.msk $0xffff, v48  }
0x231: {  	v39 =	vor.u32 v35, v44;
	[tilespmem:v59+s20+$0x0] =	vst.idx.msk $0xffff, v50  }
0x232: {  	v5 =	vld [tilespmem:$0x1FFD0];
	v1 =	vor.u32 v31, v44;
	[tilespmem:v61+s20+$0x0] =	vst.idx.msk $0xffff, v52  }
0x233: {  	v3 =	vor.u32 v32, v44;
	v2 =	vld.idx.msk [tilespmem:v2+s13+$0x0], $0xffff  }
0x234: {  	v40 =	vor.u32 v36, v44;
	v46 =	vld.idx.msk [tilespmem:v62+s13+$0x0], $0xffff  }
0x235: {  	v53 =	vor.u32 v38, v51;
	v41 =	vor.u32 v37, v44;
	v45 =	vld.idx.msk [tilespmem:v63+s13+$0x0], $0xffff  }
0x236: {  	v57 =	vor.u32 v47, v53;
	v48 =	vld.idx.msk [tilespmem:v39+s13+$0x0], $0xffff  }
0x237: {  	v59 =	vor.u32 v49, v53;
	v1 =	vld.idx.msk [tilespmem:v1+s13+$0x0], $0xffff  }
0x238: {  	v39 =	vor.u32 v54, v53;
	v3 =	vld.idx.msk [tilespmem:v3+s13+$0x0], $0xffff  }
0x239: {  	v50 =	vld.idx.msk [tilespmem:v40+s13+$0x0], $0xffff;
	v40 =	vor.u32 v56, v53  }
0x23a: {  	v52 =	vld.idx.msk [tilespmem:v41+s13+$0x0], $0xffff;
	v41 =	vor.u32 v58, v53  }
0x23b: {  	[tilespmem:v57+s20+$0x0] =	vst.idx.msk $0xffff, v2;
	v2 =	vor.u32 v60, v53  }
0x23c: {  	[tilespmem:v59+s20+$0x0] =	vst.idx.msk $0xffff, v1  }
0x23d: {  	[tilespmem:v39+s20+$0x0] =	vst.idx.msk $0xffff, v3  }
0x23e: {  	[tilespmem:v40+s20+$0x0] =	vst.idx.msk $0xffff, v46  }
0x23f: {  	v57 =	vor.u32 v5, v44;
	v5 =	vld [tilespmem:$0x1FFE0];
	v1 =	vor.u32 v55, v53;
	[tilespmem:v41+s20+$0x0] =	vst.idx.msk $0xffff, v45  }
0x240: {  	v3 =	vor.u32 v0, v53;
	[tilespmem:v2+s20+$0x0] =	vst.idx.msk $0xffff, v48;
	v2 =	vld [tilespmem:$0x1FFF0];
	_ =	sdelay $0x1  }
0x241: {  	v61 =	vor.u32 v13, v44  }
0x242: {  	v62 =	vor.u32 v15, v44  }
0x243: {  	v59 =	vor.u32 v5, v44;
	[tilespmem:v1+s20+$0x0] =	vst.idx.msk $0xffff, v50  }
0x244: {  	[tilespmem:v3+s20+$0x0] =	vst.idx.msk $0xffff, v52;
	v2 =	vor.u32 v2, v44  }
0x245: {  	v1 =	vor.u32 v42, v44;
	v46 =	vld.idx.msk [tilespmem:v57+s13+$0x0], $0xffff  }
0x246: {  	v51 =	vor.u32 v8, v51;
	v3 =	vor.u32 v43, v44;
	v48 =	vld.idx.msk [tilespmem:v61+s13+$0x0], $0xffff  }
0x247: {  	v47 =	vor.u32 v47, v51;
	v50 =	vld.idx.msk [tilespmem:v62+s13+$0x0], $0xffff;
	v44 =	vor.u32 v17, v44  }
0x248: {  	v49 =	vor.u32 v49, v51;
	v45 =	vld.idx.msk [tilespmem:v59+s13+$0x0], $0xffff  }
0x249: {  	v63 =	vor.u32 v54, v51;
	v2 =	vld.idx.msk [tilespmem:v2+s13+$0x0], $0xffff  }
0x24a: {  	v39 =	vor.u32 v56, v51;
	v1 =	vld.idx.msk [tilespmem:v1+s13+$0x0], $0xffff  }
0x24b: {  	v41 =	vor.u32 v58, v51;
	v3 =	vld.idx.msk [tilespmem:v3+s13+$0x0], $0xffff  }
0x24c: {  	v57 =	vor.u32 v60, v51;
	v40 =	vld.idx.msk [tilespmem:v44+s13+$0x0], $0xffff;
	[tilespmem:v47+s20+$0x0] =	vst.idx.msk $0xffff, v46  }
0x24d: {  	v58 =	vor.u32 v55, v51;
	v60 =	vld [tilespmem:$0x1FF10];
	[tilespmem:v49+s20+$0x0] =	vst.idx.msk $0xffff, v45  }
0x24e: {  	v0 =	vor.u32 v0, v51;
	[tilespmem:v63+s20+$0x0] =	vst.idx.msk $0xffff, v2  }
0x24f: {  	s31 =	sadd.s32 $0x3, s29;
	[tilespmem:v39+s20+$0x0] =	vst.idx.msk $0xffff, v1  }
0x250: {  	v59 =	vadd.s32 s31, v4;
	v1 =	vld [tilespmem:$0x1FF30];
	[tilespmem:v41+s20+$0x0] =	vst.idx.msk $0xffff, v3  }
0x251: {  	v44 =	vand.u32 $0xF, v59;
	v2 =	vld [tilespmem:$0x1FF00];
	[tilespmem:v57+s20+$0x0] =	vst.idx.msk $0xffff, v48  }
0x252: {  	v45 =	vor.u32 v60, v44;
	[tilespmem:v58+s20+$0x0] =	vst.idx.msk $0xffff, v50  }
0x253: {  	v62 =	vld [tilespmem:$0x1FF20];
	v61 =	vor.u32 v16, v44;
	[tilespmem:v0+s20+$0x0] =	vst.idx.msk $0xffff, v40;
	v0 =	vshll.u32 v59, $0x7  }
0x254: {  	v52 =	vor.u32 v19, v44;
	v47 =	vor.u32 v4, v0;
	v4 =	vld [tilespmem:$0x1FFC0]  }
0x255: {  	v1 =	vor.u32 v1, v44  }
0x256: {  	v2 =	vor.u32 v2, v44  }
0x257: {  	v3 =	vor.u32 v14, v44;
	v45 =	vld.idx.msk [tilespmem:v45+s13+$0x0], $0xffff  }
0x258: {  	v48 =	vor.u32 v62, v44;
	v50 =	vor.u32 v18, v44;
	v51 =	vand.u32 $0x400, v0;
	v46 =	vld.idx.msk [tilespmem:v61+s13+$0x0], $0xffff  }
0x259: {  	v52 =	vld.idx.msk [tilespmem:v52+s13+$0x0], $0xffff;
	v47 =	vand.u32 $0x388, v47;
	v53 =	vor.u32 v20, v51;
	v63 =	vor.u32 v4, v0  }
0x25a: {  	v39 =	vor.u32 v6, v0;
	v55 =	vor.u32 v47, v53;
	v1 =	vld.idx.msk [tilespmem:v1+s13+$0x0], $0xffff;
	v49 =	vand.u32 $0x398, v63  }
0x25b: {  	v40 =	vor.u32 v7, v0;
	v54 =	vand.u32 $0x3A8, v39;
	v2 =	vld.idx.msk [tilespmem:v2+s13+$0x0], $0xffff;
	v57 =	vor.u32 v49, v53  }
0x25c: {  	v41 =	vor.u32 v9, v0;
	v3 =	vld.idx.msk [tilespmem:v3+s13+$0x0], $0xffff;
	v56 =	vand.u32 $0x3B8, v40;
	v59 =	vor.u32 v54, v53  }
0x25d: {  	v60 =	vor.u32 v10, v0;
	v58 =	vand.u32 $0x3C8, v41;
	v48 =	vld.idx.msk [tilespmem:v48+s13+$0x0], $0xffff;
	v39 =	vor.u32 v56, v53  }
0x25e: {  	v40 =	vor.u32 v11, v0;
	v60 =	vand.u32 $0x3D8, v60;
	v41 =	vor.u32 v58, v53;
	v50 =	vld.idx.msk [tilespmem:v50+s13+$0x0], $0xffff  }
0x25f: {  	v0 =	vor.u32 v12, v0;
	[tilespmem:v55+s20+$0x0] =	vst.idx.msk $0xffff, v1;
	v1 =	vor.u32 v60, v53;
	v55 =	vand.u32 $0x3E8, v40  }
0x260: {  	v0 =	vand.u32 $0x3F8, v0;
	[tilespmem:v57+s20+$0x0] =	vst.idx.msk $0xffff, v2;
	v2 =	vor.u32 v55, v53  }
0x261: {  	[tilespmem:v59+s20+$0x0] =	vst.idx.msk $0xffff, v3;
	v3 =	vor.u32 v0, v53  }
0x262: {  	v62 =	vor.u32 v21, v44;
	[tilespmem:v39+s20+$0x0] =	vst.idx.msk $0xffff, v45  }
0x263: {  	v63 =	vor.u32 v22, v44;
	[tilespmem:v41+s20+$0x0] =	vst.idx.msk $0xffff, v46  }
0x264: {  	v39 =	vor.u32 v26, v44;
	[tilespmem:v1+s20+$0x0] =	vst.idx.msk $0xffff, v48  }
0x265: {  	v40 =	vor.u32 v27, v44;
	[tilespmem:v2+s20+$0x0] =	vst.idx.msk $0xffff, v50  }
0x266: {  	v41 =	vor.u32 v28, v44;
	[tilespmem:v3+s20+$0x0] =	vst.idx.msk $0xffff, v52  }
0x267: {  	v1 =	vor.u32 v23, v44;
	v45 =	vld.idx.msk [tilespmem:v62+s13+$0x0], $0xffff  }
0x268: {  	v2 =	vor.u32 v24, v44;
	v46 =	vld.idx.msk [tilespmem:v63+s13+$0x0], $0xffff  }
0x269: {  	v53 =	vor.u32 v29, v51;
	v3 =	vor.u32 v25, v44;
	v48 =	vld.idx.msk [tilespmem:v39+s13+$0x0], $0xffff  }
0x26a: {  	v57 =	vor.u32 v47, v53;
	v50 =	vld.idx.msk [tilespmem:v40+s13+$0x0], $0xffff  }
0x26b: {  	v59 =	vor.u32 v49, v53;
	v52 =	vld.idx.msk [tilespmem:v41+s13+$0x0], $0xffff  }
0x26c: {  	v39 =	vor.u32 v54, v53;
	v1 =	vld.idx.msk [tilespmem:v1+s13+$0x0], $0xffff  }
0x26d: {  	v40 =	vor.u32 v56, v53;
	v2 =	vld.idx.msk [tilespmem:v2+s13+$0x0], $0xffff  }
0x26e: {  	v41 =	vor.u32 v58, v53;
	v3 =	vld.idx.msk [tilespmem:v3+s13+$0x0], $0xffff  }
0x26f: {  	[tilespmem:v57+s20+$0x0] =	vst.idx.msk $0xffff, v45;
	v57 =	vor.u32 v60, v53  }
0x270: {  	[tilespmem:v59+s20+$0x0] =	vst.idx.msk $0xffff, v46;
	v59 =	vor.u32 v55, v53  }
0x271: {  	[tilespmem:v39+s20+$0x0] =	vst.idx.msk $0xffff, v1;
	v1 =	vor.u32 v0, v53  }
0x272: {  	[tilespmem:v40+s20+$0x0] =	vst.idx.msk $0xffff, v2;
	v2 =	vor.u32 v30, v44  }
0x273: {  	v61 =	vor.u32 v32, v44;
	[tilespmem:v41+s20+$0x0] =	vst.idx.msk $0xffff, v3  }
0x274: {  	v62 =	vor.u32 v33, v44;
	[tilespmem:v57+s20+$0x0] =	vst.idx.msk $0xffff, v48  }
0x275: {  	v63 =	vor.u32 v35, v44;
	[tilespmem:v59+s20+$0x0] =	vst.idx.msk $0xffff, v50  }
0x276: {  	v3 =	vor.u32 v31, v44;
	[tilespmem:v1+s20+$0x0] =	vst.idx.msk $0xffff, v52  }
0x277: {  	v39 =	vor.u32 v36, v44;
	v2 =	vld.idx.msk [tilespmem:v2+s13+$0x0], $0xffff  }
0x278: {  	v1 =	vor.u32 v34, v44;
	v45 =	vld.idx.msk [tilespmem:v61+s13+$0x0], $0xffff  }
0x279: {  	v53 =	vor.u32 v38, v51;
	v52 =	vor.u32 v37, v44;
	v46 =	vld.idx.msk [tilespmem:v62+s13+$0x0], $0xffff  }
0x27a: {  	v57 =	vor.u32 v47, v53;
	v48 =	vld.idx.msk [tilespmem:v63+s13+$0x0], $0xffff  }
0x27b: {  	v40 =	vor.u32 v49, v53;
	v3 =	vld.idx.msk [tilespmem:v3+s13+$0x0], $0xffff  }
0x27c: {  	v41 =	vor.u32 v54, v53;
	v50 =	vld.idx.msk [tilespmem:v39+s13+$0x0], $0xffff  }
0x27d: {  	v39 =	vor.u32 v56, v53;
	v1 =	vld.idx.msk [tilespmem:v1+s13+$0x0], $0xffff  }
0x27e: {  	v63 =	vor.u32 v58, v53;
	v52 =	vld.idx.msk [tilespmem:v52+s13+$0x0], $0xffff  }
0x27f: {  	[tilespmem:v57+s20+$0x0] =	vst.idx.msk $0xffff, v2;
	v2 =	vor.u32 v60, v53;
	v57 =	vld [tilespmem:$0x1FFF0]  }
0x280: {  	[tilespmem:v40+s20+$0x0] =	vst.idx.msk $0xffff, v3  }
0x281: {  	v40 =	vld [tilespmem:$0x1FFD0];
	[tilespmem:v41+s20+$0x0] =	vst.idx.msk $0xffff, v45  }
0x282: {  	v3 =	vor.u32 v55, v53;
	v41 =	vld [tilespmem:$0x1FFE0];
	[tilespmem:v39+s20+$0x0] =	vst.idx.msk $0xffff, v46  }
0x283: {  	v53 =	vor.u32 v0, v53;
	[tilespmem:v63+s20+$0x0] =	vst.idx.msk $0xffff, v1  }
0x284: {  	[tilespmem:v2+s20+$0x0] =	vst.idx.msk $0xffff, v48;
	v2 =	vor.u32 v57, v44  }
0x285: {  	v57 =	vor.u32 v15, v44  }
0x286: {  	v39 =	vor.u32 v40, v44  }
0x287: {  	[tilespmem:v3+s20+$0x0] =	vst.idx.msk $0xffff, v50;
	v1 =	vor.u32 v41, v44  }
0x288: {  	v3 =	vor.u32 v42, v44;
	[tilespmem:v53+s20+$0x0] =	vst.idx.msk $0xffff, v52  }
0x289: {  	v40 =	vor.u32 v43, v44;
	v2 =	vld.idx.msk [tilespmem:v2+s13+$0x0], $0xffff  }
0x28a: {  	v51 =	vor.u32 v8, v51;
	v41 =	vor.u32 v13, v44;
	v50 =	vld.idx.msk [tilespmem:v57+s13+$0x0], $0xffff  }
0x28b: {  	v47 =	vor.u32 v47, v51;
	v44 =	vor.u32 v17, v44;
	v46 =	vld.idx.msk [tilespmem:v39+s13+$0x0], $0xffff  }
0x28c: {  	v49 =	vor.u32 v49, v51;
	v1 =	vld.idx.msk [tilespmem:v1+s13+$0x0], $0xffff  }
0x28d: {  	v59 =	vor.u32 v54, v51;
	v3 =	vld.idx.msk [tilespmem:v3+s13+$0x0], $0xffff  }
0x28e: {  	v61 =	vor.u32 v56, v51;
	v45 =	vld.idx.msk [tilespmem:v40+s13+$0x0], $0xffff  }
0x28f: {  	v62 =	vor.u32 v58, v51;
	v48 =	vld.idx.msk [tilespmem:v41+s13+$0x0], $0xffff  }
0x290: {  	v63 =	vor.u32 v60, v51;
	v44 =	vld.idx.msk [tilespmem:v44+s13+$0x0], $0xffff;
	[tilespmem:v47+s20+$0x0] =	vst.idx.msk $0xffff, v46  }
0x291: {  	[tilespmem:v49+s20+$0x0] =	vst.idx.msk $0xffff, v1;
	v1 =	vor.u32 v55, v51  }
0x292: {  	p0 =	slt.u32 s29, $0xC;
	v0 =	vor.u32 v0, v51;
	[tilespmem:v59+s20+$0x0] =	vst.idx.msk $0xffff, v2  }
.Ltmp4:
0x293: {  	[tilespmem:v61+s20+$0x0] =	vst.idx.msk $0xffff, v3;
	(pc) =	sbr.rel @p0 .LBB2_9-.Ltmp4, $4  }
0x294: {  	v46 =	vld [tilespmem:$0x1FF10];
	[tilespmem:v62+s20+$0x0] =	vst.idx.msk $0xffff, v45  }
0x295: {  	v49 =	vld [tilespmem:$0x1FF20];
	[tilespmem:v63+s20+$0x0] =	vst.idx.msk $0xffff, v48  }
0x296: {  	v3 =	vld [tilespmem:$0x1FF30];
	[tilespmem:v1+s20+$0x0] =	vst.idx.msk $0xffff, v50  }
0x297: {  	s29 =	sadd.s32 $0x4, s29;
	v45 =	vmov v14;
	v48 =	vmov v16;
	[tilespmem:v0+s20+$0x0] =	vst.idx.msk $0xffff, v44;
	v44 =	vld [tilespmem:$0x1FF00];
	v0 =	vlaneseq.u32  }
0x298: {  	s23 =	sadd.s32 $0x1, s23  }
0x299: {  	s28 =	sadd.s32 s6, s28;
	p0 =	sne.s32 s23, $0x64  }
.Ltmp5:
0x29a: {  	s26 =	sshll.u32 s26, $0x14;
	s28 =	sshll.u32 s28, $0xA;
	(pc) =	sbr.rel @p0 .LBB2_2-.Ltmp5, $4  }
0x29b: {  	s26 =	sadd.s32 s26, s28  }
0x29c: {  	s26 =	sshrl.u32 s26, $0x3  }
0x29d: {  	s26 =	sadd.s32 s1, s26  }
0x29e: {  	v63 =	vmov v42;
	v1 =	vmov v6;
	v2 =	vmov v7;
	[hbm4b:s26+s16] =	stream.strided.scatter [tilespmem:s20], [sflag:$0x5], $0x2000, s17, s16, $0x38;
	[tilespmem:$0xE400] =	vst v63  }
0x29f: {  	s22 =	sadd.s32 $0x1, s22  }
0x2a0: {  	_ =	swait.ge [sflag:s21], $0x2000;
	p0 =	sne.s32 s22, s7  }
.Ltmp6:
0x2a1: {  	[sflag:s21] =	ssyncset.done $0x0;
	(pc) =	sbr.rel @p0 .LBB2_1-.Ltmp6, $4  }
0x2a2: {  	[sflag:s21] =	ssyncadd.s32 $0xFFFFE000  }
0x2a3: {  	_ =	swait.ge [sflag:s19], $0x2000  }
0x2a4: {  	[sflag:s19] =	ssyncset.done $0x0  }
0x2a5: {  	[sflag:s19] =	ssyncadd.s32 $0xFFFFE000  }
0x2a6: {  	_ =	sfence.sel $0x180000  }
0x2a7: {  	[bflag:$0x0] =	sbarrier.arrive $0xFFFF  }
0x2a8: {  	p0 =	sne.s32 s2, $0x0;
	_ =	strace $0x9000004A  }
0x2a9: {  	s0 =	sadd.s32 @!p0 $0x100000, s0;
	[bflag:$0x2] =	sbarrier.arrive $0xFFFF  }
0x2aa: {  	[sflag:s0] =	ssyncadd.tile.s32 @!p0 $0x1;
	_ =	shalt  }
.Lfunc_end2:
_tile_overlayer_lowered:
.L_overlay_start_2:
0x2ab: {  	(tag) =	ssettag $0x2  }
0x2ac: {  	s0 =	rddreg [dreg:$0x0];
	s2 =	stileid.u32  }
0x2ad: {  	s1 =	rddreg [dreg:$0x1];
	p0 =	sne.s32 s2, $0x0  }
0x2ae: {  	s3 =	rddreg [dreg:$0x2];
	[bflag:$0x3] =	sbarrier.arrive $0xFFFF;
	s2 =	simm.s32 @!p0 $0x1C06  }
0x2af: {  	[timem:s3], [sflag:s2] =	dma.local @!p0 [hbm:s0], s1  }
0x2b0: {  	s0 =	simm.s32 @!p0 $0x6  }
0x2b1: {  	_ =	swait.ge @!p0 [sflag:s0], s1  }
0x2b2: {  	s1 =	ssub.s32 @!p0 $0x0, s1;
	[sflag:s0] =	ssyncset.done @!p0 $0x0  }
0x2b3: {  	[sflag:s0] =	ssyncadd.s32 @!p0 s1  }
0x2b4: {  	[bflag:$0x3] =	sbarrier.arrive $0xFFFF  }
0x2b5: {  	_ =	shalt  }

</sc_bundles>
